<compile_context>
chip_gen: v7x
topology: tpu7x:2x2x1
jax: 0.10.2.dev20260603
libtpu: 0.0.44.dev20260713+nightly
codegen_flags: <defaults>
</compile_context>

<pallas_src>
import functools

import jax
import jax.numpy as jnp
from jax import lax
from jax.experimental import pallas as pl
from jax.experimental.pallas import tpu as pltpu
from jax.experimental.pallas import tpu_sc as plsc

EPSV = 1e-5
KNB = 7


def _accum_stats(st_ref, st):
    @pl.when(pl.program_id(0) == 0)
    def _():
        st_ref[...] = jnp.zeros_like(st_ref)

    st_ref[...] += st


def _fstats_kernel(f_ref, m_ref, st_ref):
    t = f_ref[...] * m_ref[...]
    s = jnp.sum(t, axis=(0, 2))
    q = jnp.sum(t * t, axis=(0, 2))
    _accum_stats(st_ref, jnp.concatenate([s[None], q[None]], axis=0))


def _fstats(fts, msk, bb):
    B, cf, n = fts.shape
    return pl.pallas_call(
        _fstats_kernel,
        grid=(B // bb,),
        in_specs=[
            pl.BlockSpec((bb, cf, n), lambda i: (i, 0, 0)),
            pl.BlockSpec((bb, 1, n), lambda i: (i, 0, 0)),
        ],
        out_specs=pl.BlockSpec((2, cf), lambda i: (0, 0)),
        out_shape=jax.ShapeDtypeStruct((2, cf), jnp.float32),
    )(fts, msk)


def _ec_front_kernel(pts_ref, fts_ref, msk_ref, au_ref, aw_ref, asc_ref,
                     bu_ref, bw_ref, bsc_ref, pre0_ref, presc_ref, st_ref):
    m = msk_ref[...]
    n = m.shape[2]
    t = fts_ref[...] * m
    pm = pts_ref[...] * m + jnp.where(m == 0.0, 1e9, 0.0)
    xx = jnp.sum(pm * pm, axis=1)
    inner = lax.dot_general(pm, pm, (((1,), (1,)), ((0,), (0,))),
                            preferred_element_type=jnp.float32)
    negd = -((xx[:, None, :] - 2.0 * inner) + xx[:, :, None])

    iota_m = lax.broadcasted_iota(jnp.int32, negd.shape, 1)
    sels = []
    nd = negd
    for j in range(KNB + 1):
        mval = jnp.max(nd, axis=1, keepdims=True)
        first = jnp.min(jnp.where(nd == mval, iota_m, n), axis=1)
        sel = iota_m == first[:, None, :]
        if j:
            sels.append(sel.astype(jnp.float32))
        nd = jnp.where(sel, -jnp.inf, nd)

    u = jnp.einsum('oc,bcn->bon', au_ref[...], t,
                   preferred_element_type=jnp.float32) + bu_ref[...][None] * m
    w = jnp.einsum('oc,bcn->bon', aw_ref[...], t,
                   preferred_element_type=jnp.float32) + bw_ref[...][None] * m
    presc = jnp.einsum('oc,bcn->bon', asc_ref[...], t,
                       preferred_element_type=jnp.float32) + bsc_ref[...][None] * m

    pre0 = jnp.concatenate(
        [lax.dot_general(w, sj, (((2,), (1,)), ((0,), (0,))),
                         preferred_element_type=jnp.float32) + u
         for sj in sels], axis=2)

    pre0_ref[...] = pre0
    presc_ref[...] = presc
    st = jnp.concatenate([
        jnp.sum(pre0, axis=(0, 2))[None],
        jnp.sum(pre0 * pre0, axis=(0, 2))[None],
        jnp.sum(presc, axis=(0, 2))[None],
        jnp.sum(presc * presc, axis=(0, 2))[None],
    ], axis=0)
    _accum_stats(st_ref, st)


def _ec_front(pts, fts, msk, au, aw, asc, bu, bw, bsc, bb):
    B, cp, n = pts.shape
    cf = fts.shape[1]
    co = au.shape[0]
    E = KNB * n
    return pl.pallas_call(
        _ec_front_kernel,
        grid=(B // bb,),
        in_specs=[
            pl.BlockSpec((bb, cp, n), lambda i: (i, 0, 0)),
            pl.BlockSpec((bb, cf, n), lambda i: (i, 0, 0)),
            pl.BlockSpec((bb, 1, n), lambda i: (i, 0, 0)),
            pl.BlockSpec((co, cf), lambda i: (0, 0)),
            pl.BlockSpec((co, cf), lambda i: (0, 0)),
            pl.BlockSpec((co, cf), lambda i: (0, 0)),
            pl.BlockSpec((co, 1), lambda i: (0, 0)),
            pl.BlockSpec((co, 1), lambda i: (0, 0)),
            pl.BlockSpec((co, 1), lambda i: (0, 0)),
        ],
        out_specs=[
            pl.BlockSpec((bb, co, E), lambda i: (i, 0, 0)),
            pl.BlockSpec((bb, co, n), lambda i: (i, 0, 0)),
            pl.BlockSpec((4, co), lambda i: (0, 0)),
        ],
        out_shape=[
            jax.ShapeDtypeStruct((B, co, E), jnp.float32),
            jax.ShapeDtypeStruct((B, co, n), jnp.float32),
            jax.ShapeDtypeStruct((4, co), jnp.float32),
        ],
    )(pts, fts, msk, au, aw, asc, bu, bw, bsc)


def _layer_kernel(pre_ref, al_ref, be_ref, w_ref, out_ref, st_ref):
    w = w_ref[...]
    al, be = al_ref[...], be_ref[...]
    s = q = 0.0
    for i in range(pre_ref.shape[0]):
        a = jnp.maximum(al * pre_ref[i] + be, 0.0)
        o = jnp.dot(w, a, preferred_element_type=jnp.float32)
        out_ref[i] = o
        s = s + jnp.sum(o, axis=1)
        q = q + jnp.sum(o * o, axis=1)
    _accum_stats(st_ref, jnp.concatenate([s[None], q[None]], axis=0))


def _layer(pre, al, be, w, bb):
    B, ci, E = pre.shape
    co = w.shape[0]
    return pl.pallas_call(
        _layer_kernel,
        grid=(B // bb,),
        in_specs=[
            pl.BlockSpec((bb, ci, E), lambda i: (i, 0, 0)),
            pl.BlockSpec((ci, 1), lambda i: (0, 0)),
            pl.BlockSpec((ci, 1), lambda i: (0, 0)),
            pl.BlockSpec((co, ci), lambda i: (0, 0)),
        ],
        out_specs=[
            pl.BlockSpec((bb, co, E), lambda i: (i, 0, 0)),
            pl.BlockSpec((2, co), lambda i: (0, 0)),
        ],
        out_shape=[
            jax.ShapeDtypeStruct((B, co, E), jnp.float32),
            jax.ShapeDtypeStruct((2, co), jnp.float32),
        ],
    )(pre, al, be, w)


def _ecout_kernel(pre2_ref, presc_ref, msk_ref, a2_ref, b2_ref, asc_ref,
                  bsc_ref, out_ref):
    n = presc_ref.shape[2]
    a2 = jnp.maximum(a2_ref[...][None] * pre2_ref[...] + b2_ref[...][None], 0.0)
    f = a2[:, :, 0:n]
    for j in range(1, KNB):
        f = f + a2[:, :, j * n:(j + 1) * n]
    f = f * (1.0 / KNB)
    sc = asc_ref[...][None] * presc_ref[...] + bsc_ref[...][None]
    out_ref[...] = jnp.maximum(sc + f, 0.0) * msk_ref[...]


def _ecout(pre2, presc, msk, a2, b2, asc, bsc, bb):
    B, co, E = pre2.shape
    n = presc.shape[2]
    return pl.pallas_call(
        _ecout_kernel,
        grid=(B // bb,),
        in_specs=[
            pl.BlockSpec((bb, co, E), lambda i: (i, 0, 0)),
            pl.BlockSpec((bb, co, n), lambda i: (i, 0, 0)),
            pl.BlockSpec((bb, 1, n), lambda i: (i, 0, 0)),
            pl.BlockSpec((co, 1), lambda i: (0, 0)),
            pl.BlockSpec((co, 1), lambda i: (0, 0)),
            pl.BlockSpec((co, 1), lambda i: (0, 0)),
            pl.BlockSpec((co, 1), lambda i: (0, 0)),
        ],
        out_specs=pl.BlockSpec((bb, co, n), lambda i: (i, 0, 0)),
        out_shape=jax.ShapeDtypeStruct((B, co, n), jnp.float32),
    )(pre2, presc, msk, a2, b2, asc, bsc)


def _ec_front_sc_kernel(pts_ref, fts_ref, msk_ref, au_ref, aw_ref, asc_ref,
                        bu_ref, bw_ref, bsc_ref,
                        wt_ref, u_ref, idx_ref, presc_ref, st_ref):
    m = msk_ref[...]
    bb, _, n = m.shape
    t = fts_ref[...] * m
    pm = pts_ref[...] * m + jnp.where(m == 0.0, 1e9, 0.0)
    xx = jnp.sum(pm * pm, axis=1)
    inner = lax.dot_general(pm, pm, (((1,), (1,)), ((0,), (0,))),
                            preferred_element_type=jnp.float32)
    negd = -((xx[:, None, :] - 2.0 * inner) + xx[:, :, None])

    iota_m = lax.broadcasted_iota(jnp.int32, negd.shape, 1)
    firsts = []
    adj = 0.0
    nd = negd
    for j in range(KNB + 1):
        mval = jnp.max(nd, axis=1, keepdims=True)
        first = jnp.min(jnp.where(nd == mval, iota_m, n), axis=1)
        sel = iota_m == first[:, None, :]
        if j:
            firsts.append(first)
            adj = adj + sel.astype(jnp.float32)
        nd = jnp.where(sel, -jnp.inf, nd)

    u = jnp.einsum('oc,bcn->bon', au_ref[...], t,
                   preferred_element_type=jnp.float32) + bu_ref[...][None] * m
    w = jnp.einsum('oc,bcn->bon', aw_ref[...], t,
                   preferred_element_type=jnp.float32) + bw_ref[...][None] * m
    presc = jnp.einsum('oc,bcn->bon', asc_ref[...], t,
                       preferred_element_type=jnp.float32) + bsc_ref[...][None] * m

    deg = jnp.sum(adj, axis=2)
    gsum = lax.dot_general(w, adj, (((2,), (1,)), ((0,), (0,))),
                           preferred_element_type=jnp.float32)
    s0 = (KNB * jnp.sum(u, axis=(0, 2))
          + jnp.sum(w * deg[:, None, :], axis=(0, 2)))
    q0 = (KNB * jnp.sum(u * u, axis=(0, 2))
          + 2.0 * jnp.sum(u * gsum, axis=(0, 2))
          + jnp.sum(w * w * deg[:, None, :], axis=(0, 2)))

    base = (pl.program_id(0) * bb
            + lax.broadcasted_iota(jnp.int32, (bb, 1), 0)) * n
    idx_ref[...] = jnp.concatenate([f + base for f in firsts], axis=1)
    wtr = jnp.transpose(w, (0, 2, 1))
    wt_ref[...] = jnp.concatenate([wtr, jnp.zeros_like(wtr)], axis=2)
    u_ref[...] = u
    presc_ref[...] = presc
    st = jnp.concatenate([
        s0[None], q0[None],
        jnp.sum(presc, axis=(0, 2))[None],
        jnp.sum(presc * presc, axis=(0, 2))[None],
    ], axis=0)
    _accum_stats(st_ref, st)


def _ec_front_sc(pts, fts, msk, au, aw, asc, bu, bw, bsc, bb):
    B, cp, n = pts.shape
    cf = fts.shape[1]
    co = au.shape[0]
    return pl.pallas_call(
        _ec_front_sc_kernel,
        grid=(B // bb,),
        in_specs=[
            pl.BlockSpec((bb, cp, n), lambda i: (i, 0, 0)),
            pl.BlockSpec((bb, cf, n), lambda i: (i, 0, 0)),
            pl.BlockSpec((bb, 1, n), lambda i: (i, 0, 0)),
            pl.BlockSpec((co, cf), lambda i: (0, 0)),
            pl.BlockSpec((co, cf), lambda i: (0, 0)),
            pl.BlockSpec((co, cf), lambda i: (0, 0)),
            pl.BlockSpec((co, 1), lambda i: (0, 0)),
            pl.BlockSpec((co, 1), lambda i: (0, 0)),
            pl.BlockSpec((co, 1), lambda i: (0, 0)),
        ],
        out_specs=[
            pl.BlockSpec((bb, n, 2 * co), lambda i: (i, 0, 0)),
            pl.BlockSpec((bb, co, n), lambda i: (i, 0, 0)),
            pl.BlockSpec((bb, KNB * n), lambda i: (i, 0)),
            pl.BlockSpec((bb, co, n), lambda i: (i, 0, 0)),
            pl.BlockSpec((4, co), lambda i: (0, 0)),
        ],
        out_shape=[
            jax.ShapeDtypeStruct((B, n, 2 * co), jnp.float32),
            jax.ShapeDtypeStruct((B, co, n), jnp.float32),
            jax.ShapeDtypeStruct((B, KNB * n), jnp.int32),
            jax.ShapeDtypeStruct((B, co, n), jnp.float32),
            jax.ShapeDtypeStruct((4, co), jnp.float32),
        ],
    )(pts, fts, msk, au, aw, asc, bu, bw, bsc)


def _sc_gather_rows(table, idx):
    info = plsc.get_sparse_core_info()
    nw = info.num_cores * info.num_subcores
    E, = idx.shape
    D = table.shape[1]
    e_per_w = E // nw
    ch = 448
    nch = e_per_w // ch
    mesh = plsc.VectorSubcoreMesh(core_axis_name="c", subcore_axis_name="s")

    @functools.partial(
        pl.kernel, mesh=mesh,
        out_type=jax.ShapeDtypeStruct((E, D), jnp.float32),
        scratch_types=[
            pltpu.VMEM((e_per_w,), jnp.int32),
            pltpu.VMEM((ch, D), jnp.float32),
            pltpu.VMEM((ch, D), jnp.float32),
            pltpu.SemaphoreType.DMA,
            pltpu.SemaphoreType.DMA,
            pltpu.SemaphoreType.DMA,
        ],
    )
    def k(table_hbm, idx_hbm, out_hbm, idx_v, rows0, rows1, gsem, ws0, ws1):
        wid = lax.axis_index("s") * info.num_cores + lax.axis_index("c")
        base = wid * e_per_w
        pltpu.sync_copy(idx_hbm.at[pl.ds(base, e_per_w)], idx_v)
        rows = [rows0, rows1]
        wsems = [ws0, ws1]
        wb = [None, None]
        for c in range(nch):
            b = c % 2
            if wb[b] is not None:
                wb[b].wait()
            pltpu.async_copy(table_hbm.at[idx_v.at[pl.ds(c * ch, ch)]],
                             rows[b], gsem).wait()
            wb[b] = pltpu.async_copy(
                rows[b], out_hbm.at[pl.ds(base + c * ch, ch)], wsems[b])
        for b in range(2):
            if wb[b] is not None:
                wb[b].wait()

    return k(table, idx)


def _gather_layer_kernel(g_ref, u_ref, al_ref, be_ref, w_ref, out_ref, st_ref):
    al, be, w1 = al_ref[...], be_ref[...], w_ref[...]
    s = q = 0.0
    for i in range(g_ref.shape[0]):
        gt = jnp.transpose(g_ref[i], (1, 0))[:w1.shape[1]]
        u = u_ref[i]
        pre0 = gt + jnp.concatenate([u] * KNB, axis=1)
        a = jnp.maximum(al * pre0 + be, 0.0)
        o = jnp.dot(w1, a, preferred_element_type=jnp.float32)
        out_ref[i] = o
        s = s + jnp.sum(o, axis=1)
        q = q + jnp.sum(o * o, axis=1)
    _accum_stats(st_ref, jnp.concatenate([s[None], q[None]], axis=0))


def _gather_layer(g, u, al, be, w, bb):
    B, E, gp = g.shape
    n = u.shape[2]
    ci = w.shape[1]
    co = w.shape[0]
    return pl.pallas_call(
        _gather_layer_kernel,
        grid=(B // bb,),
        in_specs=[
            pl.BlockSpec((bb, E, gp), lambda i: (i, 0, 0)),
            pl.BlockSpec((bb, ci, n), lambda i: (i, 0, 0)),
            pl.BlockSpec((ci, 1), lambda i: (0, 0)),
            pl.BlockSpec((ci, 1), lambda i: (0, 0)),
            pl.BlockSpec((co, ci), lambda i: (0, 0)),
        ],
        out_specs=[
            pl.BlockSpec((bb, co, E), lambda i: (i, 0, 0)),
            pl.BlockSpec((2, co), lambda i: (0, 0)),
        ],
        out_shape=[
            jax.ShapeDtypeStruct((B, co, E), jnp.float32),
            jax.ShapeDtypeStruct((2, co), jnp.float32),
        ],
    )(g, u, al, be, w)


def _fuse_kernel(o0_ref, o1_ref, w0_ref, w1_ref, out_ref, st_ref):
    w0, w1 = w0_ref[...], w1_ref[...]
    s = q = 0.0
    for i in range(o0_ref.shape[0]):
        pre = (jnp.dot(w0, o0_ref[i], preferred_element_type=jnp.float32)
               + jnp.dot(w1, o1_ref[i], preferred_element_type=jnp.float32))
        out_ref[i] = pre
        s = s + jnp.sum(pre, axis=1)
        q = q + jnp.sum(pre * pre, axis=1)
    _accum_stats(st_ref, jnp.concatenate([s[None], q[None]], axis=0))


def _fuse(o0, o1, w0, w1, bb):
    B, c0, n = o0.shape
    c1 = o1.shape[1]
    co = w0.shape[0]
    return pl.pallas_call(
        _fuse_kernel,
        grid=(B // bb,),
        in_specs=[
            pl.BlockSpec((bb, c0, n), lambda i: (i, 0, 0)),
            pl.BlockSpec((bb, c1, n), lambda i: (i, 0, 0)),
            pl.BlockSpec((co, c0), lambda i: (0, 0)),
            pl.BlockSpec((co, c1), lambda i: (0, 0)),
        ],
        out_specs=[
            pl.BlockSpec((bb, co, n), lambda i: (i, 0, 0)),
            pl.BlockSpec((2, co), lambda i: (0, 0)),
        ],
        out_shape=[
            jax.ShapeDtypeStruct((B, co, n), jnp.float32),
            jax.ShapeDtypeStruct((2, co), jnp.float32),
        ],
    )(o0, o1, w0, w1)


def _head_kernel(pre_ref, msk_ref, afu_ref, bfu_ref, wfc1_ref, bfc1_ref,
                 wout_ref, bout_ref, out_ref):
    m = msk_ref[...]
    x = jnp.maximum(afu_ref[...][None] * pre_ref[...] + bfu_ref[...][None],
                    0.0) * m
    cnt = jnp.maximum(jnp.sum(m, axis=2), 1.0)
    h = jnp.sum(x, axis=2) / cnt
    h1 = lax.dot_general(h, wfc1_ref[...], (((1,), (1,)), ((), ())),
                         preferred_element_type=jnp.float32) + bfc1_ref[...]
    h1 = jnp.maximum(h1, 0.0)
    out = lax.dot_general(h1, wout_ref[...], (((1,), (1,)), ((), ())),
                          preferred_element_type=jnp.float32) + bout_ref[...]
    out_ref[...] = out


def _head(pre, msk, afu, bfu, wfc1, bfc1, wout, bout, bb):
    B, cfu, n = pre.shape
    ch = wfc1.shape[0]
    co = wout.shape[0]
    return pl.pallas_call(
        _head_kernel,
        grid=(B // bb,),
        in_specs=[
            pl.BlockSpec((bb, cfu, n), lambda i: (i, 0, 0)),
            pl.BlockSpec((bb, 1, n), lambda i: (i, 0, 0)),
            pl.BlockSpec((cfu, 1), lambda i: (0, 0)),
            pl.BlockSpec((cfu, 1), lambda i: (0, 0)),
            pl.BlockSpec((ch, cfu), lambda i: (0, 0)),
            pl.BlockSpec((1, ch), lambda i: (0, 0)),
            pl.BlockSpec((co, ch), lambda i: (0, 0)),
            pl.BlockSpec((1, co), lambda i: (0, 0)),
        ],
        out_specs=pl.BlockSpec((bb, co), lambda i: (i, 0)),
        out_shape=jax.ShapeDtypeStruct((B, co), jnp.float32),
    )(pre, msk, afu, bfu, wfc1, bfc1, wout, bout)


def _affine_from_stats(s, q, cnt, g, b):
    mean = s / cnt
    var = q / cnt - mean * mean
    al = g / jnp.sqrt(var + EPSV)
    be = b - mean * al
    return al, be


def _edge_conv_block(pts, fts, msk, p, nedges, nnodes, au, aw, bu, bw,
                     bb_front, bb_layer):
    asc = p['_asc']
    bsc = p['_bsc']
    pre0, presc, st = _ec_front(pts, fts, msk, au, aw, asc, bu, bw, bsc,
                                bb_front)
    al0, be0 = _affine_from_stats(st[0], st[1], nedges, p['g0'], p['b0'])
    alsc, besc = _affine_from_stats(st[2], st[3], nnodes, p['gsc'], p['bsc'])
    pre1, st1 = _layer(pre0, al0[:, None], be0[:, None], p['W1'], bb_layer)
    al1, be1 = _affine_from_stats(st1[0], st1[1], nedges, p['g1'], p['b1'])
    pre2, st2 = _layer(pre1, al1[:, None], be1[:, None], p['W2'], bb_layer)
    al2, be2 = _affine_from_stats(st2[0], st2[1], nedges, p['g2'], p['b2'])
    return _ecout(pre2, presc, msk, al2[:, None], be2[:, None],
                  alsc[:, None], besc[:, None], bb_front)


def kernel(points, features, mask, params):
    B, cf, n = features.shape
    nnodes = B * n
    nedges = B * n * KNB
    bb_front = 4
    bb_layer = 8

    stf = _fstats(features, mask, 8)
    alf, bef = _affine_from_stats(stf[0], stf[1], nnodes,
                                  params['bn_fts_g'], params['bn_fts_b'])

    p0 = dict(params['ec0'])
    w0a, w0b = p0['W0'][:, :cf], p0['W0'][:, cf:]
    au0 = (w0a - w0b) * alf[None, :]
    bu0 = ((w0a - w0b) @ bef)[:, None]
    aw0 = w0b * alf[None, :]
    bw0 = (w0b @ bef)[:, None]
    p0['_asc'] = p0['Wsc'] * alf[None, :]
    p0['_bsc'] = (p0['Wsc'] @ bef)[:, None]
    out0 = _edge_conv_block(points, features, mask, p0, nedges, nnodes,
                            au0, aw0, bu0, bw0, bb_front, bb_layer)

    p1 = params['ec1']
    c1 = out0.shape[1]
    co1 = p1['W0'].shape[0]
    w0a1, w0b1 = p1['W0'][:, :c1], p1['W0'][:, c1:]
    zb = jnp.zeros((co1, 1), jnp.float32)
    nh = 4
    bh = B // nh
    fr = [_ec_front_sc(out0[h * bh:(h + 1) * bh], out0[h * bh:(h + 1) * bh],
                       mask[h * bh:(h + 1) * bh], w0a1 - w0b1, w0b1,
                       p1['Wsc'], zb, zb, zb, 8) for h in range(nh)]
    stf1 = sum(f[4] for f in fr[1:]) + fr[0][4]
    al0, be0 = _affine_from_stats(stf1[0], stf1[1], nedges, p1['g0'], p1['b0'])
    alsc, besc = _affine_from_stats(stf1[2], stf1[3], nnodes,
                                    p1['gsc'], p1['bsc'])

    g3 = [_sc_gather_rows(fr[h][0].reshape(bh * n, 2 * co1),
                          fr[h][2].reshape(-1)).reshape(bh, KNB * n, 2 * co1)
          for h in range(nh)]
    lay1 = [_gather_layer(g3[h], fr[h][1], al0[:, None],
                          be0[:, None], p1['W1'], bb_layer) for h in range(nh)]
    st1 = sum(l[1] for l in lay1[1:]) + lay1[0][1]
    al1, be1 = _affine_from_stats(st1[0], st1[1], nedges, p1['g1'], p1['b1'])
    lay2 = [_layer(lay1[h][0], al1[:, None], be1[:, None], p1['W2'], bb_layer)
            for h in range(nh)]
    st2 = sum(l[1] for l in lay2[1:]) + lay2[0][1]
    al2, be2 = _affine_from_stats(st2[0], st2[1], nedges, p1['g2'], p1['b2'])
    out1_h = [_ecout(lay2[h][0], fr[h][3],
                     mask[h * bh:(h + 1) * bh], al2[:, None], be2[:, None],
                     alsc[:, None], besc[:, None], bb_front)
              for h in range(nh)]

    wfu = params['Wfu']
    fu = [_fuse(out0[h * bh:(h + 1) * bh], out1_h[h], wfu[:, :c1], wfu[:, c1:],
                bb_layer) for h in range(nh)]
    stfu = sum(f[1] for f in fu[1:]) + fu[0][1]
    alfu, befu = _affine_from_stats(stfu[0], stfu[1], nnodes,
                                    params['gfu'], params['bfu'])
    outs = [_head(fu[h][0], mask[h * bh:(h + 1) * bh], alfu[:, None],
                  befu[:, None], params['Wfc1'], params['bfc1'][None, :],
                  params['Wout'], params['bout'][None, :], 8) for h in range(nh)]
    return jnp.concatenate(outs, axis=0)

# --- scband reference (transcript-rebuilt; emitter-appended) ---
"""Pipeline reference for scband-particle-net-81183471829684 (READ-ONLY COPY).

The authoritative reference and input builder live on the scoring server;
editing this copy changes nothing except your own understanding.
"""

import jax, jax.numpy as jnp
import numpy as np

EPS = 1e-5
K = 7

def _bn(x, g, b, axes):
    m = jnp.mean(x, axis=axes, keepdims=True)
    v = jnp.var(x, axis=axes, keepdims=True)
    shape = [1] * x.ndim
    shape[1] = x.shape[1]
    return (x - m) / jnp.sqrt(v + EPS) * g.reshape(shape) + b.reshape(shape)

def _knn(x, k):
    xx = jnp.sum(x * x, axis=1)
    inner = jnp.einsum('bcn,bcm->bnm', x, x)
    neg_d = -(xx[:, :, None] - 2.0 * inner + xx[:, None, :])
    return jax.lax.top_k(neg_d, k + 1)[1][:, :, 1:]

def _graph_feature(x, idx):
    fts = jnp.transpose(x, (0, 2, 1))
    nbrs = jax.vmap(lambda f, i: f[i])(fts, idx)
    nbrs = jnp.transpose(nbrs, (0, 3, 1, 2))
    center = jnp.broadcast_to(x[:, :, :, None], nbrs.shape)
    return jnp.concatenate([center, nbrs - center], axis=1)

def _edge_conv(points, features, p, k):
    idx = _knn(points, k)
    x = _graph_feature(features, idx)
    for i in range(3):
        x = jnp.einsum('oi,bink->bonk', p['W%d' % i], x)
        x = jax.nn.relu(_bn(x, p['g%d' % i], p['b%d' % i], (0, 2, 3)))
    f = jnp.mean(x, axis=-1)
    sc = _bn(jnp.einsum('oi,bin->bon', p['Wsc'], features), p['gsc'], p['bsc'], (0, 2))
    return jax.nn.relu(sc + f)

def _forward(points, features, mask, params):
    points = points * mask
    features = features * mask
    coord_shift = (mask == 0).astype(jnp.float32) * 1e9
    counts = jnp.maximum(jnp.sum(mask, axis=-1), 1.0)
    fts = _bn(features, params['bn_fts_g'], params['bn_fts_b'], (0, 2)) * mask
    outputs = []
    pts = points + coord_shift
    fts = _edge_conv(pts, fts, params['ec0'], K) * mask
    outputs.append(fts)
    pts = fts + coord_shift
    fts = _edge_conv(pts, fts, params['ec1'], K) * mask
    outputs.append(fts)
    x = jnp.concatenate(outputs, axis=1)
    x = jnp.einsum('oi,bin->bon', params['Wfu'], x)
    x = jax.nn.relu(_bn(x, params['gfu'], params['bfu'], (0, 2))) * mask
    x = jnp.sum(x, axis=-1) / counts
    x = jax.nn.relu(x @ params['Wfc1'].T + params['bfc1'])
    return x @ params['Wout'].T + params['bout']

def setup_inputs(seed: int = 0):
    key = jax.random.key(seed)
    B, N, IN_DIMS, NUM_CLASSES = 256, 128, 16, 10
    ks = iter(jax.random.split(key, 24))
    def w(o, i):
        return jax.random.normal(next(ks), (o, i), jnp.float32) / np.sqrt(i)
    points = jax.random.normal(next(ks), (B, 2, N), jnp.float32)
    features = jax.random.normal(next(ks), (B, IN_DIMS, N), jnp.float32)
    mask = jnp.ones((B, 1, N), jnp.float32)
    def ec(cin, cout):
        p = {}
        c = 2 * cin
        for i in range(3):
            p['W%d' % i] = w(cout, c)
            p['g%d' % i] = jnp.ones(cout, jnp.float32)
            p['b%d' % i] = jnp.zeros(cout, jnp.float32)
            c = cout
        p['Wsc'] = w(cout, cin)
        p['gsc'] = jnp.ones(cout, jnp.float32)
        p['bsc'] = jnp.zeros(cout, jnp.float32)
        return p
    params = {
        'bn_fts_g': jnp.ones(IN_DIMS, jnp.float32),
        'bn_fts_b': jnp.zeros(IN_DIMS, jnp.float32),
        'ec0': ec(IN_DIMS, 32),
        'ec1': ec(32, 64),
        'Wfu': w(128, 96),
        'gfu': jnp.ones(128, jnp.float32),
        'bfu': jnp.zeros(128, jnp.float32),
        'Wfc1': w(128, 128),
        'bfc1': jnp.zeros(128, jnp.float32),
        'Wout': w(NUM_CLASSES, 128),
        'bout': jnp.zeros(NUM_CLASSES, jnp.float32),
    }
    return {'points': points, 'features': features, 'mask': mask, 'params': params}

def reference(points, features, mask, params):
    return _forward(points, features, mask, params)

if __name__ == "__main__":
    import jax
    _d = setup_inputs()
    print(jax.jit(kernel)(*tuple(_d.values())))

</pallas_src>

<mosaic_0001>
#map = affine_map<(d0, d1) -> (0, 0)>
#map1 = affine_map<(d0, d1) -> (0)>
module attributes {stable_mosaic.version = 14 : i64} {
  func.func @k(%arg0: i32, %arg1: i32, %arg2: memref<8192x128xf32, #tpu.memory_space<hbm>>, %arg3: memref<57344xi32, #tpu.memory_space<hbm>>, %arg4: memref<57344x128xf32, #tpu.memory_space<hbm>>, %arg5: memref<1792xi32, #tpu.memory_space<vmem>>, %arg6: memref<448x128xf32, #tpu.memory_space<vmem>>, %arg7: memref<448x128xf32, #tpu.memory_space<vmem>>, %arg8: memref<!tpu.dma_semaphore, #tpu.memory_space<semaphore_mem>>, %arg9: memref<!tpu.dma_semaphore, #tpu.memory_space<semaphore_mem>>, %arg10: memref<!tpu.dma_semaphore, #tpu.memory_space<semaphore_mem>>) attributes {dimension_semantics = [#tpu.dimension_semantics<core_parallel>, #tpu.dimension_semantics<subcore_parallel>], iteration_bounds = array<i64: 2, 16>, scalar_prefetch = 0 : i64, scratch_operands = 6 : i64, tpu.core_type = #tpu.core_type<sc_vector_subcore>, window_params = [{transform_indices = #map}, {transform_indices = #map1}, {transform_indices = #map}]} {
    %mul3A = arith.constant 2 : i32
    %mul3A_0 = arith.muli %arg1, %mul3A : i32
    %add3A = arith.addi %mul3A_0, %arg0 : i32
    %mul3A_1 = arith.constant 1792 : i32
    %mul3A_2 = arith.muli %add3A, %mul3A_1 : i32
    "tpu.region"() ({
      %run_scoped3A = tpu.sem_alloc : memref<!tpu.dma_semaphore, #tpu.memory_space<semaphore_mem>>
      %dma_start3A_81 = tpu.memref_slice %arg3[%mul3A_2] : memref<57344xi32, #tpu.memory_space<hbm>> -> memref<1792xi32, #tpu.memory_space<hbm>>
      %dma_start3A_82 = tpu.memref_slice %arg3[%mul3A_2] : memref<57344xi32, #tpu.memory_space<hbm>> -> memref<1792xi32, #tpu.memory_space<hbm>>
      tpu.enqueue_dma source(%dma_start3A_82 : memref<1792xi32, #tpu.memory_space<hbm>>) target(%arg5 : memref<1792xi32, #tpu.memory_space<vmem>>) target_semaphore(%run_scoped3A : memref<!tpu.dma_semaphore, #tpu.memory_space<semaphore_mem>>)
      %dma_wait3A_83 = tpu.memref_slice %arg3[%mul3A_2] : memref<57344xi32, #tpu.memory_space<hbm>> -> memref<1792xi32, #tpu.memory_space<hbm>>
      %dma_wait3A_84 = tpu.memref_slice %arg3[%mul3A_2] : memref<57344xi32, #tpu.memory_space<hbm>> -> memref<1792xi32, #tpu.memory_space<hbm>>
      tpu.wait_dma2 semaphore(%run_scoped3A : memref<!tpu.dma_semaphore, #tpu.memory_space<semaphore_mem>>) src(%dma_wait3A_84 : memref<1792xi32, #tpu.memory_space<hbm>>) dst(%arg5 : memref<1792xi32, #tpu.memory_space<vmem>>)
      tpu.yield
    }) : () -> ()
    %dma_start3A = arith.constant 0 : i32
    %dma_start3A_3 = tpu.memref_slice %arg5[%dma_start3A] : memref<1792xi32, #tpu.memory_space<vmem>> -> memref<448xi32, #tpu.memory_space<vmem>>
    %dma_start3A_4 = arith.constant 0 : i32
    %dma_start3A_5 = arith.constant 0 : i32
    %dma_start3A_6 = tpu.memref_slice %arg2[%dma_start3A_4, %dma_start3A_5] : memref<8192x128xf32, #tpu.memory_space<hbm>> -> memref<8192x128xf32, #tpu.memory_space<hbm>>
    tpu.enqueue_indirect_dma source(%dma_start3A_6 : memref<8192x128xf32, #tpu.memory_space<hbm>>) target(%arg6 : memref<448x128xf32, #tpu.memory_space<vmem>>) offsets(%dma_start3A_3 : memref<448xi32, #tpu.memory_space<vmem>>) semaphore(%arg8 : memref<!tpu.dma_semaphore, #tpu.memory_space<semaphore_mem>>)
    %dma_wait3A = arith.constant 0 : i32
    %dma_wait3A_7 = tpu.memref_slice %arg5[%dma_wait3A] : memref<1792xi32, #tpu.memory_space<vmem>> -> memref<448xi32, #tpu.memory_space<vmem>>
    %dma_wait3A_8 = arith.constant 0 : i32
    %dma_wait3A_9 = arith.constant 0 : i32
    %dma_wait3A_10 = tpu.memref_slice %arg2[%dma_wait3A_8, %dma_wait3A_9] : memref<8192x128xf32, #tpu.memory_space<hbm>> -> memref<8192x128xf32, #tpu.memory_space<hbm>>
    tpu.wait_indirect_dma semaphore(%arg8 : memref<!tpu.dma_semaphore, #tpu.memory_space<semaphore_mem>>) src(%dma_wait3A_10 : memref<8192x128xf32, #tpu.memory_space<hbm>>) dst(%arg6 : memref<448x128xf32, #tpu.memory_space<vmem>>)
    %add3A_11 = arith.constant 0 : i32
    %add3A_12 = arith.addi %mul3A_2, %add3A_11 : i32
    %dma_start3A_13 = arith.constant 0 : i32
    %dma_start3A_14 = tpu.memref_slice %arg4[%add3A_12, %dma_start3A_13] : memref<57344x128xf32, #tpu.memory_space<hbm>> -> memref<448x128xf32, #tpu.memory_space<hbm>>
    %dma_start3A_15 = arith.constant 0 : i32
    %dma_start3A_16 = tpu.memref_slice %arg4[%add3A_12, %dma_start3A_15] : memref<57344x128xf32, #tpu.memory_space<hbm>> -> memref<448x128xf32, #tpu.memory_space<hbm>>
    tpu.enqueue_dma source(%arg6 : memref<448x128xf32, #tpu.memory_space<vmem>>) target(%dma_start3A_16 : memref<448x128xf32, #tpu.memory_space<hbm>>) target_semaphore(%arg9 : memref<!tpu.dma_semaphore, #tpu.memory_space<semaphore_mem>>)
    %dma_start3A_17 = arith.constant 448 : i32
    %dma_start3A_18 = tpu.memref_slice %arg5[%dma_start3A_17] : memref<1792xi32, #tpu.memory_space<vmem>> -> memref<448xi32, #tpu.memory_space<vmem>>
    %dma_start3A_19 = arith.constant 0 : i32
    %dma_start3A_20 = arith.constant 0 : i32
    %dma_start3A_21 = tpu.memref_slice %arg2[%dma_start3A_19, %dma_start3A_20] : memref<8192x128xf32, #tpu.memory_space<hbm>> -> memref<8192x128xf32, #tpu.memory_space<hbm>>
    tpu.enqueue_indirect_dma source(%dma_start3A_21 : memref<8192x128xf32, #tpu.memory_space<hbm>>) target(%arg7 : memref<448x128xf32, #tpu.memory_space<vmem>>) offsets(%dma_start3A_18 : memref<448xi32, #tpu.memory_space<vmem>>) semaphore(%arg8 : memref<!tpu.dma_semaphore, #tpu.memory_space<semaphore_mem>>)
    %dma_wait3A_22 = arith.constant 448 : i32
    %dma_wait3A_23 = tpu.memref_slice %arg5[%dma_wait3A_22] : memref<1792xi32, #tpu.memory_space<vmem>> -> memref<448xi32, #tpu.memory_space<vmem>>
    %dma_wait3A_24 = arith.constant 0 : i32
    %dma_wait3A_25 = arith.constant 0 : i32
    %dma_wait3A_26 = tpu.memref_slice %arg2[%dma_wait3A_24, %dma_wait3A_25] : memref<8192x128xf32, #tpu.memory_space<hbm>> -> memref<8192x128xf32, #tpu.memory_space<hbm>>
    tpu.wait_indirect_dma semaphore(%arg8 : memref<!tpu.dma_semaphore, #tpu.memory_space<semaphore_mem>>) src(%dma_wait3A_26 : memref<8192x128xf32, #tpu.memory_space<hbm>>) dst(%arg7 : memref<448x128xf32, #tpu.memory_space<vmem>>)
    %add3A_27 = arith.constant 448 : i32
    %add3A_28 = arith.addi %mul3A_2, %add3A_27 : i32
    %dma_start3A_29 = arith.constant 0 : i32
    %dma_start3A_30 = tpu.memref_slice %arg4[%add3A_28, %dma_start3A_29] : memref<57344x128xf32, #tpu.memory_space<hbm>> -> memref<448x128xf32, #tpu.memory_space<hbm>>
    %dma_start3A_31 = arith.constant 0 : i32
    %dma_start3A_32 = tpu.memref_slice %arg4[%add3A_28, %dma_start3A_31] : memref<57344x128xf32, #tpu.memory_space<hbm>> -> memref<448x128xf32, #tpu.memory_space<hbm>>
    tpu.enqueue_dma source(%arg7 : memref<448x128xf32, #tpu.memory_space<vmem>>) target(%dma_start3A_32 : memref<448x128xf32, #tpu.memory_space<hbm>>) target_semaphore(%arg10 : memref<!tpu.dma_semaphore, #tpu.memory_space<semaphore_mem>>)
    %dma_wait3A_33 = arith.constant 0 : i32
    %dma_wait3A_34 = tpu.memref_slice %arg4[%add3A_12, %dma_wait3A_33] : memref<57344x128xf32, #tpu.memory_space<hbm>> -> memref<448x128xf32, #tpu.memory_space<hbm>>
    %dma_wait3A_35 = arith.constant 0 : i32
    %dma_wait3A_36 = tpu.memref_slice %arg4[%add3A_12, %dma_wait3A_35] : memref<57344x128xf32, #tpu.memory_space<hbm>> -> memref<448x128xf32, #tpu.memory_space<hbm>>
    tpu.wait_dma2 semaphore(%arg9 : memref<!tpu.dma_semaphore, #tpu.memory_space<semaphore_mem>>) src(%arg6 : memref<448x128xf32, #tpu.memory_space<vmem>>) dst(%dma_wait3A_36 : memref<448x128xf32, #tpu.memory_space<hbm>>)
    %dma_start3A_37 = arith.constant 896 : i32
    %dma_start3A_38 = tpu.memref_slice %arg5[%dma_start3A_37] : memref<1792xi32, #tpu.memory_space<vmem>> -> memref<448xi32, #tpu.memory_space<vmem>>
    %dma_start3A_39 = arith.constant 0 : i32
    %dma_start3A_40 = arith.constant 0 : i32
    %dma_start3A_41 = tpu.memref_slice %arg2[%dma_start3A_39, %dma_start3A_40] : memref<8192x128xf32, #tpu.memory_space<hbm>> -> memref<8192x128xf32, #tpu.memory_space<hbm>>
    tpu.enqueue_indirect_dma source(%dma_start3A_41 : memref<8192x128xf32, #tpu.memory_space<hbm>>) target(%arg6 : memref<448x128xf32, #tpu.memory_space<vmem>>) offsets(%dma_start3A_38 : memref<448xi32, #tpu.memory_space<vmem>>) semaphore(%arg8 : memref<!tpu.dma_semaphore, #tpu.memory_space<semaphore_mem>>)
    %dma_wait3A_42 = arith.constant 896 : i32
    %dma_wait3A_43 = tpu.memref_slice %arg5[%dma_wait3A_42] : memref<1792xi32, #tpu.memory_space<vmem>> -> memref<448xi32, #tpu.memory_space<vmem>>
    %dma_wait3A_44 = arith.constant 0 : i32
    %dma_wait3A_45 = arith.constant 0 : i32
    %dma_wait3A_46 = tpu.memref_slice %arg2[%dma_wait3A_44, %dma_wait3A_45] : memref<8192x128xf32, #tpu.memory_space<hbm>> -> memref<8192x128xf32, #tpu.memory_space<hbm>>
    tpu.wait_indirect_dma semaphore(%arg8 : memref<!tpu.dma_semaphore, #tpu.memory_space<semaphore_mem>>) src(%dma_wait3A_46 : memref<8192x128xf32, #tpu.memory_space<hbm>>) dst(%arg6 : memref<448x128xf32, #tpu.memory_space<vmem>>)
    %add3A_47 = arith.constant 896 : i32
    %add3A_48 = arith.addi %mul3A_2, %add3A_47 : i32
    %dma_start3A_49 = arith.constant 0 : i32
    %dma_start3A_50 = tpu.memref_slice %arg4[%add3A_48, %dma_start3A_49] : memref<57344x128xf32, #tpu.memory_space<hbm>> -> memref<448x128xf32, #tpu.memory_space<hbm>>
    %dma_start3A_51 = arith.constant 0 : i32
    %dma_start3A_52 = tpu.memref_slice %arg4[%add3A_48, %dma_start3A_51] : memref<57344x128xf32, #tpu.memory_space<hbm>> -> memref<448x128xf32, #tpu.memory_space<hbm>>
    tpu.enqueue_dma source(%arg6 : memref<448x128xf32, #tpu.memory_space<vmem>>) target(%dma_start3A_52 : memref<448x128xf32, #tpu.memory_space<hbm>>) target_semaphore(%arg9 : memref<!tpu.dma_semaphore, #tpu.memory_space<semaphore_mem>>)
    %dma_wait3A_53 = arith.constant 0 : i32
    %dma_wait3A_54 = tpu.memref_slice %arg4[%add3A_28, %dma_wait3A_53] : memref<57344x128xf32, #tpu.memory_space<hbm>> -> memref<448x128xf32, #tpu.memory_space<hbm>>
    %dma_wait3A_55 = arith.constant 0 : i32
    %dma_wait3A_56 = tpu.memref_slice %arg4[%add3A_28, %dma_wait3A_55] : memref<57344x128xf32, #tpu.memory_space<hbm>> -> memref<448x128xf32, #tpu.memory_space<hbm>>
    tpu.wait_dma2 semaphore(%arg10 : memref<!tpu.dma_semaphore, #tpu.memory_space<semaphore_mem>>) src(%arg7 : memref<448x128xf32, #tpu.memory_space<vmem>>) dst(%dma_wait3A_56 : memref<448x128xf32, #tpu.memory_space<hbm>>)
    %dma_start3A_57 = arith.constant 1344 : i32
    %dma_start3A_58 = tpu.memref_slice %arg5[%dma_start3A_57] : memref<1792xi32, #tpu.memory_space<vmem>> -> memref<448xi32, #tpu.memory_space<vmem>>
    %dma_start3A_59 = arith.constant 0 : i32
    %dma_start3A_60 = arith.constant 0 : i32
    %dma_start3A_61 = tpu.memref_slice %arg2[%dma_start3A_59, %dma_start3A_60] : memref<8192x128xf32, #tpu.memory_space<hbm>> -> memref<8192x128xf32, #tpu.memory_space<hbm>>
    tpu.enqueue_indirect_dma source(%dma_start3A_61 : memref<8192x128xf32, #tpu.memory_space<hbm>>) target(%arg7 : memref<448x128xf32, #tpu.memory_space<vmem>>) offsets(%dma_start3A_58 : memref<448xi32, #tpu.memory_space<vmem>>) semaphore(%arg8 : memref<!tpu.dma_semaphore, #tpu.memory_space<semaphore_mem>>)
    %dma_wait3A_62 = arith.constant 1344 : i32
    %dma_wait3A_63 = tpu.memref_slice %arg5[%dma_wait3A_62] : memref<1792xi32, #tpu.memory_space<vmem>> -> memref<448xi32, #tpu.memory_space<vmem>>
    %dma_wait3A_64 = arith.constant 0 : i32
    %dma_wait3A_65 = arith.constant 0 : i32
    %dma_wait3A_66 = tpu.memref_slice %arg2[%dma_wait3A_64, %dma_wait3A_65] : memref<8192x128xf32, #tpu.memory_space<hbm>> -> memref<8192x128xf32, #tpu.memory_space<hbm>>
    tpu.wait_indirect_dma semaphore(%arg8 : memref<!tpu.dma_semaphore, #tpu.memory_space<semaphore_mem>>) src(%dma_wait3A_66 : memref<8192x128xf32, #tpu.memory_space<hbm>>) dst(%arg7 : memref<448x128xf32, #tpu.memory_space<vmem>>)
    %add3A_67 = arith.constant 1344 : i32
    %add3A_68 = arith.addi %mul3A_2, %add3A_67 : i32
    %dma_start3A_69 = arith.constant 0 : i32
    %dma_start3A_70 = tpu.memref_slice %arg4[%add3A_68, %dma_start3A_69] : memref<57344x128xf32, #tpu.memory_space<hbm>> -> memref<448x128xf32, #tpu.memory_space<hbm>>
    %dma_start3A_71 = arith.constant 0 : i32
    %dma_start3A_72 = tpu.memref_slice %arg4[%add3A_68, %dma_start3A_71] : memref<57344x128xf32, #tpu.memory_space<hbm>> -> memref<448x128xf32, #tpu.memory_space<hbm>>
    tpu.enqueue_dma source(%arg7 : memref<448x128xf32, #tpu.memory_space<vmem>>) target(%dma_start3A_72 : memref<448x128xf32, #tpu.memory_space<hbm>>) target_semaphore(%arg10 : memref<!tpu.dma_semaphore, #tpu.memory_space<semaphore_mem>>)
    %dma_wait3A_73 = arith.constant 0 : i32
    %dma_wait3A_74 = tpu.memref_slice %arg4[%add3A_48, %dma_wait3A_73] : memref<57344x128xf32, #tpu.memory_space<hbm>> -> memref<448x128xf32, #tpu.memory_space<hbm>>
    %dma_wait3A_75 = arith.constant 0 : i32
    %dma_wait3A_76 = tpu.memref_slice %arg4[%add3A_48, %dma_wait3A_75] : memref<57344x128xf32, #tpu.memory_space<hbm>> -> memref<448x128xf32, #tpu.memory_space<hbm>>
    tpu.wait_dma2 semaphore(%arg9 : memref<!tpu.dma_semaphore, #tpu.memory_space<semaphore_mem>>) src(%arg6 : memref<448x128xf32, #tpu.memory_space<vmem>>) dst(%dma_wait3A_76 : memref<448x128xf32, #tpu.memory_space<hbm>>)
    %dma_wait3A_77 = arith.constant 0 : i32
    %dma_wait3A_78 = tpu.memref_slice %arg4[%add3A_68, %dma_wait3A_77] : memref<57344x128xf32, #tpu.memory_space<hbm>> -> memref<448x128xf32, #tpu.memory_space<hbm>>
    %dma_wait3A_79 = arith.constant 0 : i32
    %dma_wait3A_80 = tpu.memref_slice %arg4[%add3A_68, %dma_wait3A_79] : memref<57344x128xf32, #tpu.memory_space<hbm>> -> memref<448x128xf32, #tpu.memory_space<hbm>>
    tpu.wait_dma2 semaphore(%arg10 : memref<!tpu.dma_semaphore, #tpu.memory_space<semaphore_mem>>) src(%arg7 : memref<448x128xf32, #tpu.memory_space<vmem>>) dst(%dma_wait3A_80 : memref<448x128xf32, #tpu.memory_space<hbm>>)
    return
  }
}

#map = affine_map<(d0, d1) -> (0, 0)>
#map1 = affine_map<(d0, d1) -> (0)>
module attributes {stable_mosaic.version = 14 : i64} {
  func.func @k(%arg0: i32, %arg1: i32, %arg2: memref<8192x128xf32, #tpu.memory_space<hbm>>, %arg3: memref<57344xi32, #tpu.memory_space<hbm>>, %arg4: memref<57344x128xf32, #tpu.memory_space<hbm>>, %arg5: memref<1792xi32, #tpu.memory_space<vmem>>, %arg6: memref<448x128xf32, #tpu.memory_space<vmem>>, %arg7: memref<448x128xf32, #tpu.memory_space<vmem>>, %arg8: memref<!tpu.dma_semaphore, #tpu.memory_space<semaphore_mem>>, %arg9: memref<!tpu.dma_semaphore, #tpu.memory_space<semaphore_mem>>, %arg10: memref<!tpu.dma_semaphore, #tpu.memory_space<semaphore_mem>>) attributes {dimension_semantics = [#tpu.dimension_semantics<core_parallel>, #tpu.dimension_semantics<subcore_parallel>], iteration_bounds = array<i64: 2, 16>, scalar_prefetch = 0 : i64, scratch_operands = 6 : i64, tpu.core_type = #tpu.core_type<sc_vector_subcore>, window_params = [{transform_indices = #map}, {transform_indices = #map1}, {transform_indices = #map}]} {
    %mul3A = arith.constant 2 : i32
    %mul3A_0 = arith.muli %arg1, %mul3A : i32
    %add3A = arith.addi %mul3A_0, %arg0 : i32
    %mul3A_1 = arith.constant 1792 : i32
    %mul3A_2 = arith.muli %add3A, %mul3A_1 : i32
    "tpu.region"() ({
      %run_scoped3A = tpu.sem_alloc : memref<!tpu.dma_semaphore, #tpu.memory_space<semaphore_mem>>
      %dma_start3A_81 = tpu.memref_slice %arg3[%mul3A_2] : memref<57344xi32, #tpu.memory_space<hbm>> -> memref<1792xi32, #tpu.memory_space<hbm>>
      %dma_start3A_82 = tpu.memref_slice %arg3[%mul3A_2] : memref<57344xi32, #tpu.memory_space<hbm>> -> memref<1792xi32, #tpu.memory_space<hbm>>
      tpu.enqueue_dma source(%dma_start3A_82 : memref<1792xi32, #tpu.memory_space<hbm>>) target(%arg5 : memref<1792xi32, #tpu.memory_space<vmem>>) target_semaphore(%run_scoped3A : memref<!tpu.dma_semaphore, #tpu.memory_space<semaphore_mem>>)
      %dma_wait3A_83 = tpu.memref_slice %arg3[%mul3A_2] : memref<57344xi32, #tpu.memory_space<hbm>> -> memref<1792xi32, #tpu.memory_space<hbm>>
      %dma_wait3A_84 = tpu.memref_slice %arg3[%mul3A_2] : memref<57344xi32, #tpu.memory_space<hbm>> -> memref<1792xi32, #tpu.memory_space<hbm>>
      tpu.wait_dma2 semaphore(%run_scoped3A : memref<!tpu.dma_semaphore, #tpu.memory_space<semaphore_mem>>) src(%dma_wait3A_84 : memref<1792xi32, #tpu.memory_space<hbm>>) dst(%arg5 : memref<1792xi32, #tpu.memory_space<vmem>>)
      tpu.yield
    }) : () -> ()
    %dma_start3A = arith.constant 0 : i32
    %dma_start3A_3 = tpu.memref_slice %arg5[%dma_start3A] : memref<1792xi32, #tpu.memory_space<vmem>> -> memref<448xi32, #tpu.memory_space<vmem>>
    %dma_start3A_4 = arith.constant 0 : i32
    %dma_start3A_5 = arith.constant 0 : i32
    %dma_start3A_6 = tpu.memref_slice %arg2[%dma_start3A_4, %dma_start3A_5] : memref<8192x128xf32, #tpu.memory_space<hbm>> -> memref<8192x128xf32, #tpu.memory_space<hbm>>
    tpu.enqueue_indirect_dma source(%dma_start3A_6 : memref<8192x128xf32, #tpu.memory_space<hbm>>) target(%arg6 : memref<448x128xf32, #tpu.memory_space<vmem>>) offsets(%dma_start3A_3 : memref<448xi32, #tpu.memory_space<vmem>>) semaphore(%arg8 : memref<!tpu.dma_semaphore, #tpu.memory_space<semaphore_mem>>)
    %dma_wait3A = arith.constant 0 : i32
    %dma_wait3A_7 = tpu.memref_slice %arg5[%dma_wait3A] : memref<1792xi32, #tpu.memory_space<vmem>> -> memref<448xi32, #tpu.memory_space<vmem>>
    %dma_wait3A_8 = arith.constant 0 : i32
    %dma_wait3A_9 = arith.constant 0 : i32
    %dma_wait3A_10 = tpu.memref_slice %arg2[%dma_wait3A_8, %dma_wait3A_9] : memref<8192x128xf32, #tpu.memory_space<hbm>> -> memref<8192x128xf32, #tpu.memory_space<hbm>>
    tpu.wait_indirect_dma semaphore(%arg8 : memref<!tpu.dma_semaphore, #tpu.memory_space<semaphore_mem>>) src(%dma_wait3A_10 : memref<8192x128xf32, #tpu.memory_space<hbm>>) dst(%arg6 : memref<448x128xf32, #tpu.memory_space<vmem>>)
    %add3A_11 = arith.constant 0 : i32
    %add3A_12 = arith.addi %mul3A_2, %add3A_11 : i32
    %dma_start3A_13 = arith.constant 0 : i32
    %dma_start3A_14 = tpu.memref_slice %arg4[%add3A_12, %dma_start3A_13] : memref<57344x128xf32, #tpu.memory_space<hbm>> -> memref<448x128xf32, #tpu.memory_space<hbm>>
    %dma_start3A_15 = arith.constant 0 : i32
    %dma_start3A_16 = tpu.memref_slice %arg4[%add3A_12, %dma_start3A_15] : memref<57344x128xf32, #tpu.memory_space<hbm>> -> memref<448x128xf32, #tpu.memory_space<hbm>>
    tpu.enqueue_dma source(%arg6 : memref<448x128xf32, #tpu.memory_space<vmem>>) target(%dma_start3A_16 : memref<448x128xf32, #tpu.memory_space<hbm>>) target_semaphore(%arg9 : memref<!tpu.dma_semaphore, #tpu.memory_space<semaphore_mem>>)
    %dma_start3A_17 = arith.constant 448 : i32
    %dma_start3A_18 = tpu.memref_slice %arg5[%dma_start3A_17] : memref<1792xi32, #tpu.memory_space<vmem>> -> memref<448xi32, #tpu.memory_space<vmem>>
    %dma_start3A_19 = arith.constant 0 : i32
    %dma_start3A_20 = arith.constant 0 : i32
    %dma_start3A_21 = tpu.memref_slice %arg2[%dma_start3A_19, %dma_start3A_20] : memref<8192x128xf32, #tpu.memory_space<hbm>> -> memref<8192x128xf32, #tpu.memory_space<hbm>>
    tpu.enqueue_indirect_dma source(%dma_start3A_21 : memref<8192x128xf32, #tpu.memory_space<hbm>>) target(%arg7 : memref<448x128xf32, #tpu.memory_space<vmem>>) offsets(%dma_start3A_18 : memref<448xi32, #tpu.memory_space<vmem>>) semaphore(%arg8 : memref<!tpu.dma_semaphore, #tpu.memory_space<semaphore_mem>>)
    %dma_wait3A_22 = arith.constant 448 : i32
    %dma_wait3A_23 = tpu.memref_slice %arg5[%dma_wait3A_22] : memref<1792xi32, #tpu.memory_space<vmem>> -> memref<448xi32, #tpu.memory_space<vmem>>
    %dma_wait3A_24 = arith.constant 0 : i32
    %dma_wait3A_25 = arith.constant 0 : i32
    %dma_wait3A_26 = tpu.memref_slice %arg2[%dma_wait3A_24, %dma_wait3A_25] : memref<8192x128xf32, #tpu.memory_space<hbm>> -> memref<8192x128xf32, #tpu.memory_space<hbm>>
    tpu.wait_indirect_dma semaphore(%arg8 : memref<!tpu.dma_semaphore, #tpu.memory_space<semaphore_mem>>) src(%dma_wait3A_26 : memref<8192x128xf32, #tpu.memory_space<hbm>>) dst(%arg7 : memref<448x128xf32, #tpu.memory_space<vmem>>)
    %add3A_27 = arith.constant 448 : i32
    %add3A_28 = arith.addi %mul3A_2, %add3A_27 : i32
    %dma_start3A_29 = arith.constant 0 : i32
    %dma_start3A_30 = tpu.memref_slice %arg4[%add3A_28, %dma_start3A_29] : memref<57344x128xf32, #tpu.memory_space<hbm>> -> memref<448x128xf32, #tpu.memory_space<hbm>>
    %dma_start3A_31 = arith.constant 0 : i32
    %dma_start3A_32 = tpu.memref_slice %arg4[%add3A_28, %dma_start3A_31] : memref<57344x128xf32, #tpu.memory_space<hbm>> -> memref<448x128xf32, #tpu.memory_space<hbm>>
    tpu.enqueue_dma source(%arg7 : memref<448x128xf32, #tpu.memory_space<vmem>>) target(%dma_start3A_32 : memref<448x128xf32, #tpu.memory_space<hbm>>) target_semaphore(%arg10 : memref<!tpu.dma_semaphore, #tpu.memory_space<semaphore_mem>>)
    %dma_wait3A_33 = arith.constant 0 : i32
    %dma_wait3A_34 = tpu.memref_slice %arg4[%add3A_12, %dma_wait3A_33] : memref<57344x128xf32, #tpu.memory_space<hbm>> -> memref<448x128xf32, #tpu.memory_space<hbm>>
    %dma_wait3A_35 = arith.constant 0 : i32
    %dma_wait3A_36 = tpu.memref_slice %arg4[%add3A_12, %dma_wait3A_35] : memref<57344x128xf32, #tpu.memory_space<hbm>> -> memref<448x128xf32, #tpu.memory_space<hbm>>
    tpu.wait_dma2 semaphore(%arg9 : memref<!tpu.dma_semaphore, #tpu.memory_space<semaphore_mem>>) src(%arg6 : memref<448x128xf32, #tpu.memory_space<vmem>>) dst(%dma_wait3A_36 : memref<448x128xf32, #tpu.memory_space<hbm>>)
    %dma_start3A_37 = arith.constant 896 : i32
    %dma_start3A_38 = tpu.memref_slice %arg5[%dma_start3A_37] : memref<1792xi32, #tpu.memory_space<vmem>> -> memref<448xi32, #tpu.memory_space<vmem>>
    %dma_start3A_39 = arith.constant 0 : i32
    %dma_start3A_40 = arith.constant 0 : i32
    %dma_start3A_41 = tpu.memref_slice %arg2[%dma_start3A_39, %dma_start3A_40] : memref<8192x128xf32, #tpu.memory_space<hbm>> -> memref<8192x128xf32, #tpu.memory_space<hbm>>
    tpu.enqueue_indirect_dma source(%dma_start3A_41 : memref<8192x128xf32, #tpu.memory_space<hbm>>) target(%arg6 : memref<448x128xf32, #tpu.memory_space<vmem>>) offsets(%dma_start3A_38 : memref<448xi32, #tpu.memory_space<vmem>>) semaphore(%arg8 : memref<!tpu.dma_semaphore, #tpu.memory_space<semaphore_mem>>)
    %dma_wait3A_42 = arith.constant 896 : i32
    %dma_wait3A_43 = tpu.memref_slice %arg5[%dma_wait3A_42] : memref<1792xi32, #tpu.memory_space<vmem>> -> memref<448xi32, #tpu.memory_space<vmem>>
    %dma_wait3A_44 = arith.constant 0 : i32
    %dma_wait3A_45 = arith.constant 0 : i32
    %dma_wait3A_46 = tpu.memref_slice %arg2[%dma_wait3A_44, %dma_wait3A_45] : memref<8192x128xf32, #tpu.memory_space<hbm>> -> memref<8192x128xf32, #tpu.memory_space<hbm>>
    tpu.wait_indirect_dma semaphore(%arg8 : memref<!tpu.dma_semaphore, #tpu.memory_space<semaphore_mem>>) src(%dma_wait3A_46 : memref<8192x128xf32, #tpu.memory_space<hbm>>) dst(%arg6 : memref<448x128xf32, #tpu.memory_space<vmem>>)
    %add3A_47 = arith.constant 896 : i32
    %add3A_48 = arith.addi %mul3A_2, %add3A_47 : i32
    %dma_start3A_49 = arith.constant 0 : i32
    %dma_start3A_50 = tpu.memref_slice %arg4[%add3A_48, %dma_start3A_49] : memref<57344x128xf32, #tpu.memory_space<hbm>> -> memref<448x128xf32, #tpu.memory_space<hbm>>
    %dma_start3A_51 = arith.constant 0 : i32
    %dma_start3A_52 = tpu.memref_slice %arg4[%add3A_48, %dma_start3A_51] : memref<57344x128xf32, #tpu.memory_space<hbm>> -> memref<448x128xf32, #tpu.memory_space<hbm>>
    tpu.enqueue_dma source(%arg6 : memref<448x128xf32, #tpu.memory_space<vmem>>) target(%dma_start3A_52 : memref<448x128xf32, #tpu.memory_space<hbm>>) target_semaphore(%arg9 : memref<!tpu.dma_semaphore, #tpu.memory_space<semaphore_mem>>)
    %dma_wait3A_53 = arith.constant 0 : i32
    %dma_wait3A_54 = tpu.memref_slice %arg4[%add3A_28, %dma_wait3A_53] : memref<57344x128xf32, #tpu.memory_space<hbm>> -> memref<448x128xf32, #tpu.memory_space<hbm>>
    %dma_wait3A_55 = arith.constant 0 : i32
    %dma_wait3A_56 = tpu.memref_slice %arg4[%add3A_28, %dma_wait3A_55] : memref<57344x128xf32, #tpu.memory_space<hbm>> -> memref<448x128xf32, #tpu.memory_space<hbm>>
    tpu.wait_dma2 semaphore(%arg10 : memref<!tpu.dma_semaphore, #tpu.memory_space<semaphore_mem>>) src(%arg7 : memref<448x128xf32, #tpu.memory_space<vmem>>) dst(%dma_wait3A_56 : memref<448x128xf32, #tpu.memory_space<hbm>>)
    %dma_start3A_57 = arith.constant 1344 : i32
    %dma_start3A_58 = tpu.memref_slice %arg5[%dma_start3A_57] : memref<1792xi32, #tpu.memory_space<vmem>> -> memref<448xi32, #tpu.memory_space<vmem>>
    %dma_start3A_59 = arith.constant 0 : i32
    %dma_start3A_60 = arith.constant 0 : i32
    %dma_start3A_61 = tpu.memref_slice %arg2[%dma_start3A_59, %dma_start3A_60] : memref<8192x128xf32, #tpu.memory_space<hbm>> -> memref<8192x128xf32, #tpu.memory_space<hbm>>
    tpu.enqueue_indirect_dma source(%dma_start3A_61 : memref<8192x128xf32, #tpu.memory_space<hbm>>) target(%arg7 : memref<448x128xf32, #tpu.memory_space<vmem>>) offsets(%dma_start3A_58 : memref<448xi32, #tpu.memory_space<vmem>>) semaphore(%arg8 : memref<!tpu.dma_semaphore, #tpu.memory_space<semaphore_mem>>)
    %dma_wait3A_62 = arith.constant 1344 : i32
    %dma_wait3A_63 = tpu.memref_slice %arg5[%dma_wait3A_62] : memref<1792xi32, #tpu.memory_space<vmem>> -> memref<448xi32, #tpu.memory_space<vmem>>
    %dma_wait3A_64 = arith.constant 0 : i32
    %dma_wait3A_65 = arith.constant 0 : i32
    %dma_wait3A_66 = tpu.memref_slice %arg2[%dma_wait3A_64, %dma_wait3A_65] : memref<8192x128xf32, #tpu.memory_space<hbm>> -> memref<8192x128xf32, #tpu.memory_space<hbm>>
    tpu.wait_indirect_dma semaphore(%arg8 : memref<!tpu.dma_semaphore, #tpu.memory_space<semaphore_mem>>) src(%dma_wait3A_66 : memref<8192x128xf32, #tpu.memory_space<hbm>>) dst(%arg7 : memref<448x128xf32, #tpu.memory_space<vmem>>)
    %add3A_67 = arith.constant 1344 : i32
    %add3A_68 = arith.addi %mul3A_2, %add3A_67 : i32
    %dma_start3A_69 = arith.constant 0 : i32
    %dma_start3A_70 = tpu.memref_slice %arg4[%add3A_68, %dma_start3A_69] : memref<57344x128xf32, #tpu.memory_space<hbm>> -> memref<448x128xf32, #tpu.memory_space<hbm>>
    %dma_start3A_71 = arith.constant 0 : i32
    %dma_start3A_72 = tpu.memref_slice %arg4[%add3A_68, %dma_start3A_71] : memref<57344x128xf32, #tpu.memory_space<hbm>> -> memref<448x128xf32, #tpu.memory_space<hbm>>
    tpu.enqueue_dma source(%arg7 : memref<448x128xf32, #tpu.memory_space<vmem>>) target(%dma_start3A_72 : memref<448x128xf32, #tpu.memory_space<hbm>>) target_semaphore(%arg10 : memref<!tpu.dma_semaphore, #tpu.memory_space<semaphore_mem>>)
    %dma_wait3A_73 = arith.constant 0 : i32
    %dma_wait3A_74 = tpu.memref_slice %arg4[%add3A_48, %dma_wait3A_73] : memref<57344x128xf32, #tpu.memory_space<hbm>> -> memref<448x128xf32, #tpu.memory_space<hbm>>
    %dma_wait3A_75 = arith.constant 0 : i32
    %dma_wait3A_76 = tpu.memref_slice %arg4[%add3A_48, %dma_wait3A_75] : memref<57344x128xf32, #tpu.memory_space<hbm>> -> memref<448x128xf32, #tpu.memory_space<hbm>>
    tpu.wait_dma2 semaphore(%arg9 : memref<!tpu.dma_semaphore, #tpu.memory_space<semaphore_mem>>) src(%arg6 : memref<448x128xf32, #tpu.memory_space<vmem>>) dst(%dma_wait3A_76 : memref<448x128xf32, #tpu.memory_space<hbm>>)
    %dma_wait3A_77 = arith.constant 0 : i32
    %dma_wait3A_78 = tpu.memref_slice %arg4[%add3A_68, %dma_wait3A_77] : memref<57344x128xf32, #tpu.memory_space<hbm>> -> memref<448x128xf32, #tpu.memory_space<hbm>>
    %dma_wait3A_79 = arith.constant 0 : i32
    %dma_wait3A_80 = tpu.memref_slice %arg4[%add3A_68, %dma_wait3A_79] : memref<57344x128xf32, #tpu.memory_space<hbm>> -> memref<448x128xf32, #tpu.memory_space<hbm>>
    tpu.wait_dma2 semaphore(%arg10 : memref<!tpu.dma_semaphore, #tpu.memory_space<semaphore_mem>>) src(%arg7 : memref<448x128xf32, #tpu.memory_space<vmem>>) dst(%dma_wait3A_80 : memref<448x128xf32, #tpu.memory_space<hbm>>)
    return
  }
}

#map = affine_map<(d0, d1) -> (0, 0)>
#map1 = affine_map<(d0, d1) -> (0)>
module attributes {stable_mosaic.version = 14 : i64} {
  func.func @k(%arg0: i32, %arg1: i32, %arg2: memref<8192x128xf32, #tpu.memory_space<hbm>>, %arg3: memref<57344xi32, #tpu.memory_space<hbm>>, %arg4: memref<57344x128xf32, #tpu.memory_space<hbm>>, %arg5: memref<1792xi32, #tpu.memory_space<vmem>>, %arg6: memref<448x128xf32, #tpu.memory_space<vmem>>, %arg7: memref<448x128xf32, #tpu.memory_space<vmem>>, %arg8: memref<!tpu.dma_semaphore, #tpu.memory_space<semaphore_mem>>, %arg9: memref<!tpu.dma_semaphore, #tpu.memory_space<semaphore_mem>>, %arg10: memref<!tpu.dma_semaphore, #tpu.memory_space<semaphore_mem>>) attributes {dimension_semantics = [#tpu.dimension_semantics<core_parallel>, #tpu.dimension_semantics<subcore_parallel>], iteration_bounds = array<i64: 2, 16>, scalar_prefetch = 0 : i64, scratch_operands = 6 : i64, tpu.core_type = #tpu.core_type<sc_vector_subcore>, window_params = [{transform_indices = #map}, {transform_indices = #map1}, {transform_indices = #map}]} {
    %mul3A = arith.constant 2 : i32
    %mul3A_0 = arith.muli %arg1, %mul3A : i32
    %add3A = arith.addi %mul3A_0, %arg0 : i32
    %mul3A_1 = arith.constant 1792 : i32
    %mul3A_2 = arith.muli %add3A, %mul3A_1 : i32
    "tpu.region"() ({
      %run_scoped3A = tpu.sem_alloc : memref<!tpu.dma_semaphore, #tpu.memory_space<semaphore_mem>>
      %dma_start3A_81 = tpu.memref_slice %arg3[%mul3A_2] : memref<57344xi32, #tpu.memory_space<hbm>> -> memref<1792xi32, #tpu.memory_space<hbm>>
      %dma_start3A_82 = tpu.memref_slice %arg3[%mul3A_2] : memref<57344xi32, #tpu.memory_space<hbm>> -> memref<1792xi32, #tpu.memory_space<hbm>>
      tpu.enqueue_dma source(%dma_start3A_82 : memref<1792xi32, #tpu.memory_space<hbm>>) target(%arg5 : memref<1792xi32, #tpu.memory_space<vmem>>) target_semaphore(%run_scoped3A : memref<!tpu.dma_semaphore, #tpu.memory_space<semaphore_mem>>)
      %dma_wait3A_83 = tpu.memref_slice %arg3[%mul3A_2] : memref<57344xi32, #tpu.memory_space<hbm>> -> memref<1792xi32, #tpu.memory_space<hbm>>
      %dma_wait3A_84 = tpu.memref_slice %arg3[%mul3A_2] : memref<57344xi32, #tpu.memory_space<hbm>> -> memref<1792xi32, #tpu.memory_space<hbm>>
      tpu.wait_dma2 semaphore(%run_scoped3A : memref<!tpu.dma_semaphore, #tpu.memory_space<semaphore_mem>>) src(%dma_wait3A_84 : memref<1792xi32, #tpu.memory_space<hbm>>) dst(%arg5 : memref<1792xi32, #tpu.memory_space<vmem>>)
      tpu.yield
    }) : () -> ()
    %dma_start3A = arith.constant 0 : i32
    %dma_start3A_3 = tpu.memref_slice %arg5[%dma_start3A] : memref<1792xi32, #tpu.memory_space<vmem>> -> memref<448xi32, #tpu.memory_space<vmem>>
    %dma_start3A_4 = arith.constant 0 : i32
    %dma_start3A_5 = arith.constant 0 : i32
    %dma_start3A_6 = tpu.memref_slice %arg2[%dma_start3A_4, %dma_start3A_5] : memref<8192x128xf32, #tpu.memory_space<hbm>> -> memref<8192x128xf32, #tpu.memory_space<hbm>>
    tpu.enqueue_indirect_dma source(%dma_start3A_6 : memref<8192x128xf32, #tpu.memory_space<hbm>>) target(%arg6 : memref<448x128xf32, #tpu.memory_space<vmem>>) offsets(%dma_start3A_3 : memref<448xi32, #tpu.memory_space<vmem>>) semaphore(%arg8 : memref<!tpu.dma_semaphore, #tpu.memory_space<semaphore_mem>>)
    %dma_wait3A = arith.constant 0 : i32
    %dma_wait3A_7 = tpu.memref_slice %arg5[%dma_wait3A] : memref<1792xi32, #tpu.memory_space<vmem>> -> memref<448xi32, #tpu.memory_space<vmem>>
    %dma_wait3A_8 = arith.constant 0 : i32
    %dma_wait3A_9 = arith.constant 0 : i32
    %dma_wait3A_10 = tpu.memref_slice %arg2[%dma_wait3A_8, %dma_wait3A_9] : memref<8192x128xf32, #tpu.memory_space<hbm>> -> memref<8192x128xf32, #tpu.memory_space<hbm>>
    tpu.wait_indirect_dma semaphore(%arg8 : memref<!tpu.dma_semaphore, #tpu.memory_space<semaphore_mem>>) src(%dma_wait3A_10 : memref<8192x128xf32, #tpu.memory_space<hbm>>) dst(%arg6 : memref<448x128xf32, #tpu.memory_space<vmem>>)
    %add3A_11 = arith.constant 0 : i32
    %add3A_12 = arith.addi %mul3A_2, %add3A_11 : i32
    %dma_start3A_13 = arith.constant 0 : i32
    %dma_start3A_14 = tpu.memref_slice %arg4[%add3A_12, %dma_start3A_13] : memref<57344x128xf32, #tpu.memory_space<hbm>> -> memref<448x128xf32, #tpu.memory_space<hbm>>
    %dma_start3A_15 = arith.constant 0 : i32
    %dma_start3A_16 = tpu.memref_slice %arg4[%add3A_12, %dma_start3A_15] : memref<57344x128xf32, #tpu.memory_space<hbm>> -> memref<448x128xf32, #tpu.memory_space<hbm>>
    tpu.enqueue_dma source(%arg6 : memref<448x128xf32, #tpu.memory_space<vmem>>) target(%dma_start3A_16 : memref<448x128xf32, #tpu.memory_space<hbm>>) target_semaphore(%arg9 : memref<!tpu.dma_semaphore, #tpu.memory_space<semaphore_mem>>)
    %dma_start3A_17 = arith.constant 448 : i32
    %dma_start3A_18 = tpu.memref_slice %arg5[%dma_start3A_17] : memref<1792xi32, #tpu.memory_space<vmem>> -> memref<448xi32, #tpu.memory_space<vmem>>
    %dma_start3A_19 = arith.constant 0 : i32
    %dma_start3A_20 = arith.constant 0 : i32
    %dma_start3A_21 = tpu.memref_slice %arg2[%dma_start3A_19, %dma_start3A_20] : memref<8192x128xf32, #tpu.memory_space<hbm>> -> memref<8192x128xf32, #tpu.memory_space<hbm>>
    tpu.enqueue_indirect_dma source(%dma_start3A_21 : memref<8192x128xf32, #tpu.memory_space<hbm>>) target(%arg7 : memref<448x128xf32, #tpu.memory_space<vmem>>) offsets(%dma_start3A_18 : memref<448xi32, #tpu.memory_space<vmem>>) semaphore(%arg8 : memref<!tpu.dma_semaphore, #tpu.memory_space<semaphore_mem>>)
    %dma_wait3A_22 = arith.constant 448 : i32
    %dma_wait3A_23 = tpu.memref_slice %arg5[%dma_wait3A_22] : memref<1792xi32, #tpu.memory_space<vmem>> -> memref<448xi32, #tpu.memory_space<vmem>>
    %dma_wait3A_24 = arith.constant 0 : i32
    %dma_wait3A_25 = arith.constant 0 : i32
    %dma_wait3A_26 = tpu.memref_slice %arg2[%dma_wait3A_24, %dma_wait3A_25] : memref<8192x128xf32, #tpu.memory_space<hbm>> -> memref<8192x128xf32, #tpu.memory_space<hbm>>
    tpu.wait_indirect_dma semaphore(%arg8 : memref<!tpu.dma_semaphore, #tpu.memory_space<semaphore_mem>>) src(%dma_wait3A_26 : memref<8192x128xf32, #tpu.memory_space<hbm>>) dst(%arg7 : memref<448x128xf32, #tpu.memory_space<vmem>>)
    %add3A_27 = arith.constant 448 : i32
    %add3A_28 = arith.addi %mul3A_2, %add3A_27 : i32
    %dma_start3A_29 = arith.constant 0 : i32
    %dma_start3A_30 = tpu.memref_slice %arg4[%add3A_28, %dma_start3A_29] : memref<57344x128xf32, #tpu.memory_space<hbm>> -> memref<448x128xf32, #tpu.memory_space<hbm>>
    %dma_start3A_31 = arith.constant 0 : i32
    %dma_start3A_32 = tpu.memref_slice %arg4[%add3A_28, %dma_start3A_31] : memref<57344x128xf32, #tpu.memory_space<hbm>> -> memref<448x128xf32, #tpu.memory_space<hbm>>
    tpu.enqueue_dma source(%arg7 : memref<448x128xf32, #tpu.memory_space<vmem>>) target(%dma_start3A_32 : memref<448x128xf32, #tpu.memory_space<hbm>>) target_semaphore(%arg10 : memref<!tpu.dma_semaphore, #tpu.memory_space<semaphore_mem>>)
    %dma_wait3A_33 = arith.constant 0 : i32
    %dma_wait3A_34 = tpu.memref_slice %arg4[%add3A_12, %dma_wait3A_33] : memref<57344x128xf32, #tpu.memory_space<hbm>> -> memref<448x128xf32, #tpu.memory_space<hbm>>
    %dma_wait3A_35 = arith.constant 0 : i32
    %dma_wait3A_36 = tpu.memref_slice %arg4[%add3A_12, %dma_wait3A_35] : memref<57344x128xf32, #tpu.memory_space<hbm>> -> memref<448x128xf32, #tpu.memory_space<hbm>>
    tpu.wait_dma2 semaphore(%arg9 : memref<!tpu.dma_semaphore, #tpu.memory_space<semaphore_mem>>) src(%arg6 : memref<448x128xf32, #tpu.memory_space<vmem>>) dst(%dma_wait3A_36 : memref<448x128xf32, #tpu.memory_space<hbm>>)
    %dma_start3A_37 = arith.constant 896 : i32
    %dma_start3A_38 = tpu.memref_slice %arg5[%dma_start3A_37] : memref<1792xi32, #tpu.memory_space<vmem>> -> memref<448xi32, #tpu.memory_space<vmem>>
    %dma_start3A_39 = arith.constant 0 : i32
    %dma_start3A_40 = arith.constant 0 : i32
    %dma_start3A_41 = tpu.memref_slice %arg2[%dma_start3A_39, %dma_start3A_40] : memref<8192x128xf32, #tpu.memory_space<hbm>> -> memref<8192x128xf32, #tpu.memory_space<hbm>>
    tpu.enqueue_indirect_dma source(%dma_start3A_41 : memref<8192x128xf32, #tpu.memory_space<hbm>>) target(%arg6 : memref<448x128xf32, #tpu.memory_space<vmem>>) offsets(%dma_start3A_38 : memref<448xi32, #tpu.memory_space<vmem>>) semaphore(%arg8 : memref<!tpu.dma_semaphore, #tpu.memory_space<semaphore_mem>>)
    %dma_wait3A_42 = arith.constant 896 : i32
    %dma_wait3A_43 = tpu.memref_slice %arg5[%dma_wait3A_42] : memref<1792xi32, #tpu.memory_space<vmem>> -> memref<448xi32, #tpu.memory_space<vmem>>
    %dma_wait3A_44 = arith.constant 0 : i32
    %dma_wait3A_45 = arith.constant 0 : i32
    %dma_wait3A_46 = tpu.memref_slice %arg2[%dma_wait3A_44, %dma_wait3A_45] : memref<8192x128xf32, #tpu.memory_space<hbm>> -> memref<8192x128xf32, #tpu.memory_space<hbm>>
    tpu.wait_indirect_dma semaphore(%arg8 : memref<!tpu.dma_semaphore, #tpu.memory_space<semaphore_mem>>) src(%dma_wait3A_46 : memref<8192x128xf32, #tpu.memory_space<hbm>>) dst(%arg6 : memref<448x128xf32, #tpu.memory_space<vmem>>)
    %add3A_47 = arith.constant 896 : i32
    %add3A_48 = arith.addi %mul3A_2, %add3A_47 : i32
    %dma_start3A_49 = arith.constant 0 : i32
    %dma_start3A_50 = tpu.memref_slice %arg4[%add3A_48, %dma_start3A_49] : memref<57344x128xf32, #tpu.memory_space<hbm>> -> memref<448x128xf32, #tpu.memory_space<hbm>>
    %dma_start3A_51 = arith.constant 0 : i32
    %dma_start3A_52 = tpu.memref_slice %arg4[%add3A_48, %dma_start3A_51] : memref<57344x128xf32, #tpu.memory_space<hbm>> -> memref<448x128xf32, #tpu.memory_space<hbm>>
    tpu.enqueue_dma source(%arg6 : memref<448x128xf32, #tpu.memory_space<vmem>>) target(%dma_start3A_52 : memref<448x128xf32, #tpu.memory_space<hbm>>) target_semaphore(%arg9 : memref<!tpu.dma_semaphore, #tpu.memory_space<semaphore_mem>>)
    %dma_wait3A_53 = arith.constant 0 : i32
    %dma_wait3A_54 = tpu.memref_slice %arg4[%add3A_28, %dma_wait3A_53] : memref<57344x128xf32, #tpu.memory_space<hbm>> -> memref<448x128xf32, #tpu.memory_space<hbm>>
    %dma_wait3A_55 = arith.constant 0 : i32
    %dma_wait3A_56 = tpu.memref_slice %arg4[%add3A_28, %dma_wait3A_55] : memref<57344x128xf32, #tpu.memory_space<hbm>> -> memref<448x128xf32, #tpu.memory_space<hbm>>
    tpu.wait_dma2 semaphore(%arg10 : memref<!tpu.dma_semaphore, #tpu.memory_space<semaphore_mem>>) src(%arg7 : memref<448x128xf32, #tpu.memory_space<vmem>>) dst(%dma_wait3A_56 : memref<448x128xf32, #tpu.memory_space<hbm>>)
    %dma_start3A_57 = arith.constant 1344 : i32
    %dma_start3A_58 = tpu.memref_slice %arg5[%dma_start3A_57] : memref<1792xi32, #tpu.memory_space<vmem>> -> memref<448xi32, #tpu.memory_space<vmem>>
    %dma_start3A_59 = arith.constant 0 : i32
    %dma_start3A_60 = arith.constant 0 : i32
    %dma_start3A_61 = tpu.memref_slice %arg2[%dma_start3A_59, %dma_start3A_60] : memref<8192x128xf32, #tpu.memory_space<hbm>> -> memref<8192x128xf32, #tpu.memory_space<hbm>>
    tpu.enqueue_indirect_dma source(%dma_start3A_61 : memref<8192x128xf32, #tpu.memory_space<hbm>>) target(%arg7 : memref<448x128xf32, #tpu.memory_space<vmem>>) offsets(%dma_start3A_58 : memref<448xi32, #tpu.memory_space<vmem>>) semaphore(%arg8 : memref<!tpu.dma_semaphore, #tpu.memory_space<semaphore_mem>>)
    %dma_wait3A_62 = arith.constant 1344 : i32
    %dma_wait3A_63 = tpu.memref_slice %arg5[%dma_wait3A_62] : memref<1792xi32, #tpu.memory_space<vmem>> -> memref<448xi32, #tpu.memory_space<vmem>>
    %dma_wait3A_64 = arith.constant 0 : i32
    %dma_wait3A_65 = arith.constant 0 : i32
    %dma_wait3A_66 = tpu.memref_slice %arg2[%dma_wait3A_64, %dma_wait3A_65] : memref<8192x128xf32, #tpu.memory_space<hbm>> -> memref<8192x128xf32, #tpu.memory_space<hbm>>
    tpu.wait_indirect_dma semaphore(%arg8 : memref<!tpu.dma_semaphore, #tpu.memory_space<semaphore_mem>>) src(%dma_wait3A_66 : memref<8192x128xf32, #tpu.memory_space<hbm>>) dst(%arg7 : memref<448x128xf32, #tpu.memory_space<vmem>>)
    %add3A_67 = arith.constant 1344 : i32
    %add3A_68 = arith.addi %mul3A_2, %add3A_67 : i32
    %dma_start3A_69 = arith.constant 0 : i32
    %dma_start3A_70 = tpu.memref_slice %arg4[%add3A_68, %dma_start3A_69] : memref<57344x128xf32, #tpu.memory_space<hbm>> -> memref<448x128xf32, #tpu.memory_space<hbm>>
    %dma_start3A_71 = arith.constant 0 : i32
    %dma_start3A_72 = tpu.memref_slice %arg4[%add3A_68, %dma_start3A_71] : memref<57344x128xf32, #tpu.memory_space<hbm>> -> memref<448x128xf32, #tpu.memory_space<hbm>>
    tpu.enqueue_dma source(%arg7 : memref<448x128xf32, #tpu.memory_space<vmem>>) target(%dma_start3A_72 : memref<448x128xf32, #tpu.memory_space<hbm>>) target_semaphore(%arg10 : memref<!tpu.dma_semaphore, #tpu.memory_space<semaphore_mem>>)
    %dma_wait3A_73 = arith.constant 0 : i32
    %dma_wait3A_74 = tpu.memref_slice %arg4[%add3A_48, %dma_wait3A_73] : memref<57344x128xf32, #tpu.memory_space<hbm>> -> memref<448x128xf32, #tpu.memory_space<hbm>>
    %dma_wait3A_75 = arith.constant 0 : i32
    %dma_wait3A_76 = tpu.memref_slice %arg4[%add3A_48, %dma_wait3A_75] : memref<57344x128xf32, #tpu.memory_space<hbm>> -> memref<448x128xf32, #tpu.memory_space<hbm>>
    tpu.wait_dma2 semaphore(%arg9 : memref<!tpu.dma_semaphore, #tpu.memory_space<semaphore_mem>>) src(%arg6 : memref<448x128xf32, #tpu.memory_space<vmem>>) dst(%dma_wait3A_76 : memref<448x128xf32, #tpu.memory_space<hbm>>)
    %dma_wait3A_77 = arith.constant 0 : i32
    %dma_wait3A_78 = tpu.memref_slice %arg4[%add3A_68, %dma_wait3A_77] : memref<57344x128xf32, #tpu.memory_space<hbm>> -> memref<448x128xf32, #tpu.memory_space<hbm>>
    %dma_wait3A_79 = arith.constant 0 : i32
    %dma_wait3A_80 = tpu.memref_slice %arg4[%add3A_68, %dma_wait3A_79] : memref<57344x128xf32, #tpu.memory_space<hbm>> -> memref<448x128xf32, #tpu.memory_space<hbm>>
    tpu.wait_dma2 semaphore(%arg10 : memref<!tpu.dma_semaphore, #tpu.memory_space<semaphore_mem>>) src(%arg7 : memref<448x128xf32, #tpu.memory_space<vmem>>) dst(%dma_wait3A_80 : memref<448x128xf32, #tpu.memory_space<hbm>>)
    return
  }
}

#map = affine_map<(d0, d1) -> (0, 0)>
#map1 = affine_map<(d0, d1) -> (0)>
module attributes {stable_mosaic.version = 14 : i64} {
  func.func @k(%arg0: i32, %arg1: i32, %arg2: memref<8192x128xf32, #tpu.memory_space<hbm>>, %arg3: memref<57344xi32, #tpu.memory_space<hbm>>, %arg4: memref<57344x128xf32, #tpu.memory_space<hbm>>, %arg5: memref<1792xi32, #tpu.memory_space<vmem>>, %arg6: memref<448x128xf32, #tpu.memory_space<vmem>>, %arg7: memref<448x128xf32, #tpu.memory_space<vmem>>, %arg8: memref<!tpu.dma_semaphore, #tpu.memory_space<semaphore_mem>>, %arg9: memref<!tpu.dma_semaphore, #tpu.memory_space<semaphore_mem>>, %arg10: memref<!tpu.dma_semaphore, #tpu.memory_space<semaphore_mem>>) attributes {dimension_semantics = [#tpu.dimension_semantics<core_parallel>, #tpu.dimension_semantics<subcore_parallel>], iteration_bounds = array<i64: 2, 16>, scalar_prefetch = 0 : i64, scratch_operands = 6 : i64, tpu.core_type = #tpu.core_type<sc_vector_subcore>, window_params = [{transform_indices = #map}, {transform_indices = #map1}, {transform_indices = #map}]} {
    %mul3A = arith.constant 2 : i32
    %mul3A_0 = arith.muli %arg1, %mul3A : i32
    %add3A = arith.addi %mul3A_0, %arg0 : i32
    %mul3A_1 = arith.constant 1792 : i32
    %mul3A_2 = arith.muli %add3A, %mul3A_1 : i32
    "tpu.region"() ({
      %run_scoped3A = tpu.sem_alloc : memref<!tpu.dma_semaphore, #tpu.memory_space<semaphore_mem>>
      %dma_start3A_81 = tpu.memref_slice %arg3[%mul3A_2] : memref<57344xi32, #tpu.memory_space<hbm>> -> memref<1792xi32, #tpu.memory_space<hbm>>
      %dma_start3A_82 = tpu.memref_slice %arg3[%mul3A_2] : memref<57344xi32, #tpu.memory_space<hbm>> -> memref<1792xi32, #tpu.memory_space<hbm>>
      tpu.enqueue_dma source(%dma_start3A_82 : memref<1792xi32, #tpu.memory_space<hbm>>) target(%arg5 : memref<1792xi32, #tpu.memory_space<vmem>>) target_semaphore(%run_scoped3A : memref<!tpu.dma_semaphore, #tpu.memory_space<semaphore_mem>>)
      %dma_wait3A_83 = tpu.memref_slice %arg3[%mul3A_2] : memref<57344xi32, #tpu.memory_space<hbm>> -> memref<1792xi32, #tpu.memory_space<hbm>>
      %dma_wait3A_84 = tpu.memref_slice %arg3[%mul3A_2] : memref<57344xi32, #tpu.memory_space<hbm>> -> memref<1792xi32, #tpu.memory_space<hbm>>
      tpu.wait_dma2 semaphore(%run_scoped3A : memref<!tpu.dma_semaphore, #tpu.memory_space<semaphore_mem>>) src(%dma_wait3A_84 : memref<1792xi32, #tpu.memory_space<hbm>>) dst(%arg5 : memref<1792xi32, #tpu.memory_space<vmem>>)
      tpu.yield
    }) : () -> ()
    %dma_start3A = arith.constant 0 : i32
    %dma_start3A_3 = tpu.memref_slice %arg5[%dma_start3A] : memref<1792xi32, #tpu.memory_space<vmem>> -> memref<448xi32, #tpu.memory_space<vmem>>
    %dma_start3A_4 = arith.constant 0 : i32
    %dma_start3A_5 = arith.constant 0 : i32
    %dma_start3A_6 = tpu.memref_slice %arg2[%dma_start3A_4, %dma_start3A_5] : memref<8192x128xf32, #tpu.memory_space<hbm>> -> memref<8192x128xf32, #tpu.memory_space<hbm>>
    tpu.enqueue_indirect_dma source(%dma_start3A_6 : memref<8192x128xf32, #tpu.memory_space<hbm>>) target(%arg6 : memref<448x128xf32, #tpu.memory_space<vmem>>) offsets(%dma_start3A_3 : memref<448xi32, #tpu.memory_space<vmem>>) semaphore(%arg8 : memref<!tpu.dma_semaphore, #tpu.memory_space<semaphore_mem>>)
    %dma_wait3A = arith.constant 0 : i32
    %dma_wait3A_7 = tpu.memref_slice %arg5[%dma_wait3A] : memref<1792xi32, #tpu.memory_space<vmem>> -> memref<448xi32, #tpu.memory_space<vmem>>
    %dma_wait3A_8 = arith.constant 0 : i32
    %dma_wait3A_9 = arith.constant 0 : i32
    %dma_wait3A_10 = tpu.memref_slice %arg2[%dma_wait3A_8, %dma_wait3A_9] : memref<8192x128xf32, #tpu.memory_space<hbm>> -> memref<8192x128xf32, #tpu.memory_space<hbm>>
    tpu.wait_indirect_dma semaphore(%arg8 : memref<!tpu.dma_semaphore, #tpu.memory_space<semaphore_mem>>) src(%dma_wait3A_10 : memref<8192x128xf32, #tpu.memory_space<hbm>>) dst(%arg6 : memref<448x128xf32, #tpu.memory_space<vmem>>)
    %add3A_11 = arith.constant 0 : i32
    %add3A_12 = arith.addi %mul3A_2, %add3A_11 : i32
    %dma_start3A_13 = arith.constant 0 : i32
    %dma_start3A_14 = tpu.memref_slice %arg4[%add3A_12, %dma_start3A_13] : memref<57344x128xf32, #tpu.memory_space<hbm>> -> memref<448x128xf32, #tpu.memory_space<hbm>>
    %dma_start3A_15 = arith.constant 0 : i32
    %dma_start3A_16 = tpu.memref_slice %arg4[%add3A_12, %dma_start3A_15] : memref<57344x128xf32, #tpu.memory_space<hbm>> -> memref<448x128xf32, #tpu.memory_space<hbm>>
    tpu.enqueue_dma source(%arg6 : memref<448x128xf32, #tpu.memory_space<vmem>>) target(%dma_start3A_16 : memref<448x128xf32, #tpu.memory_space<hbm>>) target_semaphore(%arg9 : memref<!tpu.dma_semaphore, #tpu.memory_space<semaphore_mem>>)
    %dma_start3A_17 = arith.constant 448 : i32
    %dma_start3A_18 = tpu.memref_slice %arg5[%dma_start3A_17] : memref<1792xi32, #tpu.memory_space<vmem>> -> memref<448xi32, #tpu.memory_space<vmem>>
    %dma_start3A_19 = arith.constant 0 : i32
    %dma_start3A_20 = arith.constant 0 : i32
    %dma_start3A_21 = tpu.memref_slice %arg2[%dma_start3A_19, %dma_start3A_20] : memref<8192x128xf32, #tpu.memory_space<hbm>> -> memref<8192x128xf32, #tpu.memory_space<hbm>>
    tpu.enqueue_indirect_dma source(%dma_start3A_21 : memref<8192x128xf32, #tpu.memory_space<hbm>>) target(%arg7 : memref<448x128xf32, #tpu.memory_space<vmem>>) offsets(%dma_start3A_18 : memref<448xi32, #tpu.memory_space<vmem>>) semaphore(%arg8 : memref<!tpu.dma_semaphore, #tpu.memory_space<semaphore_mem>>)
    %dma_wait3A_22 = arith.constant 448 : i32
    %dma_wait3A_23 = tpu.memref_slice %arg5[%dma_wait3A_22] : memref<1792xi32, #tpu.memory_space<vmem>> -> memref<448xi32, #tpu.memory_space<vmem>>
    %dma_wait3A_24 = arith.constant 0 : i32
    %dma_wait3A_25 = arith.constant 0 : i32
    %dma_wait3A_26 = tpu.memref_slice %arg2[%dma_wait3A_24, %dma_wait3A_25] : memref<8192x128xf32, #tpu.memory_space<hbm>> -> memref<8192x128xf32, #tpu.memory_space<hbm>>
    tpu.wait_indirect_dma semaphore(%arg8 : memref<!tpu.dma_semaphore, #tpu.memory_space<semaphore_mem>>) src(%dma_wait3A_26 : memref<8192x128xf32, #tpu.memory_space<hbm>>) dst(%arg7 : memref<448x128xf32, #tpu.memory_space<vmem>>)
    %add3A_27 = arith.constant 448 : i32
    %add3A_28 = arith.addi %mul3A_2, %add3A_27 : i32
    %dma_start3A_29 = arith.constant 0 : i32
    %dma_start3A_30 = tpu.memref_slice %arg4[%add3A_28, %dma_start3A_29] : memref<57344x128xf32, #tpu.memory_space<hbm>> -> memref<448x128xf32, #tpu.memory_space<hbm>>
    %dma_start3A_31 = arith.constant 0 : i32
    %dma_start3A_32 = tpu.memref_slice %arg4[%add3A_28, %dma_start3A_31] : memref<57344x128xf32, #tpu.memory_space<hbm>> -> memref<448x128xf32, #tpu.memory_space<hbm>>
    tpu.enqueue_dma source(%arg7 : memref<448x128xf32, #tpu.memory_space<vmem>>) target(%dma_start3A_32 : memref<448x128xf32, #tpu.memory_space<hbm>>) target_semaphore(%arg10 : memref<!tpu.dma_semaphore, #tpu.memory_space<semaphore_mem>>)
    %dma_wait3A_33 = arith.constant 0 : i32
    %dma_wait3A_34 = tpu.memref_slice %arg4[%add3A_12, %dma_wait3A_33] : memref<57344x128xf32, #tpu.memory_space<hbm>> -> memref<448x128xf32, #tpu.memory_space<hbm>>
    %dma_wait3A_35 = arith.constant 0 : i32
    %dma_wait3A_36 = tpu.memref_slice %arg4[%add3A_12, %dma_wait3A_35] : memref<57344x128xf32, #tpu.memory_space<hbm>> -> memref<448x128xf32, #tpu.memory_space<hbm>>
    tpu.wait_dma2 semaphore(%arg9 : memref<!tpu.dma_semaphore, #tpu.memory_space<semaphore_mem>>) src(%arg6 : memref<448x128xf32, #tpu.memory_space<vmem>>) dst(%dma_wait3A_36 : memref<448x128xf32, #tpu.memory_space<hbm>>)
    %dma_start3A_37 = arith.constant 896 : i32
    %dma_start3A_38 = tpu.memref_slice %arg5[%dma_start3A_37] : memref<1792xi32, #tpu.memory_space<vmem>> -> memref<448xi32, #tpu.memory_space<vmem>>
    %dma_start3A_39 = arith.constant 0 : i32
    %dma_start3A_40 = arith.constant 0 : i32
    %dma_start3A_41 = tpu.memref_slice %arg2[%dma_start3A_39, %dma_start3A_40] : memref<8192x128xf32, #tpu.memory_space<hbm>> -> memref<8192x128xf32, #tpu.memory_space<hbm>>
    tpu.enqueue_indirect_dma source(%dma_start3A_41 : memref<8192x128xf32, #tpu.memory_space<hbm>>) target(%arg6 : memref<448x128xf32, #tpu.memory_space<vmem>>) offsets(%dma_start3A_38 : memref<448xi32, #tpu.memory_space<vmem>>) semaphore(%arg8 : memref<!tpu.dma_semaphore, #tpu.memory_space<semaphore_mem>>)
    %dma_wait3A_42 = arith.constant 896 : i32
    %dma_wait3A_43 = tpu.memref_slice %arg5[%dma_wait3A_42] : memref<1792xi32, #tpu.memory_space<vmem>> -> memref<448xi32, #tpu.memory_space<vmem>>
    %dma_wait3A_44 = arith.constant 0 : i32
    %dma_wait3A_45 = arith.constant 0 : i32
    %dma_wait3A_46 = tpu.memref_slice %arg2[%dma_wait3A_44, %dma_wait3A_45] : memref<8192x128xf32, #tpu.memory_space<hbm>> -> memref<8192x128xf32, #tpu.memory_space<hbm>>
    tpu.wait_indirect_dma semaphore(%arg8 : memref<!tpu.dma_semaphore, #tpu.memory_space<semaphore_mem>>) src(%dma_wait3A_46 : memref<8192x128xf32, #tpu.memory_space<hbm>>) dst(%arg6 : memref<448x128xf32, #tpu.memory_space<vmem>>)
    %add3A_47 = arith.constant 896 : i32
    %add3A_48 = arith.addi %mul3A_2, %add3A_47 : i32
    %dma_start3A_49 = arith.constant 0 : i32
    %dma_start3A_50 = tpu.memref_slice %arg4[%add3A_48, %dma_start3A_49] : memref<57344x128xf32, #tpu.memory_space<hbm>> -> memref<448x128xf32, #tpu.memory_space<hbm>>
    %dma_start3A_51 = arith.constant 0 : i32
    %dma_start3A_52 = tpu.memref_slice %arg4[%add3A_48, %dma_start3A_51] : memref<57344x128xf32, #tpu.memory_space<hbm>> -> memref<448x128xf32, #tpu.memory_space<hbm>>
    tpu.enqueue_dma source(%arg6 : memref<448x128xf32, #tpu.memory_space<vmem>>) target(%dma_start3A_52 : memref<448x128xf32, #tpu.memory_space<hbm>>) target_semaphore(%arg9 : memref<!tpu.dma_semaphore, #tpu.memory_space<semaphore_mem>>)
    %dma_wait3A_53 = arith.constant 0 : i32
    %dma_wait3A_54 = tpu.memref_slice %arg4[%add3A_28, %dma_wait3A_53] : memref<57344x128xf32, #tpu.memory_space<hbm>> -> memref<448x128xf32, #tpu.memory_space<hbm>>
    %dma_wait3A_55 = arith.constant 0 : i32
    %dma_wait3A_56 = tpu.memref_slice %arg4[%add3A_28, %dma_wait3A_55] : memref<57344x128xf32, #tpu.memory_space<hbm>> -> memref<448x128xf32, #tpu.memory_space<hbm>>
    tpu.wait_dma2 semaphore(%arg10 : memref<!tpu.dma_semaphore, #tpu.memory_space<semaphore_mem>>) src(%arg7 : memref<448x128xf32, #tpu.memory_space<vmem>>) dst(%dma_wait3A_56 : memref<448x128xf32, #tpu.memory_space<hbm>>)
    %dma_start3A_57 = arith.constant 1344 : i32
    %dma_start3A_58 = tpu.memref_slice %arg5[%dma_start3A_57] : memref<1792xi32, #tpu.memory_space<vmem>> -> memref<448xi32, #tpu.memory_space<vmem>>
    %dma_start3A_59 = arith.constant 0 : i32
    %dma_start3A_60 = arith.constant 0 : i32
    %dma_start3A_61 = tpu.memref_slice %arg2[%dma_start3A_59, %dma_start3A_60] : memref<8192x128xf32, #tpu.memory_space<hbm>> -> memref<8192x128xf32, #tpu.memory_space<hbm>>
    tpu.enqueue_indirect_dma source(%dma_start3A_61 : memref<8192x128xf32, #tpu.memory_space<hbm>>) target(%arg7 : memref<448x128xf32, #tpu.memory_space<vmem>>) offsets(%dma_start3A_58 : memref<448xi32, #tpu.memory_space<vmem>>) semaphore(%arg8 : memref<!tpu.dma_semaphore, #tpu.memory_space<semaphore_mem>>)
    %dma_wait3A_62 = arith.constant 1344 : i32
    %dma_wait3A_63 = tpu.memref_slice %arg5[%dma_wait3A_62] : memref<1792xi32, #tpu.memory_space<vmem>> -> memref<448xi32, #tpu.memory_space<vmem>>
    %dma_wait3A_64 = arith.constant 0 : i32
    %dma_wait3A_65 = arith.constant 0 : i32
    %dma_wait3A_66 = tpu.memref_slice %arg2[%dma_wait3A_64, %dma_wait3A_65] : memref<8192x128xf32, #tpu.memory_space<hbm>> -> memref<8192x128xf32, #tpu.memory_space<hbm>>
    tpu.wait_indirect_dma semaphore(%arg8 : memref<!tpu.dma_semaphore, #tpu.memory_space<semaphore_mem>>) src(%dma_wait3A_66 : memref<8192x128xf32, #tpu.memory_space<hbm>>) dst(%arg7 : memref<448x128xf32, #tpu.memory_space<vmem>>)
    %add3A_67 = arith.constant 1344 : i32
    %add3A_68 = arith.addi %mul3A_2, %add3A_67 : i32
    %dma_start3A_69 = arith.constant 0 : i32
    %dma_start3A_70 = tpu.memref_slice %arg4[%add3A_68, %dma_start3A_69] : memref<57344x128xf32, #tpu.memory_space<hbm>> -> memref<448x128xf32, #tpu.memory_space<hbm>>
    %dma_start3A_71 = arith.constant 0 : i32
    %dma_start3A_72 = tpu.memref_slice %arg4[%add3A_68, %dma_start3A_71] : memref<57344x128xf32, #tpu.memory_space<hbm>> -> memref<448x128xf32, #tpu.memory_space<hbm>>
    tpu.enqueue_dma source(%arg7 : memref<448x128xf32, #tpu.memory_space<vmem>>) target(%dma_start3A_72 : memref<448x128xf32, #tpu.memory_space<hbm>>) target_semaphore(%arg10 : memref<!tpu.dma_semaphore, #tpu.memory_space<semaphore_mem>>)
    %dma_wait3A_73 = arith.constant 0 : i32
    %dma_wait3A_74 = tpu.memref_slice %arg4[%add3A_48, %dma_wait3A_73] : memref<57344x128xf32, #tpu.memory_space<hbm>> -> memref<448x128xf32, #tpu.memory_space<hbm>>
    %dma_wait3A_75 = arith.constant 0 : i32
    %dma_wait3A_76 = tpu.memref_slice %arg4[%add3A_48, %dma_wait3A_75] : memref<57344x128xf32, #tpu.memory_space<hbm>> -> memref<448x128xf32, #tpu.memory_space<hbm>>
    tpu.wait_dma2 semaphore(%arg9 : memref<!tpu.dma_semaphore, #tpu.memory_space<semaphore_mem>>) src(%arg6 : memref<448x128xf32, #tpu.memory_space<vmem>>) dst(%dma_wait3A_76 : memref<448x128xf32, #tpu.memory_space<hbm>>)
    %dma_wait3A_77 = arith.constant 0 : i32
    %dma_wait3A_78 = tpu.memref_slice %arg4[%add3A_68, %dma_wait3A_77] : memref<57344x128xf32, #tpu.memory_space<hbm>> -> memref<448x128xf32, #tpu.memory_space<hbm>>
    %dma_wait3A_79 = arith.constant 0 : i32
    %dma_wait3A_80 = tpu.memref_slice %arg4[%add3A_68, %dma_wait3A_79] : memref<57344x128xf32, #tpu.memory_space<hbm>> -> memref<448x128xf32, #tpu.memory_space<hbm>>
    tpu.wait_dma2 semaphore(%arg10 : memref<!tpu.dma_semaphore, #tpu.memory_space<semaphore_mem>>) src(%arg7 : memref<448x128xf32, #tpu.memory_space<vmem>>) dst(%dma_wait3A_80 : memref<448x128xf32, #tpu.memory_space<hbm>>)
    return
  }
}

module attributes {stable_mosaic.version = 14 : i64} {
  func.func @_fstats_kernel(%arg0: i32, %arg1: memref<8x16x128xf32, #tpu.memory_space<vmem>>, %arg2: memref<8x1x128xf32, #tpu.memory_space<vmem>>, %arg3: memref<2x16xf32, #tpu.memory_space<vmem>>) attributes {dimension_semantics = [#tpu.dimension_semantics<arbitrary>], iteration_bounds = array<i64: 32>, scalar_prefetch = 0 : i64, scratch_operands = 0 : i64, tpu.core_type = #tpu.core_type<tc>, window_params = [{transform_indices = @transform_0, window_bounds = array<i64: 8, 16, 128>}, {transform_indices = @transform_1, window_bounds = array<i64: 8, 1, 128>}, {pipeline_mode = #tpu.pipeline_mode<synchronous>, transform_indices = @transform_2, window_bounds = array<i64: 2, 16>}]} {
    %get3A = arith.constant 0 : index
    %get3A_0 = arith.constant 0 : index
    %get3A_1 = arith.constant 0 : index
    %get3A_2 = vector.load %arg1[%get3A, %get3A_0, %get3A_1] : memref<8x16x128xf32, #tpu.memory_space<vmem>>, vector<8x16x128xf32>
    %get3A_3 = arith.constant 0 : index
    %get3A_4 = arith.constant 0 : index
    %get3A_5 = arith.constant 0 : index
    %get3A_6 = vector.load %arg2[%get3A_3, %get3A_4, %get3A_5] : memref<8x1x128xf32, #tpu.memory_space<vmem>>, vector<8x1x128xf32>
    %mul3A = vector.broadcast %get3A_6 : vector<8x1x128xf32> to vector<8x16x128xf32>
    %mul3A_7 = arith.mulf %get3A_2, %mul3A : vector<8x16x128xf32>
    %reduce_sum3A = arith.constant dense<0.000000e+00> : vector<16xf32>
    %reduce_sum3A_8 = vector.multi_reduction <add>, %mul3A_7, %reduce_sum3A [0, 2] : vector<8x16x128xf32> to vector<16xf32>
    %mul3A_9 = arith.mulf %mul3A_7, %mul3A_7 : vector<8x16x128xf32>
    %reduce_sum3A_10 = arith.constant dense<0.000000e+00> : vector<16xf32>
    %reduce_sum3A_11 = vector.multi_reduction <add>, %mul3A_9, %reduce_sum3A_10 [0, 2] : vector<8x16x128xf32> to vector<16xf32>
    %broadcast_in_dim3A = vector.shape_cast %reduce_sum3A_8 : vector<16xf32> to vector<1x16xf32>
    %broadcast_in_dim3A_12 = vector.shape_cast %reduce_sum3A_11 : vector<16xf32> to vector<1x16xf32>
    %concatenate3A = tpu.concatenate %broadcast_in_dim3A, %broadcast_in_dim3A_12 in 0 : vector<1x16xf32>, vector<1x16xf32> -> vector<2x16xf32>
    %eq3A = arith.constant 0 : i32
    %eq3A_13 = arith.cmpi eq, %arg0, %eq3A : i32
    %convert_element_type3A = arith.extui %eq3A_13 : i1 to i32
    %cond3A = arith.constant 0 : i32
    %cond3A_14 = arith.cmpi ne, %convert_element_type3A, %cond3A : i32
    scf.if %cond3A_14 {
      %broadcast_in_dim3A_20 = arith.constant 0.000000e+00 : f32
      %broadcast_in_dim3A_21 = vector.broadcast %broadcast_in_dim3A_20 : f32 to vector<2x16xf32>
      %swap3A_22 = arith.constant 0 : index
      %swap3A_23 = arith.constant 0 : index
      %swap3A_24 = vector.load %arg3[%swap3A_22, %swap3A_23] : memref<2x16xf32, #tpu.memory_space<vmem>>, vector<2x16xf32>
      tpu.vector_store %arg3[%swap3A_22, %swap3A_23], %broadcast_in_dim3A_21 {strides = array<i32>} : memref<2x16xf32, #tpu.memory_space<vmem>>, vector<2x16xf32>,
    } else {
    }
    %get3A_15 = arith.constant 0 : index
    %get3A_16 = arith.constant 0 : index
    %get3A_17 = vector.load %arg3[%get3A_15, %get3A_16] : memref<2x16xf32, #tpu.memory_space<vmem>>, vector<2x16xf32>
    %add3A = arith.addf %get3A_17, %concatenate3A : vector<2x16xf32>
    %swap3A = arith.constant 0 : index
    %swap3A_18 = arith.constant 0 : index
    %swap3A_19 = vector.load %arg3[%swap3A, %swap3A_18] : memref<2x16xf32, #tpu.memory_space<vmem>>, vector<2x16xf32>
    tpu.vector_store %arg3[%swap3A, %swap3A_18], %add3A {strides = array<i32>} : memref<2x16xf32, #tpu.memory_space<vmem>>, vector<2x16xf32>,
    return
  }
  func.func @transform_0(%arg0: i32) -> (i32, i32, i32) {
    %c0_i32 = arith.constant 0 : i32
    %c0_i32_0 = arith.constant 0 : i32
    %c0_i32_1 = arith.constant 0 : i32
    return %arg0, %c0_i32, %c0_i32_0 : i32, i32, i32
  }
  func.func @transform_1(%arg0: i32) -> (i32, i32, i32) {
    %c0_i32 = arith.constant 0 : i32
    %c0_i32_0 = arith.constant 0 : i32
    %c0_i32_1 = arith.constant 0 : i32
    return %arg0, %c0_i32, %c0_i32_0 : i32, i32, i32
  }
  func.func @transform_2(%arg0: i32) -> (i32, i32) {
    %c0_i32 = arith.constant 0 : i32
    %c0_i32_0 = arith.constant 0 : i32
    %c0_i32_1 = arith.constant 0 : i32
    return %c0_i32, %c0_i32_0 : i32, i32
  }
}

module attributes {stable_mosaic.version = 14 : i64} {
  func.func @_ec_front_kernel(%arg0: i32, %arg1: memref<4x2x128xf32, #tpu.memory_space<vmem>>, %arg2: memref<4x16x128xf32, #tpu.memory_space<vmem>>, %arg3: memref<4x1x128xf32, #tpu.memory_space<vmem>>, %arg4: memref<32x16xf32, #tpu.memory_space<vmem>>, %arg5: memref<32x16xf32, #tpu.memory_space<vmem>>, %arg6: memref<32x16xf32, #tpu.memory_space<vmem>>, %arg7: memref<32x1xf32, #tpu.memory_space<vmem>>, %arg8: memref<32x1xf32, #tpu.memory_space<vmem>>, %arg9: memref<32x1xf32, #tpu.memory_space<vmem>>, %arg10: memref<4x32x896xf32, #tpu.memory_space<vmem>>, %arg11: memref<4x32x128xf32, #tpu.memory_space<vmem>>, %arg12: memref<4x32xf32, #tpu.memory_space<vmem>>) attributes {dimension_semantics = [#tpu.dimension_semantics<arbitrary>], iteration_bounds = array<i64: 64>, scalar_prefetch = 0 : i64, scratch_operands = 0 : i64, tpu.core_type = #tpu.core_type<tc>, window_params = [{transform_indices = @transform_0, window_bounds = array<i64: 4, 2, 128>}, {transform_indices = @transform_1, window_bounds = array<i64: 4, 16, 128>}, {transform_indices = @transform_2, window_bounds = array<i64: 4, 1, 128>}, {pipeline_mode = #tpu.pipeline_mode<synchronous>, transform_indices = @transform_3, window_bounds = array<i64: 32, 16>}, {pipeline_mode = #tpu.pipeline_mode<synchronous>, transform_indices = @transform_4, window_bounds = array<i64: 32, 16>}, {pipeline_mode = #tpu.pipeline_mode<synchronous>, transform_indices = @transform_5, window_bounds = array<i64: 32, 16>}, {pipeline_mode = #tpu.pipeline_mode<synchronous>, transform_indices = @transform_6, window_bounds = array<i64: 32, 1>}, {pipeline_mode = #tpu.pipeline_mode<synchronous>, transform_indices = @transform_7, window_bounds = array<i64: 32, 1>}, {pipeline_mode = #tpu.pipeline_mode<synchronous>, transform_indices = @transform_8, window_bounds = array<i64: 32, 1>}, {transform_indices = @transform_9, window_bounds = array<i64: 4, 32, 896>}, {transform_indices = @transform_10, window_bounds = array<i64: 4, 32, 128>}, {pipeline_mode = #tpu.pipeline_mode<synchronous>, transform_indices = @transform_11, window_bounds = array<i64: 4, 32>}]} {
    %get3A = arith.constant 0 : index
    %get3A_0 = arith.constant 0 : index
    %get3A_1 = arith.constant 0 : index
    %get3A_2 = vector.load %arg3[%get3A, %get3A_0, %get3A_1] : memref<4x1x128xf32, #tpu.memory_space<vmem>>, vector<4x1x128xf32>
    %get3A_3 = arith.constant 0 : index
    %get3A_4 = arith.constant 0 : index
    %get3A_5 = arith.constant 0 : index
    %get3A_6 = vector.load %arg2[%get3A_3, %get3A_4, %get3A_5] : memref<4x16x128xf32, #tpu.memory_space<vmem>>, vector<4x16x128xf32>
    %mul3A = vector.broadcast %get3A_2 : vector<4x1x128xf32> to vector<4x16x128xf32>
    %mul3A_7 = arith.mulf %get3A_6, %mul3A : vector<4x16x128xf32>
    %get3A_8 = arith.constant 0 : index
    %get3A_9 = arith.constant 0 : index
    %get3A_10 = arith.constant 0 : index
    %get3A_11 = vector.load %arg1[%get3A_8, %get3A_9, %get3A_10] : memref<4x2x128xf32, #tpu.memory_space<vmem>>, vector<4x2x128xf32>
    %mul3A_12 = vector.broadcast %get3A_2 : vector<4x1x128xf32> to vector<4x2x128xf32>
    %mul3A_13 = arith.mulf %get3A_11, %mul3A_12 : vector<4x2x128xf32>
    %eq3A = arith.constant 0.000000e+00 : f32
    %eq3A_14 = vector.broadcast %eq3A : f32 to vector<4x1x128xf32>
    %eq3A_15 = arith.cmpf oeq, %get3A_2, %eq3A_14 : vector<4x1x128xf32>
    %jit3A = arith.constant 1.000000e+09 : f32
    %jit3A_16 = arith.constant 0.000000e+00 : f32
    %broadcast_in_dim3A = vector.broadcast %jit3A : f32 to vector<4x1x128xf32>
    %broadcast_in_dim3A_17 = vector.broadcast %jit3A_16 : f32 to vector<4x1x128xf32>
    %select_n3A = arith.select %eq3A_15, %broadcast_in_dim3A, %broadcast_in_dim3A_17 : vector<4x1x128xi1>, vector<4x1x128xf32>
    %add3A = vector.broadcast %select_n3A : vector<4x1x128xf32> to vector<4x2x128xf32>
    %add3A_18 = arith.addf %mul3A_13, %add3A : vector<4x2x128xf32>
    %mul3A_19 = arith.mulf %add3A_18, %add3A_18 : vector<4x2x128xf32>
    %reduce_sum3A = arith.constant dense<0.000000e+00> : vector<4x128xf32>
    %reduce_sum3A_20 = vector.multi_reduction <add>, %mul3A_19, %reduce_sum3A [1] : vector<4x2x128xf32> to vector<4x128xf32>
    %dot_general3A = arith.constant dense<0.000000e+00> : vector<4x128x128xf32>
    %dot_general3A_21 = tpu.matmul %add3A_18, %add3A_18, %dot_general3A {dimension_numbers = #tpu.dot_dimension_numbers<[1], [1], [2], [2], [0, 0, 0, 2, 1, 2], [0], [0]>, transpose_lhs_hint = false} : vector<4x2x128xf32>, vector<4x2x128xf32>, vector<4x128x128xf32> -> vector<4x128x128xf32>
    %broadcast_in_dim3A_22 = vector.shape_cast %reduce_sum3A_20 : vector<4x128xf32> to vector<4x1x128xf32>
    %mul3A_23 = arith.constant 2.000000e+00 : f32
    %mul3A_24 = vector.broadcast %mul3A_23 : f32 to vector<4x128x128xf32>
    %mul3A_25 = arith.mulf %mul3A_24, %dot_general3A_21 : vector<4x128x128xf32>
    %sub3A = vector.broadcast %broadcast_in_dim3A_22 : vector<4x1x128xf32> to vector<4x128x128xf32>
    %sub3A_26 = arith.subf %sub3A, %mul3A_25 : vector<4x128x128xf32>
    %broadcast_in_dim3A_27 = vector.shape_cast %reduce_sum3A_20 : vector<4x128xf32> to vector<4x128x1xf32>
    %add3A_28 = vector.broadcast %broadcast_in_dim3A_27 : vector<4x128x1xf32> to vector<4x128x128xf32>
    %add3A_29 = arith.addf %sub3A_26, %add3A_28 : vector<4x128x128xf32>
    %neg3A = arith.constant 0.000000e+00 : f32
    %neg3A_30 = vector.broadcast %neg3A : f32 to vector<4x128x128xf32>
    %neg3A_31 = arith.subf %neg3A_30, %add3A_29 : vector<4x128x128xf32>
    %iota3A = tpu.iota {dimensions = array<i32: 1>} : vector<4x128x128xi32>
    %reduce_max3A = arith.constant dense<0xFF800000> : vector<4x128xf32>
    %reduce_max3A_32 = vector.multi_reduction <maximumf>, %neg3A_31, %reduce_max3A [1] : vector<4x128x128xf32> to vector<4x128xf32>
    %broadcast_in_dim3A_33 = vector.shape_cast %reduce_max3A_32 : vector<4x128xf32> to vector<4x1x128xf32>
    %eq3A_34 = vector.broadcast %broadcast_in_dim3A_33 : vector<4x1x128xf32> to vector<4x128x128xf32>
    %eq3A_35 = arith.cmpf oeq, %neg3A_31, %eq3A_34 : vector<4x128x128xf32>
    %jit3A_36 = arith.constant 128 : i32
    %broadcast_in_dim3A_37 = vector.broadcast %jit3A_36 : i32 to vector<4x128x128xi32>
    %select_n3A_38 = arith.select %eq3A_35, %iota3A, %broadcast_in_dim3A_37 : vector<4x128x128xi1>, vector<4x128x128xi32>
    %reduce_min3A = arith.constant dense<2147483647> : vector<4x128xi32>
    %reduce_min3A_39 = vector.multi_reduction <minsi>, %select_n3A_38, %reduce_min3A [1] : vector<4x128x128xi32> to vector<4x128xi32>
    %broadcast_in_dim3A_40 = vector.shape_cast %reduce_min3A_39 : vector<4x128xi32> to vector<4x1x128xi32>
    %eq3A_41 = vector.broadcast %broadcast_in_dim3A_40 : vector<4x1x128xi32> to vector<4x128x128xi32>
    %eq3A_42 = arith.cmpi eq, %iota3A, %eq3A_41 : vector<4x128x128xi32>
    %jit3A_43 = arith.constant 0xFF800000 : f32
    %broadcast_in_dim3A_44 = vector.broadcast %jit3A_43 : f32 to vector<4x128x128xf32>
    %select_n3A_45 = arith.select %eq3A_42, %broadcast_in_dim3A_44, %neg3A_31 : vector<4x128x128xi1>, vector<4x128x128xf32>
    %reduce_max3A_46 = arith.constant dense<0xFF800000> : vector<4x128xf32>
    %reduce_max3A_47 = vector.multi_reduction <maximumf>, %select_n3A_45, %reduce_max3A_46 [1] : vector<4x128x128xf32> to vector<4x128xf32>
    %broadcast_in_dim3A_48 = vector.shape_cast %reduce_max3A_47 : vector<4x128xf32> to vector<4x1x128xf32>
    %eq3A_49 = vector.broadcast %broadcast_in_dim3A_48 : vector<4x1x128xf32> to vector<4x128x128xf32>
    %eq3A_50 = arith.cmpf oeq, %select_n3A_45, %eq3A_49 : vector<4x128x128xf32>
    %jit3A_51 = arith.constant 128 : i32
    %broadcast_in_dim3A_52 = vector.broadcast %jit3A_51 : i32 to vector<4x128x128xi32>
    %select_n3A_53 = arith.select %eq3A_50, %iota3A, %broadcast_in_dim3A_52 : vector<4x128x128xi1>, vector<4x128x128xi32>
    %reduce_min3A_54 = arith.constant dense<2147483647> : vector<4x128xi32>
    %reduce_min3A_55 = vector.multi_reduction <minsi>, %select_n3A_53, %reduce_min3A_54 [1] : vector<4x128x128xi32> to vector<4x128xi32>
    %broadcast_in_dim3A_56 = vector.shape_cast %reduce_min3A_55 : vector<4x128xi32> to vector<4x1x128xi32>
    %eq3A_57 = vector.broadcast %broadcast_in_dim3A_56 : vector<4x1x128xi32> to vector<4x128x128xi32>
    %eq3A_58 = arith.cmpi eq, %iota3A, %eq3A_57 : vector<4x128x128xi32>
    %convert_element_type3A = arith.extui %eq3A_58 : vector<4x128x128xi1> to vector<4x128x128xi32>
    %convert_element_type3A_59 = arith.sitofp %convert_element_type3A : vector<4x128x128xi32> to vector<4x128x128xf32>
    %jit3A_60 = arith.constant 0xFF800000 : f32
    %broadcast_in_dim3A_61 = vector.broadcast %jit3A_60 : f32 to vector<4x128x128xf32>
    %select_n3A_62 = arith.select %eq3A_58, %broadcast_in_dim3A_61, %select_n3A_45 : vector<4x128x128xi1>, vector<4x128x128xf32>
    %reduce_max3A_63 = arith.constant dense<0xFF800000> : vector<4x128xf32>
    %reduce_max3A_64 = vector.multi_reduction <maximumf>, %select_n3A_62, %reduce_max3A_63 [1] : vector<4x128x128xf32> to vector<4x128xf32>
    %broadcast_in_dim3A_65 = vector.shape_cast %reduce_max3A_64 : vector<4x128xf32> to vector<4x1x128xf32>
    %eq3A_66 = vector.broadcast %broadcast_in_dim3A_65 : vector<4x1x128xf32> to vector<4x128x128xf32>
    %eq3A_67 = arith.cmpf oeq, %select_n3A_62, %eq3A_66 : vector<4x128x128xf32>
    %jit3A_68 = arith.constant 128 : i32
    %broadcast_in_dim3A_69 = vector.broadcast %jit3A_68 : i32 to vector<4x128x128xi32>
    %select_n3A_70 = arith.select %eq3A_67, %iota3A, %broadcast_in_dim3A_69 : vector<4x128x128xi1>, vector<4x128x128xi32>
    %reduce_min3A_71 = arith.constant dense<2147483647> : vector<4x128xi32>
    %reduce_min3A_72 = vector.multi_reduction <minsi>, %select_n3A_70, %reduce_min3A_71 [1] : vector<4x128x128xi32> to vector<4x128xi32>
    %broadcast_in_dim3A_73 = vector.shape_cast %reduce_min3A_72 : vector<4x128xi32> to vector<4x1x128xi32>
    %eq3A_74 = vector.broadcast %broadcast_in_dim3A_73 : vector<4x1x128xi32> to vector<4x128x128xi32>
    %eq3A_75 = arith.cmpi eq, %iota3A, %eq3A_74 : vector<4x128x128xi32>
    %convert_element_type3A_76 = arith.extui %eq3A_75 : vector<4x128x128xi1> to vector<4x128x128xi32>
    %convert_element_type3A_77 = arith.sitofp %convert_element_type3A_76 : vector<4x128x128xi32> to vector<4x128x128xf32>
    %jit3A_78 = arith.constant 0xFF800000 : f32
    %broadcast_in_dim3A_79 = vector.broadcast %jit3A_78 : f32 to vector<4x128x128xf32>
    %select_n3A_80 = arith.select %eq3A_75, %broadcast_in_dim3A_79, %select_n3A_62 : vector<4x128x128xi1>, vector<4x128x128xf32>
    %reduce_max3A_81 = arith.constant dense<0xFF800000> : vector<4x128xf32>
    %reduce_max3A_82 = vector.multi_reduction <maximumf>, %select_n3A_80, %reduce_max3A_81 [1] : vector<4x128x128xf32> to vector<4x128xf32>
    %broadcast_in_dim3A_83 = vector.shape_cast %reduce_max3A_82 : vector<4x128xf32> to vector<4x1x128xf32>
    %eq3A_84 = vector.broadcast %broadcast_in_dim3A_83 : vector<4x1x128xf32> to vector<4x128x128xf32>
    %eq3A_85 = arith.cmpf oeq, %select_n3A_80, %eq3A_84 : vector<4x128x128xf32>
    %jit3A_86 = arith.constant 128 : i32
    %broadcast_in_dim3A_87 = vector.broadcast %jit3A_86 : i32 to vector<4x128x128xi32>
    %select_n3A_88 = arith.select %eq3A_85, %iota3A, %broadcast_in_dim3A_87 : vector<4x128x128xi1>, vector<4x128x128xi32>
    %reduce_min3A_89 = arith.constant dense<2147483647> : vector<4x128xi32>
    %reduce_min3A_90 = vector.multi_reduction <minsi>, %select_n3A_88, %reduce_min3A_89 [1] : vector<4x128x128xi32> to vector<4x128xi32>
    %broadcast_in_dim3A_91 = vector.shape_cast %reduce_min3A_90 : vector<4x128xi32> to vector<4x1x128xi32>
    %eq3A_92 = vector.broadcast %broadcast_in_dim3A_91 : vector<4x1x128xi32> to vector<4x128x128xi32>
    %eq3A_93 = arith.cmpi eq, %iota3A, %eq3A_92 : vector<4x128x128xi32>
    %convert_element_type3A_94 = arith.extui %eq3A_93 : vector<4x128x128xi1> to vector<4x128x128xi32>
    %convert_element_type3A_95 = arith.sitofp %convert_element_type3A_94 : vector<4x128x128xi32> to vector<4x128x128xf32>
    %jit3A_96 = arith.constant 0xFF800000 : f32
    %broadcast_in_dim3A_97 = vector.broadcast %jit3A_96 : f32 to vector<4x128x128xf32>
    %select_n3A_98 = arith.select %eq3A_93, %broadcast_in_dim3A_97, %select_n3A_80 : vector<4x128x128xi1>, vector<4x128x128xf32>
    %reduce_max3A_99 = arith.constant dense<0xFF800000> : vector<4x128xf32>
    %reduce_max3A_100 = vector.multi_reduction <maximumf>, %select_n3A_98, %reduce_max3A_99 [1] : vector<4x128x128xf32> to vector<4x128xf32>
    %broadcast_in_dim3A_101 = vector.shape_cast %reduce_max3A_100 : vector<4x128xf32> to vector<4x1x128xf32>
    %eq3A_102 = vector.broadcast %broadcast_in_dim3A_101 : vector<4x1x128xf32> to vector<4x128x128xf32>
    %eq3A_103 = arith.cmpf oeq, %select_n3A_98, %eq3A_102 : vector<4x128x128xf32>
    %jit3A_104 = arith.constant 128 : i32
    %broadcast_in_dim3A_105 = vector.broadcast %jit3A_104 : i32 to vector<4x128x128xi32>
    %select_n3A_106 = arith.select %eq3A_103, %iota3A, %broadcast_in_dim3A_105 : vector<4x128x128xi1>, vector<4x128x128xi32>
    %reduce_min3A_107 = arith.constant dense<2147483647> : vector<4x128xi32>
    %reduce_min3A_108 = vector.multi_reduction <minsi>, %select_n3A_106, %reduce_min3A_107 [1] : vector<4x128x128xi32> to vector<4x128xi32>
    %broadcast_in_dim3A_109 = vector.shape_cast %reduce_min3A_108 : vector<4x128xi32> to vector<4x1x128xi32>
    %eq3A_110 = vector.broadcast %broadcast_in_dim3A_109 : vector<4x1x128xi32> to vector<4x128x128xi32>
    %eq3A_111 = arith.cmpi eq, %iota3A, %eq3A_110 : vector<4x128x128xi32>
    %convert_element_type3A_112 = arith.extui %eq3A_111 : vector<4x128x128xi1> to vector<4x128x128xi32>
    %convert_element_type3A_113 = arith.sitofp %convert_element_type3A_112 : vector<4x128x128xi32> to vector<4x128x128xf32>
    %jit3A_114 = arith.constant 0xFF800000 : f32
    %broadcast_in_dim3A_115 = vector.broadcast %jit3A_114 : f32 to vector<4x128x128xf32>
    %select_n3A_116 = arith.select %eq3A_111, %broadcast_in_dim3A_115, %select_n3A_98 : vector<4x128x128xi1>, vector<4x128x128xf32>
    %reduce_max3A_117 = arith.constant dense<0xFF800000> : vector<4x128xf32>
    %reduce_max3A_118 = vector.multi_reduction <maximumf>, %select_n3A_116, %reduce_max3A_117 [1] : vector<4x128x128xf32> to vector<4x128xf32>
    %broadcast_in_dim3A_119 = vector.shape_cast %reduce_max3A_118 : vector<4x128xf32> to vector<4x1x128xf32>
    %eq3A_120 = vector.broadcast %broadcast_in_dim3A_119 : vector<4x1x128xf32> to vector<4x128x128xf32>
    %eq3A_121 = arith.cmpf oeq, %select_n3A_116, %eq3A_120 : vector<4x128x128xf32>
    %jit3A_122 = arith.constant 128 : i32
    %broadcast_in_dim3A_123 = vector.broadcast %jit3A_122 : i32 to vector<4x128x128xi32>
    %select_n3A_124 = arith.select %eq3A_121, %iota3A, %broadcast_in_dim3A_123 : vector<4x128x128xi1>, vector<4x128x128xi32>
    %reduce_min3A_125 = arith.constant dense<2147483647> : vector<4x128xi32>
    %reduce_min3A_126 = vector.multi_reduction <minsi>, %select_n3A_124, %reduce_min3A_125 [1] : vector<4x128x128xi32> to vector<4x128xi32>
    %broadcast_in_dim3A_127 = vector.shape_cast %reduce_min3A_126 : vector<4x128xi32> to vector<4x1x128xi32>
    %eq3A_128 = vector.broadcast %broadcast_in_dim3A_127 : vector<4x1x128xi32> to vector<4x128x128xi32>
    %eq3A_129 = arith.cmpi eq, %iota3A, %eq3A_128 : vector<4x128x128xi32>
    %convert_element_type3A_130 = arith.extui %eq3A_129 : vector<4x128x128xi1> to vector<4x128x128xi32>
    %convert_element_type3A_131 = arith.sitofp %convert_element_type3A_130 : vector<4x128x128xi32> to vector<4x128x128xf32>
    %jit3A_132 = arith.constant 0xFF800000 : f32
    %broadcast_in_dim3A_133 = vector.broadcast %jit3A_132 : f32 to vector<4x128x128xf32>
    %select_n3A_134 = arith.select %eq3A_129, %broadcast_in_dim3A_133, %select_n3A_116 : vector<4x128x128xi1>, vector<4x128x128xf32>
    %reduce_max3A_135 = arith.constant dense<0xFF800000> : vector<4x128xf32>
    %reduce_max3A_136 = vector.multi_reduction <maximumf>, %select_n3A_134, %reduce_max3A_135 [1] : vector<4x128x128xf32> to vector<4x128xf32>
    %broadcast_in_dim3A_137 = vector.shape_cast %reduce_max3A_136 : vector<4x128xf32> to vector<4x1x128xf32>
    %eq3A_138 = vector.broadcast %broadcast_in_dim3A_137 : vector<4x1x128xf32> to vector<4x128x128xf32>
    %eq3A_139 = arith.cmpf oeq, %select_n3A_134, %eq3A_138 : vector<4x128x128xf32>
    %jit3A_140 = arith.constant 128 : i32
    %broadcast_in_dim3A_141 = vector.broadcast %jit3A_140 : i32 to vector<4x128x128xi32>
    %select_n3A_142 = arith.select %eq3A_139, %iota3A, %broadcast_in_dim3A_141 : vector<4x128x128xi1>, vector<4x128x128xi32>
    %reduce_min3A_143 = arith.constant dense<2147483647> : vector<4x128xi32>
    %reduce_min3A_144 = vector.multi_reduction <minsi>, %select_n3A_142, %reduce_min3A_143 [1] : vector<4x128x128xi32> to vector<4x128xi32>
    %broadcast_in_dim3A_145 = vector.shape_cast %reduce_min3A_144 : vector<4x128xi32> to vector<4x1x128xi32>
    %eq3A_146 = vector.broadcast %broadcast_in_dim3A_145 : vector<4x1x128xi32> to vector<4x128x128xi32>
    %eq3A_147 = arith.cmpi eq, %iota3A, %eq3A_146 : vector<4x128x128xi32>
    %convert_element_type3A_148 = arith.extui %eq3A_147 : vector<4x128x128xi1> to vector<4x128x128xi32>
    %convert_element_type3A_149 = arith.sitofp %convert_element_type3A_148 : vector<4x128x128xi32> to vector<4x128x128xf32>
    %jit3A_150 = arith.constant 0xFF800000 : f32
    %broadcast_in_dim3A_151 = vector.broadcast %jit3A_150 : f32 to vector<4x128x128xf32>
    %select_n3A_152 = arith.select %eq3A_147, %broadcast_in_dim3A_151, %select_n3A_134 : vector<4x128x128xi1>, vector<4x128x128xf32>
    %reduce_max3A_153 = arith.constant dense<0xFF800000> : vector<4x128xf32>
    %reduce_max3A_154 = vector.multi_reduction <maximumf>, %select_n3A_152, %reduce_max3A_153 [1] : vector<4x128x128xf32> to vector<4x128xf32>
    %broadcast_in_dim3A_155 = vector.shape_cast %reduce_max3A_154 : vector<4x128xf32> to vector<4x1x128xf32>
    %eq3A_156 = vector.broadcast %broadcast_in_dim3A_155 : vector<4x1x128xf32> to vector<4x128x128xf32>
    %eq3A_157 = arith.cmpf oeq, %select_n3A_152, %eq3A_156 : vector<4x128x128xf32>
    %jit3A_158 = arith.constant 128 : i32
    %broadcast_in_dim3A_159 = vector.broadcast %jit3A_158 : i32 to vector<4x128x128xi32>
    %select_n3A_160 = arith.select %eq3A_157, %iota3A, %broadcast_in_dim3A_159 : vector<4x128x128xi1>, vector<4x128x128xi32>
    %reduce_min3A_161 = arith.constant dense<2147483647> : vector<4x128xi32>
    %reduce_min3A_162 = vector.multi_reduction <minsi>, %select_n3A_160, %reduce_min3A_161 [1] : vector<4x128x128xi32> to vector<4x128xi32>
    %broadcast_in_dim3A_163 = vector.shape_cast %reduce_min3A_162 : vector<4x128xi32> to vector<4x1x128xi32>
    %eq3A_164 = vector.broadcast %broadcast_in_dim3A_163 : vector<4x1x128xi32> to vector<4x128x128xi32>
    %eq3A_165 = arith.cmpi eq, %iota3A, %eq3A_164 : vector<4x128x128xi32>
    %convert_element_type3A_166 = arith.extui %eq3A_165 : vector<4x128x128xi1> to vector<4x128x128xi32>
    %convert_element_type3A_167 = arith.sitofp %convert_element_type3A_166 : vector<4x128x128xi32> to vector<4x128x128xf32>
    %get3A_168 = arith.constant 0 : index
    %get3A_169 = arith.constant 0 : index
    %get3A_170 = vector.load %arg4[%get3A_168, %get3A_169] : memref<32x16xf32, #tpu.memory_space<vmem>>, vector<32x16xf32>
    "tpu.trace_start"() <{level = 10 : i32, message = "oc,bcn->bon"}> : () -> ()
    %dot_general3A_171 = arith.constant dense<0.000000e+00> : vector<4x128x32xf32>
    %dot_general3A_172 = tpu.matmul %mul3A_7, %get3A_170, %dot_general3A_171 {dimension_numbers = #tpu.dot_dimension_numbers<[1], [1], [0, 2], [0], [0, 0, 0, 2, 1, 0], [], []>, transpose_lhs_hint = false} : vector<4x16x128xf32>, vector<32x16xf32>, vector<4x128x32xf32> -> vector<4x128x32xf32>
    %transpose3A = tpu.transpose %dot_general3A_172, [0, 2, 1] : vector<4x128x32xf32> -> vector<4x32x128xf32>
    "tpu.trace_stop"() : () -> ()
    %get3A_173 = arith.constant 0 : index
    %get3A_174 = arith.constant 0 : index
    %get3A_175 = vector.load %arg7[%get3A_173, %get3A_174] : memref<32x1xf32, #tpu.memory_space<vmem>>, vector<32x1xf32>
    %broadcast_in_dim3A_176 = vector.shape_cast %get3A_175 : vector<32x1xf32> to vector<1x32x1xf32>
    %mul3A_177 = vector.broadcast %broadcast_in_dim3A_176 : vector<1x32x1xf32> to vector<4x32x128xf32>
    %mul3A_178 = vector.broadcast %get3A_2 : vector<4x1x128xf32> to vector<4x32x128xf32>
    %mul3A_179 = arith.mulf %mul3A_177, %mul3A_178 : vector<4x32x128xf32>
    %add3A_180 = arith.addf %transpose3A, %mul3A_179 : vector<4x32x128xf32>
    %get3A_181 = arith.constant 0 : index
    %get3A_182 = arith.constant 0 : index
    %get3A_183 = vector.load %arg5[%get3A_181, %get3A_182] : memref<32x16xf32, #tpu.memory_space<vmem>>, vector<32x16xf32>
    "tpu.trace_start"() <{level = 10 : i32, message = "oc,bcn->bon"}> : () -> ()
    %dot_general3A_184 = arith.constant dense<0.000000e+00> : vector<4x128x32xf32>
    %dot_general3A_185 = tpu.matmul %mul3A_7, %get3A_183, %dot_general3A_184 {dimension_numbers = #tpu.dot_dimension_numbers<[1], [1], [0, 2], [0], [0, 0, 0, 2, 1, 0], [], []>, transpose_lhs_hint = false} : vector<4x16x128xf32>, vector<32x16xf32>, vector<4x128x32xf32> -> vector<4x128x32xf32>
    %transpose3A_186 = tpu.transpose %dot_general3A_185, [0, 2, 1] : vector<4x128x32xf32> -> vector<4x32x128xf32>
    "tpu.trace_stop"() : () -> ()
    %get3A_187 = arith.constant 0 : index
    %get3A_188 = arith.constant 0 : index
    %get3A_189 = vector.load %arg8[%get3A_187, %get3A_188] : memref<32x1xf32, #tpu.memory_space<vmem>>, vector<32x1xf32>
    %broadcast_in_dim3A_190 = vector.shape_cast %get3A_189 : vector<32x1xf32> to vector<1x32x1xf32>
    %mul3A_191 = vector.broadcast %broadcast_in_dim3A_190 : vector<1x32x1xf32> to vector<4x32x128xf32>
    %mul3A_192 = vector.broadcast %get3A_2 : vector<4x1x128xf32> to vector<4x32x128xf32>
    %mul3A_193 = arith.mulf %mul3A_191, %mul3A_192 : vector<4x32x128xf32>
    %add3A_194 = arith.addf %transpose3A_186, %mul3A_193 : vector<4x32x128xf32>
    %get3A_195 = arith.constant 0 : index
    %get3A_196 = arith.constant 0 : index
    %get3A_197 = vector.load %arg6[%get3A_195, %get3A_196] : memref<32x16xf32, #tpu.memory_space<vmem>>, vector<32x16xf32>
    "tpu.trace_start"() <{level = 10 : i32, message = "oc,bcn->bon"}> : () -> ()
    %dot_general3A_198 = arith.constant dense<0.000000e+00> : vector<4x128x32xf32>
    %dot_general3A_199 = tpu.matmul %mul3A_7, %get3A_197, %dot_general3A_198 {dimension_numbers = #tpu.dot_dimension_numbers<[1], [1], [0, 2], [0], [0, 0, 0, 2, 1, 0], [], []>, transpose_lhs_hint = false} : vector<4x16x128xf32>, vector<32x16xf32>, vector<4x128x32xf32> -> vector<4x128x32xf32>
    %transpose3A_200 = tpu.transpose %dot_general3A_199, [0, 2, 1] : vector<4x128x32xf32> -> vector<4x32x128xf32>
    "tpu.trace_stop"() : () -> ()
    %get3A_201 = arith.constant 0 : index
    %get3A_202 = arith.constant 0 : index
    %get3A_203 = vector.load %arg9[%get3A_201, %get3A_202] : memref<32x1xf32, #tpu.memory_space<vmem>>, vector<32x1xf32>
    %broadcast_in_dim3A_204 = vector.shape_cast %get3A_203 : vector<32x1xf32> to vector<1x32x1xf32>
    %mul3A_205 = vector.broadcast %broadcast_in_dim3A_204 : vector<1x32x1xf32> to vector<4x32x128xf32>
    %mul3A_206 = vector.broadcast %get3A_2 : vector<4x1x128xf32> to vector<4x32x128xf32>
    %mul3A_207 = arith.mulf %mul3A_205, %mul3A_206 : vector<4x32x128xf32>
    %add3A_208 = arith.addf %transpose3A_200, %mul3A_207 : vector<4x32x128xf32>
    %dot_general3A_209 = arith.constant dense<0.000000e+00> : vector<4x32x128xf32>
    %dot_general3A_210 = tpu.matmul %add3A_194, %convert_element_type3A_59, %dot_general3A_209 {dimension_numbers = #tpu.dot_dimension_numbers<[2], [1], [1], [2], [0, 0, 0, 1, 1, 2], [0], [0]>, transpose_lhs_hint = false} : vector<4x32x128xf32>, vector<4x128x128xf32>, vector<4x32x128xf32> -> vector<4x32x128xf32>
    %add3A_211 = arith.addf %dot_general3A_210, %add3A_180 : vector<4x32x128xf32>
    %dot_general3A_212 = arith.constant dense<0.000000e+00> : vector<4x32x128xf32>
    %dot_general3A_213 = tpu.matmul %add3A_194, %convert_element_type3A_77, %dot_general3A_212 {dimension_numbers = #tpu.dot_dimension_numbers<[2], [1], [1], [2], [0, 0, 0, 1, 1, 2], [0], [0]>, transpose_lhs_hint = false} : vector<4x32x128xf32>, vector<4x128x128xf32>, vector<4x32x128xf32> -> vector<4x32x128xf32>
    %add3A_214 = arith.addf %dot_general3A_213, %add3A_180 : vector<4x32x128xf32>
    %dot_general3A_215 = arith.constant dense<0.000000e+00> : vector<4x32x128xf32>
    %dot_general3A_216 = tpu.matmul %add3A_194, %convert_element_type3A_95, %dot_general3A_215 {dimension_numbers = #tpu.dot_dimension_numbers<[2], [1], [1], [2], [0, 0, 0, 1, 1, 2], [0], [0]>, transpose_lhs_hint = false} : vector<4x32x128xf32>, vector<4x128x128xf32>, vector<4x32x128xf32> -> vector<4x32x128xf32>
    %add3A_217 = arith.addf %dot_general3A_216, %add3A_180 : vector<4x32x128xf32>
    %dot_general3A_218 = arith.constant dense<0.000000e+00> : vector<4x32x128xf32>
    %dot_general3A_219 = tpu.matmul %add3A_194, %convert_element_type3A_113, %dot_general3A_218 {dimension_numbers = #tpu.dot_dimension_numbers<[2], [1], [1], [2], [0, 0, 0, 1, 1, 2], [0], [0]>, transpose_lhs_hint = false} : vector<4x32x128xf32>, vector<4x128x128xf32>, vector<4x32x128xf32> -> vector<4x32x128xf32>
    %add3A_220 = arith.addf %dot_general3A_219, %add3A_180 : vector<4x32x128xf32>
    %dot_general3A_221 = arith.constant dense<0.000000e+00> : vector<4x32x128xf32>
    %dot_general3A_222 = tpu.matmul %add3A_194, %convert_element_type3A_131, %dot_general3A_221 {dimension_numbers = #tpu.dot_dimension_numbers<[2], [1], [1], [2], [0, 0, 0, 1, 1, 2], [0], [0]>, transpose_lhs_hint = false} : vector<4x32x128xf32>, vector<4x128x128xf32>, vector<4x32x128xf32> -> vector<4x32x128xf32>
    %add3A_223 = arith.addf %dot_general3A_222, %add3A_180 : vector<4x32x128xf32>
    %dot_general3A_224 = arith.constant dense<0.000000e+00> : vector<4x32x128xf32>
    %dot_general3A_225 = tpu.matmul %add3A_194, %convert_element_type3A_149, %dot_general3A_224 {dimension_numbers = #tpu.dot_dimension_numbers<[2], [1], [1], [2], [0, 0, 0, 1, 1, 2], [0], [0]>, transpose_lhs_hint = false} : vector<4x32x128xf32>, vector<4x128x128xf32>, vector<4x32x128xf32> -> vector<4x32x128xf32>
    %add3A_226 = arith.addf %dot_general3A_225, %add3A_180 : vector<4x32x128xf32>
    %dot_general3A_227 = arith.constant dense<0.000000e+00> : vector<4x32x128xf32>
    %dot_general3A_228 = tpu.matmul %add3A_194, %convert_element_type3A_167, %dot_general3A_227 {dimension_numbers = #tpu.dot_dimension_numbers<[2], [1], [1], [2], [0, 0, 0, 1, 1, 2], [0], [0]>, transpose_lhs_hint = false} : vector<4x32x128xf32>, vector<4x128x128xf32>, vector<4x32x128xf32> -> vector<4x32x128xf32>
    %add3A_229 = arith.addf %dot_general3A_228, %add3A_180 : vector<4x32x128xf32>
    %concatenate3A = tpu.concatenate %add3A_211, %add3A_214, %add3A_217, %add3A_220, %add3A_223, %add3A_226, %add3A_229 in 2 : vector<4x32x128xf32>, vector<4x32x128xf32>, vector<4x32x128xf32>, vector<4x32x128xf32>, vector<4x32x128xf32>, vector<4x32x128xf32>, vector<4x32x128xf32> -> vector<4x32x896xf32>
    %swap3A = arith.constant 0 : index
    %swap3A_230 = arith.constant 0 : index
    %swap3A_231 = arith.constant 0 : index
    %swap3A_232 = vector.load %arg10[%swap3A, %swap3A_230, %swap3A_231] : memref<4x32x896xf32, #tpu.memory_space<vmem>>, vector<4x32x896xf32>
    tpu.vector_store %arg10[%swap3A, %swap3A_230, %swap3A_231], %concatenate3A {strides = array<i32>} : memref<4x32x896xf32, #tpu.memory_space<vmem>>, vector<4x32x896xf32>,
    %swap3A_233 = arith.constant 0 : index
    %swap3A_234 = arith.constant 0 : index
    %swap3A_235 = arith.constant 0 : index
    %swap3A_236 = vector.load %arg11[%swap3A_233, %swap3A_234, %swap3A_235] : memref<4x32x128xf32, #tpu.memory_space<vmem>>, vector<4x32x128xf32>
    tpu.vector_store %arg11[%swap3A_233, %swap3A_234, %swap3A_235], %add3A_208 {strides = array<i32>} : memref<4x32x128xf32, #tpu.memory_space<vmem>>, vector<4x32x128xf32>,
    %reduce_sum3A_237 = arith.constant dense<0.000000e+00> : vector<32xf32>
    %reduce_sum3A_238 = vector.multi_reduction <add>, %concatenate3A, %reduce_sum3A_237 [0, 2] : vector<4x32x896xf32> to vector<32xf32>
    %broadcast_in_dim3A_239 = vector.shape_cast %reduce_sum3A_238 : vector<32xf32> to vector<1x32xf32>
    %mul3A_240 = arith.mulf %concatenate3A, %concatenate3A : vector<4x32x896xf32>
    %reduce_sum3A_241 = arith.constant dense<0.000000e+00> : vector<32xf32>
    %reduce_sum3A_242 = vector.multi_reduction <add>, %mul3A_240, %reduce_sum3A_241 [0, 2] : vector<4x32x896xf32> to vector<32xf32>
    %broadcast_in_dim3A_243 = vector.shape_cast %reduce_sum3A_242 : vector<32xf32> to vector<1x32xf32>
    %reduce_sum3A_244 = arith.constant dense<0.000000e+00> : vector<32xf32>
    %reduce_sum3A_245 = vector.multi_reduction <add>, %add3A_208, %reduce_sum3A_244 [0, 2] : vector<4x32x128xf32> to vector<32xf32>
    %broadcast_in_dim3A_246 = vector.shape_cast %reduce_sum3A_245 : vector<32xf32> to vector<1x32xf32>
    %mul3A_247 = arith.mulf %add3A_208, %add3A_208 : vector<4x32x128xf32>
    %reduce_sum3A_248 = arith.constant dense<0.000000e+00> : vector<32xf32>
    %reduce_sum3A_249 = vector.multi_reduction <add>, %mul3A_247, %reduce_sum3A_248 [0, 2] : vector<4x32x128xf32> to vector<32xf32>
    %broadcast_in_dim3A_250 = vector.shape_cast %reduce_sum3A_249 : vector<32xf32> to vector<1x32xf32>
    %concatenate3A_251 = tpu.concatenate %broadcast_in_dim3A_239, %broadcast_in_dim3A_243, %broadcast_in_dim3A_246, %broadcast_in_dim3A_250 in 0 : vector<1x32xf32>, vector<1x32xf32>, vector<1x32xf32>, vector<1x32xf32> -> vector<4x32xf32>
    %eq3A_252 = arith.constant 0 : i32
    %eq3A_253 = arith.cmpi eq, %arg0, %eq3A_252 : i32
    %convert_element_type3A_254 = arith.extui %eq3A_253 : i1 to i32
    %cond3A = arith.constant 0 : i32
    %cond3A_255 = arith.cmpi ne, %convert_element_type3A_254, %cond3A : i32
    scf.if %cond3A_255 {
      %broadcast_in_dim3A_263 = arith.constant 0.000000e+00 : f32
      %broadcast_in_dim3A_264 = vector.broadcast %broadcast_in_dim3A_263 : f32 to vector<4x32xf32>
      %swap3A_265 = arith.constant 0 : index
      %swap3A_266 = arith.constant 0 : index
      %swap3A_267 = vector.load %arg12[%swap3A_265, %swap3A_266] : memref<4x32xf32, #tpu.memory_space<vmem>>, vector<4x32xf32>
      tpu.vector_store %arg12[%swap3A_265, %swap3A_266], %broadcast_in_dim3A_264 {strides = array<i32>} : memref<4x32xf32, #tpu.memory_space<vmem>>, vector<4x32xf32>,
    } else {
    }
    %get3A_256 = arith.constant 0 : index
    %get3A_257 = arith.constant 0 : index
    %get3A_258 = vector.load %arg12[%get3A_256, %get3A_257] : memref<4x32xf32, #tpu.memory_space<vmem>>, vector<4x32xf32>
    %add3A_259 = arith.addf %get3A_258, %concatenate3A_251 : vector<4x32xf32>
    %swap3A_260 = arith.constant 0 : index
    %swap3A_261 = arith.constant 0 : index
    %swap3A_262 = vector.load %arg12[%swap3A_260, %swap3A_261] : memref<4x32xf32, #tpu.memory_space<vmem>>, vector<4x32xf32>
    tpu.vector_store %arg12[%swap3A_260, %swap3A_261], %add3A_259 {strides = array<i32>} : memref<4x32xf32, #tpu.memory_space<vmem>>, vector<4x32xf32>,
    return
  }
  func.func @transform_0(%arg0: i32) -> (i32, i32, i32) {
    %c0_i32 = arith.constant 0 : i32
    %c0_i32_0 = arith.constant 0 : i32
    %c0_i32_1 = arith.constant 0 : i32
    return %arg0, %c0_i32, %c0_i32_0 : i32, i32, i32
  }
  func.func @transform_1(%arg0: i32) -> (i32, i32, i32) {
    %c0_i32 = arith.constant 0 : i32
    %c0_i32_0 = arith.constant 0 : i32
    %c0_i32_1 = arith.constant 0 : i32
    return %arg0, %c0_i32, %c0_i32_0 : i32, i32, i32
  }
  func.func @transform_2(%arg0: i32) -> (i32, i32, i32) {
    %c0_i32 = arith.constant 0 : i32
    %c0_i32_0 = arith.constant 0 : i32
    %c0_i32_1 = arith.constant 0 : i32
    return %arg0, %c0_i32, %c0_i32_0 : i32, i32, i32
  }
  func.func @transform_3(%arg0: i32) -> (i32, i32) {
    %c0_i32 = arith.constant 0 : i32
    %c0_i32_0 = arith.constant 0 : i32
    %c0_i32_1 = arith.constant 0 : i32
    return %c0_i32, %c0_i32_0 : i32, i32
  }
  func.func @transform_4(%arg0: i32) -> (i32, i32) {
    %c0_i32 = arith.constant 0 : i32
    %c0_i32_0 = arith.constant 0 : i32
    %c0_i32_1 = arith.constant 0 : i32
    return %c0_i32, %c0_i32_0 : i32, i32
  }
  func.func @transform_5(%arg0: i32) -> (i32, i32) {
    %c0_i32 = arith.constant 0 : i32
    %c0_i32_0 = arith.constant 0 : i32
    %c0_i32_1 = arith.constant 0 : i32
    return %c0_i32, %c0_i32_0 : i32, i32
  }
  func.func @transform_6(%arg0: i32) -> (i32, i32) {
    %c0_i32 = arith.constant 0 : i32
    %c0_i32_0 = arith.constant 0 : i32
    %c0_i32_1 = arith.constant 0 : i32
    return %c0_i32, %c0_i32_0 : i32, i32
  }
  func.func @transform_7(%arg0: i32) -> (i32, i32) {
    %c0_i32 = arith.constant 0 : i32
    %c0_i32_0 = arith.constant 0 : i32
    %c0_i32_1 = arith.constant 0 : i32
    return %c0_i32, %c0_i32_0 : i32, i32
  }
  func.func @transform_8(%arg0: i32) -> (i32, i32) {
    %c0_i32 = arith.constant 0 : i32
    %c0_i32_0 = arith.constant 0 : i32
    %c0_i32_1 = arith.constant 0 : i32
    return %c0_i32, %c0_i32_0 : i32, i32
  }
  func.func @transform_9(%arg0: i32) -> (i32, i32, i32) {
    %c0_i32 = arith.constant 0 : i32
    %c0_i32_0 = arith.constant 0 : i32
    %c0_i32_1 = arith.constant 0 : i32
    return %arg0, %c0_i32, %c0_i32_0 : i32, i32, i32
  }
  func.func @transform_10(%arg0: i32) -> (i32, i32, i32) {
    %c0_i32 = arith.constant 0 : i32
    %c0_i32_0 = arith.constant 0 : i32
    %c0_i32_1 = arith.constant 0 : i32
    return %arg0, %c0_i32, %c0_i32_0 : i32, i32, i32
  }
  func.func @transform_11(%arg0: i32) -> (i32, i32) {
    %c0_i32 = arith.constant 0 : i32
    %c0_i32_0 = arith.constant 0 : i32
    %c0_i32_1 = arith.constant 0 : i32
    return %c0_i32, %c0_i32_0 : i32, i32
  }
}

module attributes {stable_mosaic.version = 14 : i64} {
  func.func @_layer_kernel(%arg0: i32, %arg1: memref<8x32x896xf32, #tpu.memory_space<vmem>>, %arg2: memref<32x1xf32, #tpu.memory_space<vmem>>, %arg3: memref<32x1xf32, #tpu.memory_space<vmem>>, %arg4: memref<32x32xf32, #tpu.memory_space<vmem>>, %arg5: memref<8x32x896xf32, #tpu.memory_space<vmem>>, %arg6: memref<2x32xf32, #tpu.memory_space<vmem>>) attributes {dimension_semantics = [#tpu.dimension_semantics<arbitrary>], iteration_bounds = array<i64: 32>, scalar_prefetch = 0 : i64, scratch_operands = 0 : i64, tpu.core_type = #tpu.core_type<tc>, window_params = [{transform_indices = @transform_0, window_bounds = array<i64: 8, 32, 896>}, {pipeline_mode = #tpu.pipeline_mode<synchronous>, transform_indices = @transform_1, window_bounds = array<i64: 32, 1>}, {pipeline_mode = #tpu.pipeline_mode<synchronous>, transform_indices = @transform_2, window_bounds = array<i64: 32, 1>}, {pipeline_mode = #tpu.pipeline_mode<synchronous>, transform_indices = @transform_3, window_bounds = array<i64: 32, 32>}, {transform_indices = @transform_4, window_bounds = array<i64: 8, 32, 896>}, {pipeline_mode = #tpu.pipeline_mode<synchronous>, transform_indices = @transform_5, window_bounds = array<i64: 2, 32>}]} {
    %get3A = arith.constant 0 : index
    %get3A_0 = arith.constant 0 : index
    %get3A_1 = vector.load %arg4[%get3A, %get3A_0] : memref<32x32xf32, #tpu.memory_space<vmem>>, vector<32x32xf32>
    %get3A_2 = arith.constant 0 : index
    %get3A_3 = arith.constant 0 : index
    %get3A_4 = vector.load %arg2[%get3A_2, %get3A_3] : memref<32x1xf32, #tpu.memory_space<vmem>>, vector<32x1xf32>
    %get3A_5 = arith.constant 0 : index
    %get3A_6 = arith.constant 0 : index
    %get3A_7 = vector.load %arg3[%get3A_5, %get3A_6] : memref<32x1xf32, #tpu.memory_space<vmem>>, vector<32x1xf32>
    %get3A_8 = arith.constant 0 : index
    %get3A_9 = arith.constant 0 : index
    %get3A_10 = arith.constant 0 : index
    %get3A_11 = vector.load %arg1[%get3A_8, %get3A_9, %get3A_10] : memref<8x32x896xf32, #tpu.memory_space<vmem>>, vector<1x32x896xf32>
    %get3A_12 = vector.shape_cast %get3A_11 : vector<1x32x896xf32> to vector<32x896xf32>
    %mul3A = vector.broadcast %get3A_4 : vector<32x1xf32> to vector<32x896xf32>
    %mul3A_13 = arith.mulf %mul3A, %get3A_12 : vector<32x896xf32>
    %add3A = vector.broadcast %get3A_7 : vector<32x1xf32> to vector<32x896xf32>
    %add3A_14 = arith.addf %mul3A_13, %add3A : vector<32x896xf32>
    %max3A = arith.constant 0.000000e+00 : f32
    %max3A_15 = vector.broadcast %max3A : f32 to vector<32x896xf32>
    %max3A_16 = arith.maximumf %add3A_14, %max3A_15 : vector<32x896xf32>
    %dot_general3A = arith.constant dense<0.000000e+00> : vector<32x896xf32>
    %dot_general3A_17 = tpu.matmul %get3A_1, %max3A_16, %dot_general3A {dimension_numbers = #tpu.dot_dimension_numbers<[1], [0], [0], [1], [0, 0, 1, 1], [], []>, transpose_lhs_hint = false} : vector<32x32xf32>, vector<32x896xf32>, vector<32x896xf32> -> vector<32x896xf32>
    %swap3A = arith.constant 0 : index
    %swap3A_18 = arith.constant 0 : index
    %swap3A_19 = arith.constant 0 : index
    %swap3A_20 = vector.load %arg5[%swap3A, %swap3A_18, %swap3A_19] : memref<8x32x896xf32, #tpu.memory_space<vmem>>, vector<1x32x896xf32>
    %swap3A_21 = vector.shape_cast %swap3A_20 : vector<1x32x896xf32> to vector<32x896xf32>
    %swap3A_22 = vector.shape_cast %dot_general3A_17 : vector<32x896xf32> to vector<1x32x896xf32>
    tpu.vector_store %arg5[%swap3A, %swap3A_18, %swap3A_19], %swap3A_22 {strides = array<i32>} : memref<8x32x896xf32, #tpu.memory_space<vmem>>, vector<1x32x896xf32>,
    %reduce_sum3A = arith.constant dense<0.000000e+00> : vector<32xf32>
    %reduce_sum3A_23 = vector.multi_reduction <add>, %dot_general3A_17, %reduce_sum3A [1] : vector<32x896xf32> to vector<32xf32>
    %add3A_24 = arith.constant 0.000000e+00 : f32
    %add3A_25 = vector.broadcast %add3A_24 : f32 to vector<32xf32>
    %add3A_26 = arith.addf %add3A_25, %reduce_sum3A_23 : vector<32xf32>
    %mul3A_27 = arith.mulf %dot_general3A_17, %dot_general3A_17 : vector<32x896xf32>
    %reduce_sum3A_28 = arith.constant dense<0.000000e+00> : vector<32xf32>
    %reduce_sum3A_29 = vector.multi_reduction <add>, %mul3A_27, %reduce_sum3A_28 [1] : vector<32x896xf32> to vector<32xf32>
    %add3A_30 = arith.constant 0.000000e+00 : f32
    %add3A_31 = vector.broadcast %add3A_30 : f32 to vector<32xf32>
    %add3A_32 = arith.addf %add3A_31, %reduce_sum3A_29 : vector<32xf32>
    %get3A_33 = arith.constant 1 : index
    %get3A_34 = arith.constant 0 : index
    %get3A_35 = arith.constant 0 : index
    %get3A_36 = vector.load %arg1[%get3A_33, %get3A_34, %get3A_35] : memref<8x32x896xf32, #tpu.memory_space<vmem>>, vector<1x32x896xf32>
    %get3A_37 = vector.shape_cast %get3A_36 : vector<1x32x896xf32> to vector<32x896xf32>
    %mul3A_38 = vector.broadcast %get3A_4 : vector<32x1xf32> to vector<32x896xf32>
    %mul3A_39 = arith.mulf %mul3A_38, %get3A_37 : vector<32x896xf32>
    %add3A_40 = vector.broadcast %get3A_7 : vector<32x1xf32> to vector<32x896xf32>
    %add3A_41 = arith.addf %mul3A_39, %add3A_40 : vector<32x896xf32>
    %max3A_42 = arith.constant 0.000000e+00 : f32
    %max3A_43 = vector.broadcast %max3A_42 : f32 to vector<32x896xf32>
    %max3A_44 = arith.maximumf %add3A_41, %max3A_43 : vector<32x896xf32>
    %dot_general3A_45 = arith.constant dense<0.000000e+00> : vector<32x896xf32>
    %dot_general3A_46 = tpu.matmul %get3A_1, %max3A_44, %dot_general3A_45 {dimension_numbers = #tpu.dot_dimension_numbers<[1], [0], [0], [1], [0, 0, 1, 1], [], []>, transpose_lhs_hint = false} : vector<32x32xf32>, vector<32x896xf32>, vector<32x896xf32> -> vector<32x896xf32>
    %swap3A_47 = arith.constant 1 : index
    %swap3A_48 = arith.constant 0 : index
    %swap3A_49 = arith.constant 0 : index
    %swap3A_50 = vector.load %arg5[%swap3A_47, %swap3A_48, %swap3A_49] : memref<8x32x896xf32, #tpu.memory_space<vmem>>, vector<1x32x896xf32>
    %swap3A_51 = vector.shape_cast %swap3A_50 : vector<1x32x896xf32> to vector<32x896xf32>
    %swap3A_52 = vector.shape_cast %dot_general3A_46 : vector<32x896xf32> to vector<1x32x896xf32>
    tpu.vector_store %arg5[%swap3A_47, %swap3A_48, %swap3A_49], %swap3A_52 {strides = array<i32>} : memref<8x32x896xf32, #tpu.memory_space<vmem>>, vector<1x32x896xf32>,
    %reduce_sum3A_53 = arith.constant dense<0.000000e+00> : vector<32xf32>
    %reduce_sum3A_54 = vector.multi_reduction <add>, %dot_general3A_46, %reduce_sum3A_53 [1] : vector<32x896xf32> to vector<32xf32>
    %add3A_55 = arith.addf %add3A_26, %reduce_sum3A_54 : vector<32xf32>
    %mul3A_56 = arith.mulf %dot_general3A_46, %dot_general3A_46 : vector<32x896xf32>
    %reduce_sum3A_57 = arith.constant dense<0.000000e+00> : vector<32xf32>
    %reduce_sum3A_58 = vector.multi_reduction <add>, %mul3A_56, %reduce_sum3A_57 [1] : vector<32x896xf32> to vector<32xf32>
    %add3A_59 = arith.addf %add3A_32, %reduce_sum3A_58 : vector<32xf32>
    %get3A_60 = arith.constant 2 : index
    %get3A_61 = arith.constant 0 : index
    %get3A_62 = arith.constant 0 : index
    %get3A_63 = vector.load %arg1[%get3A_60, %get3A_61, %get3A_62] : memref<8x32x896xf32, #tpu.memory_space<vmem>>, vector<1x32x896xf32>
    %get3A_64 = vector.shape_cast %get3A_63 : vector<1x32x896xf32> to vector<32x896xf32>
    %mul3A_65 = vector.broadcast %get3A_4 : vector<32x1xf32> to vector<32x896xf32>
    %mul3A_66 = arith.mulf %mul3A_65, %get3A_64 : vector<32x896xf32>
    %add3A_67 = vector.broadcast %get3A_7 : vector<32x1xf32> to vector<32x896xf32>
    %add3A_68 = arith.addf %mul3A_66, %add3A_67 : vector<32x896xf32>
    %max3A_69 = arith.constant 0.000000e+00 : f32
    %max3A_70 = vector.broadcast %max3A_69 : f32 to vector<32x896xf32>
    %max3A_71 = arith.maximumf %add3A_68, %max3A_70 : vector<32x896xf32>
    %dot_general3A_72 = arith.constant dense<0.000000e+00> : vector<32x896xf32>
    %dot_general3A_73 = tpu.matmul %get3A_1, %max3A_71, %dot_general3A_72 {dimension_numbers = #tpu.dot_dimension_numbers<[1], [0], [0], [1], [0, 0, 1, 1], [], []>, transpose_lhs_hint = false} : vector<32x32xf32>, vector<32x896xf32>, vector<32x896xf32> -> vector<32x896xf32>
    %swap3A_74 = arith.constant 2 : index
    %swap3A_75 = arith.constant 0 : index
    %swap3A_76 = arith.constant 0 : index
    %swap3A_77 = vector.load %arg5[%swap3A_74, %swap3A_75, %swap3A_76] : memref<8x32x896xf32, #tpu.memory_space<vmem>>, vector<1x32x896xf32>
    %swap3A_78 = vector.shape_cast %swap3A_77 : vector<1x32x896xf32> to vector<32x896xf32>
    %swap3A_79 = vector.shape_cast %dot_general3A_73 : vector<32x896xf32> to vector<1x32x896xf32>
    tpu.vector_store %arg5[%swap3A_74, %swap3A_75, %swap3A_76], %swap3A_79 {strides = array<i32>} : memref<8x32x896xf32, #tpu.memory_space<vmem>>, vector<1x32x896xf32>,
    %reduce_sum3A_80 = arith.constant dense<0.000000e+00> : vector<32xf32>
    %reduce_sum3A_81 = vector.multi_reduction <add>, %dot_general3A_73, %reduce_sum3A_80 [1] : vector<32x896xf32> to vector<32xf32>
    %add3A_82 = arith.addf %add3A_55, %reduce_sum3A_81 : vector<32xf32>
    %mul3A_83 = arith.mulf %dot_general3A_73, %dot_general3A_73 : vector<32x896xf32>
    %reduce_sum3A_84 = arith.constant dense<0.000000e+00> : vector<32xf32>
    %reduce_sum3A_85 = vector.multi_reduction <add>, %mul3A_83, %reduce_sum3A_84 [1] : vector<32x896xf32> to vector<32xf32>
    %add3A_86 = arith.addf %add3A_59, %reduce_sum3A_85 : vector<32xf32>
    %get3A_87 = arith.constant 3 : index
    %get3A_88 = arith.constant 0 : index
    %get3A_89 = arith.constant 0 : index
    %get3A_90 = vector.load %arg1[%get3A_87, %get3A_88, %get3A_89] : memref<8x32x896xf32, #tpu.memory_space<vmem>>, vector<1x32x896xf32>
    %get3A_91 = vector.shape_cast %get3A_90 : vector<1x32x896xf32> to vector<32x896xf32>
    %mul3A_92 = vector.broadcast %get3A_4 : vector<32x1xf32> to vector<32x896xf32>
    %mul3A_93 = arith.mulf %mul3A_92, %get3A_91 : vector<32x896xf32>
    %add3A_94 = vector.broadcast %get3A_7 : vector<32x1xf32> to vector<32x896xf32>
    %add3A_95 = arith.addf %mul3A_93, %add3A_94 : vector<32x896xf32>
    %max3A_96 = arith.constant 0.000000e+00 : f32
    %max3A_97 = vector.broadcast %max3A_96 : f32 to vector<32x896xf32>
    %max3A_98 = arith.maximumf %add3A_95, %max3A_97 : vector<32x896xf32>
    %dot_general3A_99 = arith.constant dense<0.000000e+00> : vector<32x896xf32>
    %dot_general3A_100 = tpu.matmul %get3A_1, %max3A_98, %dot_general3A_99 {dimension_numbers = #tpu.dot_dimension_numbers<[1], [0], [0], [1], [0, 0, 1, 1], [], []>, transpose_lhs_hint = false} : vector<32x32xf32>, vector<32x896xf32>, vector<32x896xf32> -> vector<32x896xf32>
    %swap3A_101 = arith.constant 3 : index
    %swap3A_102 = arith.constant 0 : index
    %swap3A_103 = arith.constant 0 : index
    %swap3A_104 = vector.load %arg5[%swap3A_101, %swap3A_102, %swap3A_103] : memref<8x32x896xf32, #tpu.memory_space<vmem>>, vector<1x32x896xf32>
    %swap3A_105 = vector.shape_cast %swap3A_104 : vector<1x32x896xf32> to vector<32x896xf32>
    %swap3A_106 = vector.shape_cast %dot_general3A_100 : vector<32x896xf32> to vector<1x32x896xf32>
    tpu.vector_store %arg5[%swap3A_101, %swap3A_102, %swap3A_103], %swap3A_106 {strides = array<i32>} : memref<8x32x896xf32, #tpu.memory_space<vmem>>, vector<1x32x896xf32>,
    %reduce_sum3A_107 = arith.constant dense<0.000000e+00> : vector<32xf32>
    %reduce_sum3A_108 = vector.multi_reduction <add>, %dot_general3A_100, %reduce_sum3A_107 [1] : vector<32x896xf32> to vector<32xf32>
    %add3A_109 = arith.addf %add3A_82, %reduce_sum3A_108 : vector<32xf32>
    %mul3A_110 = arith.mulf %dot_general3A_100, %dot_general3A_100 : vector<32x896xf32>
    %reduce_sum3A_111 = arith.constant dense<0.000000e+00> : vector<32xf32>
    %reduce_sum3A_112 = vector.multi_reduction <add>, %mul3A_110, %reduce_sum3A_111 [1] : vector<32x896xf32> to vector<32xf32>
    %add3A_113 = arith.addf %add3A_86, %reduce_sum3A_112 : vector<32xf32>
    %get3A_114 = arith.constant 4 : index
    %get3A_115 = arith.constant 0 : index
    %get3A_116 = arith.constant 0 : index
    %get3A_117 = vector.load %arg1[%get3A_114, %get3A_115, %get3A_116] : memref<8x32x896xf32, #tpu.memory_space<vmem>>, vector<1x32x896xf32>
    %get3A_118 = vector.shape_cast %get3A_117 : vector<1x32x896xf32> to vector<32x896xf32>
    %mul3A_119 = vector.broadcast %get3A_4 : vector<32x1xf32> to vector<32x896xf32>
    %mul3A_120 = arith.mulf %mul3A_119, %get3A_118 : vector<32x896xf32>
    %add3A_121 = vector.broadcast %get3A_7 : vector<32x1xf32> to vector<32x896xf32>
    %add3A_122 = arith.addf %mul3A_120, %add3A_121 : vector<32x896xf32>
    %max3A_123 = arith.constant 0.000000e+00 : f32
    %max3A_124 = vector.broadcast %max3A_123 : f32 to vector<32x896xf32>
    %max3A_125 = arith.maximumf %add3A_122, %max3A_124 : vector<32x896xf32>
    %dot_general3A_126 = arith.constant dense<0.000000e+00> : vector<32x896xf32>
    %dot_general3A_127 = tpu.matmul %get3A_1, %max3A_125, %dot_general3A_126 {dimension_numbers = #tpu.dot_dimension_numbers<[1], [0], [0], [1], [0, 0, 1, 1], [], []>, transpose_lhs_hint = false} : vector<32x32xf32>, vector<32x896xf32>, vector<32x896xf32> -> vector<32x896xf32>
    %swap3A_128 = arith.constant 4 : index
    %swap3A_129 = arith.constant 0 : index
    %swap3A_130 = arith.constant 0 : index
    %swap3A_131 = vector.load %arg5[%swap3A_128, %swap3A_129, %swap3A_130] : memref<8x32x896xf32, #tpu.memory_space<vmem>>, vector<1x32x896xf32>
    %swap3A_132 = vector.shape_cast %swap3A_131 : vector<1x32x896xf32> to vector<32x896xf32>
    %swap3A_133 = vector.shape_cast %dot_general3A_127 : vector<32x896xf32> to vector<1x32x896xf32>
    tpu.vector_store %arg5[%swap3A_128, %swap3A_129, %swap3A_130], %swap3A_133 {strides = array<i32>} : memref<8x32x896xf32, #tpu.memory_space<vmem>>, vector<1x32x896xf32>,
    %reduce_sum3A_134 = arith.constant dense<0.000000e+00> : vector<32xf32>
    %reduce_sum3A_135 = vector.multi_reduction <add>, %dot_general3A_127, %reduce_sum3A_134 [1] : vector<32x896xf32> to vector<32xf32>
    %add3A_136 = arith.addf %add3A_109, %reduce_sum3A_135 : vector<32xf32>
    %mul3A_137 = arith.mulf %dot_general3A_127, %dot_general3A_127 : vector<32x896xf32>
    %reduce_sum3A_138 = arith.constant dense<0.000000e+00> : vector<32xf32>
    %reduce_sum3A_139 = vector.multi_reduction <add>, %mul3A_137, %reduce_sum3A_138 [1] : vector<32x896xf32> to vector<32xf32>
    %add3A_140 = arith.addf %add3A_113, %reduce_sum3A_139 : vector<32xf32>
    %get3A_141 = arith.constant 5 : index
    %get3A_142 = arith.constant 0 : index
    %get3A_143 = arith.constant 0 : index
    %get3A_144 = vector.load %arg1[%get3A_141, %get3A_142, %get3A_143] : memref<8x32x896xf32, #tpu.memory_space<vmem>>, vector<1x32x896xf32>
    %get3A_145 = vector.shape_cast %get3A_144 : vector<1x32x896xf32> to vector<32x896xf32>
    %mul3A_146 = vector.broadcast %get3A_4 : vector<32x1xf32> to vector<32x896xf32>
    %mul3A_147 = arith.mulf %mul3A_146, %get3A_145 : vector<32x896xf32>
    %add3A_148 = vector.broadcast %get3A_7 : vector<32x1xf32> to vector<32x896xf32>
    %add3A_149 = arith.addf %mul3A_147, %add3A_148 : vector<32x896xf32>
    %max3A_150 = arith.constant 0.000000e+00 : f32
    %max3A_151 = vector.broadcast %max3A_150 : f32 to vector<32x896xf32>
    %max3A_152 = arith.maximumf %add3A_149, %max3A_151 : vector<32x896xf32>
    %dot_general3A_153 = arith.constant dense<0.000000e+00> : vector<32x896xf32>
    %dot_general3A_154 = tpu.matmul %get3A_1, %max3A_152, %dot_general3A_153 {dimension_numbers = #tpu.dot_dimension_numbers<[1], [0], [0], [1], [0, 0, 1, 1], [], []>, transpose_lhs_hint = false} : vector<32x32xf32>, vector<32x896xf32>, vector<32x896xf32> -> vector<32x896xf32>
    %swap3A_155 = arith.constant 5 : index
    %swap3A_156 = arith.constant 0 : index
    %swap3A_157 = arith.constant 0 : index
    %swap3A_158 = vector.load %arg5[%swap3A_155, %swap3A_156, %swap3A_157] : memref<8x32x896xf32, #tpu.memory_space<vmem>>, vector<1x32x896xf32>
    %swap3A_159 = vector.shape_cast %swap3A_158 : vector<1x32x896xf32> to vector<32x896xf32>
    %swap3A_160 = vector.shape_cast %dot_general3A_154 : vector<32x896xf32> to vector<1x32x896xf32>
    tpu.vector_store %arg5[%swap3A_155, %swap3A_156, %swap3A_157], %swap3A_160 {strides = array<i32>} : memref<8x32x896xf32, #tpu.memory_space<vmem>>, vector<1x32x896xf32>,
    %reduce_sum3A_161 = arith.constant dense<0.000000e+00> : vector<32xf32>
    %reduce_sum3A_162 = vector.multi_reduction <add>, %dot_general3A_154, %reduce_sum3A_161 [1] : vector<32x896xf32> to vector<32xf32>
    %add3A_163 = arith.addf %add3A_136, %reduce_sum3A_162 : vector<32xf32>
    %mul3A_164 = arith.mulf %dot_general3A_154, %dot_general3A_154 : vector<32x896xf32>
    %reduce_sum3A_165 = arith.constant dense<0.000000e+00> : vector<32xf32>
    %reduce_sum3A_166 = vector.multi_reduction <add>, %mul3A_164, %reduce_sum3A_165 [1] : vector<32x896xf32> to vector<32xf32>
    %add3A_167 = arith.addf %add3A_140, %reduce_sum3A_166 : vector<32xf32>
    %get3A_168 = arith.constant 6 : index
    %get3A_169 = arith.constant 0 : index
    %get3A_170 = arith.constant 0 : index
    %get3A_171 = vector.load %arg1[%get3A_168, %get3A_169, %get3A_170] : memref<8x32x896xf32, #tpu.memory_space<vmem>>, vector<1x32x896xf32>
    %get3A_172 = vector.shape_cast %get3A_171 : vector<1x32x896xf32> to vector<32x896xf32>
    %mul3A_173 = vector.broadcast %get3A_4 : vector<32x1xf32> to vector<32x896xf32>
    %mul3A_174 = arith.mulf %mul3A_173, %get3A_172 : vector<32x896xf32>
    %add3A_175 = vector.broadcast %get3A_7 : vector<32x1xf32> to vector<32x896xf32>
    %add3A_176 = arith.addf %mul3A_174, %add3A_175 : vector<32x896xf32>
    %max3A_177 = arith.constant 0.000000e+00 : f32
    %max3A_178 = vector.broadcast %max3A_177 : f32 to vector<32x896xf32>
    %max3A_179 = arith.maximumf %add3A_176, %max3A_178 : vector<32x896xf32>
    %dot_general3A_180 = arith.constant dense<0.000000e+00> : vector<32x896xf32>
    %dot_general3A_181 = tpu.matmul %get3A_1, %max3A_179, %dot_general3A_180 {dimension_numbers = #tpu.dot_dimension_numbers<[1], [0], [0], [1], [0, 0, 1, 1], [], []>, transpose_lhs_hint = false} : vector<32x32xf32>, vector<32x896xf32>, vector<32x896xf32> -> vector<32x896xf32>
    %swap3A_182 = arith.constant 6 : index
    %swap3A_183 = arith.constant 0 : index
    %swap3A_184 = arith.constant 0 : index
    %swap3A_185 = vector.load %arg5[%swap3A_182, %swap3A_183, %swap3A_184] : memref<8x32x896xf32, #tpu.memory_space<vmem>>, vector<1x32x896xf32>
    %swap3A_186 = vector.shape_cast %swap3A_185 : vector<1x32x896xf32> to vector<32x896xf32>
    %swap3A_187 = vector.shape_cast %dot_general3A_181 : vector<32x896xf32> to vector<1x32x896xf32>
    tpu.vector_store %arg5[%swap3A_182, %swap3A_183, %swap3A_184], %swap3A_187 {strides = array<i32>} : memref<8x32x896xf32, #tpu.memory_space<vmem>>, vector<1x32x896xf32>,
    %reduce_sum3A_188 = arith.constant dense<0.000000e+00> : vector<32xf32>
    %reduce_sum3A_189 = vector.multi_reduction <add>, %dot_general3A_181, %reduce_sum3A_188 [1] : vector<32x896xf32> to vector<32xf32>
    %add3A_190 = arith.addf %add3A_163, %reduce_sum3A_189 : vector<32xf32>
    %mul3A_191 = arith.mulf %dot_general3A_181, %dot_general3A_181 : vector<32x896xf32>
    %reduce_sum3A_192 = arith.constant dense<0.000000e+00> : vector<32xf32>
    %reduce_sum3A_193 = vector.multi_reduction <add>, %mul3A_191, %reduce_sum3A_192 [1] : vector<32x896xf32> to vector<32xf32>
    %add3A_194 = arith.addf %add3A_167, %reduce_sum3A_193 : vector<32xf32>
    %get3A_195 = arith.constant 7 : index
    %get3A_196 = arith.constant 0 : index
    %get3A_197 = arith.constant 0 : index
    %get3A_198 = vector.load %arg1[%get3A_195, %get3A_196, %get3A_197] : memref<8x32x896xf32, #tpu.memory_space<vmem>>, vector<1x32x896xf32>
    %get3A_199 = vector.shape_cast %get3A_198 : vector<1x32x896xf32> to vector<32x896xf32>
    %mul3A_200 = vector.broadcast %get3A_4 : vector<32x1xf32> to vector<32x896xf32>
    %mul3A_201 = arith.mulf %mul3A_200, %get3A_199 : vector<32x896xf32>
    %add3A_202 = vector.broadcast %get3A_7 : vector<32x1xf32> to vector<32x896xf32>
    %add3A_203 = arith.addf %mul3A_201, %add3A_202 : vector<32x896xf32>
    %max3A_204 = arith.constant 0.000000e+00 : f32
    %max3A_205 = vector.broadcast %max3A_204 : f32 to vector<32x896xf32>
    %max3A_206 = arith.maximumf %add3A_203, %max3A_205 : vector<32x896xf32>
    %dot_general3A_207 = arith.constant dense<0.000000e+00> : vector<32x896xf32>
    %dot_general3A_208 = tpu.matmul %get3A_1, %max3A_206, %dot_general3A_207 {dimension_numbers = #tpu.dot_dimension_numbers<[1], [0], [0], [1], [0, 0, 1, 1], [], []>, transpose_lhs_hint = false} : vector<32x32xf32>, vector<32x896xf32>, vector<32x896xf32> -> vector<32x896xf32>
    %swap3A_209 = arith.constant 7 : index
    %swap3A_210 = arith.constant 0 : index
    %swap3A_211 = arith.constant 0 : index
    %swap3A_212 = vector.load %arg5[%swap3A_209, %swap3A_210, %swap3A_211] : memref<8x32x896xf32, #tpu.memory_space<vmem>>, vector<1x32x896xf32>
    %swap3A_213 = vector.shape_cast %swap3A_212 : vector<1x32x896xf32> to vector<32x896xf32>
    %swap3A_214 = vector.shape_cast %dot_general3A_208 : vector<32x896xf32> to vector<1x32x896xf32>
    tpu.vector_store %arg5[%swap3A_209, %swap3A_210, %swap3A_211], %swap3A_214 {strides = array<i32>} : memref<8x32x896xf32, #tpu.memory_space<vmem>>, vector<1x32x896xf32>,
    %reduce_sum3A_215 = arith.constant dense<0.000000e+00> : vector<32xf32>
    %reduce_sum3A_216 = vector.multi_reduction <add>, %dot_general3A_208, %reduce_sum3A_215 [1] : vector<32x896xf32> to vector<32xf32>
    %add3A_217 = arith.addf %add3A_190, %reduce_sum3A_216 : vector<32xf32>
    %mul3A_218 = arith.mulf %dot_general3A_208, %dot_general3A_208 : vector<32x896xf32>
    %reduce_sum3A_219 = arith.constant dense<0.000000e+00> : vector<32xf32>
    %reduce_sum3A_220 = vector.multi_reduction <add>, %mul3A_218, %reduce_sum3A_219 [1] : vector<32x896xf32> to vector<32xf32>
    %add3A_221 = arith.addf %add3A_194, %reduce_sum3A_220 : vector<32xf32>
    %broadcast_in_dim3A = vector.shape_cast %add3A_217 : vector<32xf32> to vector<1x32xf32>
    %broadcast_in_dim3A_222 = vector.shape_cast %add3A_221 : vector<32xf32> to vector<1x32xf32>
    %concatenate3A = tpu.concatenate %broadcast_in_dim3A, %broadcast_in_dim3A_222 in 0 : vector<1x32xf32>, vector<1x32xf32> -> vector<2x32xf32>
    %eq3A = arith.constant 0 : i32
    %eq3A_223 = arith.cmpi eq, %arg0, %eq3A : i32
    %convert_element_type3A = arith.extui %eq3A_223 : i1 to i32
    %cond3A = arith.constant 0 : i32
    %cond3A_224 = arith.cmpi ne, %convert_element_type3A, %cond3A : i32
    scf.if %cond3A_224 {
      %broadcast_in_dim3A_232 = arith.constant 0.000000e+00 : f32
      %broadcast_in_dim3A_233 = vector.broadcast %broadcast_in_dim3A_232 : f32 to vector<2x32xf32>
      %swap3A_234 = arith.constant 0 : index
      %swap3A_235 = arith.constant 0 : index
      %swap3A_236 = vector.load %arg6[%swap3A_234, %swap3A_235] : memref<2x32xf32, #tpu.memory_space<vmem>>, vector<2x32xf32>
      tpu.vector_store %arg6[%swap3A_234, %swap3A_235], %broadcast_in_dim3A_233 {strides = array<i32>} : memref<2x32xf32, #tpu.memory_space<vmem>>, vector<2x32xf32>,
    } else {
    }
    %get3A_225 = arith.constant 0 : index
    %get3A_226 = arith.constant 0 : index
    %get3A_227 = vector.load %arg6[%get3A_225, %get3A_226] : memref<2x32xf32, #tpu.memory_space<vmem>>, vector<2x32xf32>
    %add3A_228 = arith.addf %get3A_227, %concatenate3A : vector<2x32xf32>
    %swap3A_229 = arith.constant 0 : index
    %swap3A_230 = arith.constant 0 : index
    %swap3A_231 = vector.load %arg6[%swap3A_229, %swap3A_230] : memref<2x32xf32, #tpu.memory_space<vmem>>, vector<2x32xf32>
    tpu.vector_store %arg6[%swap3A_229, %swap3A_230], %add3A_228 {strides = array<i32>} : memref<2x32xf32, #tpu.memory_space<vmem>>, vector<2x32xf32>,
    return
  }
  func.func @transform_0(%arg0: i32) -> (i32, i32, i32) {
    %c0_i32 = arith.constant 0 : i32
    %c0_i32_0 = arith.constant 0 : i32
    %c0_i32_1 = arith.constant 0 : i32
    return %arg0, %c0_i32, %c0_i32_0 : i32, i32, i32
  }
  func.func @transform_1(%arg0: i32) -> (i32, i32) {
    %c0_i32 = arith.constant 0 : i32
    %c0_i32_0 = arith.constant 0 : i32
    %c0_i32_1 = arith.constant 0 : i32
    return %c0_i32, %c0_i32_0 : i32, i32
  }
  func.func @transform_2(%arg0: i32) -> (i32, i32) {
    %c0_i32 = arith.constant 0 : i32
    %c0_i32_0 = arith.constant 0 : i32
    %c0_i32_1 = arith.constant 0 : i32
    return %c0_i32, %c0_i32_0 : i32, i32
  }
  func.func @transform_3(%arg0: i32) -> (i32, i32) {
    %c0_i32 = arith.constant 0 : i32
    %c0_i32_0 = arith.constant 0 : i32
    %c0_i32_1 = arith.constant 0 : i32
    return %c0_i32, %c0_i32_0 : i32, i32
  }
  func.func @transform_4(%arg0: i32) -> (i32, i32, i32) {
    %c0_i32 = arith.constant 0 : i32
    %c0_i32_0 = arith.constant 0 : i32
    %c0_i32_1 = arith.constant 0 : i32
    return %arg0, %c0_i32, %c0_i32_0 : i32, i32, i32
  }
  func.func @transform_5(%arg0: i32) -> (i32, i32) {
    %c0_i32 = arith.constant 0 : i32
    %c0_i32_0 = arith.constant 0 : i32
    %c0_i32_1 = arith.constant 0 : i32
    return %c0_i32, %c0_i32_0 : i32, i32
  }
}

module attributes {stable_mosaic.version = 14 : i64} {
  func.func @_ecout_kernel(%arg0: i32, %arg1: memref<4x32x896xf32, #tpu.memory_space<vmem>>, %arg2: memref<4x32x128xf32, #tpu.memory_space<vmem>>, %arg3: memref<4x1x128xf32, #tpu.memory_space<vmem>>, %arg4: memref<32x1xf32, #tpu.memory_space<vmem>>, %arg5: memref<32x1xf32, #tpu.memory_space<vmem>>, %arg6: memref<32x1xf32, #tpu.memory_space<vmem>>, %arg7: memref<32x1xf32, #tpu.memory_space<vmem>>, %arg8: memref<4x32x128xf32, #tpu.memory_space<vmem>>) attributes {dimension_semantics = [#tpu.dimension_semantics<arbitrary>], iteration_bounds = array<i64: 64>, scalar_prefetch = 0 : i64, scratch_operands = 0 : i64, tpu.core_type = #tpu.core_type<tc>, window_params = [{transform_indices = @transform_0, window_bounds = array<i64: 4, 32, 896>}, {transform_indices = @transform_1, window_bounds = array<i64: 4, 32, 128>}, {transform_indices = @transform_2, window_bounds = array<i64: 4, 1, 128>}, {pipeline_mode = #tpu.pipeline_mode<synchronous>, transform_indices = @transform_3, window_bounds = array<i64: 32, 1>}, {pipeline_mode = #tpu.pipeline_mode<synchronous>, transform_indices = @transform_4, window_bounds = array<i64: 32, 1>}, {pipeline_mode = #tpu.pipeline_mode<synchronous>, transform_indices = @transform_5, window_bounds = array<i64: 32, 1>}, {pipeline_mode = #tpu.pipeline_mode<synchronous>, transform_indices = @transform_6, window_bounds = array<i64: 32, 1>}, {transform_indices = @transform_7, window_bounds = array<i64: 4, 32, 128>}]} {
    %get3A = arith.constant 0 : index
    %get3A_0 = arith.constant 0 : index
    %get3A_1 = vector.load %arg4[%get3A, %get3A_0] : memref<32x1xf32, #tpu.memory_space<vmem>>, vector<32x1xf32>
    %broadcast_in_dim3A = vector.shape_cast %get3A_1 : vector<32x1xf32> to vector<1x32x1xf32>
    %get3A_2 = arith.constant 0 : index
    %get3A_3 = arith.constant 0 : index
    %get3A_4 = arith.constant 0 : index
    %get3A_5 = vector.load %arg1[%get3A_2, %get3A_3, %get3A_4] : memref<4x32x896xf32, #tpu.memory_space<vmem>>, vector<4x32x896xf32>
    %mul3A = vector.broadcast %broadcast_in_dim3A : vector<1x32x1xf32> to vector<4x32x896xf32>
    %mul3A_6 = arith.mulf %mul3A, %get3A_5 : vector<4x32x896xf32>
    %get3A_7 = arith.constant 0 : index
    %get3A_8 = arith.constant 0 : index
    %get3A_9 = vector.load %arg5[%get3A_7, %get3A_8] : memref<32x1xf32, #tpu.memory_space<vmem>>, vector<32x1xf32>
    %broadcast_in_dim3A_10 = vector.shape_cast %get3A_9 : vector<32x1xf32> to vector<1x32x1xf32>
    %add3A = vector.broadcast %broadcast_in_dim3A_10 : vector<1x32x1xf32> to vector<4x32x896xf32>
    %add3A_11 = arith.addf %mul3A_6, %add3A : vector<4x32x896xf32>
    %max3A = arith.constant 0.000000e+00 : f32
    %max3A_12 = vector.broadcast %max3A : f32 to vector<4x32x896xf32>
    %max3A_13 = arith.maximumf %add3A_11, %max3A_12 : vector<4x32x896xf32>
    %slice3A = vector.extract_strided_slice %max3A_13 {offsets = [0, 0, 0], sizes = [4, 32, 128], strides = [1, 1, 1]} : vector<4x32x896xf32> to vector<4x32x128xf32>
    %slice3A_14 = vector.extract_strided_slice %max3A_13 {offsets = [0, 0, 128], sizes = [4, 32, 128], strides = [1, 1, 1]} : vector<4x32x896xf32> to vector<4x32x128xf32>
    %add3A_15 = arith.addf %slice3A, %slice3A_14 : vector<4x32x128xf32>
    %slice3A_16 = vector.extract_strided_slice %max3A_13 {offsets = [0, 0, 256], sizes = [4, 32, 128], strides = [1, 1, 1]} : vector<4x32x896xf32> to vector<4x32x128xf32>
    %add3A_17 = arith.addf %add3A_15, %slice3A_16 : vector<4x32x128xf32>
    %slice3A_18 = vector.extract_strided_slice %max3A_13 {offsets = [0, 0, 384], sizes = [4, 32, 128], strides = [1, 1, 1]} : vector<4x32x896xf32> to vector<4x32x128xf32>
    %add3A_19 = arith.addf %add3A_17, %slice3A_18 : vector<4x32x128xf32>
    %slice3A_20 = vector.extract_strided_slice %max3A_13 {offsets = [0, 0, 512], sizes = [4, 32, 128], strides = [1, 1, 1]} : vector<4x32x896xf32> to vector<4x32x128xf32>
    %add3A_21 = arith.addf %add3A_19, %slice3A_20 : vector<4x32x128xf32>
    %slice3A_22 = vector.extract_strided_slice %max3A_13 {offsets = [0, 0, 640], sizes = [4, 32, 128], strides = [1, 1, 1]} : vector<4x32x896xf32> to vector<4x32x128xf32>
    %add3A_23 = arith.addf %add3A_21, %slice3A_22 : vector<4x32x128xf32>
    %slice3A_24 = vector.extract_strided_slice %max3A_13 {offsets = [0, 0, 768], sizes = [4, 32, 128], strides = [1, 1, 1]} : vector<4x32x896xf32> to vector<4x32x128xf32>
    %add3A_25 = arith.addf %add3A_23, %slice3A_24 : vector<4x32x128xf32>
    %mul3A_26 = arith.constant 0.142857149 : f32
    %mul3A_27 = vector.broadcast %mul3A_26 : f32 to vector<4x32x128xf32>
    %mul3A_28 = arith.mulf %add3A_25, %mul3A_27 : vector<4x32x128xf32>
    %get3A_29 = arith.constant 0 : index
    %get3A_30 = arith.constant 0 : index
    %get3A_31 = vector.load %arg6[%get3A_29, %get3A_30] : memref<32x1xf32, #tpu.memory_space<vmem>>, vector<32x1xf32>
    %broadcast_in_dim3A_32 = vector.shape_cast %get3A_31 : vector<32x1xf32> to vector<1x32x1xf32>
    %get3A_33 = arith.constant 0 : index
    %get3A_34 = arith.constant 0 : index
    %get3A_35 = arith.constant 0 : index
    %get3A_36 = vector.load %arg2[%get3A_33, %get3A_34, %get3A_35] : memref<4x32x128xf32, #tpu.memory_space<vmem>>, vector<4x32x128xf32>
    %mul3A_37 = vector.broadcast %broadcast_in_dim3A_32 : vector<1x32x1xf32> to vector<4x32x128xf32>
    %mul3A_38 = arith.mulf %mul3A_37, %get3A_36 : vector<4x32x128xf32>
    %get3A_39 = arith.constant 0 : index
    %get3A_40 = arith.constant 0 : index
    %get3A_41 = vector.load %arg7[%get3A_39, %get3A_40] : memref<32x1xf32, #tpu.memory_space<vmem>>, vector<32x1xf32>
    %broadcast_in_dim3A_42 = vector.shape_cast %get3A_41 : vector<32x1xf32> to vector<1x32x1xf32>
    %add3A_43 = vector.broadcast %broadcast_in_dim3A_42 : vector<1x32x1xf32> to vector<4x32x128xf32>
    %add3A_44 = arith.addf %mul3A_38, %add3A_43 : vector<4x32x128xf32>
    %add3A_45 = arith.addf %add3A_44, %mul3A_28 : vector<4x32x128xf32>
    %max3A_46 = arith.constant 0.000000e+00 : f32
    %max3A_47 = vector.broadcast %max3A_46 : f32 to vector<4x32x128xf32>
    %max3A_48 = arith.maximumf %add3A_45, %max3A_47 : vector<4x32x128xf32>
    %get3A_49 = arith.constant 0 : index
    %get3A_50 = arith.constant 0 : index
    %get3A_51 = arith.constant 0 : index
    %get3A_52 = vector.load %arg3[%get3A_49, %get3A_50, %get3A_51] : memref<4x1x128xf32, #tpu.memory_space<vmem>>, vector<4x1x128xf32>
    %mul3A_53 = vector.broadcast %get3A_52 : vector<4x1x128xf32> to vector<4x32x128xf32>
    %mul3A_54 = arith.mulf %max3A_48, %mul3A_53 : vector<4x32x128xf32>
    %swap3A = arith.constant 0 : index
    %swap3A_55 = arith.constant 0 : index
    %swap3A_56 = arith.constant 0 : index
    %swap3A_57 = vector.load %arg8[%swap3A, %swap3A_55, %swap3A_56] : memref<4x32x128xf32, #tpu.memory_space<vmem>>, vector<4x32x128xf32>
    tpu.vector_store %arg8[%swap3A, %swap3A_55, %swap3A_56], %mul3A_54 {strides = array<i32>} : memref<4x32x128xf32, #tpu.memory_space<vmem>>, vector<4x32x128xf32>,
    return
  }
  func.func @transform_0(%arg0: i32) -> (i32, i32, i32) {
    %c0_i32 = arith.constant 0 : i32
    %c0_i32_0 = arith.constant 0 : i32
    %c0_i32_1 = arith.constant 0 : i32
    return %arg0, %c0_i32, %c0_i32_0 : i32, i32, i32
  }
  func.func @transform_1(%arg0: i32) -> (i32, i32, i32) {
    %c0_i32 = arith.constant 0 : i32
    %c0_i32_0 = arith.constant 0 : i32
    %c0_i32_1 = arith.constant 0 : i32
    return %arg0, %c0_i32, %c0_i32_0 : i32, i32, i32
  }
  func.func @transform_2(%arg0: i32) -> (i32, i32, i32) {
    %c0_i32 = arith.constant 0 : i32
    %c0_i32_0 = arith.constant 0 : i32
    %c0_i32_1 = arith.constant 0 : i32
    return %arg0, %c0_i32, %c0_i32_0 : i32, i32, i32
  }
  func.func @transform_3(%arg0: i32) -> (i32, i32) {
    %c0_i32 = arith.constant 0 : i32
    %c0_i32_0 = arith.constant 0 : i32
    %c0_i32_1 = arith.constant 0 : i32
    return %c0_i32, %c0_i32_0 : i32, i32
  }
  func.func @transform_4(%arg0: i32) -> (i32, i32) {
    %c0_i32 = arith.constant 0 : i32
    %c0_i32_0 = arith.constant 0 : i32
    %c0_i32_1 = arith.constant 0 : i32
    return %c0_i32, %c0_i32_0 : i32, i32
  }
  func.func @transform_5(%arg0: i32) -> (i32, i32) {
    %c0_i32 = arith.constant 0 : i32
    %c0_i32_0 = arith.constant 0 : i32
    %c0_i32_1 = arith.constant 0 : i32
    return %c0_i32, %c0_i32_0 : i32, i32
  }
  func.func @transform_6(%arg0: i32) -> (i32, i32) {
    %c0_i32 = arith.constant 0 : i32
    %c0_i32_0 = arith.constant 0 : i32
    %c0_i32_1 = arith.constant 0 : i32
    return %c0_i32, %c0_i32_0 : i32, i32
  }
  func.func @transform_7(%arg0: i32) -> (i32, i32, i32) {
    %c0_i32 = arith.constant 0 : i32
    %c0_i32_0 = arith.constant 0 : i32
    %c0_i32_1 = arith.constant 0 : i32
    return %arg0, %c0_i32, %c0_i32_0 : i32, i32, i32
  }
}

module attributes {stable_mosaic.version = 14 : i64} {
  func.func @_ec_front_sc_kernel(%arg0: i32, %arg1: memref<8x32x128xf32, #tpu.memory_space<vmem>>, %arg2: memref<8x32x128xf32, #tpu.memory_space<vmem>>, %arg3: memref<8x1x128xf32, #tpu.memory_space<vmem>>, %arg4: memref<64x32xf32, #tpu.memory_space<vmem>>, %arg5: memref<64x32xf32, #tpu.memory_space<vmem>>, %arg6: memref<64x32xf32, #tpu.memory_space<vmem>>, %arg7: memref<64x1xf32, #tpu.memory_space<vmem>>, %arg8: memref<64x1xf32, #tpu.memory_space<vmem>>, %arg9: memref<64x1xf32, #tpu.memory_space<vmem>>, %arg10: memref<8x128x128xf32, #tpu.memory_space<vmem>>, %arg11: memref<8x64x128xf32, #tpu.memory_space<vmem>>, %arg12: memref<8x896xi32, #tpu.memory_space<vmem>>, %arg13: memref<8x64x128xf32, #tpu.memory_space<vmem>>, %arg14: memref<4x64xf32, #tpu.memory_space<vmem>>) attributes {dimension_semantics = [#tpu.dimension_semantics<arbitrary>], iteration_bounds = array<i64: 8>, scalar_prefetch = 0 : i64, scratch_operands = 0 : i64, tpu.core_type = #tpu.core_type<tc>, window_params = [{transform_indices = @transform_0, window_bounds = array<i64: 8, 32, 128>}, {transform_indices = @transform_1, window_bounds = array<i64: 8, 32, 128>}, {transform_indices = @transform_2, window_bounds = array<i64: 8, 1, 128>}, {pipeline_mode = #tpu.pipeline_mode<synchronous>, transform_indices = @transform_3, window_bounds = array<i64: 64, 32>}, {pipeline_mode = #tpu.pipeline_mode<synchronous>, transform_indices = @transform_4, window_bounds = array<i64: 64, 32>}, {pipeline_mode = #tpu.pipeline_mode<synchronous>, transform_indices = @transform_5, window_bounds = array<i64: 64, 32>}, {pipeline_mode = #tpu.pipeline_mode<synchronous>, transform_indices = @transform_6, window_bounds = array<i64: 64, 1>}, {pipeline_mode = #tpu.pipeline_mode<synchronous>, transform_indices = @transform_7, window_bounds = array<i64: 64, 1>}, {pipeline_mode = #tpu.pipeline_mode<synchronous>, transform_indices = @transform_8, window_bounds = array<i64: 64, 1>}, {transform_indices = @transform_9, window_bounds = array<i64: 8, 128, 128>}, {transform_indices = @transform_10, window_bounds = array<i64: 8, 64, 128>}, {transform_indices = @transform_11, window_bounds = array<i64: 8, 896>}, {transform_indices = @transform_12, window_bounds = array<i64: 8, 64, 128>}, {pipeline_mode = #tpu.pipeline_mode<synchronous>, transform_indices = @transform_13, window_bounds = array<i64: 4, 64>}]} {
    %get3A = arith.constant 0 : index
    %get3A_0 = arith.constant 0 : index
    %get3A_1 = arith.constant 0 : index
    %get3A_2 = vector.load %arg3[%get3A, %get3A_0, %get3A_1] : memref<8x1x128xf32, #tpu.memory_space<vmem>>, vector<8x1x128xf32>
    %get3A_3 = arith.constant 0 : index
    %get3A_4 = arith.constant 0 : index
    %get3A_5 = arith.constant 0 : index
    %get3A_6 = vector.load %arg2[%get3A_3, %get3A_4, %get3A_5] : memref<8x32x128xf32, #tpu.memory_space<vmem>>, vector<8x32x128xf32>
    %mul3A = vector.broadcast %get3A_2 : vector<8x1x128xf32> to vector<8x32x128xf32>
    %mul3A_7 = arith.mulf %get3A_6, %mul3A : vector<8x32x128xf32>
    %get3A_8 = arith.constant 0 : index
    %get3A_9 = arith.constant 0 : index
    %get3A_10 = arith.constant 0 : index
    %get3A_11 = vector.load %arg1[%get3A_8, %get3A_9, %get3A_10] : memref<8x32x128xf32, #tpu.memory_space<vmem>>, vector<8x32x128xf32>
    %mul3A_12 = vector.broadcast %get3A_2 : vector<8x1x128xf32> to vector<8x32x128xf32>
    %mul3A_13 = arith.mulf %get3A_11, %mul3A_12 : vector<8x32x128xf32>
    %eq3A = arith.constant 0.000000e+00 : f32
    %eq3A_14 = vector.broadcast %eq3A : f32 to vector<8x1x128xf32>
    %eq3A_15 = arith.cmpf oeq, %get3A_2, %eq3A_14 : vector<8x1x128xf32>
    %jit3A = arith.constant 1.000000e+09 : f32
    %jit3A_16 = arith.constant 0.000000e+00 : f32
    %broadcast_in_dim3A = vector.broadcast %jit3A : f32 to vector<8x1x128xf32>
    %broadcast_in_dim3A_17 = vector.broadcast %jit3A_16 : f32 to vector<8x1x128xf32>
    %select_n3A = arith.select %eq3A_15, %broadcast_in_dim3A, %broadcast_in_dim3A_17 : vector<8x1x128xi1>, vector<8x1x128xf32>
    %add3A = vector.broadcast %select_n3A : vector<8x1x128xf32> to vector<8x32x128xf32>
    %add3A_18 = arith.addf %mul3A_13, %add3A : vector<8x32x128xf32>
    %mul3A_19 = arith.mulf %add3A_18, %add3A_18 : vector<8x32x128xf32>
    %reduce_sum3A = arith.constant dense<0.000000e+00> : vector<8x128xf32>
    %reduce_sum3A_20 = vector.multi_reduction <add>, %mul3A_19, %reduce_sum3A [1] : vector<8x32x128xf32> to vector<8x128xf32>
    %dot_general3A = arith.constant dense<0.000000e+00> : vector<8x128x128xf32>
    %dot_general3A_21 = tpu.matmul %add3A_18, %add3A_18, %dot_general3A {dimension_numbers = #tpu.dot_dimension_numbers<[1], [1], [2], [2], [0, 0, 0, 2, 1, 2], [0], [0]>, transpose_lhs_hint = false} : vector<8x32x128xf32>, vector<8x32x128xf32>, vector<8x128x128xf32> -> vector<8x128x128xf32>
    %broadcast_in_dim3A_22 = vector.shape_cast %reduce_sum3A_20 : vector<8x128xf32> to vector<8x1x128xf32>
    %mul3A_23 = arith.constant 2.000000e+00 : f32
    %mul3A_24 = vector.broadcast %mul3A_23 : f32 to vector<8x128x128xf32>
    %mul3A_25 = arith.mulf %mul3A_24, %dot_general3A_21 : vector<8x128x128xf32>
    %sub3A = vector.broadcast %broadcast_in_dim3A_22 : vector<8x1x128xf32> to vector<8x128x128xf32>
    %sub3A_26 = arith.subf %sub3A, %mul3A_25 : vector<8x128x128xf32>
    %broadcast_in_dim3A_27 = vector.shape_cast %reduce_sum3A_20 : vector<8x128xf32> to vector<8x128x1xf32>
    %add3A_28 = vector.broadcast %broadcast_in_dim3A_27 : vector<8x128x1xf32> to vector<8x128x128xf32>
    %add3A_29 = arith.addf %sub3A_26, %add3A_28 : vector<8x128x128xf32>
    %neg3A = arith.constant 0.000000e+00 : f32
    %neg3A_30 = vector.broadcast %neg3A : f32 to vector<8x128x128xf32>
    %neg3A_31 = arith.subf %neg3A_30, %add3A_29 : vector<8x128x128xf32>
    %iota3A = tpu.iota {dimensions = array<i32: 1>} : vector<8x128x128xi32>
    %reduce_max3A = arith.constant dense<0xFF800000> : vector<8x128xf32>
    %reduce_max3A_32 = vector.multi_reduction <maximumf>, %neg3A_31, %reduce_max3A [1] : vector<8x128x128xf32> to vector<8x128xf32>
    %broadcast_in_dim3A_33 = vector.shape_cast %reduce_max3A_32 : vector<8x128xf32> to vector<8x1x128xf32>
    %eq3A_34 = vector.broadcast %broadcast_in_dim3A_33 : vector<8x1x128xf32> to vector<8x128x128xf32>
    %eq3A_35 = arith.cmpf oeq, %neg3A_31, %eq3A_34 : vector<8x128x128xf32>
    %jit3A_36 = arith.constant 128 : i32
    %broadcast_in_dim3A_37 = vector.broadcast %jit3A_36 : i32 to vector<8x128x128xi32>
    %select_n3A_38 = arith.select %eq3A_35, %iota3A, %broadcast_in_dim3A_37 : vector<8x128x128xi1>, vector<8x128x128xi32>
    %reduce_min3A = arith.constant dense<2147483647> : vector<8x128xi32>
    %reduce_min3A_39 = vector.multi_reduction <minsi>, %select_n3A_38, %reduce_min3A [1] : vector<8x128x128xi32> to vector<8x128xi32>
    %broadcast_in_dim3A_40 = vector.shape_cast %reduce_min3A_39 : vector<8x128xi32> to vector<8x1x128xi32>
    %eq3A_41 = vector.broadcast %broadcast_in_dim3A_40 : vector<8x1x128xi32> to vector<8x128x128xi32>
    %eq3A_42 = arith.cmpi eq, %iota3A, %eq3A_41 : vector<8x128x128xi32>
    %jit3A_43 = arith.constant 0xFF800000 : f32
    %broadcast_in_dim3A_44 = vector.broadcast %jit3A_43 : f32 to vector<8x128x128xf32>
    %select_n3A_45 = arith.select %eq3A_42, %broadcast_in_dim3A_44, %neg3A_31 : vector<8x128x128xi1>, vector<8x128x128xf32>
    %reduce_max3A_46 = arith.constant dense<0xFF800000> : vector<8x128xf32>
    %reduce_max3A_47 = vector.multi_reduction <maximumf>, %select_n3A_45, %reduce_max3A_46 [1] : vector<8x128x128xf32> to vector<8x128xf32>
    %broadcast_in_dim3A_48 = vector.shape_cast %reduce_max3A_47 : vector<8x128xf32> to vector<8x1x128xf32>
    %eq3A_49 = vector.broadcast %broadcast_in_dim3A_48 : vector<8x1x128xf32> to vector<8x128x128xf32>
    %eq3A_50 = arith.cmpf oeq, %select_n3A_45, %eq3A_49 : vector<8x128x128xf32>
    %jit3A_51 = arith.constant 128 : i32
    %broadcast_in_dim3A_52 = vector.broadcast %jit3A_51 : i32 to vector<8x128x128xi32>
    %select_n3A_53 = arith.select %eq3A_50, %iota3A, %broadcast_in_dim3A_52 : vector<8x128x128xi1>, vector<8x128x128xi32>
    %reduce_min3A_54 = arith.constant dense<2147483647> : vector<8x128xi32>
    %reduce_min3A_55 = vector.multi_reduction <minsi>, %select_n3A_53, %reduce_min3A_54 [1] : vector<8x128x128xi32> to vector<8x128xi32>
    %broadcast_in_dim3A_56 = vector.shape_cast %reduce_min3A_55 : vector<8x128xi32> to vector<8x1x128xi32>
    %eq3A_57 = vector.broadcast %broadcast_in_dim3A_56 : vector<8x1x128xi32> to vector<8x128x128xi32>
    %eq3A_58 = arith.cmpi eq, %iota3A, %eq3A_57 : vector<8x128x128xi32>
    %convert_element_type3A = arith.extui %eq3A_58 : vector<8x128x128xi1> to vector<8x128x128xi32>
    %convert_element_type3A_59 = arith.sitofp %convert_element_type3A : vector<8x128x128xi32> to vector<8x128x128xf32>
    %add3A_60 = arith.constant 0.000000e+00 : f32
    %add3A_61 = vector.broadcast %add3A_60 : f32 to vector<8x128x128xf32>
    %add3A_62 = arith.addf %add3A_61, %convert_element_type3A_59 : vector<8x128x128xf32>
    %jit3A_63 = arith.constant 0xFF800000 : f32
    %broadcast_in_dim3A_64 = vector.broadcast %jit3A_63 : f32 to vector<8x128x128xf32>
    %select_n3A_65 = arith.select %eq3A_58, %broadcast_in_dim3A_64, %select_n3A_45 : vector<8x128x128xi1>, vector<8x128x128xf32>
    %reduce_max3A_66 = arith.constant dense<0xFF800000> : vector<8x128xf32>
    %reduce_max3A_67 = vector.multi_reduction <maximumf>, %select_n3A_65, %reduce_max3A_66 [1] : vector<8x128x128xf32> to vector<8x128xf32>
    %broadcast_in_dim3A_68 = vector.shape_cast %reduce_max3A_67 : vector<8x128xf32> to vector<8x1x128xf32>
    %eq3A_69 = vector.broadcast %broadcast_in_dim3A_68 : vector<8x1x128xf32> to vector<8x128x128xf32>
    %eq3A_70 = arith.cmpf oeq, %select_n3A_65, %eq3A_69 : vector<8x128x128xf32>
    %jit3A_71 = arith.constant 128 : i32
    %broadcast_in_dim3A_72 = vector.broadcast %jit3A_71 : i32 to vector<8x128x128xi32>
    %select_n3A_73 = arith.select %eq3A_70, %iota3A, %broadcast_in_dim3A_72 : vector<8x128x128xi1>, vector<8x128x128xi32>
    %reduce_min3A_74 = arith.constant dense<2147483647> : vector<8x128xi32>
    %reduce_min3A_75 = vector.multi_reduction <minsi>, %select_n3A_73, %reduce_min3A_74 [1] : vector<8x128x128xi32> to vector<8x128xi32>
    %broadcast_in_dim3A_76 = vector.shape_cast %reduce_min3A_75 : vector<8x128xi32> to vector<8x1x128xi32>
    %eq3A_77 = vector.broadcast %broadcast_in_dim3A_76 : vector<8x1x128xi32> to vector<8x128x128xi32>
    %eq3A_78 = arith.cmpi eq, %iota3A, %eq3A_77 : vector<8x128x128xi32>
    %convert_element_type3A_79 = arith.extui %eq3A_78 : vector<8x128x128xi1> to vector<8x128x128xi32>
    %convert_element_type3A_80 = arith.sitofp %convert_element_type3A_79 : vector<8x128x128xi32> to vector<8x128x128xf32>
    %add3A_81 = arith.addf %add3A_62, %convert_element_type3A_80 : vector<8x128x128xf32>
    %jit3A_82 = arith.constant 0xFF800000 : f32
    %broadcast_in_dim3A_83 = vector.broadcast %jit3A_82 : f32 to vector<8x128x128xf32>
    %select_n3A_84 = arith.select %eq3A_78, %broadcast_in_dim3A_83, %select_n3A_65 : vector<8x128x128xi1>, vector<8x128x128xf32>
    %reduce_max3A_85 = arith.constant dense<0xFF800000> : vector<8x128xf32>
    %reduce_max3A_86 = vector.multi_reduction <maximumf>, %select_n3A_84, %reduce_max3A_85 [1] : vector<8x128x128xf32> to vector<8x128xf32>
    %broadcast_in_dim3A_87 = vector.shape_cast %reduce_max3A_86 : vector<8x128xf32> to vector<8x1x128xf32>
    %eq3A_88 = vector.broadcast %broadcast_in_dim3A_87 : vector<8x1x128xf32> to vector<8x128x128xf32>
    %eq3A_89 = arith.cmpf oeq, %select_n3A_84, %eq3A_88 : vector<8x128x128xf32>
    %jit3A_90 = arith.constant 128 : i32
    %broadcast_in_dim3A_91 = vector.broadcast %jit3A_90 : i32 to vector<8x128x128xi32>
    %select_n3A_92 = arith.select %eq3A_89, %iota3A, %broadcast_in_dim3A_91 : vector<8x128x128xi1>, vector<8x128x128xi32>
    %reduce_min3A_93 = arith.constant dense<2147483647> : vector<8x128xi32>
    %reduce_min3A_94 = vector.multi_reduction <minsi>, %select_n3A_92, %reduce_min3A_93 [1] : vector<8x128x128xi32> to vector<8x128xi32>
    %broadcast_in_dim3A_95 = vector.shape_cast %reduce_min3A_94 : vector<8x128xi32> to vector<8x1x128xi32>
    %eq3A_96 = vector.broadcast %broadcast_in_dim3A_95 : vector<8x1x128xi32> to vector<8x128x128xi32>
    %eq3A_97 = arith.cmpi eq, %iota3A, %eq3A_96 : vector<8x128x128xi32>
    %convert_element_type3A_98 = arith.extui %eq3A_97 : vector<8x128x128xi1> to vector<8x128x128xi32>
    %convert_element_type3A_99 = arith.sitofp %convert_element_type3A_98 : vector<8x128x128xi32> to vector<8x128x128xf32>
    %add3A_100 = arith.addf %add3A_81, %convert_element_type3A_99 : vector<8x128x128xf32>
    %jit3A_101 = arith.constant 0xFF800000 : f32
    %broadcast_in_dim3A_102 = vector.broadcast %jit3A_101 : f32 to vector<8x128x128xf32>
    %select_n3A_103 = arith.select %eq3A_97, %broadcast_in_dim3A_102, %select_n3A_84 : vector<8x128x128xi1>, vector<8x128x128xf32>
    %reduce_max3A_104 = arith.constant dense<0xFF800000> : vector<8x128xf32>
    %reduce_max3A_105 = vector.multi_reduction <maximumf>, %select_n3A_103, %reduce_max3A_104 [1] : vector<8x128x128xf32> to vector<8x128xf32>
    %broadcast_in_dim3A_106 = vector.shape_cast %reduce_max3A_105 : vector<8x128xf32> to vector<8x1x128xf32>
    %eq3A_107 = vector.broadcast %broadcast_in_dim3A_106 : vector<8x1x128xf32> to vector<8x128x128xf32>
    %eq3A_108 = arith.cmpf oeq, %select_n3A_103, %eq3A_107 : vector<8x128x128xf32>
    %jit3A_109 = arith.constant 128 : i32
    %broadcast_in_dim3A_110 = vector.broadcast %jit3A_109 : i32 to vector<8x128x128xi32>
    %select_n3A_111 = arith.select %eq3A_108, %iota3A, %broadcast_in_dim3A_110 : vector<8x128x128xi1>, vector<8x128x128xi32>
    %reduce_min3A_112 = arith.constant dense<2147483647> : vector<8x128xi32>
    %reduce_min3A_113 = vector.multi_reduction <minsi>, %select_n3A_111, %reduce_min3A_112 [1] : vector<8x128x128xi32> to vector<8x128xi32>
    %broadcast_in_dim3A_114 = vector.shape_cast %reduce_min3A_113 : vector<8x128xi32> to vector<8x1x128xi32>
    %eq3A_115 = vector.broadcast %broadcast_in_dim3A_114 : vector<8x1x128xi32> to vector<8x128x128xi32>
    %eq3A_116 = arith.cmpi eq, %iota3A, %eq3A_115 : vector<8x128x128xi32>
    %convert_element_type3A_117 = arith.extui %eq3A_116 : vector<8x128x128xi1> to vector<8x128x128xi32>
    %convert_element_type3A_118 = arith.sitofp %convert_element_type3A_117 : vector<8x128x128xi32> to vector<8x128x128xf32>
    %add3A_119 = arith.addf %add3A_100, %convert_element_type3A_118 : vector<8x128x128xf32>
    %jit3A_120 = arith.constant 0xFF800000 : f32
    %broadcast_in_dim3A_121 = vector.broadcast %jit3A_120 : f32 to vector<8x128x128xf32>
    %select_n3A_122 = arith.select %eq3A_116, %broadcast_in_dim3A_121, %select_n3A_103 : vector<8x128x128xi1>, vector<8x128x128xf32>
    %reduce_max3A_123 = arith.constant dense<0xFF800000> : vector<8x128xf32>
    %reduce_max3A_124 = vector.multi_reduction <maximumf>, %select_n3A_122, %reduce_max3A_123 [1] : vector<8x128x128xf32> to vector<8x128xf32>
    %broadcast_in_dim3A_125 = vector.shape_cast %reduce_max3A_124 : vector<8x128xf32> to vector<8x1x128xf32>
    %eq3A_126 = vector.broadcast %broadcast_in_dim3A_125 : vector<8x1x128xf32> to vector<8x128x128xf32>
    %eq3A_127 = arith.cmpf oeq, %select_n3A_122, %eq3A_126 : vector<8x128x128xf32>
    %jit3A_128 = arith.constant 128 : i32
    %broadcast_in_dim3A_129 = vector.broadcast %jit3A_128 : i32 to vector<8x128x128xi32>
    %select_n3A_130 = arith.select %eq3A_127, %iota3A, %broadcast_in_dim3A_129 : vector<8x128x128xi1>, vector<8x128x128xi32>
    %reduce_min3A_131 = arith.constant dense<2147483647> : vector<8x128xi32>
    %reduce_min3A_132 = vector.multi_reduction <minsi>, %select_n3A_130, %reduce_min3A_131 [1] : vector<8x128x128xi32> to vector<8x128xi32>
    %broadcast_in_dim3A_133 = vector.shape_cast %reduce_min3A_132 : vector<8x128xi32> to vector<8x1x128xi32>
    %eq3A_134 = vector.broadcast %broadcast_in_dim3A_133 : vector<8x1x128xi32> to vector<8x128x128xi32>
    %eq3A_135 = arith.cmpi eq, %iota3A, %eq3A_134 : vector<8x128x128xi32>
    %convert_element_type3A_136 = arith.extui %eq3A_135 : vector<8x128x128xi1> to vector<8x128x128xi32>
    %convert_element_type3A_137 = arith.sitofp %convert_element_type3A_136 : vector<8x128x128xi32> to vector<8x128x128xf32>
    %add3A_138 = arith.addf %add3A_119, %convert_element_type3A_137 : vector<8x128x128xf32>
    %jit3A_139 = arith.constant 0xFF800000 : f32
    %broadcast_in_dim3A_140 = vector.broadcast %jit3A_139 : f32 to vector<8x128x128xf32>
    %select_n3A_141 = arith.select %eq3A_135, %broadcast_in_dim3A_140, %select_n3A_122 : vector<8x128x128xi1>, vector<8x128x128xf32>
    %reduce_max3A_142 = arith.constant dense<0xFF800000> : vector<8x128xf32>
    %reduce_max3A_143 = vector.multi_reduction <maximumf>, %select_n3A_141, %reduce_max3A_142 [1] : vector<8x128x128xf32> to vector<8x128xf32>
    %broadcast_in_dim3A_144 = vector.shape_cast %reduce_max3A_143 : vector<8x128xf32> to vector<8x1x128xf32>
    %eq3A_145 = vector.broadcast %broadcast_in_dim3A_144 : vector<8x1x128xf32> to vector<8x128x128xf32>
    %eq3A_146 = arith.cmpf oeq, %select_n3A_141, %eq3A_145 : vector<8x128x128xf32>
    %jit3A_147 = arith.constant 128 : i32
    %broadcast_in_dim3A_148 = vector.broadcast %jit3A_147 : i32 to vector<8x128x128xi32>
    %select_n3A_149 = arith.select %eq3A_146, %iota3A, %broadcast_in_dim3A_148 : vector<8x128x128xi1>, vector<8x128x128xi32>
    %reduce_min3A_150 = arith.constant dense<2147483647> : vector<8x128xi32>
    %reduce_min3A_151 = vector.multi_reduction <minsi>, %select_n3A_149, %reduce_min3A_150 [1] : vector<8x128x128xi32> to vector<8x128xi32>
    %broadcast_in_dim3A_152 = vector.shape_cast %reduce_min3A_151 : vector<8x128xi32> to vector<8x1x128xi32>
    %eq3A_153 = vector.broadcast %broadcast_in_dim3A_152 : vector<8x1x128xi32> to vector<8x128x128xi32>
    %eq3A_154 = arith.cmpi eq, %iota3A, %eq3A_153 : vector<8x128x128xi32>
    %convert_element_type3A_155 = arith.extui %eq3A_154 : vector<8x128x128xi1> to vector<8x128x128xi32>
    %convert_element_type3A_156 = arith.sitofp %convert_element_type3A_155 : vector<8x128x128xi32> to vector<8x128x128xf32>
    %add3A_157 = arith.addf %add3A_138, %convert_element_type3A_156 : vector<8x128x128xf32>
    %jit3A_158 = arith.constant 0xFF800000 : f32
    %broadcast_in_dim3A_159 = vector.broadcast %jit3A_158 : f32 to vector<8x128x128xf32>
    %select_n3A_160 = arith.select %eq3A_154, %broadcast_in_dim3A_159, %select_n3A_141 : vector<8x128x128xi1>, vector<8x128x128xf32>
    %reduce_max3A_161 = arith.constant dense<0xFF800000> : vector<8x128xf32>
    %reduce_max3A_162 = vector.multi_reduction <maximumf>, %select_n3A_160, %reduce_max3A_161 [1] : vector<8x128x128xf32> to vector<8x128xf32>
    %broadcast_in_dim3A_163 = vector.shape_cast %reduce_max3A_162 : vector<8x128xf32> to vector<8x1x128xf32>
    %eq3A_164 = vector.broadcast %broadcast_in_dim3A_163 : vector<8x1x128xf32> to vector<8x128x128xf32>
    %eq3A_165 = arith.cmpf oeq, %select_n3A_160, %eq3A_164 : vector<8x128x128xf32>
    %jit3A_166 = arith.constant 128 : i32
    %broadcast_in_dim3A_167 = vector.broadcast %jit3A_166 : i32 to vector<8x128x128xi32>
    %select_n3A_168 = arith.select %eq3A_165, %iota3A, %broadcast_in_dim3A_167 : vector<8x128x128xi1>, vector<8x128x128xi32>
    %reduce_min3A_169 = arith.constant dense<2147483647> : vector<8x128xi32>
    %reduce_min3A_170 = vector.multi_reduction <minsi>, %select_n3A_168, %reduce_min3A_169 [1] : vector<8x128x128xi32> to vector<8x128xi32>
    %broadcast_in_dim3A_171 = vector.shape_cast %reduce_min3A_170 : vector<8x128xi32> to vector<8x1x128xi32>
    %eq3A_172 = vector.broadcast %broadcast_in_dim3A_171 : vector<8x1x128xi32> to vector<8x128x128xi32>
    %eq3A_173 = arith.cmpi eq, %iota3A, %eq3A_172 : vector<8x128x128xi32>
    %convert_element_type3A_174 = arith.extui %eq3A_173 : vector<8x128x128xi1> to vector<8x128x128xi32>
    %convert_element_type3A_175 = arith.sitofp %convert_element_type3A_174 : vector<8x128x128xi32> to vector<8x128x128xf32>
    %add3A_176 = arith.addf %add3A_157, %convert_element_type3A_175 : vector<8x128x128xf32>
    %get3A_177 = arith.constant 0 : index
    %get3A_178 = arith.constant 0 : index
    %get3A_179 = vector.load %arg4[%get3A_177, %get3A_178] : memref<64x32xf32, #tpu.memory_space<vmem>>, vector<64x32xf32>
    "tpu.trace_start"() <{level = 10 : i32, message = "oc,bcn->bon"}> : () -> ()
    %dot_general3A_180 = arith.constant dense<0.000000e+00> : vector<8x128x64xf32>
    %dot_general3A_181 = tpu.matmul %mul3A_7, %get3A_179, %dot_general3A_180 {dimension_numbers = #tpu.dot_dimension_numbers<[1], [1], [0, 2], [0], [0, 0, 0, 2, 1, 0], [], []>, transpose_lhs_hint = false} : vector<8x32x128xf32>, vector<64x32xf32>, vector<8x128x64xf32> -> vector<8x128x64xf32>
    %transpose3A = tpu.transpose %dot_general3A_181, [0, 2, 1] : vector<8x128x64xf32> -> vector<8x64x128xf32>
    "tpu.trace_stop"() : () -> ()
    %get3A_182 = arith.constant 0 : index
    %get3A_183 = arith.constant 0 : index
    %get3A_184 = vector.load %arg7[%get3A_182, %get3A_183] : memref<64x1xf32, #tpu.memory_space<vmem>>, vector<64x1xf32>
    %broadcast_in_dim3A_185 = vector.shape_cast %get3A_184 : vector<64x1xf32> to vector<1x64x1xf32>
    %mul3A_186 = vector.broadcast %broadcast_in_dim3A_185 : vector<1x64x1xf32> to vector<8x64x128xf32>
    %mul3A_187 = vector.broadcast %get3A_2 : vector<8x1x128xf32> to vector<8x64x128xf32>
    %mul3A_188 = arith.mulf %mul3A_186, %mul3A_187 : vector<8x64x128xf32>
    %add3A_189 = arith.addf %transpose3A, %mul3A_188 : vector<8x64x128xf32>
    %get3A_190 = arith.constant 0 : index
    %get3A_191 = arith.constant 0 : index
    %get3A_192 = vector.load %arg5[%get3A_190, %get3A_191] : memref<64x32xf32, #tpu.memory_space<vmem>>, vector<64x32xf32>
    "tpu.trace_start"() <{level = 10 : i32, message = "oc,bcn->bon"}> : () -> ()
    %dot_general3A_193 = arith.constant dense<0.000000e+00> : vector<8x128x64xf32>
    %dot_general3A_194 = tpu.matmul %mul3A_7, %get3A_192, %dot_general3A_193 {dimension_numbers = #tpu.dot_dimension_numbers<[1], [1], [0, 2], [0], [0, 0, 0, 2, 1, 0], [], []>, transpose_lhs_hint = false} : vector<8x32x128xf32>, vector<64x32xf32>, vector<8x128x64xf32> -> vector<8x128x64xf32>
    %transpose3A_195 = tpu.transpose %dot_general3A_194, [0, 2, 1] : vector<8x128x64xf32> -> vector<8x64x128xf32>
    "tpu.trace_stop"() : () -> ()
    %get3A_196 = arith.constant 0 : index
    %get3A_197 = arith.constant 0 : index
    %get3A_198 = vector.load %arg8[%get3A_196, %get3A_197] : memref<64x1xf32, #tpu.memory_space<vmem>>, vector<64x1xf32>
    %broadcast_in_dim3A_199 = vector.shape_cast %get3A_198 : vector<64x1xf32> to vector<1x64x1xf32>
    %mul3A_200 = vector.broadcast %broadcast_in_dim3A_199 : vector<1x64x1xf32> to vector<8x64x128xf32>
    %mul3A_201 = vector.broadcast %get3A_2 : vector<8x1x128xf32> to vector<8x64x128xf32>
    %mul3A_202 = arith.mulf %mul3A_200, %mul3A_201 : vector<8x64x128xf32>
    %add3A_203 = arith.addf %transpose3A_195, %mul3A_202 : vector<8x64x128xf32>
    %get3A_204 = arith.constant 0 : index
    %get3A_205 = arith.constant 0 : index
    %get3A_206 = vector.load %arg6[%get3A_204, %get3A_205] : memref<64x32xf32, #tpu.memory_space<vmem>>, vector<64x32xf32>
    "tpu.trace_start"() <{level = 10 : i32, message = "oc,bcn->bon"}> : () -> ()
    %dot_general3A_207 = arith.constant dense<0.000000e+00> : vector<8x128x64xf32>
    %dot_general3A_208 = tpu.matmul %mul3A_7, %get3A_206, %dot_general3A_207 {dimension_numbers = #tpu.dot_dimension_numbers<[1], [1], [0, 2], [0], [0, 0, 0, 2, 1, 0], [], []>, transpose_lhs_hint = false} : vector<8x32x128xf32>, vector<64x32xf32>, vector<8x128x64xf32> -> vector<8x128x64xf32>
    %transpose3A_209 = tpu.transpose %dot_general3A_208, [0, 2, 1] : vector<8x128x64xf32> -> vector<8x64x128xf32>
    "tpu.trace_stop"() : () -> ()
    %get3A_210 = arith.constant 0 : index
    %get3A_211 = arith.constant 0 : index
    %get3A_212 = vector.load %arg9[%get3A_210, %get3A_211] : memref<64x1xf32, #tpu.memory_space<vmem>>, vector<64x1xf32>
    %broadcast_in_dim3A_213 = vector.shape_cast %get3A_212 : vector<64x1xf32> to vector<1x64x1xf32>
    %mul3A_214 = vector.broadcast %broadcast_in_dim3A_213 : vector<1x64x1xf32> to vector<8x64x128xf32>
    %mul3A_215 = vector.broadcast %get3A_2 : vector<8x1x128xf32> to vector<8x64x128xf32>
    %mul3A_216 = arith.mulf %mul3A_214, %mul3A_215 : vector<8x64x128xf32>
    %add3A_217 = arith.addf %transpose3A_209, %mul3A_216 : vector<8x64x128xf32>
    %reduce_sum3A_218 = arith.constant dense<0.000000e+00> : vector<8x128xf32>
    %reduce_sum3A_219 = vector.multi_reduction <add>, %add3A_176, %reduce_sum3A_218 [2] : vector<8x128x128xf32> to vector<8x128xf32>
    %dot_general3A_220 = arith.constant dense<0.000000e+00> : vector<8x64x128xf32>
    %dot_general3A_221 = tpu.matmul %add3A_203, %add3A_176, %dot_general3A_220 {dimension_numbers = #tpu.dot_dimension_numbers<[2], [1], [1], [2], [0, 0, 0, 1, 1, 2], [0], [0]>, transpose_lhs_hint = false} : vector<8x64x128xf32>, vector<8x128x128xf32>, vector<8x64x128xf32> -> vector<8x64x128xf32>
    %reduce_sum3A_222 = arith.constant dense<0.000000e+00> : vector<64xf32>
    %reduce_sum3A_223 = vector.multi_reduction <add>, %add3A_189, %reduce_sum3A_222 [0, 2] : vector<8x64x128xf32> to vector<64xf32>
    %mul3A_224 = arith.constant 7.000000e+00 : f32
    %mul3A_225 = vector.broadcast %mul3A_224 : f32 to vector<64xf32>
    %mul3A_226 = arith.mulf %mul3A_225, %reduce_sum3A_223 : vector<64xf32>
    %broadcast_in_dim3A_227 = vector.shape_cast %reduce_sum3A_219 : vector<8x128xf32> to vector<8x1x128xf32>
    %mul3A_228 = vector.broadcast %broadcast_in_dim3A_227 : vector<8x1x128xf32> to vector<8x64x128xf32>
    %mul3A_229 = arith.mulf %add3A_203, %mul3A_228 : vector<8x64x128xf32>
    %reduce_sum3A_230 = arith.constant dense<0.000000e+00> : vector<64xf32>
    %reduce_sum3A_231 = vector.multi_reduction <add>, %mul3A_229, %reduce_sum3A_230 [0, 2] : vector<8x64x128xf32> to vector<64xf32>
    %add3A_232 = arith.addf %mul3A_226, %reduce_sum3A_231 : vector<64xf32>
    %mul3A_233 = arith.mulf %add3A_189, %add3A_189 : vector<8x64x128xf32>
    %reduce_sum3A_234 = arith.constant dense<0.000000e+00> : vector<64xf32>
    %reduce_sum3A_235 = vector.multi_reduction <add>, %mul3A_233, %reduce_sum3A_234 [0, 2] : vector<8x64x128xf32> to vector<64xf32>
    %mul3A_236 = arith.constant 7.000000e+00 : f32
    %mul3A_237 = vector.broadcast %mul3A_236 : f32 to vector<64xf32>
    %mul3A_238 = arith.mulf %mul3A_237, %reduce_sum3A_235 : vector<64xf32>
    %mul3A_239 = arith.mulf %add3A_189, %dot_general3A_221 : vector<8x64x128xf32>
    %reduce_sum3A_240 = arith.constant dense<0.000000e+00> : vector<64xf32>
    %reduce_sum3A_241 = vector.multi_reduction <add>, %mul3A_239, %reduce_sum3A_240 [0, 2] : vector<8x64x128xf32> to vector<64xf32>
    %mul3A_242 = arith.constant 2.000000e+00 : f32
    %mul3A_243 = vector.broadcast %mul3A_242 : f32 to vector<64xf32>
    %mul3A_244 = arith.mulf %mul3A_243, %reduce_sum3A_241 : vector<64xf32>
    %add3A_245 = arith.addf %mul3A_238, %mul3A_244 : vector<64xf32>
    %mul3A_246 = arith.mulf %add3A_203, %add3A_203 : vector<8x64x128xf32>
    %broadcast_in_dim3A_247 = vector.shape_cast %reduce_sum3A_219 : vector<8x128xf32> to vector<8x1x128xf32>
    %mul3A_248 = vector.broadcast %broadcast_in_dim3A_247 : vector<8x1x128xf32> to vector<8x64x128xf32>
    %mul3A_249 = arith.mulf %mul3A_246, %mul3A_248 : vector<8x64x128xf32>
    %reduce_sum3A_250 = arith.constant dense<0.000000e+00> : vector<64xf32>
    %reduce_sum3A_251 = vector.multi_reduction <add>, %mul3A_249, %reduce_sum3A_250 [0, 2] : vector<8x64x128xf32> to vector<64xf32>
    %add3A_252 = arith.addf %add3A_245, %reduce_sum3A_251 : vector<64xf32>
    %mul3A_253 = arith.constant 8 : i32
    %mul3A_254 = arith.muli %arg0, %mul3A_253 : i32
    %iota3A_255 = tpu.iota {dimensions = array<i32: 0>} : vector<8x1xi32>
    %add3A_256 = vector.broadcast %mul3A_254 : i32 to vector<8x1xi32>
    %add3A_257 = arith.addi %add3A_256, %iota3A_255 : vector<8x1xi32>
    %mul3A_258 = arith.constant 128 : i32
    %mul3A_259 = vector.broadcast %mul3A_258 : i32 to vector<8x1xi32>
    %mul3A_260 = arith.muli %add3A_257, %mul3A_259 : vector<8x1xi32>
    %add3A_261 = vector.broadcast %mul3A_260 : vector<8x1xi32> to vector<8x128xi32>
    %add3A_262 = arith.addi %reduce_min3A_55, %add3A_261 : vector<8x128xi32>
    %add3A_263 = vector.broadcast %mul3A_260 : vector<8x1xi32> to vector<8x128xi32>
    %add3A_264 = arith.addi %reduce_min3A_75, %add3A_263 : vector<8x128xi32>
    %add3A_265 = vector.broadcast %mul3A_260 : vector<8x1xi32> to vector<8x128xi32>
    %add3A_266 = arith.addi %reduce_min3A_94, %add3A_265 : vector<8x128xi32>
    %add3A_267 = vector.broadcast %mul3A_260 : vector<8x1xi32> to vector<8x128xi32>
    %add3A_268 = arith.addi %reduce_min3A_113, %add3A_267 : vector<8x128xi32>
    %add3A_269 = vector.broadcast %mul3A_260 : vector<8x1xi32> to vector<8x128xi32>
    %add3A_270 = arith.addi %reduce_min3A_132, %add3A_269 : vector<8x128xi32>
    %add3A_271 = vector.broadcast %mul3A_260 : vector<8x1xi32> to vector<8x128xi32>
    %add3A_272 = arith.addi %reduce_min3A_151, %add3A_271 : vector<8x128xi32>
    %add3A_273 = vector.broadcast %mul3A_260 : vector<8x1xi32> to vector<8x128xi32>
    %add3A_274 = arith.addi %reduce_min3A_170, %add3A_273 : vector<8x128xi32>
    %concatenate3A = tpu.concatenate %add3A_262, %add3A_264, %add3A_266, %add3A_268, %add3A_270, %add3A_272, %add3A_274 in 1 : vector<8x128xi32>, vector<8x128xi32>, vector<8x128xi32>, vector<8x128xi32>, vector<8x128xi32>, vector<8x128xi32>, vector<8x128xi32> -> vector<8x896xi32>
    %swap3A = arith.constant 0 : index
    %swap3A_275 = arith.constant 0 : index
    %swap3A_276 = vector.load %arg12[%swap3A, %swap3A_275] : memref<8x896xi32, #tpu.memory_space<vmem>>, vector<8x896xi32>
    tpu.vector_store %arg12[%swap3A, %swap3A_275], %concatenate3A {strides = array<i32>} : memref<8x896xi32, #tpu.memory_space<vmem>>, vector<8x896xi32>,
    %transpose3A_277 = tpu.transpose %add3A_203, [0, 2, 1] : vector<8x64x128xf32> -> vector<8x128x64xf32>
    %broadcast_in_dim3A_278 = arith.constant 0.000000e+00 : f32
    %broadcast_in_dim3A_279 = vector.broadcast %broadcast_in_dim3A_278 : f32 to vector<8x128x64xf32>
    %concatenate3A_280 = tpu.concatenate %transpose3A_277, %broadcast_in_dim3A_279 in 2 : vector<8x128x64xf32>, vector<8x128x64xf32> -> vector<8x128x128xf32>
    %swap3A_281 = arith.constant 0 : index
    %swap3A_282 = arith.constant 0 : index
    %swap3A_283 = arith.constant 0 : index
    %swap3A_284 = vector.load %arg10[%swap3A_281, %swap3A_282, %swap3A_283] : memref<8x128x128xf32, #tpu.memory_space<vmem>>, vector<8x128x128xf32>
    tpu.vector_store %arg10[%swap3A_281, %swap3A_282, %swap3A_283], %concatenate3A_280 {strides = array<i32>} : memref<8x128x128xf32, #tpu.memory_space<vmem>>, vector<8x128x128xf32>,
    %swap3A_285 = arith.constant 0 : index
    %swap3A_286 = arith.constant 0 : index
    %swap3A_287 = arith.constant 0 : index
    %swap3A_288 = vector.load %arg11[%swap3A_285, %swap3A_286, %swap3A_287] : memref<8x64x128xf32, #tpu.memory_space<vmem>>, vector<8x64x128xf32>
    tpu.vector_store %arg11[%swap3A_285, %swap3A_286, %swap3A_287], %add3A_189 {strides = array<i32>} : memref<8x64x128xf32, #tpu.memory_space<vmem>>, vector<8x64x128xf32>,
    %swap3A_289 = arith.constant 0 : index
    %swap3A_290 = arith.constant 0 : index
    %swap3A_291 = arith.constant 0 : index
    %swap3A_292 = vector.load %arg13[%swap3A_289, %swap3A_290, %swap3A_291] : memref<8x64x128xf32, #tpu.memory_space<vmem>>, vector<8x64x128xf32>
    tpu.vector_store %arg13[%swap3A_289, %swap3A_290, %swap3A_291], %add3A_217 {strides = array<i32>} : memref<8x64x128xf32, #tpu.memory_space<vmem>>, vector<8x64x128xf32>,
    %broadcast_in_dim3A_293 = vector.shape_cast %add3A_232 : vector<64xf32> to vector<1x64xf32>
    %broadcast_in_dim3A_294 = vector.shape_cast %add3A_252 : vector<64xf32> to vector<1x64xf32>
    %reduce_sum3A_295 = arith.constant dense<0.000000e+00> : vector<64xf32>
    %reduce_sum3A_296 = vector.multi_reduction <add>, %add3A_217, %reduce_sum3A_295 [0, 2] : vector<8x64x128xf32> to vector<64xf32>
    %broadcast_in_dim3A_297 = vector.shape_cast %reduce_sum3A_296 : vector<64xf32> to vector<1x64xf32>
    %mul3A_298 = arith.mulf %add3A_217, %add3A_217 : vector<8x64x128xf32>
    %reduce_sum3A_299 = arith.constant dense<0.000000e+00> : vector<64xf32>
    %reduce_sum3A_300 = vector.multi_reduction <add>, %mul3A_298, %reduce_sum3A_299 [0, 2] : vector<8x64x128xf32> to vector<64xf32>
    %broadcast_in_dim3A_301 = vector.shape_cast %reduce_sum3A_300 : vector<64xf32> to vector<1x64xf32>
    %concatenate3A_302 = tpu.concatenate %broadcast_in_dim3A_293, %broadcast_in_dim3A_294, %broadcast_in_dim3A_297, %broadcast_in_dim3A_301 in 0 : vector<1x64xf32>, vector<1x64xf32>, vector<1x64xf32>, vector<1x64xf32> -> vector<4x64xf32>
    %eq3A_303 = arith.constant 0 : i32
    %eq3A_304 = arith.cmpi eq, %arg0, %eq3A_303 : i32
    %convert_element_type3A_305 = arith.extui %eq3A_304 : i1 to i32
    %cond3A = arith.constant 0 : i32
    %cond3A_306 = arith.cmpi ne, %convert_element_type3A_305, %cond3A : i32
    scf.if %cond3A_306 {
      %broadcast_in_dim3A_314 = arith.constant 0.000000e+00 : f32
      %broadcast_in_dim3A_315 = vector.broadcast %broadcast_in_dim3A_314 : f32 to vector<4x64xf32>
      %swap3A_316 = arith.constant 0 : index
      %swap3A_317 = arith.constant 0 : index
      %swap3A_318 = vector.load %arg14[%swap3A_316, %swap3A_317] : memref<4x64xf32, #tpu.memory_space<vmem>>, vector<4x64xf32>
      tpu.vector_store %arg14[%swap3A_316, %swap3A_317], %broadcast_in_dim3A_315 {strides = array<i32>} : memref<4x64xf32, #tpu.memory_space<vmem>>, vector<4x64xf32>,
    } else {
    }
    %get3A_307 = arith.constant 0 : index
    %get3A_308 = arith.constant 0 : index
    %get3A_309 = vector.load %arg14[%get3A_307, %get3A_308] : memref<4x64xf32, #tpu.memory_space<vmem>>, vector<4x64xf32>
    %add3A_310 = arith.addf %get3A_309, %concatenate3A_302 : vector<4x64xf32>
    %swap3A_311 = arith.constant 0 : index
    %swap3A_312 = arith.constant 0 : index
    %swap3A_313 = vector.load %arg14[%swap3A_311, %swap3A_312] : memref<4x64xf32, #tpu.memory_space<vmem>>, vector<4x64xf32>
    tpu.vector_store %arg14[%swap3A_311, %swap3A_312], %add3A_310 {strides = array<i32>} : memref<4x64xf32, #tpu.memory_space<vmem>>, vector<4x64xf32>,
    return
  }
  func.func @transform_0(%arg0: i32) -> (i32, i32, i32) {
    %c0_i32 = arith.constant 0 : i32
    %c0_i32_0 = arith.constant 0 : i32
    %c0_i32_1 = arith.constant 0 : i32
    return %arg0, %c0_i32, %c0_i32_0 : i32, i32, i32
  }
  func.func @transform_1(%arg0: i32) -> (i32, i32, i32) {
    %c0_i32 = arith.constant 0 : i32
    %c0_i32_0 = arith.constant 0 : i32
    %c0_i32_1 = arith.constant 0 : i32
    return %arg0, %c0_i32, %c0_i32_0 : i32, i32, i32
  }
  func.func @transform_2(%arg0: i32) -> (i32, i32, i32) {
    %c0_i32 = arith.constant 0 : i32
    %c0_i32_0 = arith.constant 0 : i32
    %c0_i32_1 = arith.constant 0 : i32
    return %arg0, %c0_i32, %c0_i32_0 : i32, i32, i32
  }
  func.func @transform_3(%arg0: i32) -> (i32, i32) {
    %c0_i32 = arith.constant 0 : i32
    %c0_i32_0 = arith.constant 0 : i32
    %c0_i32_1 = arith.constant 0 : i32
    return %c0_i32, %c0_i32_0 : i32, i32
  }
  func.func @transform_4(%arg0: i32) -> (i32, i32) {
    %c0_i32 = arith.constant 0 : i32
    %c0_i32_0 = arith.constant 0 : i32
    %c0_i32_1 = arith.constant 0 : i32
    return %c0_i32, %c0_i32_0 : i32, i32
  }
  func.func @transform_5(%arg0: i32) -> (i32, i32) {
    %c0_i32 = arith.constant 0 : i32
    %c0_i32_0 = arith.constant 0 : i32
    %c0_i32_1 = arith.constant 0 : i32
    return %c0_i32, %c0_i32_0 : i32, i32
  }
  func.func @transform_6(%arg0: i32) -> (i32, i32) {
    %c0_i32 = arith.constant 0 : i32
    %c0_i32_0 = arith.constant 0 : i32
    %c0_i32_1 = arith.constant 0 : i32
    return %c0_i32, %c0_i32_0 : i32, i32
  }
  func.func @transform_7(%arg0: i32) -> (i32, i32) {
    %c0_i32 = arith.constant 0 : i32
    %c0_i32_0 = arith.constant 0 : i32
    %c0_i32_1 = arith.constant 0 : i32
    return %c0_i32, %c0_i32_0 : i32, i32
  }
  func.func @transform_8(%arg0: i32) -> (i32, i32) {
    %c0_i32 = arith.constant 0 : i32
    %c0_i32_0 = arith.constant 0 : i32
    %c0_i32_1 = arith.constant 0 : i32
    return %c0_i32, %c0_i32_0 : i32, i32
  }
  func.func @transform_9(%arg0: i32) -> (i32, i32, i32) {
    %c0_i32 = arith.constant 0 : i32
    %c0_i32_0 = arith.constant 0 : i32
    %c0_i32_1 = arith.constant 0 : i32
    return %arg0, %c0_i32, %c0_i32_0 : i32, i32, i32
  }
  func.func @transform_10(%arg0: i32) -> (i32, i32, i32) {
    %c0_i32 = arith.constant 0 : i32
    %c0_i32_0 = arith.constant 0 : i32
    %c0_i32_1 = arith.constant 0 : i32
    return %arg0, %c0_i32, %c0_i32_0 : i32, i32, i32
  }
  func.func @transform_11(%arg0: i32) -> (i32, i32) {
    %c0_i32 = arith.constant 0 : i32
    %c0_i32_0 = arith.constant 0 : i32
    return %arg0, %c0_i32 : i32, i32
  }
  func.func @transform_12(%arg0: i32) -> (i32, i32, i32) {
    %c0_i32 = arith.constant 0 : i32
    %c0_i32_0 = arith.constant 0 : i32
    %c0_i32_1 = arith.constant 0 : i32
    return %arg0, %c0_i32, %c0_i32_0 : i32, i32, i32
  }
  func.func @transform_13(%arg0: i32) -> (i32, i32) {
    %c0_i32 = arith.constant 0 : i32
    %c0_i32_0 = arith.constant 0 : i32
    %c0_i32_1 = arith.constant 0 : i32
    return %c0_i32, %c0_i32_0 : i32, i32
  }
}

module attributes {stable_mosaic.version = 14 : i64} {
  func.func @_gather_layer_kernel(%arg0: i32, %arg1: memref<8x896x128xf32, #tpu.memory_space<vmem>>, %arg2: memref<8x64x128xf32, #tpu.memory_space<vmem>>, %arg3: memref<64x1xf32, #tpu.memory_space<vmem>>, %arg4: memref<64x1xf32, #tpu.memory_space<vmem>>, %arg5: memref<64x64xf32, #tpu.memory_space<vmem>>, %arg6: memref<8x64x896xf32, #tpu.memory_space<vmem>>, %arg7: memref<2x64xf32, #tpu.memory_space<vmem>>) attributes {dimension_semantics = [#tpu.dimension_semantics<arbitrary>], iteration_bounds = array<i64: 8>, scalar_prefetch = 0 : i64, scratch_operands = 0 : i64, tpu.core_type = #tpu.core_type<tc>, window_params = [{transform_indices = @transform_0, window_bounds = array<i64: 8, 896, 128>}, {transform_indices = @transform_1, window_bounds = array<i64: 8, 64, 128>}, {pipeline_mode = #tpu.pipeline_mode<synchronous>, transform_indices = @transform_2, window_bounds = array<i64: 64, 1>}, {pipeline_mode = #tpu.pipeline_mode<synchronous>, transform_indices = @transform_3, window_bounds = array<i64: 64, 1>}, {pipeline_mode = #tpu.pipeline_mode<synchronous>, transform_indices = @transform_4, window_bounds = array<i64: 64, 64>}, {transform_indices = @transform_5, window_bounds = array<i64: 8, 64, 896>}, {pipeline_mode = #tpu.pipeline_mode<synchronous>, transform_indices = @transform_6, window_bounds = array<i64: 2, 64>}]} {
    %get3A = arith.constant 0 : index
    %get3A_0 = arith.constant 0 : index
    %get3A_1 = vector.load %arg3[%get3A, %get3A_0] : memref<64x1xf32, #tpu.memory_space<vmem>>, vector<64x1xf32>
    %get3A_2 = arith.constant 0 : index
    %get3A_3 = arith.constant 0 : index
    %get3A_4 = vector.load %arg4[%get3A_2, %get3A_3] : memref<64x1xf32, #tpu.memory_space<vmem>>, vector<64x1xf32>
    %get3A_5 = arith.constant 0 : index
    %get3A_6 = arith.constant 0 : index
    %get3A_7 = vector.load %arg5[%get3A_5, %get3A_6] : memref<64x64xf32, #tpu.memory_space<vmem>>, vector<64x64xf32>
    %get3A_8 = arith.constant 0 : index
    %get3A_9 = arith.constant 0 : index
    %get3A_10 = arith.constant 0 : index
    %get3A_11 = vector.load %arg1[%get3A_8, %get3A_9, %get3A_10] : memref<8x896x128xf32, #tpu.memory_space<vmem>>, vector<1x896x128xf32>
    %get3A_12 = vector.shape_cast %get3A_11 : vector<1x896x128xf32> to vector<896x128xf32>
    %transpose3A = tpu.transpose %get3A_12, [1, 0] : vector<896x128xf32> -> vector<128x896xf32>
    %slice3A = vector.extract_strided_slice %transpose3A {offsets = [0, 0], sizes = [64, 896], strides = [1, 1]} : vector<128x896xf32> to vector<64x896xf32>
    %get3A_13 = arith.constant 0 : index
    %get3A_14 = arith.constant 0 : index
    %get3A_15 = arith.constant 0 : index
    %get3A_16 = vector.load %arg2[%get3A_13, %get3A_14, %get3A_15] : memref<8x64x128xf32, #tpu.memory_space<vmem>>, vector<1x64x128xf32>
    %get3A_17 = vector.shape_cast %get3A_16 : vector<1x64x128xf32> to vector<64x128xf32>
    %concatenate3A = tpu.concatenate %get3A_17, %get3A_17, %get3A_17, %get3A_17, %get3A_17, %get3A_17, %get3A_17 in 1 : vector<64x128xf32>, vector<64x128xf32>, vector<64x128xf32>, vector<64x128xf32>, vector<64x128xf32>, vector<64x128xf32>, vector<64x128xf32> -> vector<64x896xf32>
    %add3A = arith.addf %slice3A, %concatenate3A : vector<64x896xf32>
    %mul3A = vector.broadcast %get3A_1 : vector<64x1xf32> to vector<64x896xf32>
    %mul3A_18 = arith.mulf %mul3A, %add3A : vector<64x896xf32>
    %add3A_19 = vector.broadcast %get3A_4 : vector<64x1xf32> to vector<64x896xf32>
    %add3A_20 = arith.addf %mul3A_18, %add3A_19 : vector<64x896xf32>
    %max3A = arith.constant 0.000000e+00 : f32
    %max3A_21 = vector.broadcast %max3A : f32 to vector<64x896xf32>
    %max3A_22 = arith.maximumf %add3A_20, %max3A_21 : vector<64x896xf32>
    %dot_general3A = arith.constant dense<0.000000e+00> : vector<64x896xf32>
    %dot_general3A_23 = tpu.matmul %get3A_7, %max3A_22, %dot_general3A {dimension_numbers = #tpu.dot_dimension_numbers<[1], [0], [0], [1], [0, 0, 1, 1], [], []>, transpose_lhs_hint = false} : vector<64x64xf32>, vector<64x896xf32>, vector<64x896xf32> -> vector<64x896xf32>
    %swap3A = arith.constant 0 : index
    %swap3A_24 = arith.constant 0 : index
    %swap3A_25 = arith.constant 0 : index
    %swap3A_26 = vector.load %arg6[%swap3A, %swap3A_24, %swap3A_25] : memref<8x64x896xf32, #tpu.memory_space<vmem>>, vector<1x64x896xf32>
    %swap3A_27 = vector.shape_cast %swap3A_26 : vector<1x64x896xf32> to vector<64x896xf32>
    %swap3A_28 = vector.shape_cast %dot_general3A_23 : vector<64x896xf32> to vector<1x64x896xf32>
    tpu.vector_store %arg6[%swap3A, %swap3A_24, %swap3A_25], %swap3A_28 {strides = array<i32>} : memref<8x64x896xf32, #tpu.memory_space<vmem>>, vector<1x64x896xf32>,
    %reduce_sum3A = arith.constant dense<0.000000e+00> : vector<64xf32>
    %reduce_sum3A_29 = vector.multi_reduction <add>, %dot_general3A_23, %reduce_sum3A [1] : vector<64x896xf32> to vector<64xf32>
    %add3A_30 = arith.constant 0.000000e+00 : f32
    %add3A_31 = vector.broadcast %add3A_30 : f32 to vector<64xf32>
    %add3A_32 = arith.addf %add3A_31, %reduce_sum3A_29 : vector<64xf32>
    %mul3A_33 = arith.mulf %dot_general3A_23, %dot_general3A_23 : vector<64x896xf32>
    %reduce_sum3A_34 = arith.constant dense<0.000000e+00> : vector<64xf32>
    %reduce_sum3A_35 = vector.multi_reduction <add>, %mul3A_33, %reduce_sum3A_34 [1] : vector<64x896xf32> to vector<64xf32>
    %add3A_36 = arith.constant 0.000000e+00 : f32
    %add3A_37 = vector.broadcast %add3A_36 : f32 to vector<64xf32>
    %add3A_38 = arith.addf %add3A_37, %reduce_sum3A_35 : vector<64xf32>
    %get3A_39 = arith.constant 1 : index
    %get3A_40 = arith.constant 0 : index
    %get3A_41 = arith.constant 0 : index
    %get3A_42 = vector.load %arg1[%get3A_39, %get3A_40, %get3A_41] : memref<8x896x128xf32, #tpu.memory_space<vmem>>, vector<1x896x128xf32>
    %get3A_43 = vector.shape_cast %get3A_42 : vector<1x896x128xf32> to vector<896x128xf32>
    %transpose3A_44 = tpu.transpose %get3A_43, [1, 0] : vector<896x128xf32> -> vector<128x896xf32>
    %slice3A_45 = vector.extract_strided_slice %transpose3A_44 {offsets = [0, 0], sizes = [64, 896], strides = [1, 1]} : vector<128x896xf32> to vector<64x896xf32>
    %get3A_46 = arith.constant 1 : index
    %get3A_47 = arith.constant 0 : index
    %get3A_48 = arith.constant 0 : index
    %get3A_49 = vector.load %arg2[%get3A_46, %get3A_47, %get3A_48] : memref<8x64x128xf32, #tpu.memory_space<vmem>>, vector<1x64x128xf32>
    %get3A_50 = vector.shape_cast %get3A_49 : vector<1x64x128xf32> to vector<64x128xf32>
    %concatenate3A_51 = tpu.concatenate %get3A_50, %get3A_50, %get3A_50, %get3A_50, %get3A_50, %get3A_50, %get3A_50 in 1 : vector<64x128xf32>, vector<64x128xf32>, vector<64x128xf32>, vector<64x128xf32>, vector<64x128xf32>, vector<64x128xf32>, vector<64x128xf32> -> vector<64x896xf32>
    %add3A_52 = arith.addf %slice3A_45, %concatenate3A_51 : vector<64x896xf32>
    %mul3A_53 = vector.broadcast %get3A_1 : vector<64x1xf32> to vector<64x896xf32>
    %mul3A_54 = arith.mulf %mul3A_53, %add3A_52 : vector<64x896xf32>
    %add3A_55 = vector.broadcast %get3A_4 : vector<64x1xf32> to vector<64x896xf32>
    %add3A_56 = arith.addf %mul3A_54, %add3A_55 : vector<64x896xf32>
    %max3A_57 = arith.constant 0.000000e+00 : f32
    %max3A_58 = vector.broadcast %max3A_57 : f32 to vector<64x896xf32>
    %max3A_59 = arith.maximumf %add3A_56, %max3A_58 : vector<64x896xf32>
    %dot_general3A_60 = arith.constant dense<0.000000e+00> : vector<64x896xf32>
    %dot_general3A_61 = tpu.matmul %get3A_7, %max3A_59, %dot_general3A_60 {dimension_numbers = #tpu.dot_dimension_numbers<[1], [0], [0], [1], [0, 0, 1, 1], [], []>, transpose_lhs_hint = false} : vector<64x64xf32>, vector<64x896xf32>, vector<64x896xf32> -> vector<64x896xf32>
    %swap3A_62 = arith.constant 1 : index
    %swap3A_63 = arith.constant 0 : index
    %swap3A_64 = arith.constant 0 : index
    %swap3A_65 = vector.load %arg6[%swap3A_62, %swap3A_63, %swap3A_64] : memref<8x64x896xf32, #tpu.memory_space<vmem>>, vector<1x64x896xf32>
    %swap3A_66 = vector.shape_cast %swap3A_65 : vector<1x64x896xf32> to vector<64x896xf32>
    %swap3A_67 = vector.shape_cast %dot_general3A_61 : vector<64x896xf32> to vector<1x64x896xf32>
    tpu.vector_store %arg6[%swap3A_62, %swap3A_63, %swap3A_64], %swap3A_67 {strides = array<i32>} : memref<8x64x896xf32, #tpu.memory_space<vmem>>, vector<1x64x896xf32>,
    %reduce_sum3A_68 = arith.constant dense<0.000000e+00> : vector<64xf32>
    %reduce_sum3A_69 = vector.multi_reduction <add>, %dot_general3A_61, %reduce_sum3A_68 [1] : vector<64x896xf32> to vector<64xf32>
    %add3A_70 = arith.addf %add3A_32, %reduce_sum3A_69 : vector<64xf32>
    %mul3A_71 = arith.mulf %dot_general3A_61, %dot_general3A_61 : vector<64x896xf32>
    %reduce_sum3A_72 = arith.constant dense<0.000000e+00> : vector<64xf32>
    %reduce_sum3A_73 = vector.multi_reduction <add>, %mul3A_71, %reduce_sum3A_72 [1] : vector<64x896xf32> to vector<64xf32>
    %add3A_74 = arith.addf %add3A_38, %reduce_sum3A_73 : vector<64xf32>
    %get3A_75 = arith.constant 2 : index
    %get3A_76 = arith.constant 0 : index
    %get3A_77 = arith.constant 0 : index
    %get3A_78 = vector.load %arg1[%get3A_75, %get3A_76, %get3A_77] : memref<8x896x128xf32, #tpu.memory_space<vmem>>, vector<1x896x128xf32>
    %get3A_79 = vector.shape_cast %get3A_78 : vector<1x896x128xf32> to vector<896x128xf32>
    %transpose3A_80 = tpu.transpose %get3A_79, [1, 0] : vector<896x128xf32> -> vector<128x896xf32>
    %slice3A_81 = vector.extract_strided_slice %transpose3A_80 {offsets = [0, 0], sizes = [64, 896], strides = [1, 1]} : vector<128x896xf32> to vector<64x896xf32>
    %get3A_82 = arith.constant 2 : index
    %get3A_83 = arith.constant 0 : index
    %get3A_84 = arith.constant 0 : index
    %get3A_85 = vector.load %arg2[%get3A_82, %get3A_83, %get3A_84] : memref<8x64x128xf32, #tpu.memory_space<vmem>>, vector<1x64x128xf32>
    %get3A_86 = vector.shape_cast %get3A_85 : vector<1x64x128xf32> to vector<64x128xf32>
    %concatenate3A_87 = tpu.concatenate %get3A_86, %get3A_86, %get3A_86, %get3A_86, %get3A_86, %get3A_86, %get3A_86 in 1 : vector<64x128xf32>, vector<64x128xf32>, vector<64x128xf32>, vector<64x128xf32>, vector<64x128xf32>, vector<64x128xf32>, vector<64x128xf32> -> vector<64x896xf32>
    %add3A_88 = arith.addf %slice3A_81, %concatenate3A_87 : vector<64x896xf32>
    %mul3A_89 = vector.broadcast %get3A_1 : vector<64x1xf32> to vector<64x896xf32>
    %mul3A_90 = arith.mulf %mul3A_89, %add3A_88 : vector<64x896xf32>
    %add3A_91 = vector.broadcast %get3A_4 : vector<64x1xf32> to vector<64x896xf32>
    %add3A_92 = arith.addf %mul3A_90, %add3A_91 : vector<64x896xf32>
    %max3A_93 = arith.constant 0.000000e+00 : f32
    %max3A_94 = vector.broadcast %max3A_93 : f32 to vector<64x896xf32>
    %max3A_95 = arith.maximumf %add3A_92, %max3A_94 : vector<64x896xf32>
    %dot_general3A_96 = arith.constant dense<0.000000e+00> : vector<64x896xf32>
    %dot_general3A_97 = tpu.matmul %get3A_7, %max3A_95, %dot_general3A_96 {dimension_numbers = #tpu.dot_dimension_numbers<[1], [0], [0], [1], [0, 0, 1, 1], [], []>, transpose_lhs_hint = false} : vector<64x64xf32>, vector<64x896xf32>, vector<64x896xf32> -> vector<64x896xf32>
    %swap3A_98 = arith.constant 2 : index
    %swap3A_99 = arith.constant 0 : index
    %swap3A_100 = arith.constant 0 : index
    %swap3A_101 = vector.load %arg6[%swap3A_98, %swap3A_99, %swap3A_100] : memref<8x64x896xf32, #tpu.memory_space<vmem>>, vector<1x64x896xf32>
    %swap3A_102 = vector.shape_cast %swap3A_101 : vector<1x64x896xf32> to vector<64x896xf32>
    %swap3A_103 = vector.shape_cast %dot_general3A_97 : vector<64x896xf32> to vector<1x64x896xf32>
    tpu.vector_store %arg6[%swap3A_98, %swap3A_99, %swap3A_100], %swap3A_103 {strides = array<i32>} : memref<8x64x896xf32, #tpu.memory_space<vmem>>, vector<1x64x896xf32>,
    %reduce_sum3A_104 = arith.constant dense<0.000000e+00> : vector<64xf32>
    %reduce_sum3A_105 = vector.multi_reduction <add>, %dot_general3A_97, %reduce_sum3A_104 [1] : vector<64x896xf32> to vector<64xf32>
    %add3A_106 = arith.addf %add3A_70, %reduce_sum3A_105 : vector<64xf32>
    %mul3A_107 = arith.mulf %dot_general3A_97, %dot_general3A_97 : vector<64x896xf32>
    %reduce_sum3A_108 = arith.constant dense<0.000000e+00> : vector<64xf32>
    %reduce_sum3A_109 = vector.multi_reduction <add>, %mul3A_107, %reduce_sum3A_108 [1] : vector<64x896xf32> to vector<64xf32>
    %add3A_110 = arith.addf %add3A_74, %reduce_sum3A_109 : vector<64xf32>
    %get3A_111 = arith.constant 3 : index
    %get3A_112 = arith.constant 0 : index
    %get3A_113 = arith.constant 0 : index
    %get3A_114 = vector.load %arg1[%get3A_111, %get3A_112, %get3A_113] : memref<8x896x128xf32, #tpu.memory_space<vmem>>, vector<1x896x128xf32>
    %get3A_115 = vector.shape_cast %get3A_114 : vector<1x896x128xf32> to vector<896x128xf32>
    %transpose3A_116 = tpu.transpose %get3A_115, [1, 0] : vector<896x128xf32> -> vector<128x896xf32>
    %slice3A_117 = vector.extract_strided_slice %transpose3A_116 {offsets = [0, 0], sizes = [64, 896], strides = [1, 1]} : vector<128x896xf32> to vector<64x896xf32>
    %get3A_118 = arith.constant 3 : index
    %get3A_119 = arith.constant 0 : index
    %get3A_120 = arith.constant 0 : index
    %get3A_121 = vector.load %arg2[%get3A_118, %get3A_119, %get3A_120] : memref<8x64x128xf32, #tpu.memory_space<vmem>>, vector<1x64x128xf32>
    %get3A_122 = vector.shape_cast %get3A_121 : vector<1x64x128xf32> to vector<64x128xf32>
    %concatenate3A_123 = tpu.concatenate %get3A_122, %get3A_122, %get3A_122, %get3A_122, %get3A_122, %get3A_122, %get3A_122 in 1 : vector<64x128xf32>, vector<64x128xf32>, vector<64x128xf32>, vector<64x128xf32>, vector<64x128xf32>, vector<64x128xf32>, vector<64x128xf32> -> vector<64x896xf32>
    %add3A_124 = arith.addf %slice3A_117, %concatenate3A_123 : vector<64x896xf32>
    %mul3A_125 = vector.broadcast %get3A_1 : vector<64x1xf32> to vector<64x896xf32>
    %mul3A_126 = arith.mulf %mul3A_125, %add3A_124 : vector<64x896xf32>
    %add3A_127 = vector.broadcast %get3A_4 : vector<64x1xf32> to vector<64x896xf32>
    %add3A_128 = arith.addf %mul3A_126, %add3A_127 : vector<64x896xf32>
    %max3A_129 = arith.constant 0.000000e+00 : f32
    %max3A_130 = vector.broadcast %max3A_129 : f32 to vector<64x896xf32>
    %max3A_131 = arith.maximumf %add3A_128, %max3A_130 : vector<64x896xf32>
    %dot_general3A_132 = arith.constant dense<0.000000e+00> : vector<64x896xf32>
    %dot_general3A_133 = tpu.matmul %get3A_7, %max3A_131, %dot_general3A_132 {dimension_numbers = #tpu.dot_dimension_numbers<[1], [0], [0], [1], [0, 0, 1, 1], [], []>, transpose_lhs_hint = false} : vector<64x64xf32>, vector<64x896xf32>, vector<64x896xf32> -> vector<64x896xf32>
    %swap3A_134 = arith.constant 3 : index
    %swap3A_135 = arith.constant 0 : index
    %swap3A_136 = arith.constant 0 : index
    %swap3A_137 = vector.load %arg6[%swap3A_134, %swap3A_135, %swap3A_136] : memref<8x64x896xf32, #tpu.memory_space<vmem>>, vector<1x64x896xf32>
    %swap3A_138 = vector.shape_cast %swap3A_137 : vector<1x64x896xf32> to vector<64x896xf32>
    %swap3A_139 = vector.shape_cast %dot_general3A_133 : vector<64x896xf32> to vector<1x64x896xf32>
    tpu.vector_store %arg6[%swap3A_134, %swap3A_135, %swap3A_136], %swap3A_139 {strides = array<i32>} : memref<8x64x896xf32, #tpu.memory_space<vmem>>, vector<1x64x896xf32>,
    %reduce_sum3A_140 = arith.constant dense<0.000000e+00> : vector<64xf32>
    %reduce_sum3A_141 = vector.multi_reduction <add>, %dot_general3A_133, %reduce_sum3A_140 [1] : vector<64x896xf32> to vector<64xf32>
    %add3A_142 = arith.addf %add3A_106, %reduce_sum3A_141 : vector<64xf32>
    %mul3A_143 = arith.mulf %dot_general3A_133, %dot_general3A_133 : vector<64x896xf32>
    %reduce_sum3A_144 = arith.constant dense<0.000000e+00> : vector<64xf32>
    %reduce_sum3A_145 = vector.multi_reduction <add>, %mul3A_143, %reduce_sum3A_144 [1] : vector<64x896xf32> to vector<64xf32>
    %add3A_146 = arith.addf %add3A_110, %reduce_sum3A_145 : vector<64xf32>
    %get3A_147 = arith.constant 4 : index
    %get3A_148 = arith.constant 0 : index
    %get3A_149 = arith.constant 0 : index
    %get3A_150 = vector.load %arg1[%get3A_147, %get3A_148, %get3A_149] : memref<8x896x128xf32, #tpu.memory_space<vmem>>, vector<1x896x128xf32>
    %get3A_151 = vector.shape_cast %get3A_150 : vector<1x896x128xf32> to vector<896x128xf32>
    %transpose3A_152 = tpu.transpose %get3A_151, [1, 0] : vector<896x128xf32> -> vector<128x896xf32>
    %slice3A_153 = vector.extract_strided_slice %transpose3A_152 {offsets = [0, 0], sizes = [64, 896], strides = [1, 1]} : vector<128x896xf32> to vector<64x896xf32>
    %get3A_154 = arith.constant 4 : index
    %get3A_155 = arith.constant 0 : index
    %get3A_156 = arith.constant 0 : index
    %get3A_157 = vector.load %arg2[%get3A_154, %get3A_155, %get3A_156] : memref<8x64x128xf32, #tpu.memory_space<vmem>>, vector<1x64x128xf32>
    %get3A_158 = vector.shape_cast %get3A_157 : vector<1x64x128xf32> to vector<64x128xf32>
    %concatenate3A_159 = tpu.concatenate %get3A_158, %get3A_158, %get3A_158, %get3A_158, %get3A_158, %get3A_158, %get3A_158 in 1 : vector<64x128xf32>, vector<64x128xf32>, vector<64x128xf32>, vector<64x128xf32>, vector<64x128xf32>, vector<64x128xf32>, vector<64x128xf32> -> vector<64x896xf32>
    %add3A_160 = arith.addf %slice3A_153, %concatenate3A_159 : vector<64x896xf32>
    %mul3A_161 = vector.broadcast %get3A_1 : vector<64x1xf32> to vector<64x896xf32>
    %mul3A_162 = arith.mulf %mul3A_161, %add3A_160 : vector<64x896xf32>
    %add3A_163 = vector.broadcast %get3A_4 : vector<64x1xf32> to vector<64x896xf32>
    %add3A_164 = arith.addf %mul3A_162, %add3A_163 : vector<64x896xf32>
    %max3A_165 = arith.constant 0.000000e+00 : f32
    %max3A_166 = vector.broadcast %max3A_165 : f32 to vector<64x896xf32>
    %max3A_167 = arith.maximumf %add3A_164, %max3A_166 : vector<64x896xf32>
    %dot_general3A_168 = arith.constant dense<0.000000e+00> : vector<64x896xf32>
    %dot_general3A_169 = tpu.matmul %get3A_7, %max3A_167, %dot_general3A_168 {dimension_numbers = #tpu.dot_dimension_numbers<[1], [0], [0], [1], [0, 0, 1, 1], [], []>, transpose_lhs_hint = false} : vector<64x64xf32>, vector<64x896xf32>, vector<64x896xf32> -> vector<64x896xf32>
    %swap3A_170 = arith.constant 4 : index
    %swap3A_171 = arith.constant 0 : index
    %swap3A_172 = arith.constant 0 : index
    %swap3A_173 = vector.load %arg6[%swap3A_170, %swap3A_171, %swap3A_172] : memref<8x64x896xf32, #tpu.memory_space<vmem>>, vector<1x64x896xf32>
    %swap3A_174 = vector.shape_cast %swap3A_173 : vector<1x64x896xf32> to vector<64x896xf32>
    %swap3A_175 = vector.shape_cast %dot_general3A_169 : vector<64x896xf32> to vector<1x64x896xf32>
    tpu.vector_store %arg6[%swap3A_170, %swap3A_171, %swap3A_172], %swap3A_175 {strides = array<i32>} : memref<8x64x896xf32, #tpu.memory_space<vmem>>, vector<1x64x896xf32>,
    %reduce_sum3A_176 = arith.constant dense<0.000000e+00> : vector<64xf32>
    %reduce_sum3A_177 = vector.multi_reduction <add>, %dot_general3A_169, %reduce_sum3A_176 [1] : vector<64x896xf32> to vector<64xf32>
    %add3A_178 = arith.addf %add3A_142, %reduce_sum3A_177 : vector<64xf32>
    %mul3A_179 = arith.mulf %dot_general3A_169, %dot_general3A_169 : vector<64x896xf32>
    %reduce_sum3A_180 = arith.constant dense<0.000000e+00> : vector<64xf32>
    %reduce_sum3A_181 = vector.multi_reduction <add>, %mul3A_179, %reduce_sum3A_180 [1] : vector<64x896xf32> to vector<64xf32>
    %add3A_182 = arith.addf %add3A_146, %reduce_sum3A_181 : vector<64xf32>
    %get3A_183 = arith.constant 5 : index
    %get3A_184 = arith.constant 0 : index
    %get3A_185 = arith.constant 0 : index
    %get3A_186 = vector.load %arg1[%get3A_183, %get3A_184, %get3A_185] : memref<8x896x128xf32, #tpu.memory_space<vmem>>, vector<1x896x128xf32>
    %get3A_187 = vector.shape_cast %get3A_186 : vector<1x896x128xf32> to vector<896x128xf32>
    %transpose3A_188 = tpu.transpose %get3A_187, [1, 0] : vector<896x128xf32> -> vector<128x896xf32>
    %slice3A_189 = vector.extract_strided_slice %transpose3A_188 {offsets = [0, 0], sizes = [64, 896], strides = [1, 1]} : vector<128x896xf32> to vector<64x896xf32>
    %get3A_190 = arith.constant 5 : index
    %get3A_191 = arith.constant 0 : index
    %get3A_192 = arith.constant 0 : index
    %get3A_193 = vector.load %arg2[%get3A_190, %get3A_191, %get3A_192] : memref<8x64x128xf32, #tpu.memory_space<vmem>>, vector<1x64x128xf32>
    %get3A_194 = vector.shape_cast %get3A_193 : vector<1x64x128xf32> to vector<64x128xf32>
    %concatenate3A_195 = tpu.concatenate %get3A_194, %get3A_194, %get3A_194, %get3A_194, %get3A_194, %get3A_194, %get3A_194 in 1 : vector<64x128xf32>, vector<64x128xf32>, vector<64x128xf32>, vector<64x128xf32>, vector<64x128xf32>, vector<64x128xf32>, vector<64x128xf32> -> vector<64x896xf32>
    %add3A_196 = arith.addf %slice3A_189, %concatenate3A_195 : vector<64x896xf32>
    %mul3A_197 = vector.broadcast %get3A_1 : vector<64x1xf32> to vector<64x896xf32>
    %mul3A_198 = arith.mulf %mul3A_197, %add3A_196 : vector<64x896xf32>
    %add3A_199 = vector.broadcast %get3A_4 : vector<64x1xf32> to vector<64x896xf32>
    %add3A_200 = arith.addf %mul3A_198, %add3A_199 : vector<64x896xf32>
    %max3A_201 = arith.constant 0.000000e+00 : f32
    %max3A_202 = vector.broadcast %max3A_201 : f32 to vector<64x896xf32>
    %max3A_203 = arith.maximumf %add3A_200, %max3A_202 : vector<64x896xf32>
    %dot_general3A_204 = arith.constant dense<0.000000e+00> : vector<64x896xf32>
    %dot_general3A_205 = tpu.matmul %get3A_7, %max3A_203, %dot_general3A_204 {dimension_numbers = #tpu.dot_dimension_numbers<[1], [0], [0], [1], [0, 0, 1, 1], [], []>, transpose_lhs_hint = false} : vector<64x64xf32>, vector<64x896xf32>, vector<64x896xf32> -> vector<64x896xf32>
    %swap3A_206 = arith.constant 5 : index
    %swap3A_207 = arith.constant 0 : index
    %swap3A_208 = arith.constant 0 : index
    %swap3A_209 = vector.load %arg6[%swap3A_206, %swap3A_207, %swap3A_208] : memref<8x64x896xf32, #tpu.memory_space<vmem>>, vector<1x64x896xf32>
    %swap3A_210 = vector.shape_cast %swap3A_209 : vector<1x64x896xf32> to vector<64x896xf32>
    %swap3A_211 = vector.shape_cast %dot_general3A_205 : vector<64x896xf32> to vector<1x64x896xf32>
    tpu.vector_store %arg6[%swap3A_206, %swap3A_207, %swap3A_208], %swap3A_211 {strides = array<i32>} : memref<8x64x896xf32, #tpu.memory_space<vmem>>, vector<1x64x896xf32>,
    %reduce_sum3A_212 = arith.constant dense<0.000000e+00> : vector<64xf32>
    %reduce_sum3A_213 = vector.multi_reduction <add>, %dot_general3A_205, %reduce_sum3A_212 [1] : vector<64x896xf32> to vector<64xf32>
    %add3A_214 = arith.addf %add3A_178, %reduce_sum3A_213 : vector<64xf32>
    %mul3A_215 = arith.mulf %dot_general3A_205, %dot_general3A_205 : vector<64x896xf32>
    %reduce_sum3A_216 = arith.constant dense<0.000000e+00> : vector<64xf32>
    %reduce_sum3A_217 = vector.multi_reduction <add>, %mul3A_215, %reduce_sum3A_216 [1] : vector<64x896xf32> to vector<64xf32>
    %add3A_218 = arith.addf %add3A_182, %reduce_sum3A_217 : vector<64xf32>
    %get3A_219 = arith.constant 6 : index
    %get3A_220 = arith.constant 0 : index
    %get3A_221 = arith.constant 0 : index
    %get3A_222 = vector.load %arg1[%get3A_219, %get3A_220, %get3A_221] : memref<8x896x128xf32, #tpu.memory_space<vmem>>, vector<1x896x128xf32>
    %get3A_223 = vector.shape_cast %get3A_222 : vector<1x896x128xf32> to vector<896x128xf32>
    %transpose3A_224 = tpu.transpose %get3A_223, [1, 0] : vector<896x128xf32> -> vector<128x896xf32>
    %slice3A_225 = vector.extract_strided_slice %transpose3A_224 {offsets = [0, 0], sizes = [64, 896], strides = [1, 1]} : vector<128x896xf32> to vector<64x896xf32>
    %get3A_226 = arith.constant 6 : index
    %get3A_227 = arith.constant 0 : index
    %get3A_228 = arith.constant 0 : index
    %get3A_229 = vector.load %arg2[%get3A_226, %get3A_227, %get3A_228] : memref<8x64x128xf32, #tpu.memory_space<vmem>>, vector<1x64x128xf32>
    %get3A_230 = vector.shape_cast %get3A_229 : vector<1x64x128xf32> to vector<64x128xf32>
    %concatenate3A_231 = tpu.concatenate %get3A_230, %get3A_230, %get3A_230, %get3A_230, %get3A_230, %get3A_230, %get3A_230 in 1 : vector<64x128xf32>, vector<64x128xf32>, vector<64x128xf32>, vector<64x128xf32>, vector<64x128xf32>, vector<64x128xf32>, vector<64x128xf32> -> vector<64x896xf32>
    %add3A_232 = arith.addf %slice3A_225, %concatenate3A_231 : vector<64x896xf32>
    %mul3A_233 = vector.broadcast %get3A_1 : vector<64x1xf32> to vector<64x896xf32>
    %mul3A_234 = arith.mulf %mul3A_233, %add3A_232 : vector<64x896xf32>
    %add3A_235 = vector.broadcast %get3A_4 : vector<64x1xf32> to vector<64x896xf32>
    %add3A_236 = arith.addf %mul3A_234, %add3A_235 : vector<64x896xf32>
    %max3A_237 = arith.constant 0.000000e+00 : f32
    %max3A_238 = vector.broadcast %max3A_237 : f32 to vector<64x896xf32>
    %max3A_239 = arith.maximumf %add3A_236, %max3A_238 : vector<64x896xf32>
    %dot_general3A_240 = arith.constant dense<0.000000e+00> : vector<64x896xf32>
    %dot_general3A_241 = tpu.matmul %get3A_7, %max3A_239, %dot_general3A_240 {dimension_numbers = #tpu.dot_dimension_numbers<[1], [0], [0], [1], [0, 0, 1, 1], [], []>, transpose_lhs_hint = false} : vector<64x64xf32>, vector<64x896xf32>, vector<64x896xf32> -> vector<64x896xf32>
    %swap3A_242 = arith.constant 6 : index
    %swap3A_243 = arith.constant 0 : index
    %swap3A_244 = arith.constant 0 : index
    %swap3A_245 = vector.load %arg6[%swap3A_242, %swap3A_243, %swap3A_244] : memref<8x64x896xf32, #tpu.memory_space<vmem>>, vector<1x64x896xf32>
    %swap3A_246 = vector.shape_cast %swap3A_245 : vector<1x64x896xf32> to vector<64x896xf32>
    %swap3A_247 = vector.shape_cast %dot_general3A_241 : vector<64x896xf32> to vector<1x64x896xf32>
    tpu.vector_store %arg6[%swap3A_242, %swap3A_243, %swap3A_244], %swap3A_247 {strides = array<i32>} : memref<8x64x896xf32, #tpu.memory_space<vmem>>, vector<1x64x896xf32>,
    %reduce_sum3A_248 = arith.constant dense<0.000000e+00> : vector<64xf32>
    %reduce_sum3A_249 = vector.multi_reduction <add>, %dot_general3A_241, %reduce_sum3A_248 [1] : vector<64x896xf32> to vector<64xf32>
    %add3A_250 = arith.addf %add3A_214, %reduce_sum3A_249 : vector<64xf32>
    %mul3A_251 = arith.mulf %dot_general3A_241, %dot_general3A_241 : vector<64x896xf32>
    %reduce_sum3A_252 = arith.constant dense<0.000000e+00> : vector<64xf32>
    %reduce_sum3A_253 = vector.multi_reduction <add>, %mul3A_251, %reduce_sum3A_252 [1] : vector<64x896xf32> to vector<64xf32>
    %add3A_254 = arith.addf %add3A_218, %reduce_sum3A_253 : vector<64xf32>
    %get3A_255 = arith.constant 7 : index
    %get3A_256 = arith.constant 0 : index
    %get3A_257 = arith.constant 0 : index
    %get3A_258 = vector.load %arg1[%get3A_255, %get3A_256, %get3A_257] : memref<8x896x128xf32, #tpu.memory_space<vmem>>, vector<1x896x128xf32>
    %get3A_259 = vector.shape_cast %get3A_258 : vector<1x896x128xf32> to vector<896x128xf32>
    %transpose3A_260 = tpu.transpose %get3A_259, [1, 0] : vector<896x128xf32> -> vector<128x896xf32>
    %slice3A_261 = vector.extract_strided_slice %transpose3A_260 {offsets = [0, 0], sizes = [64, 896], strides = [1, 1]} : vector<128x896xf32> to vector<64x896xf32>
    %get3A_262 = arith.constant 7 : index
    %get3A_263 = arith.constant 0 : index
    %get3A_264 = arith.constant 0 : index
    %get3A_265 = vector.load %arg2[%get3A_262, %get3A_263, %get3A_264] : memref<8x64x128xf32, #tpu.memory_space<vmem>>, vector<1x64x128xf32>
    %get3A_266 = vector.shape_cast %get3A_265 : vector<1x64x128xf32> to vector<64x128xf32>
    %concatenate3A_267 = tpu.concatenate %get3A_266, %get3A_266, %get3A_266, %get3A_266, %get3A_266, %get3A_266, %get3A_266 in 1 : vector<64x128xf32>, vector<64x128xf32>, vector<64x128xf32>, vector<64x128xf32>, vector<64x128xf32>, vector<64x128xf32>, vector<64x128xf32> -> vector<64x896xf32>
    %add3A_268 = arith.addf %slice3A_261, %concatenate3A_267 : vector<64x896xf32>
    %mul3A_269 = vector.broadcast %get3A_1 : vector<64x1xf32> to vector<64x896xf32>
    %mul3A_270 = arith.mulf %mul3A_269, %add3A_268 : vector<64x896xf32>
    %add3A_271 = vector.broadcast %get3A_4 : vector<64x1xf32> to vector<64x896xf32>
    %add3A_272 = arith.addf %mul3A_270, %add3A_271 : vector<64x896xf32>
    %max3A_273 = arith.constant 0.000000e+00 : f32
    %max3A_274 = vector.broadcast %max3A_273 : f32 to vector<64x896xf32>
    %max3A_275 = arith.maximumf %add3A_272, %max3A_274 : vector<64x896xf32>
    %dot_general3A_276 = arith.constant dense<0.000000e+00> : vector<64x896xf32>
    %dot_general3A_277 = tpu.matmul %get3A_7, %max3A_275, %dot_general3A_276 {dimension_numbers = #tpu.dot_dimension_numbers<[1], [0], [0], [1], [0, 0, 1, 1], [], []>, transpose_lhs_hint = false} : vector<64x64xf32>, vector<64x896xf32>, vector<64x896xf32> -> vector<64x896xf32>
    %swap3A_278 = arith.constant 7 : index
    %swap3A_279 = arith.constant 0 : index
    %swap3A_280 = arith.constant 0 : index
    %swap3A_281 = vector.load %arg6[%swap3A_278, %swap3A_279, %swap3A_280] : memref<8x64x896xf32, #tpu.memory_space<vmem>>, vector<1x64x896xf32>
    %swap3A_282 = vector.shape_cast %swap3A_281 : vector<1x64x896xf32> to vector<64x896xf32>
    %swap3A_283 = vector.shape_cast %dot_general3A_277 : vector<64x896xf32> to vector<1x64x896xf32>
    tpu.vector_store %arg6[%swap3A_278, %swap3A_279, %swap3A_280], %swap3A_283 {strides = array<i32>} : memref<8x64x896xf32, #tpu.memory_space<vmem>>, vector<1x64x896xf32>,
    %reduce_sum3A_284 = arith.constant dense<0.000000e+00> : vector<64xf32>
    %reduce_sum3A_285 = vector.multi_reduction <add>, %dot_general3A_277, %reduce_sum3A_284 [1] : vector<64x896xf32> to vector<64xf32>
    %add3A_286 = arith.addf %add3A_250, %reduce_sum3A_285 : vector<64xf32>
    %mul3A_287 = arith.mulf %dot_general3A_277, %dot_general3A_277 : vector<64x896xf32>
    %reduce_sum3A_288 = arith.constant dense<0.000000e+00> : vector<64xf32>
    %reduce_sum3A_289 = vector.multi_reduction <add>, %mul3A_287, %reduce_sum3A_288 [1] : vector<64x896xf32> to vector<64xf32>
    %add3A_290 = arith.addf %add3A_254, %reduce_sum3A_289 : vector<64xf32>
    %broadcast_in_dim3A = vector.shape_cast %add3A_286 : vector<64xf32> to vector<1x64xf32>
    %broadcast_in_dim3A_291 = vector.shape_cast %add3A_290 : vector<64xf32> to vector<1x64xf32>
    %concatenate3A_292 = tpu.concatenate %broadcast_in_dim3A, %broadcast_in_dim3A_291 in 0 : vector<1x64xf32>, vector<1x64xf32> -> vector<2x64xf32>
    %eq3A = arith.constant 0 : i32
    %eq3A_293 = arith.cmpi eq, %arg0, %eq3A : i32
    %convert_element_type3A = arith.extui %eq3A_293 : i1 to i32
    %cond3A = arith.constant 0 : i32
    %cond3A_294 = arith.cmpi ne, %convert_element_type3A, %cond3A : i32
    scf.if %cond3A_294 {
      %broadcast_in_dim3A_302 = arith.constant 0.000000e+00 : f32
      %broadcast_in_dim3A_303 = vector.broadcast %broadcast_in_dim3A_302 : f32 to vector<2x64xf32>
      %swap3A_304 = arith.constant 0 : index
      %swap3A_305 = arith.constant 0 : index
      %swap3A_306 = vector.load %arg7[%swap3A_304, %swap3A_305] : memref<2x64xf32, #tpu.memory_space<vmem>>, vector<2x64xf32>
      tpu.vector_store %arg7[%swap3A_304, %swap3A_305], %broadcast_in_dim3A_303 {strides = array<i32>} : memref<2x64xf32, #tpu.memory_space<vmem>>, vector<2x64xf32>,
    } else {
    }
    %get3A_295 = arith.constant 0 : index
    %get3A_296 = arith.constant 0 : index
    %get3A_297 = vector.load %arg7[%get3A_295, %get3A_296] : memref<2x64xf32, #tpu.memory_space<vmem>>, vector<2x64xf32>
    %add3A_298 = arith.addf %get3A_297, %concatenate3A_292 : vector<2x64xf32>
    %swap3A_299 = arith.constant 0 : index
    %swap3A_300 = arith.constant 0 : index
    %swap3A_301 = vector.load %arg7[%swap3A_299, %swap3A_300] : memref<2x64xf32, #tpu.memory_space<vmem>>, vector<2x64xf32>
    tpu.vector_store %arg7[%swap3A_299, %swap3A_300], %add3A_298 {strides = array<i32>} : memref<2x64xf32, #tpu.memory_space<vmem>>, vector<2x64xf32>,
    return
  }
  func.func @transform_0(%arg0: i32) -> (i32, i32, i32) {
    %c0_i32 = arith.constant 0 : i32
    %c0_i32_0 = arith.constant 0 : i32
    %c0_i32_1 = arith.constant 0 : i32
    return %arg0, %c0_i32, %c0_i32_0 : i32, i32, i32
  }
  func.func @transform_1(%arg0: i32) -> (i32, i32, i32) {
    %c0_i32 = arith.constant 0 : i32
    %c0_i32_0 = arith.constant 0 : i32
    %c0_i32_1 = arith.constant 0 : i32
    return %arg0, %c0_i32, %c0_i32_0 : i32, i32, i32
  }
  func.func @transform_2(%arg0: i32) -> (i32, i32) {
    %c0_i32 = arith.constant 0 : i32
    %c0_i32_0 = arith.constant 0 : i32
    %c0_i32_1 = arith.constant 0 : i32
    return %c0_i32, %c0_i32_0 : i32, i32
  }
  func.func @transform_3(%arg0: i32) -> (i32, i32) {
    %c0_i32 = arith.constant 0 : i32
    %c0_i32_0 = arith.constant 0 : i32
    %c0_i32_1 = arith.constant 0 : i32
    return %c0_i32, %c0_i32_0 : i32, i32
  }
  func.func @transform_4(%arg0: i32) -> (i32, i32) {
    %c0_i32 = arith.constant 0 : i32
    %c0_i32_0 = arith.constant 0 : i32
    %c0_i32_1 = arith.constant 0 : i32
    return %c0_i32, %c0_i32_0 : i32, i32
  }
  func.func @transform_5(%arg0: i32) -> (i32, i32, i32) {
    %c0_i32 = arith.constant 0 : i32
    %c0_i32_0 = arith.constant 0 : i32
    %c0_i32_1 = arith.constant 0 : i32
    return %arg0, %c0_i32, %c0_i32_0 : i32, i32, i32
  }
  func.func @transform_6(%arg0: i32) -> (i32, i32) {
    %c0_i32 = arith.constant 0 : i32
    %c0_i32_0 = arith.constant 0 : i32
    %c0_i32_1 = arith.constant 0 : i32
    return %c0_i32, %c0_i32_0 : i32, i32
  }
}

module attributes {stable_mosaic.version = 14 : i64} {
  func.func @_layer_kernel(%arg0: i32, %arg1: memref<8x64x896xf32, #tpu.memory_space<vmem>>, %arg2: memref<64x1xf32, #tpu.memory_space<vmem>>, %arg3: memref<64x1xf32, #tpu.memory_space<vmem>>, %arg4: memref<64x64xf32, #tpu.memory_space<vmem>>, %arg5: memref<8x64x896xf32, #tpu.memory_space<vmem>>, %arg6: memref<2x64xf32, #tpu.memory_space<vmem>>) attributes {dimension_semantics = [#tpu.dimension_semantics<arbitrary>], iteration_bounds = array<i64: 8>, scalar_prefetch = 0 : i64, scratch_operands = 0 : i64, tpu.core_type = #tpu.core_type<tc>, window_params = [{transform_indices = @transform_0, window_bounds = array<i64: 8, 64, 896>}, {pipeline_mode = #tpu.pipeline_mode<synchronous>, transform_indices = @transform_1, window_bounds = array<i64: 64, 1>}, {pipeline_mode = #tpu.pipeline_mode<synchronous>, transform_indices = @transform_2, window_bounds = array<i64: 64, 1>}, {pipeline_mode = #tpu.pipeline_mode<synchronous>, transform_indices = @transform_3, window_bounds = array<i64: 64, 64>}, {transform_indices = @transform_4, window_bounds = array<i64: 8, 64, 896>}, {pipeline_mode = #tpu.pipeline_mode<synchronous>, transform_indices = @transform_5, window_bounds = array<i64: 2, 64>}]} {
    %get3A = arith.constant 0 : index
    %get3A_0 = arith.constant 0 : index
    %get3A_1 = vector.load %arg4[%get3A, %get3A_0] : memref<64x64xf32, #tpu.memory_space<vmem>>, vector<64x64xf32>
    %get3A_2 = arith.constant 0 : index
    %get3A_3 = arith.constant 0 : index
    %get3A_4 = vector.load %arg2[%get3A_2, %get3A_3] : memref<64x1xf32, #tpu.memory_space<vmem>>, vector<64x1xf32>
    %get3A_5 = arith.constant 0 : index
    %get3A_6 = arith.constant 0 : index
    %get3A_7 = vector.load %arg3[%get3A_5, %get3A_6] : memref<64x1xf32, #tpu.memory_space<vmem>>, vector<64x1xf32>
    %get3A_8 = arith.constant 0 : index
    %get3A_9 = arith.constant 0 : index
    %get3A_10 = arith.constant 0 : index
    %get3A_11 = vector.load %arg1[%get3A_8, %get3A_9, %get3A_10] : memref<8x64x896xf32, #tpu.memory_space<vmem>>, vector<1x64x896xf32>
    %get3A_12 = vector.shape_cast %get3A_11 : vector<1x64x896xf32> to vector<64x896xf32>
    %mul3A = vector.broadcast %get3A_4 : vector<64x1xf32> to vector<64x896xf32>
    %mul3A_13 = arith.mulf %mul3A, %get3A_12 : vector<64x896xf32>
    %add3A = vector.broadcast %get3A_7 : vector<64x1xf32> to vector<64x896xf32>
    %add3A_14 = arith.addf %mul3A_13, %add3A : vector<64x896xf32>
    %max3A = arith.constant 0.000000e+00 : f32
    %max3A_15 = vector.broadcast %max3A : f32 to vector<64x896xf32>
    %max3A_16 = arith.maximumf %add3A_14, %max3A_15 : vector<64x896xf32>
    %dot_general3A = arith.constant dense<0.000000e+00> : vector<64x896xf32>
    %dot_general3A_17 = tpu.matmul %get3A_1, %max3A_16, %dot_general3A {dimension_numbers = #tpu.dot_dimension_numbers<[1], [0], [0], [1], [0, 0, 1, 1], [], []>, transpose_lhs_hint = false} : vector<64x64xf32>, vector<64x896xf32>, vector<64x896xf32> -> vector<64x896xf32>
    %swap3A = arith.constant 0 : index
    %swap3A_18 = arith.constant 0 : index
    %swap3A_19 = arith.constant 0 : index
    %swap3A_20 = vector.load %arg5[%swap3A, %swap3A_18, %swap3A_19] : memref<8x64x896xf32, #tpu.memory_space<vmem>>, vector<1x64x896xf32>
    %swap3A_21 = vector.shape_cast %swap3A_20 : vector<1x64x896xf32> to vector<64x896xf32>
    %swap3A_22 = vector.shape_cast %dot_general3A_17 : vector<64x896xf32> to vector<1x64x896xf32>
    tpu.vector_store %arg5[%swap3A, %swap3A_18, %swap3A_19], %swap3A_22 {strides = array<i32>} : memref<8x64x896xf32, #tpu.memory_space<vmem>>, vector<1x64x896xf32>,
    %reduce_sum3A = arith.constant dense<0.000000e+00> : vector<64xf32>
    %reduce_sum3A_23 = vector.multi_reduction <add>, %dot_general3A_17, %reduce_sum3A [1] : vector<64x896xf32> to vector<64xf32>
    %add3A_24 = arith.constant 0.000000e+00 : f32
    %add3A_25 = vector.broadcast %add3A_24 : f32 to vector<64xf32>
    %add3A_26 = arith.addf %add3A_25, %reduce_sum3A_23 : vector<64xf32>
    %mul3A_27 = arith.mulf %dot_general3A_17, %dot_general3A_17 : vector<64x896xf32>
    %reduce_sum3A_28 = arith.constant dense<0.000000e+00> : vector<64xf32>
    %reduce_sum3A_29 = vector.multi_reduction <add>, %mul3A_27, %reduce_sum3A_28 [1] : vector<64x896xf32> to vector<64xf32>
    %add3A_30 = arith.constant 0.000000e+00 : f32
    %add3A_31 = vector.broadcast %add3A_30 : f32 to vector<64xf32>
    %add3A_32 = arith.addf %add3A_31, %reduce_sum3A_29 : vector<64xf32>
    %get3A_33 = arith.constant 1 : index
    %get3A_34 = arith.constant 0 : index
    %get3A_35 = arith.constant 0 : index
    %get3A_36 = vector.load %arg1[%get3A_33, %get3A_34, %get3A_35] : memref<8x64x896xf32, #tpu.memory_space<vmem>>, vector<1x64x896xf32>
    %get3A_37 = vector.shape_cast %get3A_36 : vector<1x64x896xf32> to vector<64x896xf32>
    %mul3A_38 = vector.broadcast %get3A_4 : vector<64x1xf32> to vector<64x896xf32>
    %mul3A_39 = arith.mulf %mul3A_38, %get3A_37 : vector<64x896xf32>
    %add3A_40 = vector.broadcast %get3A_7 : vector<64x1xf32> to vector<64x896xf32>
    %add3A_41 = arith.addf %mul3A_39, %add3A_40 : vector<64x896xf32>
    %max3A_42 = arith.constant 0.000000e+00 : f32
    %max3A_43 = vector.broadcast %max3A_42 : f32 to vector<64x896xf32>
    %max3A_44 = arith.maximumf %add3A_41, %max3A_43 : vector<64x896xf32>
    %dot_general3A_45 = arith.constant dense<0.000000e+00> : vector<64x896xf32>
    %dot_general3A_46 = tpu.matmul %get3A_1, %max3A_44, %dot_general3A_45 {dimension_numbers = #tpu.dot_dimension_numbers<[1], [0], [0], [1], [0, 0, 1, 1], [], []>, transpose_lhs_hint = false} : vector<64x64xf32>, vector<64x896xf32>, vector<64x896xf32> -> vector<64x896xf32>
    %swap3A_47 = arith.constant 1 : index
    %swap3A_48 = arith.constant 0 : index
    %swap3A_49 = arith.constant 0 : index
    %swap3A_50 = vector.load %arg5[%swap3A_47, %swap3A_48, %swap3A_49] : memref<8x64x896xf32, #tpu.memory_space<vmem>>, vector<1x64x896xf32>
    %swap3A_51 = vector.shape_cast %swap3A_50 : vector<1x64x896xf32> to vector<64x896xf32>
    %swap3A_52 = vector.shape_cast %dot_general3A_46 : vector<64x896xf32> to vector<1x64x896xf32>
    tpu.vector_store %arg5[%swap3A_47, %swap3A_48, %swap3A_49], %swap3A_52 {strides = array<i32>} : memref<8x64x896xf32, #tpu.memory_space<vmem>>, vector<1x64x896xf32>,
    %reduce_sum3A_53 = arith.constant dense<0.000000e+00> : vector<64xf32>
    %reduce_sum3A_54 = vector.multi_reduction <add>, %dot_general3A_46, %reduce_sum3A_53 [1] : vector<64x896xf32> to vector<64xf32>
    %add3A_55 = arith.addf %add3A_26, %reduce_sum3A_54 : vector<64xf32>
    %mul3A_56 = arith.mulf %dot_general3A_46, %dot_general3A_46 : vector<64x896xf32>
    %reduce_sum3A_57 = arith.constant dense<0.000000e+00> : vector<64xf32>
    %reduce_sum3A_58 = vector.multi_reduction <add>, %mul3A_56, %reduce_sum3A_57 [1] : vector<64x896xf32> to vector<64xf32>
    %add3A_59 = arith.addf %add3A_32, %reduce_sum3A_58 : vector<64xf32>
    %get3A_60 = arith.constant 2 : index
    %get3A_61 = arith.constant 0 : index
    %get3A_62 = arith.constant 0 : index
    %get3A_63 = vector.load %arg1[%get3A_60, %get3A_61, %get3A_62] : memref<8x64x896xf32, #tpu.memory_space<vmem>>, vector<1x64x896xf32>
    %get3A_64 = vector.shape_cast %get3A_63 : vector<1x64x896xf32> to vector<64x896xf32>
    %mul3A_65 = vector.broadcast %get3A_4 : vector<64x1xf32> to vector<64x896xf32>
    %mul3A_66 = arith.mulf %mul3A_65, %get3A_64 : vector<64x896xf32>
    %add3A_67 = vector.broadcast %get3A_7 : vector<64x1xf32> to vector<64x896xf32>
    %add3A_68 = arith.addf %mul3A_66, %add3A_67 : vector<64x896xf32>
    %max3A_69 = arith.constant 0.000000e+00 : f32
    %max3A_70 = vector.broadcast %max3A_69 : f32 to vector<64x896xf32>
    %max3A_71 = arith.maximumf %add3A_68, %max3A_70 : vector<64x896xf32>
    %dot_general3A_72 = arith.constant dense<0.000000e+00> : vector<64x896xf32>
    %dot_general3A_73 = tpu.matmul %get3A_1, %max3A_71, %dot_general3A_72 {dimension_numbers = #tpu.dot_dimension_numbers<[1], [0], [0], [1], [0, 0, 1, 1], [], []>, transpose_lhs_hint = false} : vector<64x64xf32>, vector<64x896xf32>, vector<64x896xf32> -> vector<64x896xf32>
    %swap3A_74 = arith.constant 2 : index
    %swap3A_75 = arith.constant 0 : index
    %swap3A_76 = arith.constant 0 : index
    %swap3A_77 = vector.load %arg5[%swap3A_74, %swap3A_75, %swap3A_76] : memref<8x64x896xf32, #tpu.memory_space<vmem>>, vector<1x64x896xf32>
    %swap3A_78 = vector.shape_cast %swap3A_77 : vector<1x64x896xf32> to vector<64x896xf32>
    %swap3A_79 = vector.shape_cast %dot_general3A_73 : vector<64x896xf32> to vector<1x64x896xf32>
    tpu.vector_store %arg5[%swap3A_74, %swap3A_75, %swap3A_76], %swap3A_79 {strides = array<i32>} : memref<8x64x896xf32, #tpu.memory_space<vmem>>, vector<1x64x896xf32>,
    %reduce_sum3A_80 = arith.constant dense<0.000000e+00> : vector<64xf32>
    %reduce_sum3A_81 = vector.multi_reduction <add>, %dot_general3A_73, %reduce_sum3A_80 [1] : vector<64x896xf32> to vector<64xf32>
    %add3A_82 = arith.addf %add3A_55, %reduce_sum3A_81 : vector<64xf32>
    %mul3A_83 = arith.mulf %dot_general3A_73, %dot_general3A_73 : vector<64x896xf32>
    %reduce_sum3A_84 = arith.constant dense<0.000000e+00> : vector<64xf32>
    %reduce_sum3A_85 = vector.multi_reduction <add>, %mul3A_83, %reduce_sum3A_84 [1] : vector<64x896xf32> to vector<64xf32>
    %add3A_86 = arith.addf %add3A_59, %reduce_sum3A_85 : vector<64xf32>
    %get3A_87 = arith.constant 3 : index
    %get3A_88 = arith.constant 0 : index
    %get3A_89 = arith.constant 0 : index
    %get3A_90 = vector.load %arg1[%get3A_87, %get3A_88, %get3A_89] : memref<8x64x896xf32, #tpu.memory_space<vmem>>, vector<1x64x896xf32>
    %get3A_91 = vector.shape_cast %get3A_90 : vector<1x64x896xf32> to vector<64x896xf32>
    %mul3A_92 = vector.broadcast %get3A_4 : vector<64x1xf32> to vector<64x896xf32>
    %mul3A_93 = arith.mulf %mul3A_92, %get3A_91 : vector<64x896xf32>
    %add3A_94 = vector.broadcast %get3A_7 : vector<64x1xf32> to vector<64x896xf32>
    %add3A_95 = arith.addf %mul3A_93, %add3A_94 : vector<64x896xf32>
    %max3A_96 = arith.constant 0.000000e+00 : f32
    %max3A_97 = vector.broadcast %max3A_96 : f32 to vector<64x896xf32>
    %max3A_98 = arith.maximumf %add3A_95, %max3A_97 : vector<64x896xf32>
    %dot_general3A_99 = arith.constant dense<0.000000e+00> : vector<64x896xf32>
    %dot_general3A_100 = tpu.matmul %get3A_1, %max3A_98, %dot_general3A_99 {dimension_numbers = #tpu.dot_dimension_numbers<[1], [0], [0], [1], [0, 0, 1, 1], [], []>, transpose_lhs_hint = false} : vector<64x64xf32>, vector<64x896xf32>, vector<64x896xf32> -> vector<64x896xf32>
    %swap3A_101 = arith.constant 3 : index
    %swap3A_102 = arith.constant 0 : index
    %swap3A_103 = arith.constant 0 : index
    %swap3A_104 = vector.load %arg5[%swap3A_101, %swap3A_102, %swap3A_103] : memref<8x64x896xf32, #tpu.memory_space<vmem>>, vector<1x64x896xf32>
    %swap3A_105 = vector.shape_cast %swap3A_104 : vector<1x64x896xf32> to vector<64x896xf32>
    %swap3A_106 = vector.shape_cast %dot_general3A_100 : vector<64x896xf32> to vector<1x64x896xf32>
    tpu.vector_store %arg5[%swap3A_101, %swap3A_102, %swap3A_103], %swap3A_106 {strides = array<i32>} : memref<8x64x896xf32, #tpu.memory_space<vmem>>, vector<1x64x896xf32>,
    %reduce_sum3A_107 = arith.constant dense<0.000000e+00> : vector<64xf32>
    %reduce_sum3A_108 = vector.multi_reduction <add>, %dot_general3A_100, %reduce_sum3A_107 [1] : vector<64x896xf32> to vector<64xf32>
    %add3A_109 = arith.addf %add3A_82, %reduce_sum3A_108 : vector<64xf32>
    %mul3A_110 = arith.mulf %dot_general3A_100, %dot_general3A_100 : vector<64x896xf32>
    %reduce_sum3A_111 = arith.constant dense<0.000000e+00> : vector<64xf32>
    %reduce_sum3A_112 = vector.multi_reduction <add>, %mul3A_110, %reduce_sum3A_111 [1] : vector<64x896xf32> to vector<64xf32>
    %add3A_113 = arith.addf %add3A_86, %reduce_sum3A_112 : vector<64xf32>
    %get3A_114 = arith.constant 4 : index
    %get3A_115 = arith.constant 0 : index
    %get3A_116 = arith.constant 0 : index
    %get3A_117 = vector.load %arg1[%get3A_114, %get3A_115, %get3A_116] : memref<8x64x896xf32, #tpu.memory_space<vmem>>, vector<1x64x896xf32>
    %get3A_118 = vector.shape_cast %get3A_117 : vector<1x64x896xf32> to vector<64x896xf32>
    %mul3A_119 = vector.broadcast %get3A_4 : vector<64x1xf32> to vector<64x896xf32>
    %mul3A_120 = arith.mulf %mul3A_119, %get3A_118 : vector<64x896xf32>
    %add3A_121 = vector.broadcast %get3A_7 : vector<64x1xf32> to vector<64x896xf32>
    %add3A_122 = arith.addf %mul3A_120, %add3A_121 : vector<64x896xf32>
    %max3A_123 = arith.constant 0.000000e+00 : f32
    %max3A_124 = vector.broadcast %max3A_123 : f32 to vector<64x896xf32>
    %max3A_125 = arith.maximumf %add3A_122, %max3A_124 : vector<64x896xf32>
    %dot_general3A_126 = arith.constant dense<0.000000e+00> : vector<64x896xf32>
    %dot_general3A_127 = tpu.matmul %get3A_1, %max3A_125, %dot_general3A_126 {dimension_numbers = #tpu.dot_dimension_numbers<[1], [0], [0], [1], [0, 0, 1, 1], [], []>, transpose_lhs_hint = false} : vector<64x64xf32>, vector<64x896xf32>, vector<64x896xf32> -> vector<64x896xf32>
    %swap3A_128 = arith.constant 4 : index
    %swap3A_129 = arith.constant 0 : index
    %swap3A_130 = arith.constant 0 : index
    %swap3A_131 = vector.load %arg5[%swap3A_128, %swap3A_129, %swap3A_130] : memref<8x64x896xf32, #tpu.memory_space<vmem>>, vector<1x64x896xf32>
    %swap3A_132 = vector.shape_cast %swap3A_131 : vector<1x64x896xf32> to vector<64x896xf32>
    %swap3A_133 = vector.shape_cast %dot_general3A_127 : vector<64x896xf32> to vector<1x64x896xf32>
    tpu.vector_store %arg5[%swap3A_128, %swap3A_129, %swap3A_130], %swap3A_133 {strides = array<i32>} : memref<8x64x896xf32, #tpu.memory_space<vmem>>, vector<1x64x896xf32>,
    %reduce_sum3A_134 = arith.constant dense<0.000000e+00> : vector<64xf32>
    %reduce_sum3A_135 = vector.multi_reduction <add>, %dot_general3A_127, %reduce_sum3A_134 [1] : vector<64x896xf32> to vector<64xf32>
    %add3A_136 = arith.addf %add3A_109, %reduce_sum3A_135 : vector<64xf32>
    %mul3A_137 = arith.mulf %dot_general3A_127, %dot_general3A_127 : vector<64x896xf32>
    %reduce_sum3A_138 = arith.constant dense<0.000000e+00> : vector<64xf32>
    %reduce_sum3A_139 = vector.multi_reduction <add>, %mul3A_137, %reduce_sum3A_138 [1] : vector<64x896xf32> to vector<64xf32>
    %add3A_140 = arith.addf %add3A_113, %reduce_sum3A_139 : vector<64xf32>
    %get3A_141 = arith.constant 5 : index
    %get3A_142 = arith.constant 0 : index
    %get3A_143 = arith.constant 0 : index
    %get3A_144 = vector.load %arg1[%get3A_141, %get3A_142, %get3A_143] : memref<8x64x896xf32, #tpu.memory_space<vmem>>, vector<1x64x896xf32>
    %get3A_145 = vector.shape_cast %get3A_144 : vector<1x64x896xf32> to vector<64x896xf32>
    %mul3A_146 = vector.broadcast %get3A_4 : vector<64x1xf32> to vector<64x896xf32>
    %mul3A_147 = arith.mulf %mul3A_146, %get3A_145 : vector<64x896xf32>
    %add3A_148 = vector.broadcast %get3A_7 : vector<64x1xf32> to vector<64x896xf32>
    %add3A_149 = arith.addf %mul3A_147, %add3A_148 : vector<64x896xf32>
    %max3A_150 = arith.constant 0.000000e+00 : f32
    %max3A_151 = vector.broadcast %max3A_150 : f32 to vector<64x896xf32>
    %max3A_152 = arith.maximumf %add3A_149, %max3A_151 : vector<64x896xf32>
    %dot_general3A_153 = arith.constant dense<0.000000e+00> : vector<64x896xf32>
    %dot_general3A_154 = tpu.matmul %get3A_1, %max3A_152, %dot_general3A_153 {dimension_numbers = #tpu.dot_dimension_numbers<[1], [0], [0], [1], [0, 0, 1, 1], [], []>, transpose_lhs_hint = false} : vector<64x64xf32>, vector<64x896xf32>, vector<64x896xf32> -> vector<64x896xf32>
    %swap3A_155 = arith.constant 5 : index
    %swap3A_156 = arith.constant 0 : index
    %swap3A_157 = arith.constant 0 : index
    %swap3A_158 = vector.load %arg5[%swap3A_155, %swap3A_156, %swap3A_157] : memref<8x64x896xf32, #tpu.memory_space<vmem>>, vector<1x64x896xf32>
    %swap3A_159 = vector.shape_cast %swap3A_158 : vector<1x64x896xf32> to vector<64x896xf32>
    %swap3A_160 = vector.shape_cast %dot_general3A_154 : vector<64x896xf32> to vector<1x64x896xf32>
    tpu.vector_store %arg5[%swap3A_155, %swap3A_156, %swap3A_157], %swap3A_160 {strides = array<i32>} : memref<8x64x896xf32, #tpu.memory_space<vmem>>, vector<1x64x896xf32>,
    %reduce_sum3A_161 = arith.constant dense<0.000000e+00> : vector<64xf32>
    %reduce_sum3A_162 = vector.multi_reduction <add>, %dot_general3A_154, %reduce_sum3A_161 [1] : vector<64x896xf32> to vector<64xf32>
    %add3A_163 = arith.addf %add3A_136, %reduce_sum3A_162 : vector<64xf32>
    %mul3A_164 = arith.mulf %dot_general3A_154, %dot_general3A_154 : vector<64x896xf32>
    %reduce_sum3A_165 = arith.constant dense<0.000000e+00> : vector<64xf32>
    %reduce_sum3A_166 = vector.multi_reduction <add>, %mul3A_164, %reduce_sum3A_165 [1] : vector<64x896xf32> to vector<64xf32>
    %add3A_167 = arith.addf %add3A_140, %reduce_sum3A_166 : vector<64xf32>
    %get3A_168 = arith.constant 6 : index
    %get3A_169 = arith.constant 0 : index
    %get3A_170 = arith.constant 0 : index
    %get3A_171 = vector.load %arg1[%get3A_168, %get3A_169, %get3A_170] : memref<8x64x896xf32, #tpu.memory_space<vmem>>, vector<1x64x896xf32>
    %get3A_172 = vector.shape_cast %get3A_171 : vector<1x64x896xf32> to vector<64x896xf32>
    %mul3A_173 = vector.broadcast %get3A_4 : vector<64x1xf32> to vector<64x896xf32>
    %mul3A_174 = arith.mulf %mul3A_173, %get3A_172 : vector<64x896xf32>
    %add3A_175 = vector.broadcast %get3A_7 : vector<64x1xf32> to vector<64x896xf32>
    %add3A_176 = arith.addf %mul3A_174, %add3A_175 : vector<64x896xf32>
    %max3A_177 = arith.constant 0.000000e+00 : f32
    %max3A_178 = vector.broadcast %max3A_177 : f32 to vector<64x896xf32>
    %max3A_179 = arith.maximumf %add3A_176, %max3A_178 : vector<64x896xf32>
    %dot_general3A_180 = arith.constant dense<0.000000e+00> : vector<64x896xf32>
    %dot_general3A_181 = tpu.matmul %get3A_1, %max3A_179, %dot_general3A_180 {dimension_numbers = #tpu.dot_dimension_numbers<[1], [0], [0], [1], [0, 0, 1, 1], [], []>, transpose_lhs_hint = false} : vector<64x64xf32>, vector<64x896xf32>, vector<64x896xf32> -> vector<64x896xf32>
    %swap3A_182 = arith.constant 6 : index
    %swap3A_183 = arith.constant 0 : index
    %swap3A_184 = arith.constant 0 : index
    %swap3A_185 = vector.load %arg5[%swap3A_182, %swap3A_183, %swap3A_184] : memref<8x64x896xf32, #tpu.memory_space<vmem>>, vector<1x64x896xf32>
    %swap3A_186 = vector.shape_cast %swap3A_185 : vector<1x64x896xf32> to vector<64x896xf32>
    %swap3A_187 = vector.shape_cast %dot_general3A_181 : vector<64x896xf32> to vector<1x64x896xf32>
    tpu.vector_store %arg5[%swap3A_182, %swap3A_183, %swap3A_184], %swap3A_187 {strides = array<i32>} : memref<8x64x896xf32, #tpu.memory_space<vmem>>, vector<1x64x896xf32>,
    %reduce_sum3A_188 = arith.constant dense<0.000000e+00> : vector<64xf32>
    %reduce_sum3A_189 = vector.multi_reduction <add>, %dot_general3A_181, %reduce_sum3A_188 [1] : vector<64x896xf32> to vector<64xf32>
    %add3A_190 = arith.addf %add3A_163, %reduce_sum3A_189 : vector<64xf32>
    %mul3A_191 = arith.mulf %dot_general3A_181, %dot_general3A_181 : vector<64x896xf32>
    %reduce_sum3A_192 = arith.constant dense<0.000000e+00> : vector<64xf32>
    %reduce_sum3A_193 = vector.multi_reduction <add>, %mul3A_191, %reduce_sum3A_192 [1] : vector<64x896xf32> to vector<64xf32>
    %add3A_194 = arith.addf %add3A_167, %reduce_sum3A_193 : vector<64xf32>
    %get3A_195 = arith.constant 7 : index
    %get3A_196 = arith.constant 0 : index
    %get3A_197 = arith.constant 0 : index
    %get3A_198 = vector.load %arg1[%get3A_195, %get3A_196, %get3A_197] : memref<8x64x896xf32, #tpu.memory_space<vmem>>, vector<1x64x896xf32>
    %get3A_199 = vector.shape_cast %get3A_198 : vector<1x64x896xf32> to vector<64x896xf32>
    %mul3A_200 = vector.broadcast %get3A_4 : vector<64x1xf32> to vector<64x896xf32>
    %mul3A_201 = arith.mulf %mul3A_200, %get3A_199 : vector<64x896xf32>
    %add3A_202 = vector.broadcast %get3A_7 : vector<64x1xf32> to vector<64x896xf32>
    %add3A_203 = arith.addf %mul3A_201, %add3A_202 : vector<64x896xf32>
    %max3A_204 = arith.constant 0.000000e+00 : f32
    %max3A_205 = vector.broadcast %max3A_204 : f32 to vector<64x896xf32>
    %max3A_206 = arith.maximumf %add3A_203, %max3A_205 : vector<64x896xf32>
    %dot_general3A_207 = arith.constant dense<0.000000e+00> : vector<64x896xf32>
    %dot_general3A_208 = tpu.matmul %get3A_1, %max3A_206, %dot_general3A_207 {dimension_numbers = #tpu.dot_dimension_numbers<[1], [0], [0], [1], [0, 0, 1, 1], [], []>, transpose_lhs_hint = false} : vector<64x64xf32>, vector<64x896xf32>, vector<64x896xf32> -> vector<64x896xf32>
    %swap3A_209 = arith.constant 7 : index
    %swap3A_210 = arith.constant 0 : index
    %swap3A_211 = arith.constant 0 : index
    %swap3A_212 = vector.load %arg5[%swap3A_209, %swap3A_210, %swap3A_211] : memref<8x64x896xf32, #tpu.memory_space<vmem>>, vector<1x64x896xf32>
    %swap3A_213 = vector.shape_cast %swap3A_212 : vector<1x64x896xf32> to vector<64x896xf32>
    %swap3A_214 = vector.shape_cast %dot_general3A_208 : vector<64x896xf32> to vector<1x64x896xf32>
    tpu.vector_store %arg5[%swap3A_209, %swap3A_210, %swap3A_211], %swap3A_214 {strides = array<i32>} : memref<8x64x896xf32, #tpu.memory_space<vmem>>, vector<1x64x896xf32>,
    %reduce_sum3A_215 = arith.constant dense<0.000000e+00> : vector<64xf32>
    %reduce_sum3A_216 = vector.multi_reduction <add>, %dot_general3A_208, %reduce_sum3A_215 [1] : vector<64x896xf32> to vector<64xf32>
    %add3A_217 = arith.addf %add3A_190, %reduce_sum3A_216 : vector<64xf32>
    %mul3A_218 = arith.mulf %dot_general3A_208, %dot_general3A_208 : vector<64x896xf32>
    %reduce_sum3A_219 = arith.constant dense<0.000000e+00> : vector<64xf32>
    %reduce_sum3A_220 = vector.multi_reduction <add>, %mul3A_218, %reduce_sum3A_219 [1] : vector<64x896xf32> to vector<64xf32>
    %add3A_221 = arith.addf %add3A_194, %reduce_sum3A_220 : vector<64xf32>
    %broadcast_in_dim3A = vector.shape_cast %add3A_217 : vector<64xf32> to vector<1x64xf32>
    %broadcast_in_dim3A_222 = vector.shape_cast %add3A_221 : vector<64xf32> to vector<1x64xf32>
    %concatenate3A = tpu.concatenate %broadcast_in_dim3A, %broadcast_in_dim3A_222 in 0 : vector<1x64xf32>, vector<1x64xf32> -> vector<2x64xf32>
    %eq3A = arith.constant 0 : i32
    %eq3A_223 = arith.cmpi eq, %arg0, %eq3A : i32
    %convert_element_type3A = arith.extui %eq3A_223 : i1 to i32
    %cond3A = arith.constant 0 : i32
    %cond3A_224 = arith.cmpi ne, %convert_element_type3A, %cond3A : i32
    scf.if %cond3A_224 {
      %broadcast_in_dim3A_232 = arith.constant 0.000000e+00 : f32
      %broadcast_in_dim3A_233 = vector.broadcast %broadcast_in_dim3A_232 : f32 to vector<2x64xf32>
      %swap3A_234 = arith.constant 0 : index
      %swap3A_235 = arith.constant 0 : index
      %swap3A_236 = vector.load %arg6[%swap3A_234, %swap3A_235] : memref<2x64xf32, #tpu.memory_space<vmem>>, vector<2x64xf32>
      tpu.vector_store %arg6[%swap3A_234, %swap3A_235], %broadcast_in_dim3A_233 {strides = array<i32>} : memref<2x64xf32, #tpu.memory_space<vmem>>, vector<2x64xf32>,
    } else {
    }
    %get3A_225 = arith.constant 0 : index
    %get3A_226 = arith.constant 0 : index
    %get3A_227 = vector.load %arg6[%get3A_225, %get3A_226] : memref<2x64xf32, #tpu.memory_space<vmem>>, vector<2x64xf32>
    %add3A_228 = arith.addf %get3A_227, %concatenate3A : vector<2x64xf32>
    %swap3A_229 = arith.constant 0 : index
    %swap3A_230 = arith.constant 0 : index
    %swap3A_231 = vector.load %arg6[%swap3A_229, %swap3A_230] : memref<2x64xf32, #tpu.memory_space<vmem>>, vector<2x64xf32>
    tpu.vector_store %arg6[%swap3A_229, %swap3A_230], %add3A_228 {strides = array<i32>} : memref<2x64xf32, #tpu.memory_space<vmem>>, vector<2x64xf32>,
    return
  }
  func.func @transform_0(%arg0: i32) -> (i32, i32, i32) {
    %c0_i32 = arith.constant 0 : i32
    %c0_i32_0 = arith.constant 0 : i32
    %c0_i32_1 = arith.constant 0 : i32
    return %arg0, %c0_i32, %c0_i32_0 : i32, i32, i32
  }
  func.func @transform_1(%arg0: i32) -> (i32, i32) {
    %c0_i32 = arith.constant 0 : i32
    %c0_i32_0 = arith.constant 0 : i32
    %c0_i32_1 = arith.constant 0 : i32
    return %c0_i32, %c0_i32_0 : i32, i32
  }
  func.func @transform_2(%arg0: i32) -> (i32, i32) {
    %c0_i32 = arith.constant 0 : i32
    %c0_i32_0 = arith.constant 0 : i32
    %c0_i32_1 = arith.constant 0 : i32
    return %c0_i32, %c0_i32_0 : i32, i32
  }
  func.func @transform_3(%arg0: i32) -> (i32, i32) {
    %c0_i32 = arith.constant 0 : i32
    %c0_i32_0 = arith.constant 0 : i32
    %c0_i32_1 = arith.constant 0 : i32
    return %c0_i32, %c0_i32_0 : i32, i32
  }
  func.func @transform_4(%arg0: i32) -> (i32, i32, i32) {
    %c0_i32 = arith.constant 0 : i32
    %c0_i32_0 = arith.constant 0 : i32
    %c0_i32_1 = arith.constant 0 : i32
    return %arg0, %c0_i32, %c0_i32_0 : i32, i32, i32
  }
  func.func @transform_5(%arg0: i32) -> (i32, i32) {
    %c0_i32 = arith.constant 0 : i32
    %c0_i32_0 = arith.constant 0 : i32
    %c0_i32_1 = arith.constant 0 : i32
    return %c0_i32, %c0_i32_0 : i32, i32
  }
}

module attributes {stable_mosaic.version = 14 : i64} {
  func.func @_ecout_kernel(%arg0: i32, %arg1: memref<4x64x896xf32, #tpu.memory_space<vmem>>, %arg2: memref<4x64x128xf32, #tpu.memory_space<vmem>>, %arg3: memref<4x1x128xf32, #tpu.memory_space<vmem>>, %arg4: memref<64x1xf32, #tpu.memory_space<vmem>>, %arg5: memref<64x1xf32, #tpu.memory_space<vmem>>, %arg6: memref<64x1xf32, #tpu.memory_space<vmem>>, %arg7: memref<64x1xf32, #tpu.memory_space<vmem>>, %arg8: memref<4x64x128xf32, #tpu.memory_space<vmem>>) attributes {dimension_semantics = [#tpu.dimension_semantics<arbitrary>], iteration_bounds = array<i64: 16>, scalar_prefetch = 0 : i64, scratch_operands = 0 : i64, tpu.core_type = #tpu.core_type<tc>, window_params = [{transform_indices = @transform_0, window_bounds = array<i64: 4, 64, 896>}, {transform_indices = @transform_1, window_bounds = array<i64: 4, 64, 128>}, {transform_indices = @transform_2, window_bounds = array<i64: 4, 1, 128>}, {pipeline_mode = #tpu.pipeline_mode<synchronous>, transform_indices = @transform_3, window_bounds = array<i64: 64, 1>}, {pipeline_mode = #tpu.pipeline_mode<synchronous>, transform_indices = @transform_4, window_bounds = array<i64: 64, 1>}, {pipeline_mode = #tpu.pipeline_mode<synchronous>, transform_indices = @transform_5, window_bounds = array<i64: 64, 1>}, {pipeline_mode = #tpu.pipeline_mode<synchronous>, transform_indices = @transform_6, window_bounds = array<i64: 64, 1>}, {transform_indices = @transform_7, window_bounds = array<i64: 4, 64, 128>}]} {
    %get3A = arith.constant 0 : index
    %get3A_0 = arith.constant 0 : index
    %get3A_1 = vector.load %arg4[%get3A, %get3A_0] : memref<64x1xf32, #tpu.memory_space<vmem>>, vector<64x1xf32>
    %broadcast_in_dim3A = vector.shape_cast %get3A_1 : vector<64x1xf32> to vector<1x64x1xf32>
    %get3A_2 = arith.constant 0 : index
    %get3A_3 = arith.constant 0 : index
    %get3A_4 = arith.constant 0 : index
    %get3A_5 = vector.load %arg1[%get3A_2, %get3A_3, %get3A_4] : memref<4x64x896xf32, #tpu.memory_space<vmem>>, vector<4x64x896xf32>
    %mul3A = vector.broadcast %broadcast_in_dim3A : vector<1x64x1xf32> to vector<4x64x896xf32>
    %mul3A_6 = arith.mulf %mul3A, %get3A_5 : vector<4x64x896xf32>
    %get3A_7 = arith.constant 0 : index
    %get3A_8 = arith.constant 0 : index
    %get3A_9 = vector.load %arg5[%get3A_7, %get3A_8] : memref<64x1xf32, #tpu.memory_space<vmem>>, vector<64x1xf32>
    %broadcast_in_dim3A_10 = vector.shape_cast %get3A_9 : vector<64x1xf32> to vector<1x64x1xf32>
    %add3A = vector.broadcast %broadcast_in_dim3A_10 : vector<1x64x1xf32> to vector<4x64x896xf32>
    %add3A_11 = arith.addf %mul3A_6, %add3A : vector<4x64x896xf32>
    %max3A = arith.constant 0.000000e+00 : f32
    %max3A_12 = vector.broadcast %max3A : f32 to vector<4x64x896xf32>
    %max3A_13 = arith.maximumf %add3A_11, %max3A_12 : vector<4x64x896xf32>
    %slice3A = vector.extract_strided_slice %max3A_13 {offsets = [0, 0, 0], sizes = [4, 64, 128], strides = [1, 1, 1]} : vector<4x64x896xf32> to vector<4x64x128xf32>
    %slice3A_14 = vector.extract_strided_slice %max3A_13 {offsets = [0, 0, 128], sizes = [4, 64, 128], strides = [1, 1, 1]} : vector<4x64x896xf32> to vector<4x64x128xf32>
    %add3A_15 = arith.addf %slice3A, %slice3A_14 : vector<4x64x128xf32>
    %slice3A_16 = vector.extract_strided_slice %max3A_13 {offsets = [0, 0, 256], sizes = [4, 64, 128], strides = [1, 1, 1]} : vector<4x64x896xf32> to vector<4x64x128xf32>
    %add3A_17 = arith.addf %add3A_15, %slice3A_16 : vector<4x64x128xf32>
    %slice3A_18 = vector.extract_strided_slice %max3A_13 {offsets = [0, 0, 384], sizes = [4, 64, 128], strides = [1, 1, 1]} : vector<4x64x896xf32> to vector<4x64x128xf32>
    %add3A_19 = arith.addf %add3A_17, %slice3A_18 : vector<4x64x128xf32>
    %slice3A_20 = vector.extract_strided_slice %max3A_13 {offsets = [0, 0, 512], sizes = [4, 64, 128], strides = [1, 1, 1]} : vector<4x64x896xf32> to vector<4x64x128xf32>
    %add3A_21 = arith.addf %add3A_19, %slice3A_20 : vector<4x64x128xf32>
    %slice3A_22 = vector.extract_strided_slice %max3A_13 {offsets = [0, 0, 640], sizes = [4, 64, 128], strides = [1, 1, 1]} : vector<4x64x896xf32> to vector<4x64x128xf32>
    %add3A_23 = arith.addf %add3A_21, %slice3A_22 : vector<4x64x128xf32>
    %slice3A_24 = vector.extract_strided_slice %max3A_13 {offsets = [0, 0, 768], sizes = [4, 64, 128], strides = [1, 1, 1]} : vector<4x64x896xf32> to vector<4x64x128xf32>
    %add3A_25 = arith.addf %add3A_23, %slice3A_24 : vector<4x64x128xf32>
    %mul3A_26 = arith.constant 0.142857149 : f32
    %mul3A_27 = vector.broadcast %mul3A_26 : f32 to vector<4x64x128xf32>
    %mul3A_28 = arith.mulf %add3A_25, %mul3A_27 : vector<4x64x128xf32>
    %get3A_29 = arith.constant 0 : index
    %get3A_30 = arith.constant 0 : index
    %get3A_31 = vector.load %arg6[%get3A_29, %get3A_30] : memref<64x1xf32, #tpu.memory_space<vmem>>, vector<64x1xf32>
    %broadcast_in_dim3A_32 = vector.shape_cast %get3A_31 : vector<64x1xf32> to vector<1x64x1xf32>
    %get3A_33 = arith.constant 0 : index
    %get3A_34 = arith.constant 0 : index
    %get3A_35 = arith.constant 0 : index
    %get3A_36 = vector.load %arg2[%get3A_33, %get3A_34, %get3A_35] : memref<4x64x128xf32, #tpu.memory_space<vmem>>, vector<4x64x128xf32>
    %mul3A_37 = vector.broadcast %broadcast_in_dim3A_32 : vector<1x64x1xf32> to vector<4x64x128xf32>
    %mul3A_38 = arith.mulf %mul3A_37, %get3A_36 : vector<4x64x128xf32>
    %get3A_39 = arith.constant 0 : index
    %get3A_40 = arith.constant 0 : index
    %get3A_41 = vector.load %arg7[%get3A_39, %get3A_40] : memref<64x1xf32, #tpu.memory_space<vmem>>, vector<64x1xf32>
    %broadcast_in_dim3A_42 = vector.shape_cast %get3A_41 : vector<64x1xf32> to vector<1x64x1xf32>
    %add3A_43 = vector.broadcast %broadcast_in_dim3A_42 : vector<1x64x1xf32> to vector<4x64x128xf32>
    %add3A_44 = arith.addf %mul3A_38, %add3A_43 : vector<4x64x128xf32>
    %add3A_45 = arith.addf %add3A_44, %mul3A_28 : vector<4x64x128xf32>
    %max3A_46 = arith.constant 0.000000e+00 : f32
    %max3A_47 = vector.broadcast %max3A_46 : f32 to vector<4x64x128xf32>
    %max3A_48 = arith.maximumf %add3A_45, %max3A_47 : vector<4x64x128xf32>
    %get3A_49 = arith.constant 0 : index
    %get3A_50 = arith.constant 0 : index
    %get3A_51 = arith.constant 0 : index
    %get3A_52 = vector.load %arg3[%get3A_49, %get3A_50, %get3A_51] : memref<4x1x128xf32, #tpu.memory_space<vmem>>, vector<4x1x128xf32>
    %mul3A_53 = vector.broadcast %get3A_52 : vector<4x1x128xf32> to vector<4x64x128xf32>
    %mul3A_54 = arith.mulf %max3A_48, %mul3A_53 : vector<4x64x128xf32>
    %swap3A = arith.constant 0 : index
    %swap3A_55 = arith.constant 0 : index
    %swap3A_56 = arith.constant 0 : index
    %swap3A_57 = vector.load %arg8[%swap3A, %swap3A_55, %swap3A_56] : memref<4x64x128xf32, #tpu.memory_space<vmem>>, vector<4x64x128xf32>
    tpu.vector_store %arg8[%swap3A, %swap3A_55, %swap3A_56], %mul3A_54 {strides = array<i32>} : memref<4x64x128xf32, #tpu.memory_space<vmem>>, vector<4x64x128xf32>,
    return
  }
  func.func @transform_0(%arg0: i32) -> (i32, i32, i32) {
    %c0_i32 = arith.constant 0 : i32
    %c0_i32_0 = arith.constant 0 : i32
    %c0_i32_1 = arith.constant 0 : i32
    return %arg0, %c0_i32, %c0_i32_0 : i32, i32, i32
  }
  func.func @transform_1(%arg0: i32) -> (i32, i32, i32) {
    %c0_i32 = arith.constant 0 : i32
    %c0_i32_0 = arith.constant 0 : i32
    %c0_i32_1 = arith.constant 0 : i32
    return %arg0, %c0_i32, %c0_i32_0 : i32, i32, i32
  }
  func.func @transform_2(%arg0: i32) -> (i32, i32, i32) {
    %c0_i32 = arith.constant 0 : i32
    %c0_i32_0 = arith.constant 0 : i32
    %c0_i32_1 = arith.constant 0 : i32
    return %arg0, %c0_i32, %c0_i32_0 : i32, i32, i32
  }
  func.func @transform_3(%arg0: i32) -> (i32, i32) {
    %c0_i32 = arith.constant 0 : i32
    %c0_i32_0 = arith.constant 0 : i32
    %c0_i32_1 = arith.constant 0 : i32
    return %c0_i32, %c0_i32_0 : i32, i32
  }
  func.func @transform_4(%arg0: i32) -> (i32, i32) {
    %c0_i32 = arith.constant 0 : i32
    %c0_i32_0 = arith.constant 0 : i32
    %c0_i32_1 = arith.constant 0 : i32
    return %c0_i32, %c0_i32_0 : i32, i32
  }
  func.func @transform_5(%arg0: i32) -> (i32, i32) {
    %c0_i32 = arith.constant 0 : i32
    %c0_i32_0 = arith.constant 0 : i32
    %c0_i32_1 = arith.constant 0 : i32
    return %c0_i32, %c0_i32_0 : i32, i32
  }
  func.func @transform_6(%arg0: i32) -> (i32, i32) {
    %c0_i32 = arith.constant 0 : i32
    %c0_i32_0 = arith.constant 0 : i32
    %c0_i32_1 = arith.constant 0 : i32
    return %c0_i32, %c0_i32_0 : i32, i32
  }
  func.func @transform_7(%arg0: i32) -> (i32, i32, i32) {
    %c0_i32 = arith.constant 0 : i32
    %c0_i32_0 = arith.constant 0 : i32
    %c0_i32_1 = arith.constant 0 : i32
    return %arg0, %c0_i32, %c0_i32_0 : i32, i32, i32
  }
}

module attributes {stable_mosaic.version = 14 : i64} {
  func.func @_fuse_kernel(%arg0: i32, %arg1: memref<8x32x128xf32, #tpu.memory_space<vmem>>, %arg2: memref<8x64x128xf32, #tpu.memory_space<vmem>>, %arg3: memref<128x32xf32, #tpu.memory_space<vmem>>, %arg4: memref<128x64xf32, #tpu.memory_space<vmem>>, %arg5: memref<8x128x128xf32, #tpu.memory_space<vmem>>, %arg6: memref<2x128xf32, #tpu.memory_space<vmem>>) attributes {dimension_semantics = [#tpu.dimension_semantics<arbitrary>], iteration_bounds = array<i64: 8>, scalar_prefetch = 0 : i64, scratch_operands = 0 : i64, tpu.core_type = #tpu.core_type<tc>, window_params = [{transform_indices = @transform_0, window_bounds = array<i64: 8, 32, 128>}, {transform_indices = @transform_1, window_bounds = array<i64: 8, 64, 128>}, {pipeline_mode = #tpu.pipeline_mode<synchronous>, transform_indices = @transform_2, window_bounds = array<i64: 128, 32>}, {pipeline_mode = #tpu.pipeline_mode<synchronous>, transform_indices = @transform_3, window_bounds = array<i64: 128, 64>}, {transform_indices = @transform_4, window_bounds = array<i64: 8, 128, 128>}, {pipeline_mode = #tpu.pipeline_mode<synchronous>, transform_indices = @transform_5, window_bounds = array<i64: 2, 128>}]} {
    %get3A = arith.constant 0 : index
    %get3A_0 = arith.constant 0 : index
    %get3A_1 = vector.load %arg3[%get3A, %get3A_0] : memref<128x32xf32, #tpu.memory_space<vmem>>, vector<128x32xf32>
    %get3A_2 = arith.constant 0 : index
    %get3A_3 = arith.constant 0 : index
    %get3A_4 = vector.load %arg4[%get3A_2, %get3A_3] : memref<128x64xf32, #tpu.memory_space<vmem>>, vector<128x64xf32>
    %get3A_5 = arith.constant 0 : index
    %get3A_6 = arith.constant 0 : index
    %get3A_7 = arith.constant 0 : index
    %get3A_8 = vector.load %arg1[%get3A_5, %get3A_6, %get3A_7] : memref<8x32x128xf32, #tpu.memory_space<vmem>>, vector<1x32x128xf32>
    %get3A_9 = vector.shape_cast %get3A_8 : vector<1x32x128xf32> to vector<32x128xf32>
    %dot_general3A = arith.constant dense<0.000000e+00> : vector<128x128xf32>
    %dot_general3A_10 = tpu.matmul %get3A_1, %get3A_9, %dot_general3A {dimension_numbers = #tpu.dot_dimension_numbers<[1], [0], [0], [1], [0, 0, 1, 1], [], []>, transpose_lhs_hint = false} : vector<128x32xf32>, vector<32x128xf32>, vector<128x128xf32> -> vector<128x128xf32>
    %get3A_11 = arith.constant 0 : index
    %get3A_12 = arith.constant 0 : index
    %get3A_13 = arith.constant 0 : index
    %get3A_14 = vector.load %arg2[%get3A_11, %get3A_12, %get3A_13] : memref<8x64x128xf32, #tpu.memory_space<vmem>>, vector<1x64x128xf32>
    %get3A_15 = vector.shape_cast %get3A_14 : vector<1x64x128xf32> to vector<64x128xf32>
    %dot_general3A_16 = arith.constant dense<0.000000e+00> : vector<128x128xf32>
    %dot_general3A_17 = tpu.matmul %get3A_4, %get3A_15, %dot_general3A_16 {dimension_numbers = #tpu.dot_dimension_numbers<[1], [0], [0], [1], [0, 0, 1, 1], [], []>, transpose_lhs_hint = false} : vector<128x64xf32>, vector<64x128xf32>, vector<128x128xf32> -> vector<128x128xf32>
    %add3A = arith.addf %dot_general3A_10, %dot_general3A_17 : vector<128x128xf32>
    %swap3A = arith.constant 0 : index
    %swap3A_18 = arith.constant 0 : index
    %swap3A_19 = arith.constant 0 : index
    %swap3A_20 = vector.load %arg5[%swap3A, %swap3A_18, %swap3A_19] : memref<8x128x128xf32, #tpu.memory_space<vmem>>, vector<1x128x128xf32>
    %swap3A_21 = vector.shape_cast %swap3A_20 : vector<1x128x128xf32> to vector<128x128xf32>
    %swap3A_22 = vector.shape_cast %add3A : vector<128x128xf32> to vector<1x128x128xf32>
    tpu.vector_store %arg5[%swap3A, %swap3A_18, %swap3A_19], %swap3A_22 {strides = array<i32>} : memref<8x128x128xf32, #tpu.memory_space<vmem>>, vector<1x128x128xf32>,
    %reduce_sum3A = arith.constant dense<0.000000e+00> : vector<128xf32>
    %reduce_sum3A_23 = vector.multi_reduction <add>, %add3A, %reduce_sum3A [1] : vector<128x128xf32> to vector<128xf32>
    %add3A_24 = arith.constant 0.000000e+00 : f32
    %add3A_25 = vector.broadcast %add3A_24 : f32 to vector<128xf32>
    %add3A_26 = arith.addf %add3A_25, %reduce_sum3A_23 : vector<128xf32>
    %mul3A = arith.mulf %add3A, %add3A : vector<128x128xf32>
    %reduce_sum3A_27 = arith.constant dense<0.000000e+00> : vector<128xf32>
    %reduce_sum3A_28 = vector.multi_reduction <add>, %mul3A, %reduce_sum3A_27 [1] : vector<128x128xf32> to vector<128xf32>
    %add3A_29 = arith.constant 0.000000e+00 : f32
    %add3A_30 = vector.broadcast %add3A_29 : f32 to vector<128xf32>
    %add3A_31 = arith.addf %add3A_30, %reduce_sum3A_28 : vector<128xf32>
    %get3A_32 = arith.constant 1 : index
    %get3A_33 = arith.constant 0 : index
    %get3A_34 = arith.constant 0 : index
    %get3A_35 = vector.load %arg1[%get3A_32, %get3A_33, %get3A_34] : memref<8x32x128xf32, #tpu.memory_space<vmem>>, vector<1x32x128xf32>
    %get3A_36 = vector.shape_cast %get3A_35 : vector<1x32x128xf32> to vector<32x128xf32>
    %dot_general3A_37 = arith.constant dense<0.000000e+00> : vector<128x128xf32>
    %dot_general3A_38 = tpu.matmul %get3A_1, %get3A_36, %dot_general3A_37 {dimension_numbers = #tpu.dot_dimension_numbers<[1], [0], [0], [1], [0, 0, 1, 1], [], []>, transpose_lhs_hint = false} : vector<128x32xf32>, vector<32x128xf32>, vector<128x128xf32> -> vector<128x128xf32>
    %get3A_39 = arith.constant 1 : index
    %get3A_40 = arith.constant 0 : index
    %get3A_41 = arith.constant 0 : index
    %get3A_42 = vector.load %arg2[%get3A_39, %get3A_40, %get3A_41] : memref<8x64x128xf32, #tpu.memory_space<vmem>>, vector<1x64x128xf32>
    %get3A_43 = vector.shape_cast %get3A_42 : vector<1x64x128xf32> to vector<64x128xf32>
    %dot_general3A_44 = arith.constant dense<0.000000e+00> : vector<128x128xf32>
    %dot_general3A_45 = tpu.matmul %get3A_4, %get3A_43, %dot_general3A_44 {dimension_numbers = #tpu.dot_dimension_numbers<[1], [0], [0], [1], [0, 0, 1, 1], [], []>, transpose_lhs_hint = false} : vector<128x64xf32>, vector<64x128xf32>, vector<128x128xf32> -> vector<128x128xf32>
    %add3A_46 = arith.addf %dot_general3A_38, %dot_general3A_45 : vector<128x128xf32>
    %swap3A_47 = arith.constant 1 : index
    %swap3A_48 = arith.constant 0 : index
    %swap3A_49 = arith.constant 0 : index
    %swap3A_50 = vector.load %arg5[%swap3A_47, %swap3A_48, %swap3A_49] : memref<8x128x128xf32, #tpu.memory_space<vmem>>, vector<1x128x128xf32>
    %swap3A_51 = vector.shape_cast %swap3A_50 : vector<1x128x128xf32> to vector<128x128xf32>
    %swap3A_52 = vector.shape_cast %add3A_46 : vector<128x128xf32> to vector<1x128x128xf32>
    tpu.vector_store %arg5[%swap3A_47, %swap3A_48, %swap3A_49], %swap3A_52 {strides = array<i32>} : memref<8x128x128xf32, #tpu.memory_space<vmem>>, vector<1x128x128xf32>,
    %reduce_sum3A_53 = arith.constant dense<0.000000e+00> : vector<128xf32>
    %reduce_sum3A_54 = vector.multi_reduction <add>, %add3A_46, %reduce_sum3A_53 [1] : vector<128x128xf32> to vector<128xf32>
    %add3A_55 = arith.addf %add3A_26, %reduce_sum3A_54 : vector<128xf32>
    %mul3A_56 = arith.mulf %add3A_46, %add3A_46 : vector<128x128xf32>
    %reduce_sum3A_57 = arith.constant dense<0.000000e+00> : vector<128xf32>
    %reduce_sum3A_58 = vector.multi_reduction <add>, %mul3A_56, %reduce_sum3A_57 [1] : vector<128x128xf32> to vector<128xf32>
    %add3A_59 = arith.addf %add3A_31, %reduce_sum3A_58 : vector<128xf32>
    %get3A_60 = arith.constant 2 : index
    %get3A_61 = arith.constant 0 : index
    %get3A_62 = arith.constant 0 : index
    %get3A_63 = vector.load %arg1[%get3A_60, %get3A_61, %get3A_62] : memref<8x32x128xf32, #tpu.memory_space<vmem>>, vector<1x32x128xf32>
    %get3A_64 = vector.shape_cast %get3A_63 : vector<1x32x128xf32> to vector<32x128xf32>
    %dot_general3A_65 = arith.constant dense<0.000000e+00> : vector<128x128xf32>
    %dot_general3A_66 = tpu.matmul %get3A_1, %get3A_64, %dot_general3A_65 {dimension_numbers = #tpu.dot_dimension_numbers<[1], [0], [0], [1], [0, 0, 1, 1], [], []>, transpose_lhs_hint = false} : vector<128x32xf32>, vector<32x128xf32>, vector<128x128xf32> -> vector<128x128xf32>
    %get3A_67 = arith.constant 2 : index
    %get3A_68 = arith.constant 0 : index
    %get3A_69 = arith.constant 0 : index
    %get3A_70 = vector.load %arg2[%get3A_67, %get3A_68, %get3A_69] : memref<8x64x128xf32, #tpu.memory_space<vmem>>, vector<1x64x128xf32>
    %get3A_71 = vector.shape_cast %get3A_70 : vector<1x64x128xf32> to vector<64x128xf32>
    %dot_general3A_72 = arith.constant dense<0.000000e+00> : vector<128x128xf32>
    %dot_general3A_73 = tpu.matmul %get3A_4, %get3A_71, %dot_general3A_72 {dimension_numbers = #tpu.dot_dimension_numbers<[1], [0], [0], [1], [0, 0, 1, 1], [], []>, transpose_lhs_hint = false} : vector<128x64xf32>, vector<64x128xf32>, vector<128x128xf32> -> vector<128x128xf32>
    %add3A_74 = arith.addf %dot_general3A_66, %dot_general3A_73 : vector<128x128xf32>
    %swap3A_75 = arith.constant 2 : index
    %swap3A_76 = arith.constant 0 : index
    %swap3A_77 = arith.constant 0 : index
    %swap3A_78 = vector.load %arg5[%swap3A_75, %swap3A_76, %swap3A_77] : memref<8x128x128xf32, #tpu.memory_space<vmem>>, vector<1x128x128xf32>
    %swap3A_79 = vector.shape_cast %swap3A_78 : vector<1x128x128xf32> to vector<128x128xf32>
    %swap3A_80 = vector.shape_cast %add3A_74 : vector<128x128xf32> to vector<1x128x128xf32>
    tpu.vector_store %arg5[%swap3A_75, %swap3A_76, %swap3A_77], %swap3A_80 {strides = array<i32>} : memref<8x128x128xf32, #tpu.memory_space<vmem>>, vector<1x128x128xf32>,
    %reduce_sum3A_81 = arith.constant dense<0.000000e+00> : vector<128xf32>
    %reduce_sum3A_82 = vector.multi_reduction <add>, %add3A_74, %reduce_sum3A_81 [1] : vector<128x128xf32> to vector<128xf32>
    %add3A_83 = arith.addf %add3A_55, %reduce_sum3A_82 : vector<128xf32>
    %mul3A_84 = arith.mulf %add3A_74, %add3A_74 : vector<128x128xf32>
    %reduce_sum3A_85 = arith.constant dense<0.000000e+00> : vector<128xf32>
    %reduce_sum3A_86 = vector.multi_reduction <add>, %mul3A_84, %reduce_sum3A_85 [1] : vector<128x128xf32> to vector<128xf32>
    %add3A_87 = arith.addf %add3A_59, %reduce_sum3A_86 : vector<128xf32>
    %get3A_88 = arith.constant 3 : index
    %get3A_89 = arith.constant 0 : index
    %get3A_90 = arith.constant 0 : index
    %get3A_91 = vector.load %arg1[%get3A_88, %get3A_89, %get3A_90] : memref<8x32x128xf32, #tpu.memory_space<vmem>>, vector<1x32x128xf32>
    %get3A_92 = vector.shape_cast %get3A_91 : vector<1x32x128xf32> to vector<32x128xf32>
    %dot_general3A_93 = arith.constant dense<0.000000e+00> : vector<128x128xf32>
    %dot_general3A_94 = tpu.matmul %get3A_1, %get3A_92, %dot_general3A_93 {dimension_numbers = #tpu.dot_dimension_numbers<[1], [0], [0], [1], [0, 0, 1, 1], [], []>, transpose_lhs_hint = false} : vector<128x32xf32>, vector<32x128xf32>, vector<128x128xf32> -> vector<128x128xf32>
    %get3A_95 = arith.constant 3 : index
    %get3A_96 = arith.constant 0 : index
    %get3A_97 = arith.constant 0 : index
    %get3A_98 = vector.load %arg2[%get3A_95, %get3A_96, %get3A_97] : memref<8x64x128xf32, #tpu.memory_space<vmem>>, vector<1x64x128xf32>
    %get3A_99 = vector.shape_cast %get3A_98 : vector<1x64x128xf32> to vector<64x128xf32>
    %dot_general3A_100 = arith.constant dense<0.000000e+00> : vector<128x128xf32>
    %dot_general3A_101 = tpu.matmul %get3A_4, %get3A_99, %dot_general3A_100 {dimension_numbers = #tpu.dot_dimension_numbers<[1], [0], [0], [1], [0, 0, 1, 1], [], []>, transpose_lhs_hint = false} : vector<128x64xf32>, vector<64x128xf32>, vector<128x128xf32> -> vector<128x128xf32>
    %add3A_102 = arith.addf %dot_general3A_94, %dot_general3A_101 : vector<128x128xf32>
    %swap3A_103 = arith.constant 3 : index
    %swap3A_104 = arith.constant 0 : index
    %swap3A_105 = arith.constant 0 : index
    %swap3A_106 = vector.load %arg5[%swap3A_103, %swap3A_104, %swap3A_105] : memref<8x128x128xf32, #tpu.memory_space<vmem>>, vector<1x128x128xf32>
    %swap3A_107 = vector.shape_cast %swap3A_106 : vector<1x128x128xf32> to vector<128x128xf32>
    %swap3A_108 = vector.shape_cast %add3A_102 : vector<128x128xf32> to vector<1x128x128xf32>
    tpu.vector_store %arg5[%swap3A_103, %swap3A_104, %swap3A_105], %swap3A_108 {strides = array<i32>} : memref<8x128x128xf32, #tpu.memory_space<vmem>>, vector<1x128x128xf32>,
    %reduce_sum3A_109 = arith.constant dense<0.000000e+00> : vector<128xf32>
    %reduce_sum3A_110 = vector.multi_reduction <add>, %add3A_102, %reduce_sum3A_109 [1] : vector<128x128xf32> to vector<128xf32>
    %add3A_111 = arith.addf %add3A_83, %reduce_sum3A_110 : vector<128xf32>
    %mul3A_112 = arith.mulf %add3A_102, %add3A_102 : vector<128x128xf32>
    %reduce_sum3A_113 = arith.constant dense<0.000000e+00> : vector<128xf32>
    %reduce_sum3A_114 = vector.multi_reduction <add>, %mul3A_112, %reduce_sum3A_113 [1] : vector<128x128xf32> to vector<128xf32>
    %add3A_115 = arith.addf %add3A_87, %reduce_sum3A_114 : vector<128xf32>
    %get3A_116 = arith.constant 4 : index
    %get3A_117 = arith.constant 0 : index
    %get3A_118 = arith.constant 0 : index
    %get3A_119 = vector.load %arg1[%get3A_116, %get3A_117, %get3A_118] : memref<8x32x128xf32, #tpu.memory_space<vmem>>, vector<1x32x128xf32>
    %get3A_120 = vector.shape_cast %get3A_119 : vector<1x32x128xf32> to vector<32x128xf32>
    %dot_general3A_121 = arith.constant dense<0.000000e+00> : vector<128x128xf32>
    %dot_general3A_122 = tpu.matmul %get3A_1, %get3A_120, %dot_general3A_121 {dimension_numbers = #tpu.dot_dimension_numbers<[1], [0], [0], [1], [0, 0, 1, 1], [], []>, transpose_lhs_hint = false} : vector<128x32xf32>, vector<32x128xf32>, vector<128x128xf32> -> vector<128x128xf32>
    %get3A_123 = arith.constant 4 : index
    %get3A_124 = arith.constant 0 : index
    %get3A_125 = arith.constant 0 : index
    %get3A_126 = vector.load %arg2[%get3A_123, %get3A_124, %get3A_125] : memref<8x64x128xf32, #tpu.memory_space<vmem>>, vector<1x64x128xf32>
    %get3A_127 = vector.shape_cast %get3A_126 : vector<1x64x128xf32> to vector<64x128xf32>
    %dot_general3A_128 = arith.constant dense<0.000000e+00> : vector<128x128xf32>
    %dot_general3A_129 = tpu.matmul %get3A_4, %get3A_127, %dot_general3A_128 {dimension_numbers = #tpu.dot_dimension_numbers<[1], [0], [0], [1], [0, 0, 1, 1], [], []>, transpose_lhs_hint = false} : vector<128x64xf32>, vector<64x128xf32>, vector<128x128xf32> -> vector<128x128xf32>
    %add3A_130 = arith.addf %dot_general3A_122, %dot_general3A_129 : vector<128x128xf32>
    %swap3A_131 = arith.constant 4 : index
    %swap3A_132 = arith.constant 0 : index
    %swap3A_133 = arith.constant 0 : index
    %swap3A_134 = vector.load %arg5[%swap3A_131, %swap3A_132, %swap3A_133] : memref<8x128x128xf32, #tpu.memory_space<vmem>>, vector<1x128x128xf32>
    %swap3A_135 = vector.shape_cast %swap3A_134 : vector<1x128x128xf32> to vector<128x128xf32>
    %swap3A_136 = vector.shape_cast %add3A_130 : vector<128x128xf32> to vector<1x128x128xf32>
    tpu.vector_store %arg5[%swap3A_131, %swap3A_132, %swap3A_133], %swap3A_136 {strides = array<i32>} : memref<8x128x128xf32, #tpu.memory_space<vmem>>, vector<1x128x128xf32>,
    %reduce_sum3A_137 = arith.constant dense<0.000000e+00> : vector<128xf32>
    %reduce_sum3A_138 = vector.multi_reduction <add>, %add3A_130, %reduce_sum3A_137 [1] : vector<128x128xf32> to vector<128xf32>
    %add3A_139 = arith.addf %add3A_111, %reduce_sum3A_138 : vector<128xf32>
    %mul3A_140 = arith.mulf %add3A_130, %add3A_130 : vector<128x128xf32>
    %reduce_sum3A_141 = arith.constant dense<0.000000e+00> : vector<128xf32>
    %reduce_sum3A_142 = vector.multi_reduction <add>, %mul3A_140, %reduce_sum3A_141 [1] : vector<128x128xf32> to vector<128xf32>
    %add3A_143 = arith.addf %add3A_115, %reduce_sum3A_142 : vector<128xf32>
    %get3A_144 = arith.constant 5 : index
    %get3A_145 = arith.constant 0 : index
    %get3A_146 = arith.constant 0 : index
    %get3A_147 = vector.load %arg1[%get3A_144, %get3A_145, %get3A_146] : memref<8x32x128xf32, #tpu.memory_space<vmem>>, vector<1x32x128xf32>
    %get3A_148 = vector.shape_cast %get3A_147 : vector<1x32x128xf32> to vector<32x128xf32>
    %dot_general3A_149 = arith.constant dense<0.000000e+00> : vector<128x128xf32>
    %dot_general3A_150 = tpu.matmul %get3A_1, %get3A_148, %dot_general3A_149 {dimension_numbers = #tpu.dot_dimension_numbers<[1], [0], [0], [1], [0, 0, 1, 1], [], []>, transpose_lhs_hint = false} : vector<128x32xf32>, vector<32x128xf32>, vector<128x128xf32> -> vector<128x128xf32>
    %get3A_151 = arith.constant 5 : index
    %get3A_152 = arith.constant 0 : index
    %get3A_153 = arith.constant 0 : index
    %get3A_154 = vector.load %arg2[%get3A_151, %get3A_152, %get3A_153] : memref<8x64x128xf32, #tpu.memory_space<vmem>>, vector<1x64x128xf32>
    %get3A_155 = vector.shape_cast %get3A_154 : vector<1x64x128xf32> to vector<64x128xf32>
    %dot_general3A_156 = arith.constant dense<0.000000e+00> : vector<128x128xf32>
    %dot_general3A_157 = tpu.matmul %get3A_4, %get3A_155, %dot_general3A_156 {dimension_numbers = #tpu.dot_dimension_numbers<[1], [0], [0], [1], [0, 0, 1, 1], [], []>, transpose_lhs_hint = false} : vector<128x64xf32>, vector<64x128xf32>, vector<128x128xf32> -> vector<128x128xf32>
    %add3A_158 = arith.addf %dot_general3A_150, %dot_general3A_157 : vector<128x128xf32>
    %swap3A_159 = arith.constant 5 : index
    %swap3A_160 = arith.constant 0 : index
    %swap3A_161 = arith.constant 0 : index
    %swap3A_162 = vector.load %arg5[%swap3A_159, %swap3A_160, %swap3A_161] : memref<8x128x128xf32, #tpu.memory_space<vmem>>, vector<1x128x128xf32>
    %swap3A_163 = vector.shape_cast %swap3A_162 : vector<1x128x128xf32> to vector<128x128xf32>
    %swap3A_164 = vector.shape_cast %add3A_158 : vector<128x128xf32> to vector<1x128x128xf32>
    tpu.vector_store %arg5[%swap3A_159, %swap3A_160, %swap3A_161], %swap3A_164 {strides = array<i32>} : memref<8x128x128xf32, #tpu.memory_space<vmem>>, vector<1x128x128xf32>,
    %reduce_sum3A_165 = arith.constant dense<0.000000e+00> : vector<128xf32>
    %reduce_sum3A_166 = vector.multi_reduction <add>, %add3A_158, %reduce_sum3A_165 [1] : vector<128x128xf32> to vector<128xf32>
    %add3A_167 = arith.addf %add3A_139, %reduce_sum3A_166 : vector<128xf32>
    %mul3A_168 = arith.mulf %add3A_158, %add3A_158 : vector<128x128xf32>
    %reduce_sum3A_169 = arith.constant dense<0.000000e+00> : vector<128xf32>
    %reduce_sum3A_170 = vector.multi_reduction <add>, %mul3A_168, %reduce_sum3A_169 [1] : vector<128x128xf32> to vector<128xf32>
    %add3A_171 = arith.addf %add3A_143, %reduce_sum3A_170 : vector<128xf32>
    %get3A_172 = arith.constant 6 : index
    %get3A_173 = arith.constant 0 : index
    %get3A_174 = arith.constant 0 : index
    %get3A_175 = vector.load %arg1[%get3A_172, %get3A_173, %get3A_174] : memref<8x32x128xf32, #tpu.memory_space<vmem>>, vector<1x32x128xf32>
    %get3A_176 = vector.shape_cast %get3A_175 : vector<1x32x128xf32> to vector<32x128xf32>
    %dot_general3A_177 = arith.constant dense<0.000000e+00> : vector<128x128xf32>
    %dot_general3A_178 = tpu.matmul %get3A_1, %get3A_176, %dot_general3A_177 {dimension_numbers = #tpu.dot_dimension_numbers<[1], [0], [0], [1], [0, 0, 1, 1], [], []>, transpose_lhs_hint = false} : vector<128x32xf32>, vector<32x128xf32>, vector<128x128xf32> -> vector<128x128xf32>
    %get3A_179 = arith.constant 6 : index
    %get3A_180 = arith.constant 0 : index
    %get3A_181 = arith.constant 0 : index
    %get3A_182 = vector.load %arg2[%get3A_179, %get3A_180, %get3A_181] : memref<8x64x128xf32, #tpu.memory_space<vmem>>, vector<1x64x128xf32>
    %get3A_183 = vector.shape_cast %get3A_182 : vector<1x64x128xf32> to vector<64x128xf32>
    %dot_general3A_184 = arith.constant dense<0.000000e+00> : vector<128x128xf32>
    %dot_general3A_185 = tpu.matmul %get3A_4, %get3A_183, %dot_general3A_184 {dimension_numbers = #tpu.dot_dimension_numbers<[1], [0], [0], [1], [0, 0, 1, 1], [], []>, transpose_lhs_hint = false} : vector<128x64xf32>, vector<64x128xf32>, vector<128x128xf32> -> vector<128x128xf32>
    %add3A_186 = arith.addf %dot_general3A_178, %dot_general3A_185 : vector<128x128xf32>
    %swap3A_187 = arith.constant 6 : index
    %swap3A_188 = arith.constant 0 : index
    %swap3A_189 = arith.constant 0 : index
    %swap3A_190 = vector.load %arg5[%swap3A_187, %swap3A_188, %swap3A_189] : memref<8x128x128xf32, #tpu.memory_space<vmem>>, vector<1x128x128xf32>
    %swap3A_191 = vector.shape_cast %swap3A_190 : vector<1x128x128xf32> to vector<128x128xf32>
    %swap3A_192 = vector.shape_cast %add3A_186 : vector<128x128xf32> to vector<1x128x128xf32>
    tpu.vector_store %arg5[%swap3A_187, %swap3A_188, %swap3A_189], %swap3A_192 {strides = array<i32>} : memref<8x128x128xf32, #tpu.memory_space<vmem>>, vector<1x128x128xf32>,
    %reduce_sum3A_193 = arith.constant dense<0.000000e+00> : vector<128xf32>
    %reduce_sum3A_194 = vector.multi_reduction <add>, %add3A_186, %reduce_sum3A_193 [1] : vector<128x128xf32> to vector<128xf32>
    %add3A_195 = arith.addf %add3A_167, %reduce_sum3A_194 : vector<128xf32>
    %mul3A_196 = arith.mulf %add3A_186, %add3A_186 : vector<128x128xf32>
    %reduce_sum3A_197 = arith.constant dense<0.000000e+00> : vector<128xf32>
    %reduce_sum3A_198 = vector.multi_reduction <add>, %mul3A_196, %reduce_sum3A_197 [1] : vector<128x128xf32> to vector<128xf32>
    %add3A_199 = arith.addf %add3A_171, %reduce_sum3A_198 : vector<128xf32>
    %get3A_200 = arith.constant 7 : index
    %get3A_201 = arith.constant 0 : index
    %get3A_202 = arith.constant 0 : index
    %get3A_203 = vector.load %arg1[%get3A_200, %get3A_201, %get3A_202] : memref<8x32x128xf32, #tpu.memory_space<vmem>>, vector<1x32x128xf32>
    %get3A_204 = vector.shape_cast %get3A_203 : vector<1x32x128xf32> to vector<32x128xf32>
    %dot_general3A_205 = arith.constant dense<0.000000e+00> : vector<128x128xf32>
    %dot_general3A_206 = tpu.matmul %get3A_1, %get3A_204, %dot_general3A_205 {dimension_numbers = #tpu.dot_dimension_numbers<[1], [0], [0], [1], [0, 0, 1, 1], [], []>, transpose_lhs_hint = false} : vector<128x32xf32>, vector<32x128xf32>, vector<128x128xf32> -> vector<128x128xf32>
    %get3A_207 = arith.constant 7 : index
    %get3A_208 = arith.constant 0 : index
    %get3A_209 = arith.constant 0 : index
    %get3A_210 = vector.load %arg2[%get3A_207, %get3A_208, %get3A_209] : memref<8x64x128xf32, #tpu.memory_space<vmem>>, vector<1x64x128xf32>
    %get3A_211 = vector.shape_cast %get3A_210 : vector<1x64x128xf32> to vector<64x128xf32>
    %dot_general3A_212 = arith.constant dense<0.000000e+00> : vector<128x128xf32>
    %dot_general3A_213 = tpu.matmul %get3A_4, %get3A_211, %dot_general3A_212 {dimension_numbers = #tpu.dot_dimension_numbers<[1], [0], [0], [1], [0, 0, 1, 1], [], []>, transpose_lhs_hint = false} : vector<128x64xf32>, vector<64x128xf32>, vector<128x128xf32> -> vector<128x128xf32>
    %add3A_214 = arith.addf %dot_general3A_206, %dot_general3A_213 : vector<128x128xf32>
    %swap3A_215 = arith.constant 7 : index
    %swap3A_216 = arith.constant 0 : index
    %swap3A_217 = arith.constant 0 : index
    %swap3A_218 = vector.load %arg5[%swap3A_215, %swap3A_216, %swap3A_217] : memref<8x128x128xf32, #tpu.memory_space<vmem>>, vector<1x128x128xf32>
    %swap3A_219 = vector.shape_cast %swap3A_218 : vector<1x128x128xf32> to vector<128x128xf32>
    %swap3A_220 = vector.shape_cast %add3A_214 : vector<128x128xf32> to vector<1x128x128xf32>
    tpu.vector_store %arg5[%swap3A_215, %swap3A_216, %swap3A_217], %swap3A_220 {strides = array<i32>} : memref<8x128x128xf32, #tpu.memory_space<vmem>>, vector<1x128x128xf32>,
    %reduce_sum3A_221 = arith.constant dense<0.000000e+00> : vector<128xf32>
    %reduce_sum3A_222 = vector.multi_reduction <add>, %add3A_214, %reduce_sum3A_221 [1] : vector<128x128xf32> to vector<128xf32>
    %add3A_223 = arith.addf %add3A_195, %reduce_sum3A_222 : vector<128xf32>
    %mul3A_224 = arith.mulf %add3A_214, %add3A_214 : vector<128x128xf32>
    %reduce_sum3A_225 = arith.constant dense<0.000000e+00> : vector<128xf32>
    %reduce_sum3A_226 = vector.multi_reduction <add>, %mul3A_224, %reduce_sum3A_225 [1] : vector<128x128xf32> to vector<128xf32>
    %add3A_227 = arith.addf %add3A_199, %reduce_sum3A_226 : vector<128xf32>
    %broadcast_in_dim3A = vector.shape_cast %add3A_223 : vector<128xf32> to vector<1x128xf32>
    %broadcast_in_dim3A_228 = vector.shape_cast %add3A_227 : vector<128xf32> to vector<1x128xf32>
    %concatenate3A = tpu.concatenate %broadcast_in_dim3A, %broadcast_in_dim3A_228 in 0 : vector<1x128xf32>, vector<1x128xf32> -> vector<2x128xf32>
    %eq3A = arith.constant 0 : i32
    %eq3A_229 = arith.cmpi eq, %arg0, %eq3A : i32
    %convert_element_type3A = arith.extui %eq3A_229 : i1 to i32
    %cond3A = arith.constant 0 : i32
    %cond3A_230 = arith.cmpi ne, %convert_element_type3A, %cond3A : i32
    scf.if %cond3A_230 {
      %broadcast_in_dim3A_238 = arith.constant 0.000000e+00 : f32
      %broadcast_in_dim3A_239 = vector.broadcast %broadcast_in_dim3A_238 : f32 to vector<2x128xf32>
      %swap3A_240 = arith.constant 0 : index
      %swap3A_241 = arith.constant 0 : index
      %swap3A_242 = vector.load %arg6[%swap3A_240, %swap3A_241] : memref<2x128xf32, #tpu.memory_space<vmem>>, vector<2x128xf32>
      tpu.vector_store %arg6[%swap3A_240, %swap3A_241], %broadcast_in_dim3A_239 {strides = array<i32>} : memref<2x128xf32, #tpu.memory_space<vmem>>, vector<2x128xf32>,
    } else {
    }
    %get3A_231 = arith.constant 0 : index
    %get3A_232 = arith.constant 0 : index
    %get3A_233 = vector.load %arg6[%get3A_231, %get3A_232] : memref<2x128xf32, #tpu.memory_space<vmem>>, vector<2x128xf32>
    %add3A_234 = arith.addf %get3A_233, %concatenate3A : vector<2x128xf32>
    %swap3A_235 = arith.constant 0 : index
    %swap3A_236 = arith.constant 0 : index
    %swap3A_237 = vector.load %arg6[%swap3A_235, %swap3A_236] : memref<2x128xf32, #tpu.memory_space<vmem>>, vector<2x128xf32>
    tpu.vector_store %arg6[%swap3A_235, %swap3A_236], %add3A_234 {strides = array<i32>} : memref<2x128xf32, #tpu.memory_space<vmem>>, vector<2x128xf32>,
    return
  }
  func.func @transform_0(%arg0: i32) -> (i32, i32, i32) {
    %c0_i32 = arith.constant 0 : i32
    %c0_i32_0 = arith.constant 0 : i32
    %c0_i32_1 = arith.constant 0 : i32
    return %arg0, %c0_i32, %c0_i32_0 : i32, i32, i32
  }
  func.func @transform_1(%arg0: i32) -> (i32, i32, i32) {
    %c0_i32 = arith.constant 0 : i32
    %c0_i32_0 = arith.constant 0 : i32
    %c0_i32_1 = arith.constant 0 : i32
    return %arg0, %c0_i32, %c0_i32_0 : i32, i32, i32
  }
  func.func @transform_2(%arg0: i32) -> (i32, i32) {
    %c0_i32 = arith.constant 0 : i32
    %c0_i32_0 = arith.constant 0 : i32
    %c0_i32_1 = arith.constant 0 : i32
    return %c0_i32, %c0_i32_0 : i32, i32
  }
  func.func @transform_3(%arg0: i32) -> (i32, i32) {
    %c0_i32 = arith.constant 0 : i32
    %c0_i32_0 = arith.constant 0 : i32
    %c0_i32_1 = arith.constant 0 : i32
    return %c0_i32, %c0_i32_0 : i32, i32
  }
  func.func @transform_4(%arg0: i32) -> (i32, i32, i32) {
    %c0_i32 = arith.constant 0 : i32
    %c0_i32_0 = arith.constant 0 : i32
    %c0_i32_1 = arith.constant 0 : i32
    return %arg0, %c0_i32, %c0_i32_0 : i32, i32, i32
  }
  func.func @transform_5(%arg0: i32) -> (i32, i32) {
    %c0_i32 = arith.constant 0 : i32
    %c0_i32_0 = arith.constant 0 : i32
    %c0_i32_1 = arith.constant 0 : i32
    return %c0_i32, %c0_i32_0 : i32, i32
  }
}

module attributes {stable_mosaic.version = 14 : i64} {
  func.func @_head_kernel(%arg0: i32, %arg1: memref<8x128x128xf32, #tpu.memory_space<vmem>>, %arg2: memref<8x1x128xf32, #tpu.memory_space<vmem>>, %arg3: memref<128x1xf32, #tpu.memory_space<vmem>>, %arg4: memref<128x1xf32, #tpu.memory_space<vmem>>, %arg5: memref<128x128xf32, #tpu.memory_space<vmem>>, %arg6: memref<1x128xf32, #tpu.memory_space<vmem>>, %arg7: memref<10x128xf32, #tpu.memory_space<vmem>>, %arg8: memref<1x10xf32, #tpu.memory_space<vmem>>, %arg9: memref<8x10xf32, #tpu.memory_space<vmem>>) attributes {dimension_semantics = [#tpu.dimension_semantics<arbitrary>], iteration_bounds = array<i64: 8>, scalar_prefetch = 0 : i64, scratch_operands = 0 : i64, tpu.core_type = #tpu.core_type<tc>, window_params = [{transform_indices = @transform_0, window_bounds = array<i64: 8, 128, 128>}, {transform_indices = @transform_1, window_bounds = array<i64: 8, 1, 128>}, {pipeline_mode = #tpu.pipeline_mode<synchronous>, transform_indices = @transform_2, window_bounds = array<i64: 128, 1>}, {pipeline_mode = #tpu.pipeline_mode<synchronous>, transform_indices = @transform_3, window_bounds = array<i64: 128, 1>}, {pipeline_mode = #tpu.pipeline_mode<synchronous>, transform_indices = @transform_4, window_bounds = array<i64: 128, 128>}, {pipeline_mode = #tpu.pipeline_mode<synchronous>, transform_indices = @transform_5, window_bounds = array<i64: 1, 128>}, {pipeline_mode = #tpu.pipeline_mode<synchronous>, transform_indices = @transform_6, window_bounds = array<i64: 10, 128>}, {pipeline_mode = #tpu.pipeline_mode<synchronous>, transform_indices = @transform_7, window_bounds = array<i64: 1, 10>}, {transform_indices = @transform_8, window_bounds = array<i64: 8, 10>}]} {
    %get3A = arith.constant 0 : index
    %get3A_0 = arith.constant 0 : index
    %get3A_1 = arith.constant 0 : index
    %get3A_2 = vector.load %arg2[%get3A, %get3A_0, %get3A_1] : memref<8x1x128xf32, #tpu.memory_space<vmem>>, vector<8x1x128xf32>
    %get3A_3 = arith.constant 0 : index
    %get3A_4 = arith.constant 0 : index
    %get3A_5 = vector.load %arg3[%get3A_3, %get3A_4] : memref<128x1xf32, #tpu.memory_space<vmem>>, vector<128x1xf32>
    %broadcast_in_dim3A = vector.shape_cast %get3A_5 : vector<128x1xf32> to vector<1x128x1xf32>
    %get3A_6 = arith.constant 0 : index
    %get3A_7 = arith.constant 0 : index
    %get3A_8 = arith.constant 0 : index
    %get3A_9 = vector.load %arg1[%get3A_6, %get3A_7, %get3A_8] : memref<8x128x128xf32, #tpu.memory_space<vmem>>, vector<8x128x128xf32>
    %mul3A = vector.broadcast %broadcast_in_dim3A : vector<1x128x1xf32> to vector<8x128x128xf32>
    %mul3A_10 = arith.mulf %mul3A, %get3A_9 : vector<8x128x128xf32>
    %get3A_11 = arith.constant 0 : index
    %get3A_12 = arith.constant 0 : index
    %get3A_13 = vector.load %arg4[%get3A_11, %get3A_12] : memref<128x1xf32, #tpu.memory_space<vmem>>, vector<128x1xf32>
    %broadcast_in_dim3A_14 = vector.shape_cast %get3A_13 : vector<128x1xf32> to vector<1x128x1xf32>
    %add3A = vector.broadcast %broadcast_in_dim3A_14 : vector<1x128x1xf32> to vector<8x128x128xf32>
    %add3A_15 = arith.addf %mul3A_10, %add3A : vector<8x128x128xf32>
    %max3A = arith.constant 0.000000e+00 : f32
    %max3A_16 = vector.broadcast %max3A : f32 to vector<8x128x128xf32>
    %max3A_17 = arith.maximumf %add3A_15, %max3A_16 : vector<8x128x128xf32>
    %mul3A_18 = vector.broadcast %get3A_2 : vector<8x1x128xf32> to vector<8x128x128xf32>
    %mul3A_19 = arith.mulf %max3A_17, %mul3A_18 : vector<8x128x128xf32>
    %reduce_sum3A = arith.constant dense<0.000000e+00> : vector<8x1xf32>
    %reduce_sum3A_20 = vector.multi_reduction <add>, %get3A_2, %reduce_sum3A [2] : vector<8x1x128xf32> to vector<8x1xf32>
    %max3A_21 = arith.constant 1.000000e+00 : f32
    %max3A_22 = vector.broadcast %max3A_21 : f32 to vector<8x1xf32>
    %max3A_23 = arith.maximumf %reduce_sum3A_20, %max3A_22 : vector<8x1xf32>
    %reduce_sum3A_24 = arith.constant dense<0.000000e+00> : vector<8x128xf32>
    %reduce_sum3A_25 = vector.multi_reduction <add>, %mul3A_19, %reduce_sum3A_24 [2] : vector<8x128x128xf32> to vector<8x128xf32>
    %div3A = vector.broadcast %max3A_23 : vector<8x1xf32> to vector<8x128xf32>
    %div3A_26 = arith.divf %reduce_sum3A_25, %div3A : vector<8x128xf32>
    %get3A_27 = arith.constant 0 : index
    %get3A_28 = arith.constant 0 : index
    %get3A_29 = vector.load %arg5[%get3A_27, %get3A_28] : memref<128x128xf32, #tpu.memory_space<vmem>>, vector<128x128xf32>
    %dot_general3A = arith.constant dense<0.000000e+00> : vector<8x128xf32>
    %dot_general3A_30 = tpu.matmul %div3A_26, %get3A_29, %dot_general3A {dimension_numbers = #tpu.dot_dimension_numbers<[1], [1], [0], [0], [0, 0, 1, 0], [], []>, transpose_lhs_hint = false} : vector<8x128xf32>, vector<128x128xf32>, vector<8x128xf32> -> vector<8x128xf32>
    %get3A_31 = arith.constant 0 : index
    %get3A_32 = arith.constant 0 : index
    %get3A_33 = vector.load %arg6[%get3A_31, %get3A_32] : memref<1x128xf32, #tpu.memory_space<vmem>>, vector<1x128xf32>
    %add3A_34 = vector.broadcast %get3A_33 : vector<1x128xf32> to vector<8x128xf32>
    %add3A_35 = arith.addf %dot_general3A_30, %add3A_34 : vector<8x128xf32>
    %max3A_36 = arith.constant 0.000000e+00 : f32
    %max3A_37 = vector.broadcast %max3A_36 : f32 to vector<8x128xf32>
    %max3A_38 = arith.maximumf %add3A_35, %max3A_37 : vector<8x128xf32>
    %get3A_39 = arith.constant 0 : index
    %get3A_40 = arith.constant 0 : index
    %get3A_41 = vector.load %arg7[%get3A_39, %get3A_40] : memref<10x128xf32, #tpu.memory_space<vmem>>, vector<10x128xf32>
    %dot_general3A_42 = arith.constant dense<0.000000e+00> : vector<8x10xf32>
    %dot_general3A_43 = tpu.matmul %max3A_38, %get3A_41, %dot_general3A_42 {dimension_numbers = #tpu.dot_dimension_numbers<[1], [1], [0], [0], [0, 0, 1, 0], [], []>, transpose_lhs_hint = false} : vector<8x128xf32>, vector<10x128xf32>, vector<8x10xf32> -> vector<8x10xf32>
    %get3A_44 = arith.constant 0 : index
    %get3A_45 = arith.constant 0 : index
    %get3A_46 = vector.load %arg8[%get3A_44, %get3A_45] : memref<1x10xf32, #tpu.memory_space<vmem>>, vector<1x10xf32>
    %add3A_47 = vector.broadcast %get3A_46 : vector<1x10xf32> to vector<8x10xf32>
    %add3A_48 = arith.addf %dot_general3A_43, %add3A_47 : vector<8x10xf32>
    %swap3A = arith.constant 0 : index
    %swap3A_49 = arith.constant 0 : index
    %swap3A_50 = vector.load %arg9[%swap3A, %swap3A_49] : memref<8x10xf32, #tpu.memory_space<vmem>>, vector<8x10xf32>
    tpu.vector_store %arg9[%swap3A, %swap3A_49], %add3A_48 {strides = array<i32>} : memref<8x10xf32, #tpu.memory_space<vmem>>, vector<8x10xf32>,
    return
  }
  func.func @transform_0(%arg0: i32) -> (i32, i32, i32) {
    %c0_i32 = arith.constant 0 : i32
    %c0_i32_0 = arith.constant 0 : i32
    %c0_i32_1 = arith.constant 0 : i32
    return %arg0, %c0_i32, %c0_i32_0 : i32, i32, i32
  }
  func.func @transform_1(%arg0: i32) -> (i32, i32, i32) {
    %c0_i32 = arith.constant 0 : i32
    %c0_i32_0 = arith.constant 0 : i32
    %c0_i32_1 = arith.constant 0 : i32
    return %arg0, %c0_i32, %c0_i32_0 : i32, i32, i32
  }
  func.func @transform_2(%arg0: i32) -> (i32, i32) {
    %c0_i32 = arith.constant 0 : i32
    %c0_i32_0 = arith.constant 0 : i32
    %c0_i32_1 = arith.constant 0 : i32
    return %c0_i32, %c0_i32_0 : i32, i32
  }
  func.func @transform_3(%arg0: i32) -> (i32, i32) {
    %c0_i32 = arith.constant 0 : i32
    %c0_i32_0 = arith.constant 0 : i32
    %c0_i32_1 = arith.constant 0 : i32
    return %c0_i32, %c0_i32_0 : i32, i32
  }
  func.func @transform_4(%arg0: i32) -> (i32, i32) {
    %c0_i32 = arith.constant 0 : i32
    %c0_i32_0 = arith.constant 0 : i32
    %c0_i32_1 = arith.constant 0 : i32
    return %c0_i32, %c0_i32_0 : i32, i32
  }
  func.func @transform_5(%arg0: i32) -> (i32, i32) {
    %c0_i32 = arith.constant 0 : i32
    %c0_i32_0 = arith.constant 0 : i32
    %c0_i32_1 = arith.constant 0 : i32
    return %c0_i32, %c0_i32_0 : i32, i32
  }
  func.func @transform_6(%arg0: i32) -> (i32, i32) {
    %c0_i32 = arith.constant 0 : i32
    %c0_i32_0 = arith.constant 0 : i32
    %c0_i32_1 = arith.constant 0 : i32
    return %c0_i32, %c0_i32_0 : i32, i32
  }
  func.func @transform_7(%arg0: i32) -> (i32, i32) {
    %c0_i32 = arith.constant 0 : i32
    %c0_i32_0 = arith.constant 0 : i32
    %c0_i32_1 = arith.constant 0 : i32
    return %c0_i32, %c0_i32_0 : i32, i32
  }
  func.func @transform_8(%arg0: i32) -> (i32, i32) {
    %c0_i32 = arith.constant 0 : i32
    %c0_i32_0 = arith.constant 0 : i32
    return %arg0, %c0_i32 : i32, i32
  }
}

</mosaic_0001>

<sc_bundles>
// kernel: kernel.35.cloned.1.call-start
scs
__scs_entry_jumppad:
0x0: {  	(pc) =	sbr.rel $0x88, $3  }
0x1: {  	(tag) =	ssettag $0x0;
	lr =	simm.s32 $0x1  }
0x2: {  	[smem:$0x3F7D] =	sst lr;
	_ =	strace $0xD0000000  }
0x3: {  	_ = 	snop  }
0x4: {  	_ = 	snop  }
0x5: {  	_ = 	snop  }
0x6: {  	_ = 	snop  }
0x7: {  	_ = 	snop  }
__scs_overlays_trampoline_lowered:
0x8: {  	[smem:$0x3F8C] =	sst s0  }
0x9: {  	[smem:$0x3F8D] =	sst s1  }
0xa: {  	[smem:$0x3F8E] =	sst s2  }
0xb: {  	[smem:$0x3F8F] =	sst s3  }
0xc: {  	[smem:$0x3F90] =	sst s4  }
0xd: {  	[smem:$0x3F91] =	sst s5  }
0xe: {  	[smem:$0x3F92] =	sst s6  }
0xf: {  	[smem:$0x3F93] =	sst s7  }
0x10: {  	[smem:$0x3F94] =	sst s8  }
0x11: {  	[smem:$0x3F95] =	sst s9;
	s0 =	simm.s32 @!p0 $0x0  }
0x12: {  	s1 =	sld [smem:$0x3F7B];
	s0 =	simm.s32 @p0 $0x1  }
0x13: {  	[smem:$0x3F96] =	sst s0;
	s0 =	simm.s32 @!p1 $0x0  }
0x14: {  	s2 =	sld [smem:$0x3F7A];
	s0 =	simm.s32 @p1 $0x1  }
0x15: {  	[smem:$0x3F97] =	sst s0;
	s0 =	simm.s32 @!p2 $0x0  }
0x16: {  	s3 =	sld [smem:$0x3FDB];
	s0 =	simm.s32 @p2 $0x1  }
0x17: {  	s4 =	simm.s32 $0x1BF5;
	[smem:$0x3F99] =	sst s0  }
0x18: {  	s0 =	sld [smem:$0x3F7C];
	_ =	swait.ge [sflag:s4], $0x0  }
0x19: {  	s7 =	sld [smem:$0x3F7D]  }
0x1a: {  	s8 =	sadd.s32 $0xFFFFE003, lr  }
0x1b: {  	s9 =	sadd.s32 $0xFFFFFEF7, lr;
	s5 =	simm.s32 $0xFFFFFFFF;
	p2 =	slt.u32 s8, $0xFFFFF086  }
0x1c: {  	p1 =	slt.u32 s9, $0xF7A;
	s5 =	simm.s32 @!p2 $0x0  }
0x1d: {  	s5 =	simm.s32 @p1 $0x1;
	p0 =	seq.s32 s7, s2  }
0x1e: {  	s7 =	smul.u32 @!p0 $0xF7A, s2;
	p2 =	seq.s32 @!p0 s5, $0x0  }
0x1f: {  	s9 =	smul.u32 $0xF7A, s1;
	s8 =	simm.s32 @!p0 $0x1BF5;
	p2 =	por !p2, p0  }
0x20: {  	[sflag:s8] =	ssyncset.s32 @!p0 $0xFFFFF086;
	s6 =	sadd.s32 @!p0 s3, s7;
	s7 =	simm.s32 @!p0 $0x108  }
0x21: {  	s3 =	sadd.s32 s3, s9;
	s6 =	sadd.s32 @!p0 $0x88, s6;
	s7 =	simm.s32 @p2 $0x1082  }
0x22: {  	[simem:s7], [sflag:s8] =	dma.local @!p0 [hbm:s6], $0xF7A  }
0x23: {  	s9 =	sor.u32 $0xD0000000, s2;
	s6 =	simm.s32 $0x108;
	_ =	swait.ge @!p0 [sflag:s8], $0x0  }
0x24: {  	s3 =	sadd.s32 $0x88, s3;
	s6 =	simm.s32 @!p1 $0x1082;
	[sflag:s4] =	ssyncset.s32 $0xFFFFF086  }
0x25: {  	[simem:s6], [sflag:s4] =	dma.local [hbm:s3], $0xF7A  }
0x26: {  	[smem:$0x3F7D] =	sst s1;
	(tag) =	ssettag s2;
	_ =	strace s9  }
0x27: {  	s1 =	sld [smem:$0x3F8D]  }
0x28: {  	s2 =	sld [smem:$0x3F8E]  }
0x29: {  	s4 =	sld [smem:$0x3F90]  }
0x2a: {  	p0 =	seq.s32 s5, $0x0;
	s5 =	sld [smem:$0x3F91]  }
0x2b: {  	s6 =	sld [smem:$0x3F92]  }
0x2c: {  	s7 =	sld [smem:$0x3F93]  }
0x2d: {  	s3 =	simm.s32 $0x108;
	s8 =	sld [smem:$0x3F94]  }
0x2e: {  	s3 =	simm.s32 @!p0 $0x1082;
	s9 =	sld [smem:$0x3F95]  }
0x2f: {  	lr =	sadd.s32 s0, s3;
	s0 =	sld [smem:$0x3F8C]  }
0x30: {  	s3 =	sld [smem:$0x3F8F]  }
0x31: {  	[smem:$0x3F98] =	sst s10  }
0x32: {  	s10 =	sld [smem:$0x3F96];
	_ =	sdelay $0x3  }
0x33: {  	p0 =	seq.s32 s10, $0x1;
	s10 =	sld [smem:$0x3F98];
	_ =	sdelay $0x3  }
0x34: {  	[smem:$0x3F98] =	sst s10  }
0x35: {  	s10 =	sld [smem:$0x3F97];
	_ =	sdelay $0x3  }
0x36: {  	p1 =	seq.s32 s10, $0x1;
	s10 =	sld [smem:$0x3F98];
	_ =	sdelay $0x3  }
0x37: {  	[smem:$0x3F98] =	sst s10  }
0x38: {  	s10 =	sld [smem:$0x3F99]  }
0x39: {  	_ = 	snop;
	(pc) =	sbr.ind lr, $3  }
0x3a: {  	_ = 	snop  }
0x3b: {  	_ = 	snop  }
0x3c: {  	p2 =	seq.s32 s10, $0x1;
	s10 =	sld [smem:$0x3F98]  }
0x3d: {  	_ =	shalt  }
0x3e: {  	_ =	shalt  }
0x3f: {  	_ =	shalt  }
0x40: {  	_ =	shalt  }
0x41: {  	_ =	shalt  }
0x42: {  	_ =	shalt  }
0x43: {  	_ =	shalt  }
0x44: {  	_ =	shalt  }
0x45: {  	_ =	shalt  }
0x46: {  	_ =	shalt  }
0x47: {  	_ =	shalt  }
0x48: {  	_ =	shalt  }
0x49: {  	_ =	shalt  }
0x4a: {  	_ =	shalt  }
0x4b: {  	_ =	shalt  }
0x4c: {  	_ =	shalt  }
0x4d: {  	_ =	shalt  }
0x4e: {  	_ =	shalt  }
0x4f: {  	_ =	shalt  }
0x50: {  	_ =	shalt  }
0x51: {  	_ =	shalt  }
0x52: {  	_ =	shalt  }
0x53: {  	_ =	shalt  }
0x54: {  	_ =	shalt  }
0x55: {  	_ =	shalt  }
0x56: {  	_ =	shalt  }
0x57: {  	_ =	shalt  }
0x58: {  	_ =	shalt  }
0x59: {  	_ =	shalt  }
0x5a: {  	_ =	shalt  }
0x5b: {  	_ =	shalt  }
0x5c: {  	_ =	shalt  }
0x5d: {  	_ =	shalt  }
0x5e: {  	_ =	shalt  }
0x5f: {  	_ =	shalt  }
0x60: {  	_ =	shalt  }
0x61: {  	_ =	shalt  }
0x62: {  	_ =	shalt  }
0x63: {  	_ =	shalt  }
0x64: {  	_ =	shalt  }
0x65: {  	_ =	shalt  }
0x66: {  	_ =	shalt  }
0x67: {  	_ =	shalt  }
0x68: {  	_ =	shalt  }
0x69: {  	_ =	shalt  }
0x6a: {  	_ =	shalt  }
0x6b: {  	_ =	shalt  }
0x6c: {  	_ =	shalt  }
0x6d: {  	_ =	shalt  }
0x6e: {  	_ =	shalt  }
0x6f: {  	_ =	shalt  }
0x70: {  	_ =	shalt  }
0x71: {  	_ =	shalt  }
0x72: {  	_ =	shalt  }
0x73: {  	_ =	shalt  }
0x74: {  	_ =	shalt  }
0x75: {  	_ =	shalt  }
0x76: {  	_ =	shalt  }
0x77: {  	_ =	shalt  }
0x78: {  	_ =	shalt  }
0x79: {  	_ =	shalt  }
0x7a: {  	_ =	shalt  }
0x7b: {  	_ =	shalt  }
0x7c: {  	_ =	shalt  }
0x7d: {  	_ =	shalt  }
0x7e: {  	_ =	shalt  }
0x7f: {  	_ =	shalt  }
0x80: {  	_ =	shalt  }
0x81: {  	_ =	shalt  }
0x82: {  	_ =	shalt  }
0x83: {  	_ =	shalt  }
0x84: {  	_ =	shalt  }
0x85: {  	_ =	shalt  }
0x86: {  	_ =	shalt  }
0x87: {  	_ =	shalt  }
.Lfunc_end0:
.L_simem_size_0:
called_computation_lowered:
.L_overlay_start_0:
0x88: {  	s2 =	sld [smem:$0x3FD9]  }
0x89: {  	s3 =	sld [smem:$0x3FFE];
	_ =	sdelay $0x1  }
0x8a: {  	s1 =	srdreg.scid  }
0x8b: {  	s0 =	sand.u32 $0x1, s1  }
0x8c: {  	s17 =	sshll.u32 s0, $0xA;
	s2 =	sadd.s32 s3, s2  }
0x8d: {  	s2 =	sadd.s32 s2, s17  }
0x8e: {  	[smem:$0x3FA4] =	sst s2  }
0x8f: {  	_ = 	snop  }
0x90: {  	(tm) =	ssettm $0x1  }
0x91: {  	s18 =	sld [smem:$0x3FFB];
	_ =	sdelay $0x3  }
0x92: {  	_ =	strace s18  }
0x93: {  	s2 =	sld [smem:$0x3FFC];
	_ =	sdelay $0x3  }
0x94: {  	_ =	strace s2  }
0x95: {  	s2 =	sld [smem:$0x3FFD];
	_ =	sdelay $0x3  }
0x96: {  	_ =	strace s2  }
0x97: {  	_ =	strace $0x8FFFFFFF  }
0x98: {  	s19 =	sld [smem:$0x3FDB];
	_ =	sdelay $0x1  }
0x99: {  	s20 =	simm.s32 $_scs_section_size  }
0x9a: {  	s4 =	simm.s32 $_size__tile_overlayer_lowered;
	s5 =	simm.s32 $_tile_overlayer_lowered  }
0x9b: {  	s6 =	simm.s32 $0x1BFF;
	s21 =	sshll.u32 s5, $0x1;
	s3 =	sadd.s32 s20, s19  }
0x9c: {  	s22 =	simm.s32 $0x0;
	s4 =	sshll.u32 s4, $0x1;
	s5 =	sadd.s32 s21, s3  }
0x9d: {  	[timem:s22], [sflag:s6] =	dma.local [hbm:s5], s4  }
0x9e: {  	_ =	swait.ge [sflag:s6], s4  }
0x9f: {  	s4 =	ssub.s32 $0x0, s4;
	[sflag:s6] =	ssyncset.done $0x0  }
0xa0: {  	[sflag:s6] =	ssyncadd.s32 s4;
	_ =	sdelay $0x1  }
0xa1: {  	s23 =	simm.s32 $0x1B8B  }
0xa2: {  	_ =	swait.ge [sflag:s23], $0x1  }
0xa3: {  	[sflag:s23] =	ssyncset.done $0x0  }
0xa4: {  	[sflag:s23] =	ssyncadd.s32 $0xFFFFFFFF  }
0xa5: {  	s4 =	sld [smem:$0x0]  }
0xa6: {  	s5 =	sand.u32 $0xFFFFFFFE, s1  }
0xa7: {  	p0 =	sne.s32 s1, s5  }
0xa8: {  	s5 =	sshll.u32 @p0 s5, $0xE  }
0xa9: {  	s5 =	sadd.s32 @p0 $0x11B8D, s5;
	s6 =	sshll.u32 @p0 s4, $0x11  }
0xaa: {  	s5 =	sor.u32 @p0 s6, s5  }
0xab: {  	[sflag:s5] =	ssyncadd.remote.s32 @p0 $0x1;
	_ =	sdelay $0x1  }
0xac: {  	s5 =	simm.s32 @p0 $0x1B8D  }
0xad: {  	_ =	swait.eq @p0 [sflag:s5], $0x1  }
0xae: {  	[sflag:s5] =	ssyncadd.s32 @p0 $0xFFFFFFFF  }
0xaf: {  	s6 =	sshll.u32 @!p0 s1, $0xE  }
0xb0: {  	s6 =	sor.u32 @!p0 $0x4000, s6;
	s5 =	simm.s32 @!p0 $0x1B8D  }
0xb1: {  	s4 =	sshll.u32 @!p0 s4, $0x11;
	s6 =	sadd.s32 @!p0 $0x11B8D, s6;
	_ =	swait.eq @!p0 [sflag:s5], $0x1  }
0xb2: {  	s4 =	sor.u32 @!p0 s4, s6;
	[sflag:s5] =	ssyncadd.s32 @!p0 $0xFFFFFFFF  }
0xb3: {  	s25 =	simm.s32 $0x1B8E;
	s24 =	sld [smem:$0x3FFE];
	[sflag:s4] =	ssyncadd.remote.s32 @!p0 $0x1  }
0xb4: {  	s26 =	simm.s32 $execute0_lowered;
	[smem:$0x3FD2] =	sst s25  }
0xb5: {  	s5 =	sshll.u32 s26, $0x1;
	_ =	strace $0x80000049;
	[dreg:$0x1] =	wrdreg $0xFFFFFFFF  }
0xb6: {  	s28 =	simm.s32 $_size_execute0_lowered;
	s3 =	sadd.s32 s3, s5;
	[dreg:$0x0] =	wrdreg $0x0  }
0xb7: {  	s5 =	sshll.u32 s28, $0x1;
	[dreg:$0x2] =	wrdreg s3  }
0xb8: {  	[dreg:$0x3] =	wrdreg s5  }
0xb9: {  	[dreg:$0x4] =	wrdreg $0xC0  }
0xba: {  	_ =	task [dreg:s22], $0x5FFFF  }
0xbb: {  	[dreg:$0x1] =	wrdreg $0xFFFFFFFF  }
0xbc: {  	[dreg:$0x0] =	wrdreg $0x60  }
0xbd: {  	[dreg:$0x2] =	wrdreg s24  }
0xbe: {  	[dreg:$0x3] =	wrdreg $0x9  }
0xbf: {  	_ =	task.clear_ibuf [dreg:s22], $0x4FFFF;
	_ =	strace $0x90000049  }
0xc0: {  	s29 =	simm.s32 $0x9;
	_ =	strace $0x8000004B  }
0xc1: {  	_ =	swait.ge [sflag:s29], $0x1  }
0xc2: {  	[sflag:s29] =	ssyncadd.s32 $0xFFFFFFFF  }
0xc3: {  	_ =	strace $0x9000004B  }
0xc4: {  	_ =	sfence  }
0xc5: {  	s30 =	sld [smem:$0x0];
	_ =	sdelay $0x2  }
0xc6: {  	s31 =	sshll.u32 s1, $0xD;
	s1 =	sshrl.u32 s1, $0x2  }
0xc7: {  	s4 =	sand.u32 $0x4000, s31;
	s1 =	sadd.s32 s1, s30  }
0xc8: {  	s0 =	sor.u32 s4, s0;
	s1 =	sshll.u32 s1, $0x11  }
0xc9: {  	s0 =	sor.u32 s1, s0  }
0xca: {  	s0 =	sadd.s32 $0x8F2B, s0  }
0xcb: {  	[sflag:s0] =	ssyncadd.remote.s32 $0x1  }
0xcc: {  	_ =	sfence.sel $0xFFFF  }
0xcd: {  	[dreg:$0x0] =	wrdreg $0xFFFFFFFF;
	(pc) =	sbr.abs _section_cstart, $3  }
0xce: {  	[dreg:$0x1] =	wrdreg $0xFFFFFFFF  }
0xcf: {  	_ =	task.clear_ibuf [dreg:s22], $0x2FFFF;
	_ =	strace $0x9FFFFFFF  }
0xd0: {  	(tm) =	ssettm $0x7FFFFFFF  }
0xd1: {  	_ =	shalt  }
tec
execute0_lowered:
.L_overlay_start_1:
0x0: {  	(tag) =	ssettag $0x1  }
0x1: {  	s1 =	srdreg.scid;
	s0 =	stileid.u32  }
0x2: {  	s17 =	sand.u32 $0x1, s1;
	s29 =	sshll.u32 s0, $0x1  }
0x3: {  	s10 =	sor.u32 s17, s29  }
0x4: {  	s3 =	smul.u32 $0xE0, s10  }
0x5: {  	s9 =	rddreg [dreg:$0x0];
	s2 =	simm.s32 $0x0  }
0x6: {  	s4 =	simm.s32 $0x4;
	[smem:$0x7FF] =	sst s2;
	s3 =	sadd.s32 s3, s9  }
0x7: {  	s1 =	rddreg [dreg:$0x1];
	_ =	strace $0x8000004A;
	s3 =	sadd.s32 $0x15F800, s3  }
0x8: {  	[tilespmem:s2], [sflag:$0x4] =	stream.linear.gather [hbm4b:s3+s2], $0x700, $0x38;
	[tilespmem:$0x1C700] =	vst v63  }
0x9: {  	_ =	swait.ge [sflag:s4], $0x700  }
0xa: {  	s6 =	simm.s32 $0x1C0;
	s7 =	simm.s32 $0x700;
	[sflag:s4] =	ssyncset.done $0x0  }
0xb: {  	s8 =	simm.s32 $0x1;
	s5 =	sadd.s32 $0x12F800, s9;
	[sflag:s4] =	ssyncadd.s32 $0xFFFFF900  }
0xc: {  	[tilespmem:s7], [sflag:$0x1] =	stream.indirect.gather [hbm4b:s5+s6], $0x80, s2, s6, $0xb8;
	[tilespmem:$0x1C700] =	vst v63  }
0xd: {  	s11 =	smul.u32 $0x7000, s10;
	_ =	swait.ge [sflag:s8], $0xE000  }
0xe: {  	s12 =	sadd.s32 $0x161400, s9;
	[sflag:s8] =	ssyncset.done $0x0  }
0xf: {  	s9 =	sadd.s32 s12, s11;
	[sflag:s8] =	ssyncadd.s32 $0xFFFF2000  }
0x10: {  	[hbm4b:s9+s2] =	stream.linear.scatter [tilespmem:s7], [sflag:$0x2], $0xE000, $0x38;
	[tilespmem:$0x1C700] =	vst v63  }
0x11: {  	s30 =	smul.u32 $0x38000, s10;
	s10 =	simm.s32 $0xE700  }
0x12: {  	[tilespmem:s10], [sflag:$0x1] =	stream.indirect.gather [hbm4b:s5+s6], $0x80, s6, s6, $0xb8;
	[tilespmem:$0x1C700] =	vst v63  }
0x13: {  	s11 =	sshrl.u32 s30, $0x3;
	_ =	swait.ge [sflag:s8], $0xE000  }
0x14: {  	s18 =	sadd.s32 s12, s11;
	[sflag:s8] =	ssyncset.done $0x0  }
0x15: {  	s12 =	simm.s32 $0x2;
	s11 =	sadd.s32 $0x1C00, s18;
	[sflag:s8] =	ssyncadd.s32 $0xFFFF2000  }
0x16: {  	[hbm4b:s11+s2] =	stream.linear.scatter [tilespmem:s10], [sflag:$0x3], $0xE000, $0x38;
	[tilespmem:$0x1C700] =	vst v63  }
0x17: {  	_ =	swait.ge [sflag:s12], $0xE000  }
0x18: {  	[sflag:s12] =	ssyncset.done $0x0  }
0x19: {  	s13 =	simm.s32 $0x380;
	[sflag:s12] =	ssyncadd.s32 $0xFFFF2000  }
0x1a: {  	[tilespmem:s7], [sflag:$0x1] =	stream.indirect.gather [hbm4b:s5+s6], $0x80, s13, s6, $0xb8;
	[tilespmem:$0x1C700] =	vst v63  }
0x1b: {  	_ =	swait.ge [sflag:s8], $0xE000  }
0x1c: {  	[sflag:s8] =	ssyncset.done $0x0  }
0x1d: {  	s14 =	simm.s32 $0x3;
	s15 =	sadd.s32 $0x3800, s18;
	[sflag:s8] =	ssyncadd.s32 $0xFFFF2000  }
0x1e: {  	[hbm4b:s15+s2] =	stream.linear.scatter [tilespmem:s7], [sflag:$0x2], $0xE000, $0x38;
	[tilespmem:$0x1C700] =	vst v63  }
0x1f: {  	_ =	swait.ge [sflag:s14], $0xE000  }
0x20: {  	s19 =	ssub.s32 $0x2, s17;
	[sflag:s14] =	ssyncset.done $0x0  }
0x21: {  	s16 =	simm.s32 $0x540;
	s31 =	sshrl.u32 s19, $0x1;
	[sflag:s14] =	ssyncadd.s32 $0xFFFF2000  }
0x22: {  	[tilespmem:s10], [sflag:$0x1] =	stream.indirect.gather [hbm4b:s5+s6], $0x80, s16, s6, $0xb8;
	[tilespmem:$0x1C700] =	vst v63  }
0x23: {  	s17 =	sadd.s32 $0x5400, s18;
	s18 =	ssub.s32 s19, s31;
	_ =	swait.ge [sflag:s8], $0xE000  }
0x24: {  	s18 =	smax.u32 s18, $0x1;
	[sflag:s8] =	ssyncset.done $0x0  }
0x25: {  	p0 =	sne.s32 s18, $0x1;
	[sflag:s8] =	ssyncadd.s32 $0xFFFF2000  }
0x26: {  	[hbm4b:s17+s2] =	stream.linear.scatter [tilespmem:s10], [sflag:$0x3], $0xE000, $0x38;
	[tilespmem:$0x1C700] =	vst v63  }
.Ltmp0:
0x27: {  	_ =	swait.ge [sflag:s12], $0xE000;
	(pc) =	sbr.rel @!p0 .LBB2_2-.Ltmp0, $4  }
0x28: {  	[sflag:s12] =	ssyncset.done $0x0  }
0x29: {  	[sflag:s12] =	ssyncadd.s32 $0xFFFF2000  }
0x2a: {  	_ =	swait.ge [sflag:s14], $0xE000  }
0x2b: {  	s18 =	sadd.s32 $0xFFFFFFFF, s18;
	[sflag:s14] =	ssyncset.done $0x0  }
.LBB2_1:
0x2c: {  	p0 =	sne.s32 s18, $0x1;
	s18 =	sadd.s32 $0xFFFFFFFF, s18;
	[sflag:s14] =	ssyncadd.s32 $0xFFFF2000  }
0x2d: {  	[tilespmem:s2], [sflag:$0x4] =	stream.linear.gather [hbm4b:s3+s2], $0x700, $0x38;
	[tilespmem:$0x1C700] =	vst v63  }
0x2e: {  	_ =	swait.ge [sflag:s4], $0x700  }
0x2f: {  	[sflag:s4] =	ssyncset.done $0x0  }
0x30: {  	[sflag:s4] =	ssyncadd.s32 $0xFFFFF900  }
0x31: {  	[tilespmem:s7], [sflag:$0x1] =	stream.indirect.gather [hbm4b:s5+s6], $0x80, s2, s6, $0xb8;
	[tilespmem:$0x1C700] =	vst v63  }
0x32: {  	_ =	swait.ge [sflag:s8], $0xE000  }
0x33: {  	[sflag:s8] =	ssyncset.done $0x0  }
0x34: {  	[sflag:s8] =	ssyncadd.s32 $0xFFFF2000  }
0x35: {  	[hbm4b:s9+s2] =	stream.linear.scatter [tilespmem:s7], [sflag:$0x2], $0xE000, $0x38;
	[tilespmem:$0x1C700] =	vst v63  }
0x36: {  	_ = 	snop  }
0x37: {  	[tilespmem:s10], [sflag:$0x1] =	stream.indirect.gather [hbm4b:s5+s6], $0x80, s6, s6, $0xb8;
	[tilespmem:$0x1C700] =	vst v63  }
0x38: {  	_ =	swait.ge [sflag:s8], $0xE000  }
0x39: {  	[sflag:s8] =	ssyncset.done $0x0  }
0x3a: {  	[sflag:s8] =	ssyncadd.s32 $0xFFFF2000  }
0x3b: {  	[hbm4b:s11+s2] =	stream.linear.scatter [tilespmem:s10], [sflag:$0x3], $0xE000, $0x38;
	[tilespmem:$0x1C700] =	vst v63  }
0x3c: {  	_ =	swait.ge [sflag:s12], $0xE000  }
0x3d: {  	[sflag:s12] =	ssyncset.done $0x0  }
0x3e: {  	[sflag:s12] =	ssyncadd.s32 $0xFFFF2000  }
0x3f: {  	[tilespmem:s7], [sflag:$0x1] =	stream.indirect.gather [hbm4b:s5+s6], $0x80, s13, s6, $0xb8;
	[tilespmem:$0x1C700] =	vst v63  }
0x40: {  	_ =	swait.ge [sflag:s8], $0xE000  }
0x41: {  	[sflag:s8] =	ssyncset.done $0x0  }
0x42: {  	[sflag:s8] =	ssyncadd.s32 $0xFFFF2000  }
0x43: {  	[hbm4b:s15+s2] =	stream.linear.scatter [tilespmem:s7], [sflag:$0x2], $0xE000, $0x38;
	[tilespmem:$0x1C700] =	vst v63  }
0x44: {  	_ =	swait.ge [sflag:s14], $0xE000  }
0x45: {  	[sflag:s14] =	ssyncset.done $0x0  }
0x46: {  	[sflag:s14] =	ssyncadd.s32 $0xFFFF2000  }
0x47: {  	[tilespmem:s10], [sflag:$0x1] =	stream.indirect.gather [hbm4b:s5+s6], $0x80, s16, s6, $0xb8;
	[tilespmem:$0x1C700] =	vst v63  }
0x48: {  	_ =	swait.ge [sflag:s8], $0xE000  }
0x49: {  	[sflag:s8] =	ssyncset.done $0x0  }
0x4a: {  	[sflag:s8] =	ssyncadd.s32 $0xFFFF2000  }
0x4b: {  	[hbm4b:s17+s2] =	stream.linear.scatter [tilespmem:s10], [sflag:$0x3], $0xE000, $0x38;
	[tilespmem:$0x1C700] =	vst v63  }
.Ltmp1:
0x4c: {  	_ =	swait.ge [sflag:s12], $0xE000;
	(pc) =	sbr.rel @p0 .LBB2_1-.Ltmp1, $4  }
0x4d: {  	[sflag:s12] =	ssyncset.done $0x0  }
0x4e: {  	[sflag:s12] =	ssyncadd.s32 $0xFFFF2000  }
0x4f: {  	_ =	swait.ge [sflag:s14], $0xE000  }
0x50: {  	[sflag:s14] =	ssyncset.done $0x0  }
.LBB2_2:
0x51: {  	[sflag:s14] =	ssyncadd.s32 $0xFFFF2000  }
0x52: {  	_ =	sfence.sel $0x180000  }
0x53: {  	[bflag:$0x0] =	sbarrier.arrive $0xFFFF  }
0x54: {  	p0 =	sne.s32 s0, $0x0;
	_ =	strace $0x9000004A  }
0x55: {  	s0 =	sadd.s32 @!p0 $0x100000, s1;
	[bflag:$0x2] =	sbarrier.arrive $0xFFFF  }
0x56: {  	[sflag:s0] =	ssyncadd.tile.s32 @!p0 $0x1;
	_ =	shalt  }
.Lfunc_end2:
_tile_overlayer_lowered:
.L_overlay_start_2:
0x57: {  	(tag) =	ssettag $0x2  }
0x58: {  	s0 =	rddreg [dreg:$0x0];
	s2 =	stileid.u32  }
0x59: {  	s1 =	rddreg [dreg:$0x1];
	p0 =	sne.s32 s2, $0x0  }
0x5a: {  	s3 =	rddreg [dreg:$0x2];
	[bflag:$0x3] =	sbarrier.arrive $0xFFFF;
	s2 =	simm.s32 @!p0 $0x1C04  }
0x5b: {  	[timem:s3], [sflag:s2] =	dma.local @!p0 [hbm:s0], s1  }
0x5c: {  	s0 =	simm.s32 @!p0 $0x4  }
0x5d: {  	_ =	swait.ge @!p0 [sflag:s0], s1  }
0x5e: {  	s1 =	ssub.s32 @!p0 $0x0, s1;
	[sflag:s0] =	ssyncset.done @!p0 $0x0  }
0x5f: {  	[sflag:s0] =	ssyncadd.s32 @!p0 s1  }
0x60: {  	[bflag:$0x3] =	sbarrier.arrive $0xFFFF  }
0x61: {  	_ =	shalt  }

// kernel: kernel.38.cloned.1.call-start
scs
__scs_entry_jumppad:
0x0: {  	(pc) =	sbr.rel $0x88, $3  }
0x1: {  	(tag) =	ssettag $0x0;
	lr =	simm.s32 $0x1  }
0x2: {  	[smem:$0x3F7D] =	sst lr;
	_ =	strace $0xD0000000  }
0x3: {  	_ = 	snop  }
0x4: {  	_ = 	snop  }
0x5: {  	_ = 	snop  }
0x6: {  	_ = 	snop  }
0x7: {  	_ = 	snop  }
__scs_overlays_trampoline_lowered:
0x8: {  	[smem:$0x3F8C] =	sst s0  }
0x9: {  	[smem:$0x3F8D] =	sst s1  }
0xa: {  	[smem:$0x3F8E] =	sst s2  }
0xb: {  	[smem:$0x3F8F] =	sst s3  }
0xc: {  	[smem:$0x3F90] =	sst s4  }
0xd: {  	[smem:$0x3F91] =	sst s5  }
0xe: {  	[smem:$0x3F92] =	sst s6  }
0xf: {  	[smem:$0x3F93] =	sst s7  }
0x10: {  	[smem:$0x3F94] =	sst s8  }
0x11: {  	[smem:$0x3F95] =	sst s9;
	s0 =	simm.s32 @!p0 $0x0  }
0x12: {  	s1 =	sld [smem:$0x3F7B];
	s0 =	simm.s32 @p0 $0x1  }
0x13: {  	[smem:$0x3F96] =	sst s0;
	s0 =	simm.s32 @!p1 $0x0  }
0x14: {  	s2 =	sld [smem:$0x3F7A];
	s0 =	simm.s32 @p1 $0x1  }
0x15: {  	[smem:$0x3F97] =	sst s0;
	s0 =	simm.s32 @!p2 $0x0  }
0x16: {  	s3 =	sld [smem:$0x3FDB];
	s0 =	simm.s32 @p2 $0x1  }
0x17: {  	s4 =	simm.s32 $0x1BF5;
	[smem:$0x3F99] =	sst s0  }
0x18: {  	s0 =	sld [smem:$0x3F7C];
	_ =	swait.ge [sflag:s4], $0x0  }
0x19: {  	s7 =	sld [smem:$0x3F7D]  }
0x1a: {  	s8 =	sadd.s32 $0xFFFFE003, lr  }
0x1b: {  	s9 =	sadd.s32 $0xFFFFFEF7, lr;
	s5 =	simm.s32 $0xFFFFFFFF;
	p2 =	slt.u32 s8, $0xFFFFF086  }
0x1c: {  	p1 =	slt.u32 s9, $0xF7A;
	s5 =	simm.s32 @!p2 $0x0  }
0x1d: {  	s5 =	simm.s32 @p1 $0x1;
	p0 =	seq.s32 s7, s2  }
0x1e: {  	s7 =	smul.u32 @!p0 $0xF7A, s2;
	p2 =	seq.s32 @!p0 s5, $0x0  }
0x1f: {  	s9 =	smul.u32 $0xF7A, s1;
	s8 =	simm.s32 @!p0 $0x1BF5;
	p2 =	por !p2, p0  }
0x20: {  	[sflag:s8] =	ssyncset.s32 @!p0 $0xFFFFF086;
	s6 =	sadd.s32 @!p0 s3, s7;
	s7 =	simm.s32 @!p0 $0x108  }
0x21: {  	s3 =	sadd.s32 s3, s9;
	s6 =	sadd.s32 @!p0 $0x88, s6;
	s7 =	simm.s32 @p2 $0x1082  }
0x22: {  	[simem:s7], [sflag:s8] =	dma.local @!p0 [hbm:s6], $0xF7A  }
0x23: {  	s9 =	sor.u32 $0xD0000000, s2;
	s6 =	simm.s32 $0x108;
	_ =	swait.ge @!p0 [sflag:s8], $0x0  }
0x24: {  	s3 =	sadd.s32 $0x88, s3;
	s6 =	simm.s32 @!p1 $0x1082;
	[sflag:s4] =	ssyncset.s32 $0xFFFFF086  }
0x25: {  	[simem:s6], [sflag:s4] =	dma.local [hbm:s3], $0xF7A  }
0x26: {  	[smem:$0x3F7D] =	sst s1;
	(tag) =	ssettag s2;
	_ =	strace s9  }
0x27: {  	s1 =	sld [smem:$0x3F8D]  }
0x28: {  	s2 =	sld [smem:$0x3F8E]  }
0x29: {  	s4 =	sld [smem:$0x3F90]  }
0x2a: {  	p0 =	seq.s32 s5, $0x0;
	s5 =	sld [smem:$0x3F91]  }
0x2b: {  	s6 =	sld [smem:$0x3F92]  }
0x2c: {  	s7 =	sld [smem:$0x3F93]  }
0x2d: {  	s3 =	simm.s32 $0x108;
	s8 =	sld [smem:$0x3F94]  }
0x2e: {  	s3 =	simm.s32 @!p0 $0x1082;
	s9 =	sld [smem:$0x3F95]  }
0x2f: {  	lr =	sadd.s32 s0, s3;
	s0 =	sld [smem:$0x3F8C]  }
0x30: {  	s3 =	sld [smem:$0x3F8F]  }
0x31: {  	[smem:$0x3F98] =	sst s10  }
0x32: {  	s10 =	sld [smem:$0x3F96];
	_ =	sdelay $0x3  }
0x33: {  	p0 =	seq.s32 s10, $0x1;
	s10 =	sld [smem:$0x3F98];
	_ =	sdelay $0x3  }
0x34: {  	[smem:$0x3F98] =	sst s10  }
0x35: {  	s10 =	sld [smem:$0x3F97];
	_ =	sdelay $0x3  }
0x36: {  	p1 =	seq.s32 s10, $0x1;
	s10 =	sld [smem:$0x3F98];
	_ =	sdelay $0x3  }
0x37: {  	[smem:$0x3F98] =	sst s10  }
0x38: {  	s10 =	sld [smem:$0x3F99]  }
0x39: {  	_ = 	snop;
	(pc) =	sbr.ind lr, $3  }
0x3a: {  	_ = 	snop  }
0x3b: {  	_ = 	snop  }
0x3c: {  	p2 =	seq.s32 s10, $0x1;
	s10 =	sld [smem:$0x3F98]  }
0x3d: {  	_ =	shalt  }
0x3e: {  	_ =	shalt  }
0x3f: {  	_ =	shalt  }
0x40: {  	_ =	shalt  }
0x41: {  	_ =	shalt  }
0x42: {  	_ =	shalt  }
0x43: {  	_ =	shalt  }
0x44: {  	_ =	shalt  }
0x45: {  	_ =	shalt  }
0x46: {  	_ =	shalt  }
0x47: {  	_ =	shalt  }
0x48: {  	_ =	shalt  }
0x49: {  	_ =	shalt  }
0x4a: {  	_ =	shalt  }
0x4b: {  	_ =	shalt  }
0x4c: {  	_ =	shalt  }
0x4d: {  	_ =	shalt  }
0x4e: {  	_ =	shalt  }
0x4f: {  	_ =	shalt  }
0x50: {  	_ =	shalt  }
0x51: {  	_ =	shalt  }
0x52: {  	_ =	shalt  }
0x53: {  	_ =	shalt  }
0x54: {  	_ =	shalt  }
0x55: {  	_ =	shalt  }
0x56: {  	_ =	shalt  }
0x57: {  	_ =	shalt  }
0x58: {  	_ =	shalt  }
0x59: {  	_ =	shalt  }
0x5a: {  	_ =	shalt  }
0x5b: {  	_ =	shalt  }
0x5c: {  	_ =	shalt  }
0x5d: {  	_ =	shalt  }
0x5e: {  	_ =	shalt  }
0x5f: {  	_ =	shalt  }
0x60: {  	_ =	shalt  }
0x61: {  	_ =	shalt  }
0x62: {  	_ =	shalt  }
0x63: {  	_ =	shalt  }
0x64: {  	_ =	shalt  }
0x65: {  	_ =	shalt  }
0x66: {  	_ =	shalt  }
0x67: {  	_ =	shalt  }
0x68: {  	_ =	shalt  }
0x69: {  	_ =	shalt  }
0x6a: {  	_ =	shalt  }
0x6b: {  	_ =	shalt  }
0x6c: {  	_ =	shalt  }
0x6d: {  	_ =	shalt  }
0x6e: {  	_ =	shalt  }
0x6f: {  	_ =	shalt  }
0x70: {  	_ =	shalt  }
0x71: {  	_ =	shalt  }
0x72: {  	_ =	shalt  }
0x73: {  	_ =	shalt  }
0x74: {  	_ =	shalt  }
0x75: {  	_ =	shalt  }
0x76: {  	_ =	shalt  }
0x77: {  	_ =	shalt  }
0x78: {  	_ =	shalt  }
0x79: {  	_ =	shalt  }
0x7a: {  	_ =	shalt  }
0x7b: {  	_ =	shalt  }
0x7c: {  	_ =	shalt  }
0x7d: {  	_ =	shalt  }
0x7e: {  	_ =	shalt  }
0x7f: {  	_ =	shalt  }
0x80: {  	_ =	shalt  }
0x81: {  	_ =	shalt  }
0x82: {  	_ =	shalt  }
0x83: {  	_ =	shalt  }
0x84: {  	_ =	shalt  }
0x85: {  	_ =	shalt  }
0x86: {  	_ =	shalt  }
0x87: {  	_ =	shalt  }
.Lfunc_end0:
.L_simem_size_0:
called_computation.1_lowered:
.L_overlay_start_0:
0x88: {  	s2 =	sld [smem:$0x3FD9]  }
0x89: {  	s3 =	sld [smem:$0x3FFE];
	_ =	sdelay $0x1  }
0x8a: {  	s1 =	srdreg.scid  }
0x8b: {  	s0 =	sand.u32 $0x1, s1  }
0x8c: {  	s17 =	sshll.u32 s0, $0xA;
	s2 =	sadd.s32 s3, s2  }
0x8d: {  	s2 =	sadd.s32 s2, s17  }
0x8e: {  	[smem:$0x3FA4] =	sst s2  }
0x8f: {  	_ = 	snop  }
0x90: {  	(tm) =	ssettm $0x1  }
0x91: {  	s18 =	sld [smem:$0x3FFB];
	_ =	sdelay $0x3  }
0x92: {  	_ =	strace s18  }
0x93: {  	s2 =	sld [smem:$0x3FFC];
	_ =	sdelay $0x3  }
0x94: {  	_ =	strace s2  }
0x95: {  	s2 =	sld [smem:$0x3FFD];
	_ =	sdelay $0x3  }
0x96: {  	_ =	strace s2  }
0x97: {  	_ =	strace $0x8FFFFFFF  }
0x98: {  	s19 =	sld [smem:$0x3FDB];
	_ =	sdelay $0x1  }
0x99: {  	s20 =	simm.s32 $_scs_section_size  }
0x9a: {  	s4 =	simm.s32 $_size__tile_overlayer_lowered;
	s5 =	simm.s32 $_tile_overlayer_lowered  }
0x9b: {  	s6 =	simm.s32 $0x1BFF;
	s21 =	sshll.u32 s5, $0x1;
	s3 =	sadd.s32 s20, s19  }
0x9c: {  	s22 =	simm.s32 $0x0;
	s4 =	sshll.u32 s4, $0x1;
	s5 =	sadd.s32 s21, s3  }
0x9d: {  	[timem:s22], [sflag:s6] =	dma.local [hbm:s5], s4  }
0x9e: {  	_ =	swait.ge [sflag:s6], s4  }
0x9f: {  	s4 =	ssub.s32 $0x0, s4;
	[sflag:s6] =	ssyncset.done $0x0  }
0xa0: {  	[sflag:s6] =	ssyncadd.s32 s4;
	_ =	sdelay $0x1  }
0xa1: {  	s23 =	simm.s32 $0x1B8B  }
0xa2: {  	_ =	swait.ge [sflag:s23], $0x1  }
0xa3: {  	[sflag:s23] =	ssyncset.done $0x0  }
0xa4: {  	[sflag:s23] =	ssyncadd.s32 $0xFFFFFFFF  }
0xa5: {  	s4 =	sld [smem:$0x0]  }
0xa6: {  	s5 =	sand.u32 $0xFFFFFFFE, s1  }
0xa7: {  	p0 =	sne.s32 s1, s5  }
0xa8: {  	s5 =	sshll.u32 @p0 s5, $0xE  }
0xa9: {  	s5 =	sadd.s32 @p0 $0x11B8D, s5;
	s6 =	sshll.u32 @p0 s4, $0x11  }
0xaa: {  	s5 =	sor.u32 @p0 s6, s5  }
0xab: {  	[sflag:s5] =	ssyncadd.remote.s32 @p0 $0x1;
	_ =	sdelay $0x1  }
0xac: {  	s5 =	simm.s32 @p0 $0x1B8D  }
0xad: {  	_ =	swait.eq @p0 [sflag:s5], $0x1  }
0xae: {  	[sflag:s5] =	ssyncadd.s32 @p0 $0xFFFFFFFF  }
0xaf: {  	s6 =	sshll.u32 @!p0 s1, $0xE  }
0xb0: {  	s6 =	sor.u32 @!p0 $0x4000, s6;
	s5 =	simm.s32 @!p0 $0x1B8D  }
0xb1: {  	s4 =	sshll.u32 @!p0 s4, $0x11;
	s6 =	sadd.s32 @!p0 $0x11B8D, s6;
	_ =	swait.eq @!p0 [sflag:s5], $0x1  }
0xb2: {  	s4 =	sor.u32 @!p0 s4, s6;
	[sflag:s5] =	ssyncadd.s32 @!p0 $0xFFFFFFFF  }
0xb3: {  	s25 =	simm.s32 $0x1B8E;
	s24 =	sld [smem:$0x3FFE];
	[sflag:s4] =	ssyncadd.remote.s32 @!p0 $0x1  }
0xb4: {  	s26 =	simm.s32 $execute0_lowered;
	[smem:$0x3FD2] =	sst s25  }
0xb5: {  	s5 =	sshll.u32 s26, $0x1;
	_ =	strace $0x8000004C;
	[dreg:$0x1] =	wrdreg $0xFFFFFFFF  }
0xb6: {  	s28 =	simm.s32 $_size_execute0_lowered;
	s3 =	sadd.s32 s3, s5;
	[dreg:$0x0] =	wrdreg $0x0  }
0xb7: {  	s5 =	sshll.u32 s28, $0x1;
	[dreg:$0x2] =	wrdreg s3  }
0xb8: {  	[dreg:$0x3] =	wrdreg s5  }
0xb9: {  	[dreg:$0x4] =	wrdreg $0xC0  }
0xba: {  	_ =	task [dreg:s22], $0x5FFFF  }
0xbb: {  	[dreg:$0x1] =	wrdreg $0xFFFFFFFF  }
0xbc: {  	[dreg:$0x0] =	wrdreg $0x60  }
0xbd: {  	[dreg:$0x2] =	wrdreg s24  }
0xbe: {  	[dreg:$0x3] =	wrdreg $0xA  }
0xbf: {  	_ =	task.clear_ibuf [dreg:s22], $0x4FFFF;
	_ =	strace $0x9000004C  }
0xc0: {  	s29 =	simm.s32 $0xA;
	_ =	strace $0x8000004E  }
0xc1: {  	_ =	swait.ge [sflag:s29], $0x1  }
0xc2: {  	[sflag:s29] =	ssyncadd.s32 $0xFFFFFFFF  }
0xc3: {  	_ =	strace $0x9000004E  }
0xc4: {  	_ =	sfence  }
0xc5: {  	s30 =	sld [smem:$0x0];
	_ =	sdelay $0x2  }
0xc6: {  	s31 =	sshll.u32 s1, $0xD;
	s1 =	sshrl.u32 s1, $0x2  }
0xc7: {  	s4 =	sand.u32 $0x4000, s31;
	s1 =	sadd.s32 s1, s30  }
0xc8: {  	s0 =	sor.u32 s4, s0;
	s1 =	sshll.u32 s1, $0x11  }
0xc9: {  	s0 =	sor.u32 s1, s0  }
0xca: {  	s0 =	sadd.s32 $0x8F2B, s0  }
0xcb: {  	[sflag:s0] =	ssyncadd.remote.s32 $0x1  }
0xcc: {  	_ =	sfence.sel $0xFFFF  }
0xcd: {  	[dreg:$0x0] =	wrdreg $0xFFFFFFFF;
	(pc) =	sbr.abs _section_cstart, $3  }
0xce: {  	[dreg:$0x1] =	wrdreg $0xFFFFFFFF  }
0xcf: {  	_ =	task.clear_ibuf [dreg:s22], $0x2FFFF;
	_ =	strace $0x9FFFFFFF  }
0xd0: {  	(tm) =	ssettm $0x7FFFFFFF  }
0xd1: {  	_ =	shalt  }
tec
execute0_lowered:
.L_overlay_start_1:
0x0: {  	(tag) =	ssettag $0x1  }
0x1: {  	s1 =	srdreg.scid;
	s0 =	stileid.u32  }
0x2: {  	s17 =	sand.u32 $0x1, s1;
	s29 =	sshll.u32 s0, $0x1  }
0x3: {  	s10 =	sor.u32 s17, s29  }
0x4: {  	s3 =	smul.u32 $0xE0, s10  }
0x5: {  	s9 =	rddreg [dreg:$0x0];
	s2 =	simm.s32 $0x0  }
0x6: {  	s4 =	simm.s32 $0x4;
	[smem:$0x7FF] =	sst s2;
	s3 =	sadd.s32 s3, s9  }
0x7: {  	s1 =	rddreg [dreg:$0x1];
	_ =	strace $0x8000004D;
	s3 =	sadd.s32 $0x261400, s3  }
0x8: {  	[tilespmem:s2], [sflag:$0x4] =	stream.linear.gather [hbm4b:s3+s2], $0x700, $0x38;
	[tilespmem:$0x1C700] =	vst v63  }
0x9: {  	_ =	swait.ge [sflag:s4], $0x700  }
0xa: {  	s6 =	simm.s32 $0x1C0;
	s7 =	simm.s32 $0x700;
	[sflag:s4] =	ssyncset.done $0x0  }
0xb: {  	s8 =	simm.s32 $0x1;
	s5 =	sadd.s32 $0x241400, s9;
	[sflag:s4] =	ssyncadd.s32 $0xFFFFF900  }
0xc: {  	[tilespmem:s7], [sflag:$0x1] =	stream.indirect.gather [hbm4b:s5+s6], $0x80, s2, s6, $0xb8;
	[tilespmem:$0x1C700] =	vst v63  }
0xd: {  	s11 =	smul.u32 $0x7000, s10;
	_ =	swait.ge [sflag:s8], $0xE000  }
0xe: {  	s12 =	sadd.s32 $0x263000, s9;
	[sflag:s8] =	ssyncset.done $0x0  }
0xf: {  	s9 =	sadd.s32 s12, s11;
	[sflag:s8] =	ssyncadd.s32 $0xFFFF2000  }
0x10: {  	[hbm4b:s9+s2] =	stream.linear.scatter [tilespmem:s7], [sflag:$0x2], $0xE000, $0x38;
	[tilespmem:$0x1C700] =	vst v63  }
0x11: {  	s30 =	smul.u32 $0x38000, s10;
	s10 =	simm.s32 $0xE700  }
0x12: {  	[tilespmem:s10], [sflag:$0x1] =	stream.indirect.gather [hbm4b:s5+s6], $0x80, s6, s6, $0xb8;
	[tilespmem:$0x1C700] =	vst v63  }
0x13: {  	s11 =	sshrl.u32 s30, $0x3;
	_ =	swait.ge [sflag:s8], $0xE000  }
0x14: {  	s18 =	sadd.s32 s12, s11;
	[sflag:s8] =	ssyncset.done $0x0  }
0x15: {  	s12 =	simm.s32 $0x2;
	s11 =	sadd.s32 $0x1C00, s18;
	[sflag:s8] =	ssyncadd.s32 $0xFFFF2000  }
0x16: {  	[hbm4b:s11+s2] =	stream.linear.scatter [tilespmem:s10], [sflag:$0x3], $0xE000, $0x38;
	[tilespmem:$0x1C700] =	vst v63  }
0x17: {  	_ =	swait.ge [sflag:s12], $0xE000  }
0x18: {  	[sflag:s12] =	ssyncset.done $0x0  }
0x19: {  	s13 =	simm.s32 $0x380;
	[sflag:s12] =	ssyncadd.s32 $0xFFFF2000  }
0x1a: {  	[tilespmem:s7], [sflag:$0x1] =	stream.indirect.gather [hbm4b:s5+s6], $0x80, s13, s6, $0xb8;
	[tilespmem:$0x1C700] =	vst v63  }
0x1b: {  	_ =	swait.ge [sflag:s8], $0xE000  }
0x1c: {  	[sflag:s8] =	ssyncset.done $0x0  }
0x1d: {  	s14 =	simm.s32 $0x3;
	s15 =	sadd.s32 $0x3800, s18;
	[sflag:s8] =	ssyncadd.s32 $0xFFFF2000  }
0x1e: {  	[hbm4b:s15+s2] =	stream.linear.scatter [tilespmem:s7], [sflag:$0x2], $0xE000, $0x38;
	[tilespmem:$0x1C700] =	vst v63  }
0x1f: {  	_ =	swait.ge [sflag:s14], $0xE000  }
0x20: {  	s19 =	ssub.s32 $0x2, s17;
	[sflag:s14] =	ssyncset.done $0x0  }
0x21: {  	s16 =	simm.s32 $0x540;
	s31 =	sshrl.u32 s19, $0x1;
	[sflag:s14] =	ssyncadd.s32 $0xFFFF2000  }
0x22: {  	[tilespmem:s10], [sflag:$0x1] =	stream.indirect.gather [hbm4b:s5+s6], $0x80, s16, s6, $0xb8;
	[tilespmem:$0x1C700] =	vst v63  }
0x23: {  	s17 =	sadd.s32 $0x5400, s18;
	s18 =	ssub.s32 s19, s31;
	_ =	swait.ge [sflag:s8], $0xE000  }
0x24: {  	s18 =	smax.u32 s18, $0x1;
	[sflag:s8] =	ssyncset.done $0x0  }
0x25: {  	p0 =	sne.s32 s18, $0x1;
	[sflag:s8] =	ssyncadd.s32 $0xFFFF2000  }
0x26: {  	[hbm4b:s17+s2] =	stream.linear.scatter [tilespmem:s10], [sflag:$0x3], $0xE000, $0x38;
	[tilespmem:$0x1C700] =	vst v63  }
.Ltmp0:
0x27: {  	_ =	swait.ge [sflag:s12], $0xE000;
	(pc) =	sbr.rel @!p0 .LBB2_2-.Ltmp0, $4  }
0x28: {  	[sflag:s12] =	ssyncset.done $0x0  }
0x29: {  	[sflag:s12] =	ssyncadd.s32 $0xFFFF2000  }
0x2a: {  	_ =	swait.ge [sflag:s14], $0xE000  }
0x2b: {  	s18 =	sadd.s32 $0xFFFFFFFF, s18;
	[sflag:s14] =	ssyncset.done $0x0  }
.LBB2_1:
0x2c: {  	p0 =	sne.s32 s18, $0x1;
	s18 =	sadd.s32 $0xFFFFFFFF, s18;
	[sflag:s14] =	ssyncadd.s32 $0xFFFF2000  }
0x2d: {  	[tilespmem:s2], [sflag:$0x4] =	stream.linear.gather [hbm4b:s3+s2], $0x700, $0x38;
	[tilespmem:$0x1C700] =	vst v63  }
0x2e: {  	_ =	swait.ge [sflag:s4], $0x700  }
0x2f: {  	[sflag:s4] =	ssyncset.done $0x0  }
0x30: {  	[sflag:s4] =	ssyncadd.s32 $0xFFFFF900  }
0x31: {  	[tilespmem:s7], [sflag:$0x1] =	stream.indirect.gather [hbm4b:s5+s6], $0x80, s2, s6, $0xb8;
	[tilespmem:$0x1C700] =	vst v63  }
0x32: {  	_ =	swait.ge [sflag:s8], $0xE000  }
0x33: {  	[sflag:s8] =	ssyncset.done $0x0  }
0x34: {  	[sflag:s8] =	ssyncadd.s32 $0xFFFF2000  }
0x35: {  	[hbm4b:s9+s2] =	stream.linear.scatter [tilespmem:s7], [sflag:$0x2], $0xE000, $0x38;
	[tilespmem:$0x1C700] =	vst v63  }
0x36: {  	_ = 	snop  }
0x37: {  	[tilespmem:s10], [sflag:$0x1] =	stream.indirect.gather [hbm4b:s5+s6], $0x80, s6, s6, $0xb8;
	[tilespmem:$0x1C700] =	vst v63  }
0x38: {  	_ =	swait.ge [sflag:s8], $0xE000  }
0x39: {  	[sflag:s8] =	ssyncset.done $0x0  }
0x3a: {  	[sflag:s8] =	ssyncadd.s32 $0xFFFF2000  }
0x3b: {  	[hbm4b:s11+s2] =	stream.linear.scatter [tilespmem:s10], [sflag:$0x3], $0xE000, $0x38;
	[tilespmem:$0x1C700] =	vst v63  }
0x3c: {  	_ =	swait.ge [sflag:s12], $0xE000  }
0x3d: {  	[sflag:s12] =	ssyncset.done $0x0  }
0x3e: {  	[sflag:s12] =	ssyncadd.s32 $0xFFFF2000  }
0x3f: {  	[tilespmem:s7], [sflag:$0x1] =	stream.indirect.gather [hbm4b:s5+s6], $0x80, s13, s6, $0xb8;
	[tilespmem:$0x1C700] =	vst v63  }
0x40: {  	_ =	swait.ge [sflag:s8], $0xE000  }
0x41: {  	[sflag:s8] =	ssyncset.done $0x0  }
0x42: {  	[sflag:s8] =	ssyncadd.s32 $0xFFFF2000  }
0x43: {  	[hbm4b:s15+s2] =	stream.linear.scatter [tilespmem:s7], [sflag:$0x2], $0xE000, $0x38;
	[tilespmem:$0x1C700] =	vst v63  }
0x44: {  	_ =	swait.ge [sflag:s14], $0xE000  }
0x45: {  	[sflag:s14] =	ssyncset.done $0x0  }
0x46: {  	[sflag:s14] =	ssyncadd.s32 $0xFFFF2000  }
0x47: {  	[tilespmem:s10], [sflag:$0x1] =	stream.indirect.gather [hbm4b:s5+s6], $0x80, s16, s6, $0xb8;
	[tilespmem:$0x1C700] =	vst v63  }
0x48: {  	_ =	swait.ge [sflag:s8], $0xE000  }
0x49: {  	[sflag:s8] =	ssyncset.done $0x0  }
0x4a: {  	[sflag:s8] =	ssyncadd.s32 $0xFFFF2000  }
0x4b: {  	[hbm4b:s17+s2] =	stream.linear.scatter [tilespmem:s10], [sflag:$0x3], $0xE000, $0x38;
	[tilespmem:$0x1C700] =	vst v63  }
.Ltmp1:
0x4c: {  	_ =	swait.ge [sflag:s12], $0xE000;
	(pc) =	sbr.rel @p0 .LBB2_1-.Ltmp1, $4  }
0x4d: {  	[sflag:s12] =	ssyncset.done $0x0  }
0x4e: {  	[sflag:s12] =	ssyncadd.s32 $0xFFFF2000  }
0x4f: {  	_ =	swait.ge [sflag:s14], $0xE000  }
0x50: {  	[sflag:s14] =	ssyncset.done $0x0  }
.LBB2_2:
0x51: {  	[sflag:s14] =	ssyncadd.s32 $0xFFFF2000  }
0x52: {  	_ =	sfence.sel $0x180000  }
0x53: {  	[bflag:$0x0] =	sbarrier.arrive $0xFFFF  }
0x54: {  	p0 =	sne.s32 s0, $0x0;
	_ =	strace $0x9000004D  }
0x55: {  	s0 =	sadd.s32 @!p0 $0x100000, s1;
	[bflag:$0x2] =	sbarrier.arrive $0xFFFF  }
0x56: {  	[sflag:s0] =	ssyncadd.tile.s32 @!p0 $0x1;
	_ =	shalt  }
.Lfunc_end2:
_tile_overlayer_lowered:
.L_overlay_start_2:
0x57: {  	(tag) =	ssettag $0x2  }
0x58: {  	s0 =	rddreg [dreg:$0x0];
	s2 =	stileid.u32  }
0x59: {  	s1 =	rddreg [dreg:$0x1];
	p0 =	sne.s32 s2, $0x0  }
0x5a: {  	s3 =	rddreg [dreg:$0x2];
	[bflag:$0x3] =	sbarrier.arrive $0xFFFF;
	s2 =	simm.s32 @!p0 $0x1C04  }
0x5b: {  	[timem:s3], [sflag:s2] =	dma.local @!p0 [hbm:s0], s1  }
0x5c: {  	s0 =	simm.s32 @!p0 $0x4  }
0x5d: {  	_ =	swait.ge @!p0 [sflag:s0], s1  }
0x5e: {  	s1 =	ssub.s32 @!p0 $0x0, s1;
	[sflag:s0] =	ssyncset.done @!p0 $0x0  }
0x5f: {  	[sflag:s0] =	ssyncadd.s32 @!p0 s1  }
0x60: {  	[bflag:$0x3] =	sbarrier.arrive $0xFFFF  }
0x61: {  	_ =	shalt  }

// kernel: kernel.41.cloned.1.call-start
scs
__scs_entry_jumppad:
0x0: {  	(pc) =	sbr.rel $0x88, $3  }
0x1: {  	(tag) =	ssettag $0x0;
	lr =	simm.s32 $0x1  }
0x2: {  	[smem:$0x3F7D] =	sst lr;
	_ =	strace $0xD0000000  }
0x3: {  	_ = 	snop  }
0x4: {  	_ = 	snop  }
0x5: {  	_ = 	snop  }
0x6: {  	_ = 	snop  }
0x7: {  	_ = 	snop  }
__scs_overlays_trampoline_lowered:
0x8: {  	[smem:$0x3F8C] =	sst s0  }
0x9: {  	[smem:$0x3F8D] =	sst s1  }
0xa: {  	[smem:$0x3F8E] =	sst s2  }
0xb: {  	[smem:$0x3F8F] =	sst s3  }
0xc: {  	[smem:$0x3F90] =	sst s4  }
0xd: {  	[smem:$0x3F91] =	sst s5  }
0xe: {  	[smem:$0x3F92] =	sst s6  }
0xf: {  	[smem:$0x3F93] =	sst s7  }
0x10: {  	[smem:$0x3F94] =	sst s8  }
0x11: {  	[smem:$0x3F95] =	sst s9;
	s0 =	simm.s32 @!p0 $0x0  }
0x12: {  	s1 =	sld [smem:$0x3F7B];
	s0 =	simm.s32 @p0 $0x1  }
0x13: {  	[smem:$0x3F96] =	sst s0;
	s0 =	simm.s32 @!p1 $0x0  }
0x14: {  	s2 =	sld [smem:$0x3F7A];
	s0 =	simm.s32 @p1 $0x1  }
0x15: {  	[smem:$0x3F97] =	sst s0;
	s0 =	simm.s32 @!p2 $0x0  }
0x16: {  	s3 =	sld [smem:$0x3FDB];
	s0 =	simm.s32 @p2 $0x1  }
0x17: {  	s4 =	simm.s32 $0x1BF5;
	[smem:$0x3F99] =	sst s0  }
0x18: {  	s0 =	sld [smem:$0x3F7C];
	_ =	swait.ge [sflag:s4], $0x0  }
0x19: {  	s7 =	sld [smem:$0x3F7D]  }
0x1a: {  	s8 =	sadd.s32 $0xFFFFE003, lr  }
0x1b: {  	s9 =	sadd.s32 $0xFFFFFEF7, lr;
	s5 =	simm.s32 $0xFFFFFFFF;
	p2 =	slt.u32 s8, $0xFFFFF086  }
0x1c: {  	p1 =	slt.u32 s9, $0xF7A;
	s5 =	simm.s32 @!p2 $0x0  }
0x1d: {  	s5 =	simm.s32 @p1 $0x1;
	p0 =	seq.s32 s7, s2  }
0x1e: {  	s7 =	smul.u32 @!p0 $0xF7A, s2;
	p2 =	seq.s32 @!p0 s5, $0x0  }
0x1f: {  	s9 =	smul.u32 $0xF7A, s1;
	s8 =	simm.s32 @!p0 $0x1BF5;
	p2 =	por !p2, p0  }
0x20: {  	[sflag:s8] =	ssyncset.s32 @!p0 $0xFFFFF086;
	s6 =	sadd.s32 @!p0 s3, s7;
	s7 =	simm.s32 @!p0 $0x108  }
0x21: {  	s3 =	sadd.s32 s3, s9;
	s6 =	sadd.s32 @!p0 $0x88, s6;
	s7 =	simm.s32 @p2 $0x1082  }
0x22: {  	[simem:s7], [sflag:s8] =	dma.local @!p0 [hbm:s6], $0xF7A  }
0x23: {  	s9 =	sor.u32 $0xD0000000, s2;
	s6 =	simm.s32 $0x108;
	_ =	swait.ge @!p0 [sflag:s8], $0x0  }
0x24: {  	s3 =	sadd.s32 $0x88, s3;
	s6 =	simm.s32 @!p1 $0x1082;
	[sflag:s4] =	ssyncset.s32 $0xFFFFF086  }
0x25: {  	[simem:s6], [sflag:s4] =	dma.local [hbm:s3], $0xF7A  }
0x26: {  	[smem:$0x3F7D] =	sst s1;
	(tag) =	ssettag s2;
	_ =	strace s9  }
0x27: {  	s1 =	sld [smem:$0x3F8D]  }
0x28: {  	s2 =	sld [smem:$0x3F8E]  }
0x29: {  	s4 =	sld [smem:$0x3F90]  }
0x2a: {  	p0 =	seq.s32 s5, $0x0;
	s5 =	sld [smem:$0x3F91]  }
0x2b: {  	s6 =	sld [smem:$0x3F92]  }
0x2c: {  	s7 =	sld [smem:$0x3F93]  }
0x2d: {  	s3 =	simm.s32 $0x108;
	s8 =	sld [smem:$0x3F94]  }
0x2e: {  	s3 =	simm.s32 @!p0 $0x1082;
	s9 =	sld [smem:$0x3F95]  }
0x2f: {  	lr =	sadd.s32 s0, s3;
	s0 =	sld [smem:$0x3F8C]  }
0x30: {  	s3 =	sld [smem:$0x3F8F]  }
0x31: {  	[smem:$0x3F98] =	sst s10  }
0x32: {  	s10 =	sld [smem:$0x3F96];
	_ =	sdelay $0x3  }
0x33: {  	p0 =	seq.s32 s10, $0x1;
	s10 =	sld [smem:$0x3F98];
	_ =	sdelay $0x3  }
0x34: {  	[smem:$0x3F98] =	sst s10  }
0x35: {  	s10 =	sld [smem:$0x3F97];
	_ =	sdelay $0x3  }
0x36: {  	p1 =	seq.s32 s10, $0x1;
	s10 =	sld [smem:$0x3F98];
	_ =	sdelay $0x3  }
0x37: {  	[smem:$0x3F98] =	sst s10  }
0x38: {  	s10 =	sld [smem:$0x3F99]  }
0x39: {  	_ = 	snop;
	(pc) =	sbr.ind lr, $3  }
0x3a: {  	_ = 	snop  }
0x3b: {  	_ = 	snop  }
0x3c: {  	p2 =	seq.s32 s10, $0x1;
	s10 =	sld [smem:$0x3F98]  }
0x3d: {  	_ =	shalt  }
0x3e: {  	_ =	shalt  }
0x3f: {  	_ =	shalt  }
0x40: {  	_ =	shalt  }
0x41: {  	_ =	shalt  }
0x42: {  	_ =	shalt  }
0x43: {  	_ =	shalt  }
0x44: {  	_ =	shalt  }
0x45: {  	_ =	shalt  }
0x46: {  	_ =	shalt  }
0x47: {  	_ =	shalt  }
0x48: {  	_ =	shalt  }
0x49: {  	_ =	shalt  }
0x4a: {  	_ =	shalt  }
0x4b: {  	_ =	shalt  }
0x4c: {  	_ =	shalt  }
0x4d: {  	_ =	shalt  }
0x4e: {  	_ =	shalt  }
0x4f: {  	_ =	shalt  }
0x50: {  	_ =	shalt  }
0x51: {  	_ =	shalt  }
0x52: {  	_ =	shalt  }
0x53: {  	_ =	shalt  }
0x54: {  	_ =	shalt  }
0x55: {  	_ =	shalt  }
0x56: {  	_ =	shalt  }
0x57: {  	_ =	shalt  }
0x58: {  	_ =	shalt  }
0x59: {  	_ =	shalt  }
0x5a: {  	_ =	shalt  }
0x5b: {  	_ =	shalt  }
0x5c: {  	_ =	shalt  }
0x5d: {  	_ =	shalt  }
0x5e: {  	_ =	shalt  }
0x5f: {  	_ =	shalt  }
0x60: {  	_ =	shalt  }
0x61: {  	_ =	shalt  }
0x62: {  	_ =	shalt  }
0x63: {  	_ =	shalt  }
0x64: {  	_ =	shalt  }
0x65: {  	_ =	shalt  }
0x66: {  	_ =	shalt  }
0x67: {  	_ =	shalt  }
0x68: {  	_ =	shalt  }
0x69: {  	_ =	shalt  }
0x6a: {  	_ =	shalt  }
0x6b: {  	_ =	shalt  }
0x6c: {  	_ =	shalt  }
0x6d: {  	_ =	shalt  }
0x6e: {  	_ =	shalt  }
0x6f: {  	_ =	shalt  }
0x70: {  	_ =	shalt  }
0x71: {  	_ =	shalt  }
0x72: {  	_ =	shalt  }
0x73: {  	_ =	shalt  }
0x74: {  	_ =	shalt  }
0x75: {  	_ =	shalt  }
0x76: {  	_ =	shalt  }
0x77: {  	_ =	shalt  }
0x78: {  	_ =	shalt  }
0x79: {  	_ =	shalt  }
0x7a: {  	_ =	shalt  }
0x7b: {  	_ =	shalt  }
0x7c: {  	_ =	shalt  }
0x7d: {  	_ =	shalt  }
0x7e: {  	_ =	shalt  }
0x7f: {  	_ =	shalt  }
0x80: {  	_ =	shalt  }
0x81: {  	_ =	shalt  }
0x82: {  	_ =	shalt  }
0x83: {  	_ =	shalt  }
0x84: {  	_ =	shalt  }
0x85: {  	_ =	shalt  }
0x86: {  	_ =	shalt  }
0x87: {  	_ =	shalt  }
.Lfunc_end0:
.L_simem_size_0:
called_computation.2_lowered:
.L_overlay_start_0:
0x88: {  	s2 =	sld [smem:$0x3FD9]  }
0x89: {  	s3 =	sld [smem:$0x3FFE];
	_ =	sdelay $0x1  }
0x8a: {  	s1 =	srdreg.scid  }
0x8b: {  	s0 =	sand.u32 $0x1, s1  }
0x8c: {  	s17 =	sshll.u32 s0, $0xA;
	s2 =	sadd.s32 s3, s2  }
0x8d: {  	s2 =	sadd.s32 s2, s17  }
0x8e: {  	[smem:$0x3FA4] =	sst s2  }
0x8f: {  	_ = 	snop  }
0x90: {  	(tm) =	ssettm $0x1  }
0x91: {  	s18 =	sld [smem:$0x3FFB];
	_ =	sdelay $0x3  }
0x92: {  	_ =	strace s18  }
0x93: {  	s2 =	sld [smem:$0x3FFC];
	_ =	sdelay $0x3  }
0x94: {  	_ =	strace s2  }
0x95: {  	s2 =	sld [smem:$0x3FFD];
	_ =	sdelay $0x3  }
0x96: {  	_ =	strace s2  }
0x97: {  	_ =	strace $0x8FFFFFFF  }
0x98: {  	s19 =	sld [smem:$0x3FDB];
	_ =	sdelay $0x1  }
0x99: {  	s20 =	simm.s32 $_scs_section_size  }
0x9a: {  	s4 =	simm.s32 $_size__tile_overlayer_lowered;
	s5 =	simm.s32 $_tile_overlayer_lowered  }
0x9b: {  	s6 =	simm.s32 $0x1BFF;
	s21 =	sshll.u32 s5, $0x1;
	s3 =	sadd.s32 s20, s19  }
0x9c: {  	s22 =	simm.s32 $0x0;
	s4 =	sshll.u32 s4, $0x1;
	s5 =	sadd.s32 s21, s3  }
0x9d: {  	[timem:s22], [sflag:s6] =	dma.local [hbm:s5], s4  }
0x9e: {  	_ =	swait.ge [sflag:s6], s4  }
0x9f: {  	s4 =	ssub.s32 $0x0, s4;
	[sflag:s6] =	ssyncset.done $0x0  }
0xa0: {  	[sflag:s6] =	ssyncadd.s32 s4;
	_ =	sdelay $0x1  }
0xa1: {  	s23 =	simm.s32 $0x1B8B  }
0xa2: {  	_ =	swait.ge [sflag:s23], $0x1  }
0xa3: {  	[sflag:s23] =	ssyncset.done $0x0  }
0xa4: {  	[sflag:s23] =	ssyncadd.s32 $0xFFFFFFFF  }
0xa5: {  	s4 =	sld [smem:$0x0]  }
0xa6: {  	s5 =	sand.u32 $0xFFFFFFFE, s1  }
0xa7: {  	p0 =	sne.s32 s1, s5  }
0xa8: {  	s5 =	sshll.u32 @p0 s5, $0xE  }
0xa9: {  	s5 =	sadd.s32 @p0 $0x11B8D, s5;
	s6 =	sshll.u32 @p0 s4, $0x11  }
0xaa: {  	s5 =	sor.u32 @p0 s6, s5  }
0xab: {  	[sflag:s5] =	ssyncadd.remote.s32 @p0 $0x1;
	_ =	sdelay $0x1  }
0xac: {  	s5 =	simm.s32 @p0 $0x1B8D  }
0xad: {  	_ =	swait.eq @p0 [sflag:s5], $0x1  }
0xae: {  	[sflag:s5] =	ssyncadd.s32 @p0 $0xFFFFFFFF  }
0xaf: {  	s6 =	sshll.u32 @!p0 s1, $0xE  }
0xb0: {  	s6 =	sor.u32 @!p0 $0x4000, s6;
	s5 =	simm.s32 @!p0 $0x1B8D  }
0xb1: {  	s4 =	sshll.u32 @!p0 s4, $0x11;
	s6 =	sadd.s32 @!p0 $0x11B8D, s6;
	_ =	swait.eq @!p0 [sflag:s5], $0x1  }
0xb2: {  	s4 =	sor.u32 @!p0 s4, s6;
	[sflag:s5] =	ssyncadd.s32 @!p0 $0xFFFFFFFF  }
0xb3: {  	s25 =	simm.s32 $0x1B8E;
	s24 =	sld [smem:$0x3FFE];
	[sflag:s4] =	ssyncadd.remote.s32 @!p0 $0x1  }
0xb4: {  	s26 =	simm.s32 $execute0_lowered;
	[smem:$0x3FD2] =	sst s25  }
0xb5: {  	s5 =	sshll.u32 s26, $0x1;
	_ =	strace $0x8000004F;
	[dreg:$0x1] =	wrdreg $0xFFFFFFFF  }
0xb6: {  	s28 =	simm.s32 $_size_execute0_lowered;
	s3 =	sadd.s32 s3, s5;
	[dreg:$0x0] =	wrdreg $0x0  }
0xb7: {  	s5 =	sshll.u32 s28, $0x1;
	[dreg:$0x2] =	wrdreg s3  }
0xb8: {  	[dreg:$0x3] =	wrdreg s5  }
0xb9: {  	[dreg:$0x4] =	wrdreg $0xC0  }
0xba: {  	_ =	task [dreg:s22], $0x5FFFF  }
0xbb: {  	[dreg:$0x1] =	wrdreg $0xFFFFFFFF  }
0xbc: {  	[dreg:$0x0] =	wrdreg $0x60  }
0xbd: {  	[dreg:$0x2] =	wrdreg s24  }
0xbe: {  	[dreg:$0x3] =	wrdreg $0xB  }
0xbf: {  	_ =	task.clear_ibuf [dreg:s22], $0x4FFFF;
	_ =	strace $0x9000004F  }
0xc0: {  	s29 =	simm.s32 $0xB;
	_ =	strace $0x80000051  }
0xc1: {  	_ =	swait.ge [sflag:s29], $0x1  }
0xc2: {  	[sflag:s29] =	ssyncadd.s32 $0xFFFFFFFF  }
0xc3: {  	_ =	strace $0x90000051  }
0xc4: {  	_ =	sfence  }
0xc5: {  	s30 =	sld [smem:$0x0];
	_ =	sdelay $0x2  }
0xc6: {  	s31 =	sshll.u32 s1, $0xD;
	s1 =	sshrl.u32 s1, $0x2  }
0xc7: {  	s4 =	sand.u32 $0x4000, s31;
	s1 =	sadd.s32 s1, s30  }
0xc8: {  	s0 =	sor.u32 s4, s0;
	s1 =	sshll.u32 s1, $0x11  }
0xc9: {  	s0 =	sor.u32 s1, s0  }
0xca: {  	s0 =	sadd.s32 $0x8F2B, s0  }
0xcb: {  	[sflag:s0] =	ssyncadd.remote.s32 $0x1  }
0xcc: {  	_ =	sfence.sel $0xFFFF  }
0xcd: {  	[dreg:$0x0] =	wrdreg $0xFFFFFFFF;
	(pc) =	sbr.abs _section_cstart, $3  }
0xce: {  	[dreg:$0x1] =	wrdreg $0xFFFFFFFF  }
0xcf: {  	_ =	task.clear_ibuf [dreg:s22], $0x2FFFF;
	_ =	strace $0x9FFFFFFF  }
0xd0: {  	(tm) =	ssettm $0x7FFFFFFF  }
0xd1: {  	_ =	shalt  }
tec
execute0_lowered:
.L_overlay_start_1:
0x0: {  	(tag) =	ssettag $0x1  }
0x1: {  	s1 =	srdreg.scid;
	s0 =	stileid.u32  }
0x2: {  	s17 =	sand.u32 $0x1, s1;
	s29 =	sshll.u32 s0, $0x1  }
0x3: {  	s10 =	sor.u32 s17, s29  }
0x4: {  	s3 =	smul.u32 $0xE0, s10  }
0x5: {  	s9 =	rddreg [dreg:$0x0];
	s2 =	simm.s32 $0x0  }
0x6: {  	s4 =	simm.s32 $0x4;
	[smem:$0x7FF] =	sst s2;
	s3 =	sadd.s32 s3, s9  }
0x7: {  	s1 =	rddreg [dreg:$0x1];
	_ =	strace $0x80000050;
	s3 =	sadd.s32 $0x373000, s3  }
0x8: {  	[tilespmem:s2], [sflag:$0x4] =	stream.linear.gather [hbm4b:s3+s2], $0x700, $0x38;
	[tilespmem:$0x1C700] =	vst v63  }
0x9: {  	_ =	swait.ge [sflag:s4], $0x700  }
0xa: {  	s6 =	simm.s32 $0x1C0;
	s7 =	simm.s32 $0x700;
	[sflag:s4] =	ssyncset.done $0x0  }
0xb: {  	s8 =	simm.s32 $0x1;
	s5 =	sadd.s32 $0x343000, s9;
	[sflag:s4] =	ssyncadd.s32 $0xFFFFF900  }
0xc: {  	[tilespmem:s7], [sflag:$0x1] =	stream.indirect.gather [hbm4b:s5+s6], $0x80, s2, s6, $0xb8;
	[tilespmem:$0x1C700] =	vst v63  }
0xd: {  	s11 =	smul.u32 $0x7000, s10;
	_ =	swait.ge [sflag:s8], $0xE000  }
0xe: {  	s12 =	sadd.s32 $0x374C00, s9;
	[sflag:s8] =	ssyncset.done $0x0  }
0xf: {  	s9 =	sadd.s32 s12, s11;
	[sflag:s8] =	ssyncadd.s32 $0xFFFF2000  }
0x10: {  	[hbm4b:s9+s2] =	stream.linear.scatter [tilespmem:s7], [sflag:$0x2], $0xE000, $0x38;
	[tilespmem:$0x1C700] =	vst v63  }
0x11: {  	s30 =	smul.u32 $0x38000, s10;
	s10 =	simm.s32 $0xE700  }
0x12: {  	[tilespmem:s10], [sflag:$0x1] =	stream.indirect.gather [hbm4b:s5+s6], $0x80, s6, s6, $0xb8;
	[tilespmem:$0x1C700] =	vst v63  }
0x13: {  	s11 =	sshrl.u32 s30, $0x3;
	_ =	swait.ge [sflag:s8], $0xE000  }
0x14: {  	s18 =	sadd.s32 s12, s11;
	[sflag:s8] =	ssyncset.done $0x0  }
0x15: {  	s12 =	simm.s32 $0x2;
	s11 =	sadd.s32 $0x1C00, s18;
	[sflag:s8] =	ssyncadd.s32 $0xFFFF2000  }
0x16: {  	[hbm4b:s11+s2] =	stream.linear.scatter [tilespmem:s10], [sflag:$0x3], $0xE000, $0x38;
	[tilespmem:$0x1C700] =	vst v63  }
0x17: {  	_ =	swait.ge [sflag:s12], $0xE000  }
0x18: {  	[sflag:s12] =	ssyncset.done $0x0  }
0x19: {  	s13 =	simm.s32 $0x380;
	[sflag:s12] =	ssyncadd.s32 $0xFFFF2000  }
0x1a: {  	[tilespmem:s7], [sflag:$0x1] =	stream.indirect.gather [hbm4b:s5+s6], $0x80, s13, s6, $0xb8;
	[tilespmem:$0x1C700] =	vst v63  }
0x1b: {  	_ =	swait.ge [sflag:s8], $0xE000  }
0x1c: {  	[sflag:s8] =	ssyncset.done $0x0  }
0x1d: {  	s14 =	simm.s32 $0x3;
	s15 =	sadd.s32 $0x3800, s18;
	[sflag:s8] =	ssyncadd.s32 $0xFFFF2000  }
0x1e: {  	[hbm4b:s15+s2] =	stream.linear.scatter [tilespmem:s7], [sflag:$0x2], $0xE000, $0x38;
	[tilespmem:$0x1C700] =	vst v63  }
0x1f: {  	_ =	swait.ge [sflag:s14], $0xE000  }
0x20: {  	s19 =	ssub.s32 $0x2, s17;
	[sflag:s14] =	ssyncset.done $0x0  }
0x21: {  	s16 =	simm.s32 $0x540;
	s31 =	sshrl.u32 s19, $0x1;
	[sflag:s14] =	ssyncadd.s32 $0xFFFF2000  }
0x22: {  	[tilespmem:s10], [sflag:$0x1] =	stream.indirect.gather [hbm4b:s5+s6], $0x80, s16, s6, $0xb8;
	[tilespmem:$0x1C700] =	vst v63  }
0x23: {  	s17 =	sadd.s32 $0x5400, s18;
	s18 =	ssub.s32 s19, s31;
	_ =	swait.ge [sflag:s8], $0xE000  }
0x24: {  	s18 =	smax.u32 s18, $0x1;
	[sflag:s8] =	ssyncset.done $0x0  }
0x25: {  	p0 =	sne.s32 s18, $0x1;
	[sflag:s8] =	ssyncadd.s32 $0xFFFF2000  }
0x26: {  	[hbm4b:s17+s2] =	stream.linear.scatter [tilespmem:s10], [sflag:$0x3], $0xE000, $0x38;
	[tilespmem:$0x1C700] =	vst v63  }
.Ltmp0:
0x27: {  	_ =	swait.ge [sflag:s12], $0xE000;
	(pc) =	sbr.rel @!p0 .LBB2_2-.Ltmp0, $4  }
0x28: {  	[sflag:s12] =	ssyncset.done $0x0  }
0x29: {  	[sflag:s12] =	ssyncadd.s32 $0xFFFF2000  }
0x2a: {  	_ =	swait.ge [sflag:s14], $0xE000  }
0x2b: {  	s18 =	sadd.s32 $0xFFFFFFFF, s18;
	[sflag:s14] =	ssyncset.done $0x0  }
.LBB2_1:
0x2c: {  	p0 =	sne.s32 s18, $0x1;
	s18 =	sadd.s32 $0xFFFFFFFF, s18;
	[sflag:s14] =	ssyncadd.s32 $0xFFFF2000  }
0x2d: {  	[tilespmem:s2], [sflag:$0x4] =	stream.linear.gather [hbm4b:s3+s2], $0x700, $0x38;
	[tilespmem:$0x1C700] =	vst v63  }
0x2e: {  	_ =	swait.ge [sflag:s4], $0x700  }
0x2f: {  	[sflag:s4] =	ssyncset.done $0x0  }
0x30: {  	[sflag:s4] =	ssyncadd.s32 $0xFFFFF900  }
0x31: {  	[tilespmem:s7], [sflag:$0x1] =	stream.indirect.gather [hbm4b:s5+s6], $0x80, s2, s6, $0xb8;
	[tilespmem:$0x1C700] =	vst v63  }
0x32: {  	_ =	swait.ge [sflag:s8], $0xE000  }
0x33: {  	[sflag:s8] =	ssyncset.done $0x0  }
0x34: {  	[sflag:s8] =	ssyncadd.s32 $0xFFFF2000  }
0x35: {  	[hbm4b:s9+s2] =	stream.linear.scatter [tilespmem:s7], [sflag:$0x2], $0xE000, $0x38;
	[tilespmem:$0x1C700] =	vst v63  }
0x36: {  	_ = 	snop  }
0x37: {  	[tilespmem:s10], [sflag:$0x1] =	stream.indirect.gather [hbm4b:s5+s6], $0x80, s6, s6, $0xb8;
	[tilespmem:$0x1C700] =	vst v63  }
0x38: {  	_ =	swait.ge [sflag:s8], $0xE000  }
0x39: {  	[sflag:s8] =	ssyncset.done $0x0  }
0x3a: {  	[sflag:s8] =	ssyncadd.s32 $0xFFFF2000  }
0x3b: {  	[hbm4b:s11+s2] =	stream.linear.scatter [tilespmem:s10], [sflag:$0x3], $0xE000, $0x38;
	[tilespmem:$0x1C700] =	vst v63  }
0x3c: {  	_ =	swait.ge [sflag:s12], $0xE000  }
0x3d: {  	[sflag:s12] =	ssyncset.done $0x0  }
0x3e: {  	[sflag:s12] =	ssyncadd.s32 $0xFFFF2000  }
0x3f: {  	[tilespmem:s7], [sflag:$0x1] =	stream.indirect.gather [hbm4b:s5+s6], $0x80, s13, s6, $0xb8;
	[tilespmem:$0x1C700] =	vst v63  }
0x40: {  	_ =	swait.ge [sflag:s8], $0xE000  }
0x41: {  	[sflag:s8] =	ssyncset.done $0x0  }
0x42: {  	[sflag:s8] =	ssyncadd.s32 $0xFFFF2000  }
0x43: {  	[hbm4b:s15+s2] =	stream.linear.scatter [tilespmem:s7], [sflag:$0x2], $0xE000, $0x38;
	[tilespmem:$0x1C700] =	vst v63  }
0x44: {  	_ =	swait.ge [sflag:s14], $0xE000  }
0x45: {  	[sflag:s14] =	ssyncset.done $0x0  }
0x46: {  	[sflag:s14] =	ssyncadd.s32 $0xFFFF2000  }
0x47: {  	[tilespmem:s10], [sflag:$0x1] =	stream.indirect.gather [hbm4b:s5+s6], $0x80, s16, s6, $0xb8;
	[tilespmem:$0x1C700] =	vst v63  }
0x48: {  	_ =	swait.ge [sflag:s8], $0xE000  }
0x49: {  	[sflag:s8] =	ssyncset.done $0x0  }
0x4a: {  	[sflag:s8] =	ssyncadd.s32 $0xFFFF2000  }
0x4b: {  	[hbm4b:s17+s2] =	stream.linear.scatter [tilespmem:s10], [sflag:$0x3], $0xE000, $0x38;
	[tilespmem:$0x1C700] =	vst v63  }
.Ltmp1:
0x4c: {  	_ =	swait.ge [sflag:s12], $0xE000;
	(pc) =	sbr.rel @p0 .LBB2_1-.Ltmp1, $4  }
0x4d: {  	[sflag:s12] =	ssyncset.done $0x0  }
0x4e: {  	[sflag:s12] =	ssyncadd.s32 $0xFFFF2000  }
0x4f: {  	_ =	swait.ge [sflag:s14], $0xE000  }
0x50: {  	[sflag:s14] =	ssyncset.done $0x0  }
.LBB2_2:
0x51: {  	[sflag:s14] =	ssyncadd.s32 $0xFFFF2000  }
0x52: {  	_ =	sfence.sel $0x180000  }
0x53: {  	[bflag:$0x0] =	sbarrier.arrive $0xFFFF  }
0x54: {  	p0 =	sne.s32 s0, $0x0;
	_ =	strace $0x90000050  }
0x55: {  	s0 =	sadd.s32 @!p0 $0x100000, s1;
	[bflag:$0x2] =	sbarrier.arrive $0xFFFF  }
0x56: {  	[sflag:s0] =	ssyncadd.tile.s32 @!p0 $0x1;
	_ =	shalt  }
.Lfunc_end2:
_tile_overlayer_lowered:
.L_overlay_start_2:
0x57: {  	(tag) =	ssettag $0x2  }
0x58: {  	s0 =	rddreg [dreg:$0x0];
	s2 =	stileid.u32  }
0x59: {  	s1 =	rddreg [dreg:$0x1];
	p0 =	sne.s32 s2, $0x0  }
0x5a: {  	s3 =	rddreg [dreg:$0x2];
	[bflag:$0x3] =	sbarrier.arrive $0xFFFF;
	s2 =	simm.s32 @!p0 $0x1C04  }
0x5b: {  	[timem:s3], [sflag:s2] =	dma.local @!p0 [hbm:s0], s1  }
0x5c: {  	s0 =	simm.s32 @!p0 $0x4  }
0x5d: {  	_ =	swait.ge @!p0 [sflag:s0], s1  }
0x5e: {  	s1 =	ssub.s32 @!p0 $0x0, s1;
	[sflag:s0] =	ssyncset.done @!p0 $0x0  }
0x5f: {  	[sflag:s0] =	ssyncadd.s32 @!p0 s1  }
0x60: {  	[bflag:$0x3] =	sbarrier.arrive $0xFFFF  }
0x61: {  	_ =	shalt  }

// kernel: kernel.44.cloned.1.call-start
scs
__scs_entry_jumppad:
0x0: {  	(pc) =	sbr.rel $0x88, $3  }
0x1: {  	(tag) =	ssettag $0x0;
	lr =	simm.s32 $0x1  }
0x2: {  	[smem:$0x3F7D] =	sst lr;
	_ =	strace $0xD0000000  }
0x3: {  	_ = 	snop  }
0x4: {  	_ = 	snop  }
0x5: {  	_ = 	snop  }
0x6: {  	_ = 	snop  }
0x7: {  	_ = 	snop  }
__scs_overlays_trampoline_lowered:
0x8: {  	[smem:$0x3F8C] =	sst s0  }
0x9: {  	[smem:$0x3F8D] =	sst s1  }
0xa: {  	[smem:$0x3F8E] =	sst s2  }
0xb: {  	[smem:$0x3F8F] =	sst s3  }
0xc: {  	[smem:$0x3F90] =	sst s4  }
0xd: {  	[smem:$0x3F91] =	sst s5  }
0xe: {  	[smem:$0x3F92] =	sst s6  }
0xf: {  	[smem:$0x3F93] =	sst s7  }
0x10: {  	[smem:$0x3F94] =	sst s8  }
0x11: {  	[smem:$0x3F95] =	sst s9;
	s0 =	simm.s32 @!p0 $0x0  }
0x12: {  	s1 =	sld [smem:$0x3F7B];
	s0 =	simm.s32 @p0 $0x1  }
0x13: {  	[smem:$0x3F96] =	sst s0;
	s0 =	simm.s32 @!p1 $0x0  }
0x14: {  	s2 =	sld [smem:$0x3F7A];
	s0 =	simm.s32 @p1 $0x1  }
0x15: {  	[smem:$0x3F97] =	sst s0;
	s0 =	simm.s32 @!p2 $0x0  }
0x16: {  	s3 =	sld [smem:$0x3FDB];
	s0 =	simm.s32 @p2 $0x1  }
0x17: {  	s4 =	simm.s32 $0x1BF5;
	[smem:$0x3F99] =	sst s0  }
0x18: {  	s0 =	sld [smem:$0x3F7C];
	_ =	swait.ge [sflag:s4], $0x0  }
0x19: {  	s7 =	sld [smem:$0x3F7D]  }
0x1a: {  	s8 =	sadd.s32 $0xFFFFE003, lr  }
0x1b: {  	s9 =	sadd.s32 $0xFFFFFEF7, lr;
	s5 =	simm.s32 $0xFFFFFFFF;
	p2 =	slt.u32 s8, $0xFFFFF086  }
0x1c: {  	p1 =	slt.u32 s9, $0xF7A;
	s5 =	simm.s32 @!p2 $0x0  }
0x1d: {  	s5 =	simm.s32 @p1 $0x1;
	p0 =	seq.s32 s7, s2  }
0x1e: {  	s7 =	smul.u32 @!p0 $0xF7A, s2;
	p2 =	seq.s32 @!p0 s5, $0x0  }
0x1f: {  	s9 =	smul.u32 $0xF7A, s1;
	s8 =	simm.s32 @!p0 $0x1BF5;
	p2 =	por !p2, p0  }
0x20: {  	[sflag:s8] =	ssyncset.s32 @!p0 $0xFFFFF086;
	s6 =	sadd.s32 @!p0 s3, s7;
	s7 =	simm.s32 @!p0 $0x108  }
0x21: {  	s3 =	sadd.s32 s3, s9;
	s6 =	sadd.s32 @!p0 $0x88, s6;
	s7 =	simm.s32 @p2 $0x1082  }
0x22: {  	[simem:s7], [sflag:s8] =	dma.local @!p0 [hbm:s6], $0xF7A  }
0x23: {  	s9 =	sor.u32 $0xD0000000, s2;
	s6 =	simm.s32 $0x108;
	_ =	swait.ge @!p0 [sflag:s8], $0x0  }
0x24: {  	s3 =	sadd.s32 $0x88, s3;
	s6 =	simm.s32 @!p1 $0x1082;
	[sflag:s4] =	ssyncset.s32 $0xFFFFF086  }
0x25: {  	[simem:s6], [sflag:s4] =	dma.local [hbm:s3], $0xF7A  }
0x26: {  	[smem:$0x3F7D] =	sst s1;
	(tag) =	ssettag s2;
	_ =	strace s9  }
0x27: {  	s1 =	sld [smem:$0x3F8D]  }
0x28: {  	s2 =	sld [smem:$0x3F8E]  }
0x29: {  	s4 =	sld [smem:$0x3F90]  }
0x2a: {  	p0 =	seq.s32 s5, $0x0;
	s5 =	sld [smem:$0x3F91]  }
0x2b: {  	s6 =	sld [smem:$0x3F92]  }
0x2c: {  	s7 =	sld [smem:$0x3F93]  }
0x2d: {  	s3 =	simm.s32 $0x108;
	s8 =	sld [smem:$0x3F94]  }
0x2e: {  	s3 =	simm.s32 @!p0 $0x1082;
	s9 =	sld [smem:$0x3F95]  }
0x2f: {  	lr =	sadd.s32 s0, s3;
	s0 =	sld [smem:$0x3F8C]  }
0x30: {  	s3 =	sld [smem:$0x3F8F]  }
0x31: {  	[smem:$0x3F98] =	sst s10  }
0x32: {  	s10 =	sld [smem:$0x3F96];
	_ =	sdelay $0x3  }
0x33: {  	p0 =	seq.s32 s10, $0x1;
	s10 =	sld [smem:$0x3F98];
	_ =	sdelay $0x3  }
0x34: {  	[smem:$0x3F98] =	sst s10  }
0x35: {  	s10 =	sld [smem:$0x3F97];
	_ =	sdelay $0x3  }
0x36: {  	p1 =	seq.s32 s10, $0x1;
	s10 =	sld [smem:$0x3F98];
	_ =	sdelay $0x3  }
0x37: {  	[smem:$0x3F98] =	sst s10  }
0x38: {  	s10 =	sld [smem:$0x3F99]  }
0x39: {  	_ = 	snop;
	(pc) =	sbr.ind lr, $3  }
0x3a: {  	_ = 	snop  }
0x3b: {  	_ = 	snop  }
0x3c: {  	p2 =	seq.s32 s10, $0x1;
	s10 =	sld [smem:$0x3F98]  }
0x3d: {  	_ =	shalt  }
0x3e: {  	_ =	shalt  }
0x3f: {  	_ =	shalt  }
0x40: {  	_ =	shalt  }
0x41: {  	_ =	shalt  }
0x42: {  	_ =	shalt  }
0x43: {  	_ =	shalt  }
0x44: {  	_ =	shalt  }
0x45: {  	_ =	shalt  }
0x46: {  	_ =	shalt  }
0x47: {  	_ =	shalt  }
0x48: {  	_ =	shalt  }
0x49: {  	_ =	shalt  }
0x4a: {  	_ =	shalt  }
0x4b: {  	_ =	shalt  }
0x4c: {  	_ =	shalt  }
0x4d: {  	_ =	shalt  }
0x4e: {  	_ =	shalt  }
0x4f: {  	_ =	shalt  }
0x50: {  	_ =	shalt  }
0x51: {  	_ =	shalt  }
0x52: {  	_ =	shalt  }
0x53: {  	_ =	shalt  }
0x54: {  	_ =	shalt  }
0x55: {  	_ =	shalt  }
0x56: {  	_ =	shalt  }
0x57: {  	_ =	shalt  }
0x58: {  	_ =	shalt  }
0x59: {  	_ =	shalt  }
0x5a: {  	_ =	shalt  }
0x5b: {  	_ =	shalt  }
0x5c: {  	_ =	shalt  }
0x5d: {  	_ =	shalt  }
0x5e: {  	_ =	shalt  }
0x5f: {  	_ =	shalt  }
0x60: {  	_ =	shalt  }
0x61: {  	_ =	shalt  }
0x62: {  	_ =	shalt  }
0x63: {  	_ =	shalt  }
0x64: {  	_ =	shalt  }
0x65: {  	_ =	shalt  }
0x66: {  	_ =	shalt  }
0x67: {  	_ =	shalt  }
0x68: {  	_ =	shalt  }
0x69: {  	_ =	shalt  }
0x6a: {  	_ =	shalt  }
0x6b: {  	_ =	shalt  }
0x6c: {  	_ =	shalt  }
0x6d: {  	_ =	shalt  }
0x6e: {  	_ =	shalt  }
0x6f: {  	_ =	shalt  }
0x70: {  	_ =	shalt  }
0x71: {  	_ =	shalt  }
0x72: {  	_ =	shalt  }
0x73: {  	_ =	shalt  }
0x74: {  	_ =	shalt  }
0x75: {  	_ =	shalt  }
0x76: {  	_ =	shalt  }
0x77: {  	_ =	shalt  }
0x78: {  	_ =	shalt  }
0x79: {  	_ =	shalt  }
0x7a: {  	_ =	shalt  }
0x7b: {  	_ =	shalt  }
0x7c: {  	_ =	shalt  }
0x7d: {  	_ =	shalt  }
0x7e: {  	_ =	shalt  }
0x7f: {  	_ =	shalt  }
0x80: {  	_ =	shalt  }
0x81: {  	_ =	shalt  }
0x82: {  	_ =	shalt  }
0x83: {  	_ =	shalt  }
0x84: {  	_ =	shalt  }
0x85: {  	_ =	shalt  }
0x86: {  	_ =	shalt  }
0x87: {  	_ =	shalt  }
.Lfunc_end0:
.L_simem_size_0:
called_computation.3_lowered:
.L_overlay_start_0:
0x88: {  	s2 =	sld [smem:$0x3FD9]  }
0x89: {  	s3 =	sld [smem:$0x3FFE];
	_ =	sdelay $0x1  }
0x8a: {  	s1 =	srdreg.scid  }
0x8b: {  	s0 =	sand.u32 $0x1, s1  }
0x8c: {  	s16 =	sshll.u32 s0, $0xA;
	s2 =	sadd.s32 s3, s2  }
0x8d: {  	s2 =	sadd.s32 s2, s16  }
0x8e: {  	[smem:$0x3FA4] =	sst s2  }
0x8f: {  	_ = 	snop  }
0x90: {  	(tm) =	ssettm $0x1  }
0x91: {  	s17 =	sld [smem:$0x3FFB];
	_ =	sdelay $0x3  }
0x92: {  	_ =	strace s17  }
0x93: {  	s2 =	sld [smem:$0x3FFC];
	_ =	sdelay $0x3  }
0x94: {  	_ =	strace s2  }
0x95: {  	s2 =	sld [smem:$0x3FFD];
	_ =	sdelay $0x3  }
0x96: {  	_ =	strace s2  }
0x97: {  	_ =	strace $0x8FFFFFFF  }
0x98: {  	s18 =	sld [smem:$0x3FDB];
	_ =	sdelay $0x1  }
0x99: {  	s19 =	simm.s32 $_scs_section_size  }
0x9a: {  	s4 =	simm.s32 $_size__tile_overlayer_lowered;
	s5 =	simm.s32 $_tile_overlayer_lowered  }
0x9b: {  	s22 =	simm.s32 $0x1BFF;
	s21 =	sshll.u32 s5, $0x1;
	s2 =	sadd.s32 s19, s18  }
0x9c: {  	s6 =	simm.s32 $0x0;
	s20 =	sshll.u32 s4, $0x1;
	s4 =	sadd.s32 s21, s2  }
0x9d: {  	[timem:s6], [sflag:s22] =	dma.local [hbm:s4], s20  }
0x9e: {  	_ =	swait.ge [sflag:s22], s20  }
0x9f: {  	s3 =	ssub.s32 $0x0, s20;
	[sflag:s22] =	ssyncset.done $0x0  }
0xa0: {  	[sflag:s22] =	ssyncadd.s32 s3;
	_ =	sdelay $0x1  }
0xa1: {  	s23 =	simm.s32 $0x1B8B  }
0xa2: {  	_ =	swait.ge [sflag:s23], $0x1  }
0xa3: {  	[sflag:s23] =	ssyncset.done $0x0  }
0xa4: {  	s25 =	simm.s32 $0x1B8E;
	s24 =	sld [smem:$0x3FFE];
	[sflag:s23] =	ssyncadd.s32 $0xFFFFFFFF  }
0xa5: {  	s26 =	simm.s32 $execute0_lowered;
	[smem:$0x3FD2] =	sst s25  }
0xa6: {  	s4 =	sshll.u32 s26, $0x1;
	_ =	strace $0x80000046;
	[dreg:$0x1] =	wrdreg $0xFFFFFFFF  }
0xa7: {  	s28 =	simm.s32 $_size_execute0_lowered;
	s2 =	sadd.s32 s2, s4;
	[dreg:$0x0] =	wrdreg $0x0  }
0xa8: {  	s4 =	sshll.u32 s28, $0x1;
	[dreg:$0x2] =	wrdreg s2  }
0xa9: {  	[dreg:$0x3] =	wrdreg s4  }
0xaa: {  	[dreg:$0x4] =	wrdreg $0xC0  }
0xab: {  	_ =	task [dreg:s6], $0x5FFFF  }
0xac: {  	[dreg:$0x1] =	wrdreg $0xFFFFFFFF  }
0xad: {  	[dreg:$0x0] =	wrdreg $0x60  }
0xae: {  	[dreg:$0x2] =	wrdreg s24  }
0xaf: {  	[dreg:$0x3] =	wrdreg $0xC  }
0xb0: {  	_ =	task.clear_ibuf [dreg:s6], $0x4FFFF;
	_ =	strace $0x90000046  }
0xb1: {  	s29 =	simm.s32 $0xC;
	_ =	strace $0x80000048  }
0xb2: {  	_ =	swait.ge [sflag:s29], $0x1  }
0xb3: {  	[sflag:s29] =	ssyncadd.s32 $0xFFFFFFFF  }
0xb4: {  	_ =	strace $0x90000048  }
0xb5: {  	_ =	sfence  }
0xb6: {  	s30 =	sld [smem:$0x0];
	_ =	sdelay $0x2  }
0xb7: {  	s31 =	sshll.u32 s1, $0xD;
	s1 =	sshrl.u32 s1, $0x2  }
0xb8: {  	s3 =	sand.u32 $0x4000, s31;
	s1 =	sadd.s32 s1, s30  }
0xb9: {  	s0 =	sor.u32 s3, s0;
	s1 =	sshll.u32 s1, $0x11  }
0xba: {  	s0 =	sor.u32 s1, s0  }
0xbb: {  	s0 =	sadd.s32 $0x8F2B, s0  }
0xbc: {  	[sflag:s0] =	ssyncadd.remote.s32 $0x1  }
0xbd: {  	_ =	sfence.sel $0xFFFF  }
0xbe: {  	[dreg:$0x0] =	wrdreg $0xFFFFFFFF;
	(pc) =	sbr.abs _section_cstart, $3  }
0xbf: {  	[dreg:$0x1] =	wrdreg $0xFFFFFFFF  }
0xc0: {  	_ =	task.clear_ibuf [dreg:s6], $0x2FFFF;
	_ =	strace $0x9FFFFFFF  }
0xc1: {  	(tm) =	ssettm $0x7FFFFFFF  }
tec
execute0_lowered:
.L_overlay_start_1:
0x0: {  	(tag) =	ssettag $0x1  }
0x1: {  	s1 =	srdreg.scid;
	s0 =	stileid.u32  }
0x2: {  	s17 =	sand.u32 $0x1, s1;
	s29 =	sshll.u32 s0, $0x1  }
0x3: {  	s10 =	sor.u32 s17, s29  }
0x4: {  	s3 =	smul.u32 $0xE0, s10  }
0x5: {  	s9 =	rddreg [dreg:$0x0];
	s2 =	simm.s32 $0x0  }
0x6: {  	s4 =	simm.s32 $0x4;
	[smem:$0x7FF] =	sst s2;
	s3 =	sadd.s32 s3, s9  }
0x7: {  	s1 =	rddreg [dreg:$0x1];
	_ =	strace $0x80000047;
	s3 =	sadd.s32 $0x4DC00, s3  }
0x8: {  	[tilespmem:s2], [sflag:$0x4] =	stream.linear.gather [hbm4b:s3+s2], $0x700, $0x38;
	[tilespmem:$0x1C700] =	vst v63  }
0x9: {  	_ =	swait.ge [sflag:s4], $0x700  }
0xa: {  	s6 =	simm.s32 $0x1C0;
	s7 =	simm.s32 $0x700;
	[sflag:s4] =	ssyncset.done $0x0  }
0xb: {  	s8 =	simm.s32 $0x1;
	s5 =	sadd.s32 $0x1DC00, s9;
	[sflag:s4] =	ssyncadd.s32 $0xFFFFF900  }
0xc: {  	[tilespmem:s7], [sflag:$0x1] =	stream.indirect.gather [hbm4b:s5+s6], $0x80, s2, s6, $0xb8;
	[tilespmem:$0x1C700] =	vst v63  }
0xd: {  	s11 =	smul.u32 $0x7000, s10;
	_ =	swait.ge [sflag:s8], $0xE000  }
0xe: {  	s12 =	sadd.s32 $0x4F800, s9;
	[sflag:s8] =	ssyncset.done $0x0  }
0xf: {  	s9 =	sadd.s32 s12, s11;
	[sflag:s8] =	ssyncadd.s32 $0xFFFF2000  }
0x10: {  	[hbm4b:s9+s2] =	stream.linear.scatter [tilespmem:s7], [sflag:$0x2], $0xE000, $0x38;
	[tilespmem:$0x1C700] =	vst v63  }
0x11: {  	s30 =	smul.u32 $0x38000, s10;
	s10 =	simm.s32 $0xE700  }
0x12: {  	[tilespmem:s10], [sflag:$0x1] =	stream.indirect.gather [hbm4b:s5+s6], $0x80, s6, s6, $0xb8;
	[tilespmem:$0x1C700] =	vst v63  }
0x13: {  	s11 =	sshrl.u32 s30, $0x3;
	_ =	swait.ge [sflag:s8], $0xE000  }
0x14: {  	s18 =	sadd.s32 s12, s11;
	[sflag:s8] =	ssyncset.done $0x0  }
0x15: {  	s12 =	simm.s32 $0x2;
	s11 =	sadd.s32 $0x1C00, s18;
	[sflag:s8] =	ssyncadd.s32 $0xFFFF2000  }
0x16: {  	[hbm4b:s11+s2] =	stream.linear.scatter [tilespmem:s10], [sflag:$0x3], $0xE000, $0x38;
	[tilespmem:$0x1C700] =	vst v63  }
0x17: {  	_ =	swait.ge [sflag:s12], $0xE000  }
0x18: {  	[sflag:s12] =	ssyncset.done $0x0  }
0x19: {  	s13 =	simm.s32 $0x380;
	[sflag:s12] =	ssyncadd.s32 $0xFFFF2000  }
0x1a: {  	[tilespmem:s7], [sflag:$0x1] =	stream.indirect.gather [hbm4b:s5+s6], $0x80, s13, s6, $0xb8;
	[tilespmem:$0x1C700] =	vst v63  }
0x1b: {  	_ =	swait.ge [sflag:s8], $0xE000  }
0x1c: {  	[sflag:s8] =	ssyncset.done $0x0  }
0x1d: {  	s14 =	simm.s32 $0x3;
	s15 =	sadd.s32 $0x3800, s18;
	[sflag:s8] =	ssyncadd.s32 $0xFFFF2000  }
0x1e: {  	[hbm4b:s15+s2] =	stream.linear.scatter [tilespmem:s7], [sflag:$0x2], $0xE000, $0x38;
	[tilespmem:$0x1C700] =	vst v63  }
0x1f: {  	_ =	swait.ge [sflag:s14], $0xE000  }
0x20: {  	s19 =	ssub.s32 $0x2, s17;
	[sflag:s14] =	ssyncset.done $0x0  }
0x21: {  	s16 =	simm.s32 $0x540;
	s31 =	sshrl.u32 s19, $0x1;
	[sflag:s14] =	ssyncadd.s32 $0xFFFF2000  }
0x22: {  	[tilespmem:s10], [sflag:$0x1] =	stream.indirect.gather [hbm4b:s5+s6], $0x80, s16, s6, $0xb8;
	[tilespmem:$0x1C700] =	vst v63  }
0x23: {  	s17 =	sadd.s32 $0x5400, s18;
	s18 =	ssub.s32 s19, s31;
	_ =	swait.ge [sflag:s8], $0xE000  }
0x24: {  	s18 =	smax.u32 s18, $0x1;
	[sflag:s8] =	ssyncset.done $0x0  }
0x25: {  	p0 =	sne.s32 s18, $0x1;
	[sflag:s8] =	ssyncadd.s32 $0xFFFF2000  }
0x26: {  	[hbm4b:s17+s2] =	stream.linear.scatter [tilespmem:s10], [sflag:$0x3], $0xE000, $0x38;
	[tilespmem:$0x1C700] =	vst v63  }
.Ltmp0:
0x27: {  	_ =	swait.ge [sflag:s12], $0xE000;
	(pc) =	sbr.rel @!p0 .LBB2_2-.Ltmp0, $4  }
0x28: {  	[sflag:s12] =	ssyncset.done $0x0  }
0x29: {  	[sflag:s12] =	ssyncadd.s32 $0xFFFF2000  }
0x2a: {  	_ =	swait.ge [sflag:s14], $0xE000  }
0x2b: {  	s18 =	sadd.s32 $0xFFFFFFFF, s18;
	[sflag:s14] =	ssyncset.done $0x0  }
.LBB2_1:
0x2c: {  	p0 =	sne.s32 s18, $0x1;
	s18 =	sadd.s32 $0xFFFFFFFF, s18;
	[sflag:s14] =	ssyncadd.s32 $0xFFFF2000  }
0x2d: {  	[tilespmem:s2], [sflag:$0x4] =	stream.linear.gather [hbm4b:s3+s2], $0x700, $0x38;
	[tilespmem:$0x1C700] =	vst v63  }
0x2e: {  	_ =	swait.ge [sflag:s4], $0x700  }
0x2f: {  	[sflag:s4] =	ssyncset.done $0x0  }
0x30: {  	[sflag:s4] =	ssyncadd.s32 $0xFFFFF900  }
0x31: {  	[tilespmem:s7], [sflag:$0x1] =	stream.indirect.gather [hbm4b:s5+s6], $0x80, s2, s6, $0xb8;
	[tilespmem:$0x1C700] =	vst v63  }
0x32: {  	_ =	swait.ge [sflag:s8], $0xE000  }
0x33: {  	[sflag:s8] =	ssyncset.done $0x0  }
0x34: {  	[sflag:s8] =	ssyncadd.s32 $0xFFFF2000  }
0x35: {  	[hbm4b:s9+s2] =	stream.linear.scatter [tilespmem:s7], [sflag:$0x2], $0xE000, $0x38;
	[tilespmem:$0x1C700] =	vst v63  }
0x36: {  	_ = 	snop  }
0x37: {  	[tilespmem:s10], [sflag:$0x1] =	stream.indirect.gather [hbm4b:s5+s6], $0x80, s6, s6, $0xb8;
	[tilespmem:$0x1C700] =	vst v63  }
0x38: {  	_ =	swait.ge [sflag:s8], $0xE000  }
0x39: {  	[sflag:s8] =	ssyncset.done $0x0  }
0x3a: {  	[sflag:s8] =	ssyncadd.s32 $0xFFFF2000  }
0x3b: {  	[hbm4b:s11+s2] =	stream.linear.scatter [tilespmem:s10], [sflag:$0x3], $0xE000, $0x38;
	[tilespmem:$0x1C700] =	vst v63  }
0x3c: {  	_ =	swait.ge [sflag:s12], $0xE000  }
0x3d: {  	[sflag:s12] =	ssyncset.done $0x0  }
0x3e: {  	[sflag:s12] =	ssyncadd.s32 $0xFFFF2000  }
0x3f: {  	[tilespmem:s7], [sflag:$0x1] =	stream.indirect.gather [hbm4b:s5+s6], $0x80, s13, s6, $0xb8;
	[tilespmem:$0x1C700] =	vst v63  }
0x40: {  	_ =	swait.ge [sflag:s8], $0xE000  }
0x41: {  	[sflag:s8] =	ssyncset.done $0x0  }
0x42: {  	[sflag:s8] =	ssyncadd.s32 $0xFFFF2000  }
0x43: {  	[hbm4b:s15+s2] =	stream.linear.scatter [tilespmem:s7], [sflag:$0x2], $0xE000, $0x38;
	[tilespmem:$0x1C700] =	vst v63  }
0x44: {  	_ =	swait.ge [sflag:s14], $0xE000  }
0x45: {  	[sflag:s14] =	ssyncset.done $0x0  }
0x46: {  	[sflag:s14] =	ssyncadd.s32 $0xFFFF2000  }
0x47: {  	[tilespmem:s10], [sflag:$0x1] =	stream.indirect.gather [hbm4b:s5+s6], $0x80, s16, s6, $0xb8;
	[tilespmem:$0x1C700] =	vst v63  }
0x48: {  	_ =	swait.ge [sflag:s8], $0xE000  }
0x49: {  	[sflag:s8] =	ssyncset.done $0x0  }
0x4a: {  	[sflag:s8] =	ssyncadd.s32 $0xFFFF2000  }
0x4b: {  	[hbm4b:s17+s2] =	stream.linear.scatter [tilespmem:s10], [sflag:$0x3], $0xE000, $0x38;
	[tilespmem:$0x1C700] =	vst v63  }
.Ltmp1:
0x4c: {  	_ =	swait.ge [sflag:s12], $0xE000;
	(pc) =	sbr.rel @p0 .LBB2_1-.Ltmp1, $4  }
0x4d: {  	[sflag:s12] =	ssyncset.done $0x0  }
0x4e: {  	[sflag:s12] =	ssyncadd.s32 $0xFFFF2000  }
0x4f: {  	_ =	swait.ge [sflag:s14], $0xE000  }
0x50: {  	[sflag:s14] =	ssyncset.done $0x0  }
.LBB2_2:
0x51: {  	[sflag:s14] =	ssyncadd.s32 $0xFFFF2000  }
0x52: {  	_ =	sfence.sel $0x180000  }
0x53: {  	[bflag:$0x0] =	sbarrier.arrive $0xFFFF  }
0x54: {  	p0 =	sne.s32 s0, $0x0;
	_ =	strace $0x90000047  }
0x55: {  	s0 =	sadd.s32 @!p0 $0x100000, s1;
	[bflag:$0x2] =	sbarrier.arrive $0xFFFF  }
0x56: {  	[sflag:s0] =	ssyncadd.tile.s32 @!p0 $0x1;
	_ =	shalt  }
.Lfunc_end2:
_tile_overlayer_lowered:
.L_overlay_start_2:
0x57: {  	(tag) =	ssettag $0x2  }
0x58: {  	s0 =	rddreg [dreg:$0x0];
	s2 =	stileid.u32  }
0x59: {  	s1 =	rddreg [dreg:$0x1];
	p0 =	sne.s32 s2, $0x0  }
0x5a: {  	s3 =	rddreg [dreg:$0x2];
	[bflag:$0x3] =	sbarrier.arrive $0xFFFF;
	s2 =	simm.s32 @!p0 $0x1C04  }
0x5b: {  	[timem:s3], [sflag:s2] =	dma.local @!p0 [hbm:s0], s1  }
0x5c: {  	s0 =	simm.s32 @!p0 $0x4  }
0x5d: {  	_ =	swait.ge @!p0 [sflag:s0], s1  }
0x5e: {  	s1 =	ssub.s32 @!p0 $0x0, s1;
	[sflag:s0] =	ssyncset.done @!p0 $0x0  }
0x5f: {  	[sflag:s0] =	ssyncadd.s32 @!p0 s1  }
0x60: {  	[bflag:$0x3] =	sbarrier.arrive $0xFFFF  }
0x61: {  	_ =	shalt  }

</sc_bundles>
